<compile_context>
chip_gen: v7x
topology: tpu7x:2x2x1
jax: 0.10.2.dev20260603
libtpu: 0.0.44.dev20260713+nightly
codegen_flags: <defaults>
</compile_context>

<pallas_src>
import functools

import jax
import jax.numpy as jnp
from jax import lax
from jax.experimental import pallas as pl
from jax.experimental.pallas import tpu as pltpu
from jax.experimental.pallas import tpu_sc as plsc

N = 10000
D = 128
R = 3
E = 100000
NEG_SLOPE = 0.2

EP = 102400
NCH = EP // 128
P1_ROWS = NCH // 16
EPT = P1_ROWS * 128
HALF = 5120
NODE_T = HALF // 16
BN = 400
CH = 64
CHSHIFT = 6



def _proj_body(x_ref, w_ref, al_ref, ar_ref, z_ref, elr_ref):
    xb = x_ref[...]
    for r in range(R):
        z = jnp.dot(xb, w_ref[r], preferred_element_type=jnp.float32)
        z_ref[r] = z
        elr_ref[r, 0, 0, :] = jnp.sum(z * al_ref[r][None, :], axis=1)
        elr_ref[R + r, 0, 0, :] = jnp.sum(z * ar_ref[r][None, :], axis=1)


def _project(x, W, attn_l, attn_r):
    nb = N // BN
    z, elr = pl.pallas_call(
        _proj_body,
        grid=(nb,),
        in_specs=[
            pl.BlockSpec((BN, D), lambda i: (i, 0)),
            pl.BlockSpec((R, D, D), lambda i: (0, 0, 0)),
            pl.BlockSpec((R, D), lambda i: (0, 0)),
            pl.BlockSpec((R, D), lambda i: (0, 0)),
        ],
        out_specs=[
            pl.BlockSpec((R, BN, D), lambda i: (0, i, 0)),
            pl.BlockSpec((2 * R, 1, 1, BN), lambda i: (0, i, 0, 0)),
        ],
        out_shape=[
            jax.ShapeDtypeStruct((R, N, D), jnp.float32),
            jax.ShapeDtypeStruct((2 * R, nb, 1, BN), jnp.float32),
        ],
    )(x, W, attn_l, attn_r)
    return z, elr.reshape(2 * R, N)



def _lane_bcast(vec, i):
    idx = jnp.full((16, 1), i, jnp.int32)
    dn = lax.GatherDimensionNumbers(
        offset_dims=(), collapsed_slice_dims=(0,), start_index_map=(0,))
    return lax.gather(vec, idx, dn, (1,),
                      mode=lax.GatherScatterMode.PROMISE_IN_BOUNDS)


def _mp_body(z0, z1, z2, el0, el1, el2, er0, er1, er2,
             s0, d0, s1, d1, s2, d2, bias, out,
             el_v, er_v, den_v, src_v, dst_v,
             csrc_v, cdst_v, cee_v, rows_v, zbuf_v, bias_v, acc_sh, den_sh,
             sem0, sem1, sem2, sem3):
    zs = (z0, z1, z2)
    els = (el0, el1, el2)
    ers = (er0, er1, er2)
    srcs = (s0, s1, s2)
    dsts = (d0, d1, d2)
    c = lax.axis_index("c")
    s = lax.axis_index("s")
    zero16 = jnp.zeros((16,), jnp.float32)
    zero16i = jnp.zeros((16,), jnp.int32)
    lo = c * HALF

    for i in range(15):
        el_v[pl.ds(N + i * 16, 16)] = zero16
        er_v[pl.ds(N + i * 16, 16)] = zero16
    for i in range(16):
        for fk in range(8):
            zbuf_v[i, pl.ds(fk * 16, 16)] = zero16
    pltpu.sync_copy(bias, bias_v)

    node0 = s * NODE_T

    for r in range(R):
        def _zacc(kk, carry):
            pltpu.sync_copy(zbuf_v, acc_sh.at[pl.ds(node0 + kk * 16, 16)])
            return carry
        with jax.named_scope("pz_zacc"):
            lax.fori_loop(0, NODE_T // 16, _zacc, 0)

        def _zden(i, carry):
            den_v[pl.ds(i * 16, 16)] = zero16
            return carry
        with jax.named_scope("pz_zden"):
            lax.fori_loop(0, HALF // 16, _zden, 0)

        with jax.named_scope("p0_load"):
            pltpu.sync_copy(els[r], el_v.at[pl.ds(0, N)])
            pltpu.sync_copy(ers[r], er_v.at[pl.ds(0, N)])

        def _p1(g2, off):
            s16 = src_v[pl.ds(g2 * 16, 16)]
            row = lax.shift_right_logical(g2, 3)
            col = lax.mul(lax.rem(g2, 8), 16)
            d16 = dst_v[row, pl.ds(col, 16)]
            e = plsc.load_gather(el_v, [s16]) + plsc.load_gather(er_v, [d16])
            e = jnp.where(e > 0, e, NEG_SLOPE * e)
            ee = jnp.exp(e)
            dloc = d16 - lo
            mask = (d16 >= lo) & (d16 < lo + HALF) & (d16 < N)
            dloc = jnp.where(mask, dloc, 0)
            plsc.addupdate_scatter(den_v, [dloc], ee, mask=mask)
            plsc.store_compressed(csrc_v.at[pl.ds(off, 16)], s16, mask=mask)
            plsc.store_compressed(cdst_v.at[pl.ds(off, 16)], dloc, mask=mask)
            plsc.store_compressed(cee_v.at[pl.ds(off, 16)], ee, mask=mask)
            return off + jnp.sum(mask.astype(jnp.int32))

        with jax.named_scope("p0_load2"):
            pltpu.sync_copy(srcs[r].at[s, 0], src_v)
            pltpu.sync_copy(dsts[r].at[s], dst_v)
        with jax.named_scope("p1_scan"):
            cnt = lax.fori_loop(0, EPT // 16, _p1, jnp.int32(0))
        for k in range(CH // 16):
            csrc_v[pl.ds(cnt + k * 16, 16)] = zero16i
            cdst_v[pl.ds(cnt + k * 16, 16)] = zero16i
            cee_v[pl.ds(cnt + k * 16, 16)] = zero16
        nch = lax.shift_right_logical(cnt + CH - 1, CHSHIFT)
        iota16i = lax.iota(jnp.int32, 16)
        for k in range(8):
            cdst_v[pl.ds(k * 16, 16)] = iota16i + (node0 + k * 16)

        @pl.when(s < 8)
        def _():
            pltpu.sync_copy(den_v, den_sh.at[pl.ds(s * HALF, HALF)])
        with jax.named_scope("bar1"):
            plsc.subcore_barrier()

        def _gather(j, boff, sg):
            return pltpu.async_copy(
                zs[r].at[csrc_v.at[pl.ds(j * CH, CH)]],
                rows_v.at[pl.ds(boff, CH)], sg)

        def _gather_wait(j, boff, sg):
            pltpu.make_async_copy(
                zs[r].at[csrc_v.at[pl.ds(j * CH, CH)]],
                rows_v.at[pl.ds(boff, CH)], sg).wait()

        def _scatter(j, boff):
            return pltpu.async_copy(
                rows_v.at[pl.ds(boff, CH)],
                acc_sh.at[cdst_v.at[pl.ds(0, CH)]], sem2, add=True)

        def _scatter_wait(j, boff):
            pltpu.make_async_copy(
                rows_v.at[pl.ds(boff, CH)],
                acc_sh.at[cdst_v.at[pl.ds(0, CH)]], sem2).wait()

        def _scale(j, boff):
            base = j * CH

            def _grp(ib, carry2):
                w_all = cee_v[pl.ds(base + ib * 16, 16)]
                for i2 in range(16):
                    w = _lane_bcast(w_all, i2)
                    i = boff + ib * 16 + i2
                    for fk in range(8):
                        sl = pl.ds(fk * 16, 16)
                        rows_v[i, sl] = rows_v[i, sl] * w
                return carry2
            lax.fori_loop(0, CH // 16, _grp, 0)

        gsems = (sem0, sem1, sem3)

        with jax.named_scope("p2_rows"):
            @pl.when(0 < nch)
            def _():
                _gather(0, 0, sem0)

            @pl.when(1 < nch)
            def _():
                _gather(1, CH, sem1)

            def _p2trip(jj, carry):
                for b in range(3):
                    j = 3 * jj + b

                    @pl.when(j < nch)
                    def _(j=j, b=b):
                        _gather_wait(j, b * CH, gsems[b])

                        @pl.when(j + 2 < nch)
                        def _():
                            _gather(j + 2, ((b + 2) % 3) * CH,
                                    gsems[(b + 2) % 3])
                return carry
            nt = lax.div(nch + 2, jnp.int32(3))
            lax.fori_loop(0, nt, _p2trip, 0)


        with jax.named_scope("bar2"):
            plsc.subcore_barrier()

        @pl.when(s >= 8)
        def _():
            pltpu.sync_copy(den_sh.at[pl.ds((s - 8) * HALF, HALF)],
                            cee_v.at[pl.ds(0, HALF)])

            def _fold(i, carry):
                sl = pl.ds(i * 16, 16)
                den_v[sl] = den_v[sl] + cee_v[sl]
                return carry
            lax.fori_loop(0, HALF // 16, _fold, 0)
            pltpu.sync_copy(den_v, den_sh.at[pl.ds((s - 8) * HALF, HALF)])
        with jax.named_scope("bar3"):
            plsc.subcore_barrier()

        for t in range(8):
            pltpu.sync_copy(den_sh.at[pl.ds(t * HALF + node0, NODE_T)],
                            cee_v.at[pl.ds(t * NODE_T, NODE_T)])

        def _p3(kk, carry):
            lrow = kk * 16
            grow = lo + node0 + lrow

            @pl.when(grow < N)
            def _():
                d16 = cee_v[pl.ds(lrow, 16)]
                for t in range(1, 8):
                    d16 = d16 + cee_v[pl.ds(t * NODE_T + lrow, 16)]
                inv = jnp.where(d16 > 0, 1.0 / jnp.where(d16 > 0, d16, 1.0), 0.0)
                pltpu.sync_copy(acc_sh.at[pl.ds(node0 + lrow, 16)],
                                rows_v.at[pl.ds(0, 16)])
                if r > 0:
                    pltpu.sync_copy(out.at[pl.ds(grow, 16)],
                                    rows_v.at[pl.ds(16, 16)])

                def _row(i2, carry2):
                    w = _lane_bcast(inv, i2)
                    for fk in range(8):
                        sl = pl.ds(fk * 16, 16)
                        v = rows_v[i2, sl] * w
                        if r > 0:
                            v = v + rows_v[16 + i2, sl]
                        if r == R - 1:
                            v = v + bias_v[sl]
                        rows_v[i2, sl] = v
                    return carry2
                lax.fori_loop(0, 16, _row, 0)
                pltpu.sync_copy(rows_v.at[pl.ds(0, 16)], out.at[pl.ds(grow, 16)])
            return carry
        with jax.named_scope("p3_div"):
            lax.fori_loop(0, NODE_T // 16, _p3, 0)
        with jax.named_scope("bar4"):
            plsc.subcore_barrier()


_mp_kernel = functools.partial(
    pl.kernel,
    mesh=plsc.VectorSubcoreMesh(core_axis_name="c", subcore_axis_name="s"),
    out_type=jax.ShapeDtypeStruct((N, D), jnp.float32),
    compiler_params=pltpu.CompilerParams(needs_layout_passes=False),
    scratch_types=[
        pltpu.VMEM((N + 240,), jnp.float32),
        pltpu.VMEM((N + 240,), jnp.float32),
        pltpu.VMEM((HALF,), jnp.float32),
        pltpu.VMEM((EPT,), jnp.int32),
        pltpu.VMEM((P1_ROWS, 128), jnp.int32),
        pltpu.VMEM((EPT + CH,), jnp.int32),
        pltpu.VMEM((EPT + CH,), jnp.int32),
        pltpu.VMEM((EPT + CH,), jnp.float32),
        pltpu.VMEM((3 * CH, D), jnp.float32),
        pltpu.VMEM((16, D), jnp.float32),
        pltpu.VMEM((D,), jnp.float32),
        pltpu.VMEM_SHARED((HALF, D), jnp.float32),
        pltpu.VMEM_SHARED((8 * HALF,), jnp.float32),
        pltpu.SemaphoreType.DMA,
        pltpu.SemaphoreType.DMA,
        pltpu.SemaphoreType.DMA,
        pltpu.SemaphoreType.DMA,
    ],
)(_mp_body)



def _prep_edges(ei):
    pad = EP - E
    src = jnp.concatenate(
        [ei[0].astype(jnp.int32), jnp.zeros((pad,), jnp.int32)]
    ).reshape(16, 1, EPT)
    dst = jnp.concatenate(
        [ei[1].astype(jnp.int32), jnp.full((pad,), N + 1, jnp.int32)]
    ).reshape(16, P1_ROWS, 128)
    return src, dst


def kernel(x, edge_index_r0, edge_index_r1, edge_index_r2, W, attn_l, attn_r, h_bias):
    z, elr = _project(x, W, attn_l, attn_r)
    s0, d0 = _prep_edges(edge_index_r0)
    s1, d1 = _prep_edges(edge_index_r1)
    s2, d2 = _prep_edges(edge_index_r2)
    return _mp_kernel(z[0], z[1], z[2],
                      elr[0], elr[1], elr[2], elr[3], elr[4], elr[5],
                      s0, d0, s1, d1, s2, d2, h_bias)

# --- scband reference (transcript-rebuilt; emitter-appended) ---
"""Pipeline reference for scband-rel-graph-conv-layer-1520418423097 (READ-ONLY COPY).

The authoritative reference and input builder live on the scoring server;
editing this copy changes nothing except your own understanding.
"""

import jax, jax.numpy as jnp
import numpy as np

N = 10000
D = 128
R = 3
E = 100000
NEG_SLOPE = 0.2


def setup_inputs(seed: int = 0) -> dict:
    key = jax.random.key(seed)
    ks = jax.random.split(key, 8)
    x = jax.random.normal(ks[0], (N, D), dtype=jnp.float32)
    edge_index_r0 = jax.random.randint(ks[1], (2, E), 0, N, dtype=jnp.int64 if jax.config.jax_enable_x64 else jnp.int32)
    edge_index_r1 = jax.random.randint(ks[2], (2, E), 0, N, dtype=jnp.int64 if jax.config.jax_enable_x64 else jnp.int32)
    edge_index_r2 = jax.random.randint(ks[3], (2, E), 0, N, dtype=jnp.int64 if jax.config.jax_enable_x64 else jnp.int32)
    # per-relation GATConv parameters (num_heads=1): projection W[r], attention vectors attn_l/attn_r[r]
    W = jax.random.normal(ks[4], (R, D, D), dtype=jnp.float32) * (1.0 / np.sqrt(D))
    attn_l = jax.random.normal(ks[5], (R, D), dtype=jnp.float32) * 0.1
    attn_r = jax.random.normal(ks[6], (R, D), dtype=jnp.float32) * 0.1
    h_bias = jnp.zeros((D,), dtype=jnp.float32)
    return {
        "x": x,
        "edge_index_r0": edge_index_r0,
        "edge_index_r1": edge_index_r1,
        "edge_index_r2": edge_index_r2,
        "W": W,
        "attn_l": attn_l,
        "attn_r": attn_r,
        "h_bias": h_bias,
    }


def _gat_rel(x, W_r, al, ar, src, dst):
    # DGL GATConv with num_heads=1, feat_drop=0, attn_drop=0, no residual, no activation
    z = x @ W_r                                   # [N, D]
    el = jnp.sum(z * al, axis=-1)                 # [N]
    er = jnp.sum(z * ar, axis=-1)                 # [N]
    e = el[src] + er[dst]                         # [E]
    e = jnp.where(e > 0, e, NEG_SLOPE * e)        # LeakyReLU(0.2)
    emax = jax.ops.segment_max(e, dst, num_segments=N)
    emax = jnp.where(jnp.isfinite(emax), emax, 0.0)
    emax = jax.lax.stop_gradient(emax)
    ee = jnp.exp(e - emax[dst])
    denom = jax.ops.segment_sum(ee, dst, num_segments=N)
    alpha = ee / denom[dst]                       # edge softmax over incoming edges
    msg = alpha[:, None] * z[src]                 # [E, D]
    return jax.ops.segment_sum(msg, dst, num_segments=N)


def reference(x, edge_index_r0, edge_index_r1, edge_index_r2, W, attn_l, attn_r, h_bias):
    eis = [edge_index_r0, edge_index_r1, edge_index_r2]
    # HeteroGraphConv aggregates per-relation outputs with sum
    h = jnp.zeros((N, D), dtype=jnp.float32)
    for r in range(R):
        src = eis[r][0]
        dst = eis[r][1]
        h = h + _gat_rel(x, W[r], attn_l[r], attn_r[r], src, dst)
    # _apply: self_loop=False, bias=True, activation=None, dropout eval (identity)
    h = h + h_bias
    # .mean(1) over num_heads=1 -> identity on [N, D]
    return h

if __name__ == "__main__":
    import jax
    _d = setup_inputs()
    print(jax.jit(kernel)(*tuple(_d.values())))

</pallas_src>

<mosaic_0001>
#map = affine_map<(d0, d1) -> (0, 0)>
#map1 = affine_map<(d0, d1) -> (0)>
#map2 = affine_map<(d0, d1) -> (0, 0, 0)>
module attributes {stable_mosaic.version = 14 : i64} {
  func.func @_mp_body(%arg0: i32, %arg1: i32, %arg2: memref<10000x128xf32, #tpu.memory_space<hbm>>, %arg3: memref<10000x128xf32, #tpu.memory_space<hbm>>, %arg4: memref<10000x128xf32, #tpu.memory_space<hbm>>, %arg5: memref<10000xf32, #tpu.memory_space<hbm>>, %arg6: memref<10000xf32, #tpu.memory_space<hbm>>, %arg7: memref<10000xf32, #tpu.memory_space<hbm>>, %arg8: memref<10000xf32, #tpu.memory_space<hbm>>, %arg9: memref<10000xf32, #tpu.memory_space<hbm>>, %arg10: memref<10000xf32, #tpu.memory_space<hbm>>, %arg11: memref<16x1x6400xi32, #tpu.memory_space<hbm>>, %arg12: memref<16x50x128xi32, #tpu.memory_space<hbm>>, %arg13: memref<16x1x6400xi32, #tpu.memory_space<hbm>>, %arg14: memref<16x50x128xi32, #tpu.memory_space<hbm>>, %arg15: memref<16x1x6400xi32, #tpu.memory_space<hbm>>, %arg16: memref<16x50x128xi32, #tpu.memory_space<hbm>>, %arg17: memref<128xf32, #tpu.memory_space<hbm>>, %arg18: memref<10000x128xf32, #tpu.memory_space<hbm>>, %arg19: memref<10240xf32, #tpu.memory_space<vmem>>, %arg20: memref<10240xf32, #tpu.memory_space<vmem>>, %arg21: memref<5120xf32, #tpu.memory_space<vmem>>, %arg22: memref<6400xi32, #tpu.memory_space<vmem>>, %arg23: memref<50x128xi32, #tpu.memory_space<vmem>>, %arg24: memref<6464xi32, #tpu.memory_space<vmem>>, %arg25: memref<6464xi32, #tpu.memory_space<vmem>>, %arg26: memref<6464xf32, #tpu.memory_space<vmem>>, %arg27: memref<192x128xf32, #tpu.memory_space<vmem>>, %arg28: memref<16x128xf32, #tpu.memory_space<vmem>>, %arg29: memref<128xf32, #tpu.memory_space<vmem>>, %arg30: memref<5120x128xf32, #tpu.memory_space<vmem_shared>>, %arg31: memref<40960xf32, #tpu.memory_space<vmem_shared>>, %arg32: memref<!tpu.dma_semaphore, #tpu.memory_space<semaphore_mem>>, %arg33: memref<!tpu.dma_semaphore, #tpu.memory_space<semaphore_mem>>, %arg34: memref<!tpu.dma_semaphore, #tpu.memory_space<semaphore_mem>>, %arg35: memref<!tpu.dma_semaphore, #tpu.memory_space<semaphore_mem>>) attributes {dimension_semantics = [#tpu.dimension_semantics<core_parallel>, #tpu.dimension_semantics<subcore_parallel>], iteration_bounds = array<i64: 2, 16>, scalar_prefetch = 0 : i64, scratch_operands = 17 : i64, tpu.core_type = #tpu.core_type<sc_vector_subcore>, window_params = [{transform_indices = #map}, {transform_indices = #map}, {transform_indices = #map}, {transform_indices = #map1}, {transform_indices = #map1}, {transform_indices = #map1}, {transform_indices = #map1}, {transform_indices = #map1}, {transform_indices = #map1}, {transform_indices = #map2}, {transform_indices = #map2}, {transform_indices = #map2}, {transform_indices = #map2}, {transform_indices = #map2}, {transform_indices = #map2}, {transform_indices = #map1}, {transform_indices = #map}]} {
    %broadcast_in_dim3A = arith.constant 0.000000e+00 : f32
    %broadcast_in_dim3A_0 = vector.broadcast %broadcast_in_dim3A : f32 to vector<16xf32>
    %broadcast_in_dim3A_1 = arith.constant 0 : i32
    %broadcast_in_dim3A_2 = vector.broadcast %broadcast_in_dim3A_1 : i32 to vector<16xi32>
    %mul3A = arith.constant 5120 : i32
    %mul3A_3 = arith.muli %arg0, %mul3A : i32
    %swap3A = arith.constant 10000 : index
    %swap3A_4 = tpu.vector_load %arg19[%swap3A] {strides = array<i32>} : memref<10240xf32, #tpu.memory_space<vmem>>, vector<16xf32>,
    tpu.vector_store %arg19[%swap3A], %broadcast_in_dim3A_0 {strides = array<i32>} : memref<10240xf32, #tpu.memory_space<vmem>>, vector<16xf32>,
    %swap3A_5 = arith.constant 10000 : index
    %swap3A_6 = tpu.vector_load %arg20[%swap3A_5] {strides = array<i32>} : memref<10240xf32, #tpu.memory_space<vmem>>, vector<16xf32>,
    tpu.vector_store %arg20[%swap3A_5], %broadcast_in_dim3A_0 {strides = array<i32>} : memref<10240xf32, #tpu.memory_space<vmem>>, vector<16xf32>,
    %swap3A_7 = arith.constant 10016 : index
    %swap3A_8 = tpu.vector_load %arg19[%swap3A_7] {strides = array<i32>} : memref<10240xf32, #tpu.memory_space<vmem>>, vector<16xf32>,
    tpu.vector_store %arg19[%swap3A_7], %broadcast_in_dim3A_0 {strides = array<i32>} : memref<10240xf32, #tpu.memory_space<vmem>>, vector<16xf32>,
    %swap3A_9 = arith.constant 10016 : index
    %swap3A_10 = tpu.vector_load %arg20[%swap3A_9] {strides = array<i32>} : memref<10240xf32, #tpu.memory_space<vmem>>, vector<16xf32>,
    tpu.vector_store %arg20[%swap3A_9], %broadcast_in_dim3A_0 {strides = array<i32>} : memref<10240xf32, #tpu.memory_space<vmem>>, vector<16xf32>,
    %swap3A_11 = arith.constant 10032 : index
    %swap3A_12 = tpu.vector_load %arg19[%swap3A_11] {strides = array<i32>} : memref<10240xf32, #tpu.memory_space<vmem>>, vector<16xf32>,
    tpu.vector_store %arg19[%swap3A_11], %broadcast_in_dim3A_0 {strides = array<i32>} : memref<10240xf32, #tpu.memory_space<vmem>>, vector<16xf32>,
    %swap3A_13 = arith.constant 10032 : index
    %swap3A_14 = tpu.vector_load %arg20[%swap3A_13] {strides = array<i32>} : memref<10240xf32, #tpu.memory_space<vmem>>, vector<16xf32>,
    tpu.vector_store %arg20[%swap3A_13], %broadcast_in_dim3A_0 {strides = array<i32>} : memref<10240xf32, #tpu.memory_space<vmem>>, vector<16xf32>,
    %swap3A_15 = arith.constant 10048 : index
    %swap3A_16 = tpu.vector_load %arg19[%swap3A_15] {strides = array<i32>} : memref<10240xf32, #tpu.memory_space<vmem>>, vector<16xf32>,
    tpu.vector_store %arg19[%swap3A_15], %broadcast_in_dim3A_0 {strides = array<i32>} : memref<10240xf32, #tpu.memory_space<vmem>>, vector<16xf32>,
    %swap3A_17 = arith.constant 10048 : index
    %swap3A_18 = tpu.vector_load %arg20[%swap3A_17] {strides = array<i32>} : memref<10240xf32, #tpu.memory_space<vmem>>, vector<16xf32>,
    tpu.vector_store %arg20[%swap3A_17], %broadcast_in_dim3A_0 {strides = array<i32>} : memref<10240xf32, #tpu.memory_space<vmem>>, vector<16xf32>,
    %swap3A_19 = arith.constant 10064 : index
    %swap3A_20 = tpu.vector_load %arg19[%swap3A_19] {strides = array<i32>} : memref<10240xf32, #tpu.memory_space<vmem>>, vector<16xf32>,
    tpu.vector_store %arg19[%swap3A_19], %broadcast_in_dim3A_0 {strides = array<i32>} : memref<10240xf32, #tpu.memory_space<vmem>>, vector<16xf32>,
    %swap3A_21 = arith.constant 10064 : index
    %swap3A_22 = tpu.vector_load %arg20[%swap3A_21] {strides = array<i32>} : memref<10240xf32, #tpu.memory_space<vmem>>, vector<16xf32>,
    tpu.vector_store %arg20[%swap3A_21], %broadcast_in_dim3A_0 {strides = array<i32>} : memref<10240xf32, #tpu.memory_space<vmem>>, vector<16xf32>,
    %swap3A_23 = arith.constant 10080 : index
    %swap3A_24 = tpu.vector_load %arg19[%swap3A_23] {strides = array<i32>} : memref<10240xf32, #tpu.memory_space<vmem>>, vector<16xf32>,
    tpu.vector_store %arg19[%swap3A_23], %broadcast_in_dim3A_0 {strides = array<i32>} : memref<10240xf32, #tpu.memory_space<vmem>>, vector<16xf32>,
    %swap3A_25 = arith.constant 10080 : index
    %swap3A_26 = tpu.vector_load %arg20[%swap3A_25] {strides = array<i32>} : memref<10240xf32, #tpu.memory_space<vmem>>, vector<16xf32>,
    tpu.vector_store %arg20[%swap3A_25], %broadcast_in_dim3A_0 {strides = array<i32>} : memref<10240xf32, #tpu.memory_space<vmem>>, vector<16xf32>,
    %swap3A_27 = arith.constant 10096 : index
    %swap3A_28 = tpu.vector_load %arg19[%swap3A_27] {strides = array<i32>} : memref<10240xf32, #tpu.memory_space<vmem>>, vector<16xf32>,
    tpu.vector_store %arg19[%swap3A_27], %broadcast_in_dim3A_0 {strides = array<i32>} : memref<10240xf32, #tpu.memory_space<vmem>>, vector<16xf32>,
    %swap3A_29 = arith.constant 10096 : index
    %swap3A_30 = tpu.vector_load %arg20[%swap3A_29] {strides = array<i32>} : memref<10240xf32, #tpu.memory_space<vmem>>, vector<16xf32>,
    tpu.vector_store %arg20[%swap3A_29], %broadcast_in_dim3A_0 {strides = array<i32>} : memref<10240xf32, #tpu.memory_space<vmem>>, vector<16xf32>,
    %swap3A_31 = arith.constant 10112 : index
    %swap3A_32 = tpu.vector_load %arg19[%swap3A_31] {strides = array<i32>} : memref<10240xf32, #tpu.memory_space<vmem>>, vector<16xf32>,
    tpu.vector_store %arg19[%swap3A_31], %broadcast_in_dim3A_0 {strides = array<i32>} : memref<10240xf32, #tpu.memory_space<vmem>>, vector<16xf32>,
    %swap3A_33 = arith.constant 10112 : index
    %swap3A_34 = tpu.vector_load %arg20[%swap3A_33] {strides = array<i32>} : memref<10240xf32, #tpu.memory_space<vmem>>, vector<16xf32>,
    tpu.vector_store %arg20[%swap3A_33], %broadcast_in_dim3A_0 {strides = array<i32>} : memref<10240xf32, #tpu.memory_space<vmem>>, vector<16xf32>,
    %swap3A_35 = arith.constant 10128 : index
    %swap3A_36 = tpu.vector_load %arg19[%swap3A_35] {strides = array<i32>} : memref<10240xf32, #tpu.memory_space<vmem>>, vector<16xf32>,
    tpu.vector_store %arg19[%swap3A_35], %broadcast_in_dim3A_0 {strides = array<i32>} : memref<10240xf32, #tpu.memory_space<vmem>>, vector<16xf32>,
    %swap3A_37 = arith.constant 10128 : index
    %swap3A_38 = tpu.vector_load %arg20[%swap3A_37] {strides = array<i32>} : memref<10240xf32, #tpu.memory_space<vmem>>, vector<16xf32>,
    tpu.vector_store %arg20[%swap3A_37], %broadcast_in_dim3A_0 {strides = array<i32>} : memref<10240xf32, #tpu.memory_space<vmem>>, vector<16xf32>,
    %swap3A_39 = arith.constant 10144 : index
    %swap3A_40 = tpu.vector_load %arg19[%swap3A_39] {strides = array<i32>} : memref<10240xf32, #tpu.memory_space<vmem>>, vector<16xf32>,
    tpu.vector_store %arg19[%swap3A_39], %broadcast_in_dim3A_0 {strides = array<i32>} : memref<10240xf32, #tpu.memory_space<vmem>>, vector<16xf32>,
    %swap3A_41 = arith.constant 10144 : index
    %swap3A_42 = tpu.vector_load %arg20[%swap3A_41] {strides = array<i32>} : memref<10240xf32, #tpu.memory_space<vmem>>, vector<16xf32>,
    tpu.vector_store %arg20[%swap3A_41], %broadcast_in_dim3A_0 {strides = array<i32>} : memref<10240xf32, #tpu.memory_space<vmem>>, vector<16xf32>,
    %swap3A_43 = arith.constant 10160 : index
    %swap3A_44 = tpu.vector_load %arg19[%swap3A_43] {strides = array<i32>} : memref<10240xf32, #tpu.memory_space<vmem>>, vector<16xf32>,
    tpu.vector_store %arg19[%swap3A_43], %broadcast_in_dim3A_0 {strides = array<i32>} : memref<10240xf32, #tpu.memory_space<vmem>>, vector<16xf32>,
    %swap3A_45 = arith.constant 10160 : index
    %swap3A_46 = tpu.vector_load %arg20[%swap3A_45] {strides = array<i32>} : memref<10240xf32, #tpu.memory_space<vmem>>, vector<16xf32>,
    tpu.vector_store %arg20[%swap3A_45], %broadcast_in_dim3A_0 {strides = array<i32>} : memref<10240xf32, #tpu.memory_space<vmem>>, vector<16xf32>,
    %swap3A_47 = arith.constant 10176 : index
    %swap3A_48 = tpu.vector_load %arg19[%swap3A_47] {strides = array<i32>} : memref<10240xf32, #tpu.memory_space<vmem>>, vector<16xf32>,
    tpu.vector_store %arg19[%swap3A_47], %broadcast_in_dim3A_0 {strides = array<i32>} : memref<10240xf32, #tpu.memory_space<vmem>>, vector<16xf32>,
    %swap3A_49 = arith.constant 10176 : index
    %swap3A_50 = tpu.vector_load %arg20[%swap3A_49] {strides = array<i32>} : memref<10240xf32, #tpu.memory_space<vmem>>, vector<16xf32>,
    tpu.vector_store %arg20[%swap3A_49], %broadcast_in_dim3A_0 {strides = array<i32>} : memref<10240xf32, #tpu.memory_space<vmem>>, vector<16xf32>,
    %swap3A_51 = arith.constant 10192 : index
    %swap3A_52 = tpu.vector_load %arg19[%swap3A_51] {strides = array<i32>} : memref<10240xf32, #tpu.memory_space<vmem>>, vector<16xf32>,
    tpu.vector_store %arg19[%swap3A_51], %broadcast_in_dim3A_0 {strides = array<i32>} : memref<10240xf32, #tpu.memory_space<vmem>>, vector<16xf32>,
    %swap3A_53 = arith.constant 10192 : index
    %swap3A_54 = tpu.vector_load %arg20[%swap3A_53] {strides = array<i32>} : memref<10240xf32, #tpu.memory_space<vmem>>, vector<16xf32>,
    tpu.vector_store %arg20[%swap3A_53], %broadcast_in_dim3A_0 {strides = array<i32>} : memref<10240xf32, #tpu.memory_space<vmem>>, vector<16xf32>,
    %swap3A_55 = arith.constant 10208 : index
    %swap3A_56 = tpu.vector_load %arg19[%swap3A_55] {strides = array<i32>} : memref<10240xf32, #tpu.memory_space<vmem>>, vector<16xf32>,
    tpu.vector_store %arg19[%swap3A_55], %broadcast_in_dim3A_0 {strides = array<i32>} : memref<10240xf32, #tpu.memory_space<vmem>>, vector<16xf32>,
    %swap3A_57 = arith.constant 10208 : index
    %swap3A_58 = tpu.vector_load %arg20[%swap3A_57] {strides = array<i32>} : memref<10240xf32, #tpu.memory_space<vmem>>, vector<16xf32>,
    tpu.vector_store %arg20[%swap3A_57], %broadcast_in_dim3A_0 {strides = array<i32>} : memref<10240xf32, #tpu.memory_space<vmem>>, vector<16xf32>,
    %swap3A_59 = arith.constant 10224 : index
    %swap3A_60 = tpu.vector_load %arg19[%swap3A_59] {strides = array<i32>} : memref<10240xf32, #tpu.memory_space<vmem>>, vector<16xf32>,
    tpu.vector_store %arg19[%swap3A_59], %broadcast_in_dim3A_0 {strides = array<i32>} : memref<10240xf32, #tpu.memory_space<vmem>>, vector<16xf32>,
    %swap3A_61 = arith.constant 10224 : index
    %swap3A_62 = tpu.vector_load %arg20[%swap3A_61] {strides = array<i32>} : memref<10240xf32, #tpu.memory_space<vmem>>, vector<16xf32>,
    tpu.vector_store %arg20[%swap3A_61], %broadcast_in_dim3A_0 {strides = array<i32>} : memref<10240xf32, #tpu.memory_space<vmem>>, vector<16xf32>,
    %swap3A_63 = arith.constant 0 : i32
    %swap3A_64 = arith.index_cast %swap3A_63 : i32 to index
    %swap3A_65 = arith.constant 0 : index
    %swap3A_66 = tpu.vector_load %arg28[%swap3A_64, %swap3A_65] {strides = array<i32>} : memref<16x128xf32, #tpu.memory_space<vmem>>, vector<16xf32>,
    tpu.vector_store %arg28[%swap3A_64, %swap3A_65], %broadcast_in_dim3A_0 {strides = array<i32>} : memref<16x128xf32, #tpu.memory_space<vmem>>, vector<16xf32>,
    %swap3A_67 = arith.constant 0 : i32
    %swap3A_68 = arith.index_cast %swap3A_67 : i32 to index
    %swap3A_69 = arith.constant 16 : index
    %swap3A_70 = tpu.vector_load %arg28[%swap3A_68, %swap3A_69] {strides = array<i32>} : memref<16x128xf32, #tpu.memory_space<vmem>>, vector<16xf32>,
    tpu.vector_store %arg28[%swap3A_68, %swap3A_69], %broadcast_in_dim3A_0 {strides = array<i32>} : memref<16x128xf32, #tpu.memory_space<vmem>>, vector<16xf32>,
    %swap3A_71 = arith.constant 0 : i32
    %swap3A_72 = arith.index_cast %swap3A_71 : i32 to index
    %swap3A_73 = arith.constant 32 : index
    %swap3A_74 = tpu.vector_load %arg28[%swap3A_72, %swap3A_73] {strides = array<i32>} : memref<16x128xf32, #tpu.memory_space<vmem>>, vector<16xf32>,
    tpu.vector_store %arg28[%swap3A_72, %swap3A_73], %broadcast_in_dim3A_0 {strides = array<i32>} : memref<16x128xf32, #tpu.memory_space<vmem>>, vector<16xf32>,
    %swap3A_75 = arith.constant 0 : i32
    %swap3A_76 = arith.index_cast %swap3A_75 : i32 to index
    %swap3A_77 = arith.constant 48 : index
    %swap3A_78 = tpu.vector_load %arg28[%swap3A_76, %swap3A_77] {strides = array<i32>} : memref<16x128xf32, #tpu.memory_space<vmem>>, vector<16xf32>,
    tpu.vector_store %arg28[%swap3A_76, %swap3A_77], %broadcast_in_dim3A_0 {strides = array<i32>} : memref<16x128xf32, #tpu.memory_space<vmem>>, vector<16xf32>,
    %swap3A_79 = arith.constant 0 : i32
    %swap3A_80 = arith.index_cast %swap3A_79 : i32 to index
    %swap3A_81 = arith.constant 64 : index
    %swap3A_82 = tpu.vector_load %arg28[%swap3A_80, %swap3A_81] {strides = array<i32>} : memref<16x128xf32, #tpu.memory_space<vmem>>, vector<16xf32>,
    tpu.vector_store %arg28[%swap3A_80, %swap3A_81], %broadcast_in_dim3A_0 {strides = array<i32>} : memref<16x128xf32, #tpu.memory_space<vmem>>, vector<16xf32>,
    %swap3A_83 = arith.constant 0 : i32
    %swap3A_84 = arith.index_cast %swap3A_83 : i32 to index
    %swap3A_85 = arith.constant 80 : index
    %swap3A_86 = tpu.vector_load %arg28[%swap3A_84, %swap3A_85] {strides = array<i32>} : memref<16x128xf32, #tpu.memory_space<vmem>>, vector<16xf32>,
    tpu.vector_store %arg28[%swap3A_84, %swap3A_85], %broadcast_in_dim3A_0 {strides = array<i32>} : memref<16x128xf32, #tpu.memory_space<vmem>>, vector<16xf32>,
    %swap3A_87 = arith.constant 0 : i32
    %swap3A_88 = arith.index_cast %swap3A_87 : i32 to index
    %swap3A_89 = arith.constant 96 : index
    %swap3A_90 = tpu.vector_load %arg28[%swap3A_88, %swap3A_89] {strides = array<i32>} : memref<16x128xf32, #tpu.memory_space<vmem>>, vector<16xf32>,
    tpu.vector_store %arg28[%swap3A_88, %swap3A_89], %broadcast_in_dim3A_0 {strides = array<i32>} : memref<16x128xf32, #tpu.memory_space<vmem>>, vector<16xf32>,
    %swap3A_91 = arith.constant 0 : i32
    %swap3A_92 = arith.index_cast %swap3A_91 : i32 to index
    %swap3A_93 = arith.constant 112 : index
    %swap3A_94 = tpu.vector_load %arg28[%swap3A_92, %swap3A_93] {strides = array<i32>} : memref<16x128xf32, #tpu.memory_space<vmem>>, vector<16xf32>,
    tpu.vector_store %arg28[%swap3A_92, %swap3A_93], %broadcast_in_dim3A_0 {strides = array<i32>} : memref<16x128xf32, #tpu.memory_space<vmem>>, vector<16xf32>,
    %swap3A_95 = arith.constant 1 : i32
    %swap3A_96 = arith.index_cast %swap3A_95 : i32 to index
    %swap3A_97 = arith.constant 0 : index
    %swap3A_98 = tpu.vector_load %arg28[%swap3A_96, %swap3A_97] {strides = array<i32>} : memref<16x128xf32, #tpu.memory_space<vmem>>, vector<16xf32>,
    tpu.vector_store %arg28[%swap3A_96, %swap3A_97], %broadcast_in_dim3A_0 {strides = array<i32>} : memref<16x128xf32, #tpu.memory_space<vmem>>, vector<16xf32>,
    %swap3A_99 = arith.constant 1 : i32
    %swap3A_100 = arith.index_cast %swap3A_99 : i32 to index
    %swap3A_101 = arith.constant 16 : index
    %swap3A_102 = tpu.vector_load %arg28[%swap3A_100, %swap3A_101] {strides = array<i32>} : memref<16x128xf32, #tpu.memory_space<vmem>>, vector<16xf32>,
    tpu.vector_store %arg28[%swap3A_100, %swap3A_101], %broadcast_in_dim3A_0 {strides = array<i32>} : memref<16x128xf32, #tpu.memory_space<vmem>>, vector<16xf32>,
    %swap3A_103 = arith.constant 1 : i32
    %swap3A_104 = arith.index_cast %swap3A_103 : i32 to index
    %swap3A_105 = arith.constant 32 : index
    %swap3A_106 = tpu.vector_load %arg28[%swap3A_104, %swap3A_105] {strides = array<i32>} : memref<16x128xf32, #tpu.memory_space<vmem>>, vector<16xf32>,
    tpu.vector_store %arg28[%swap3A_104, %swap3A_105], %broadcast_in_dim3A_0 {strides = array<i32>} : memref<16x128xf32, #tpu.memory_space<vmem>>, vector<16xf32>,
    %swap3A_107 = arith.constant 1 : i32
    %swap3A_108 = arith.index_cast %swap3A_107 : i32 to index
    %swap3A_109 = arith.constant 48 : index
    %swap3A_110 = tpu.vector_load %arg28[%swap3A_108, %swap3A_109] {strides = array<i32>} : memref<16x128xf32, #tpu.memory_space<vmem>>, vector<16xf32>,
    tpu.vector_store %arg28[%swap3A_108, %swap3A_109], %broadcast_in_dim3A_0 {strides = array<i32>} : memref<16x128xf32, #tpu.memory_space<vmem>>, vector<16xf32>,
    %swap3A_111 = arith.constant 1 : i32
    %swap3A_112 = arith.index_cast %swap3A_111 : i32 to index
    %swap3A_113 = arith.constant 64 : index
    %swap3A_114 = tpu.vector_load %arg28[%swap3A_112, %swap3A_113] {strides = array<i32>} : memref<16x128xf32, #tpu.memory_space<vmem>>, vector<16xf32>,
    tpu.vector_store %arg28[%swap3A_112, %swap3A_113], %broadcast_in_dim3A_0 {strides = array<i32>} : memref<16x128xf32, #tpu.memory_space<vmem>>, vector<16xf32>,
    %swap3A_115 = arith.constant 1 : i32
    %swap3A_116 = arith.index_cast %swap3A_115 : i32 to index
    %swap3A_117 = arith.constant 80 : index
    %swap3A_118 = tpu.vector_load %arg28[%swap3A_116, %swap3A_117] {strides = array<i32>} : memref<16x128xf32, #tpu.memory_space<vmem>>, vector<16xf32>,
    tpu.vector_store %arg28[%swap3A_116, %swap3A_117], %broadcast_in_dim3A_0 {strides = array<i32>} : memref<16x128xf32, #tpu.memory_space<vmem>>, vector<16xf32>,
    %swap3A_119 = arith.constant 1 : i32
    %swap3A_120 = arith.index_cast %swap3A_119 : i32 to index
    %swap3A_121 = arith.constant 96 : index
    %swap3A_122 = tpu.vector_load %arg28[%swap3A_120, %swap3A_121] {strides = array<i32>} : memref<16x128xf32, #tpu.memory_space<vmem>>, vector<16xf32>,
    tpu.vector_store %arg28[%swap3A_120, %swap3A_121], %broadcast_in_dim3A_0 {strides = array<i32>} : memref<16x128xf32, #tpu.memory_space<vmem>>, vector<16xf32>,
    %swap3A_123 = arith.constant 1 : i32
    %swap3A_124 = arith.index_cast %swap3A_123 : i32 to index
    %swap3A_125 = arith.constant 112 : index
    %swap3A_126 = tpu.vector_load %arg28[%swap3A_124, %swap3A_125] {strides = array<i32>} : memref<16x128xf32, #tpu.memory_space<vmem>>, vector<16xf32>,
    tpu.vector_store %arg28[%swap3A_124, %swap3A_125], %broadcast_in_dim3A_0 {strides = array<i32>} : memref<16x128xf32, #tpu.memory_space<vmem>>, vector<16xf32>,
    %swap3A_127 = arith.constant 2 : i32
    %swap3A_128 = arith.index_cast %swap3A_127 : i32 to index
    %swap3A_129 = arith.constant 0 : index
    %swap3A_130 = tpu.vector_load %arg28[%swap3A_128, %swap3A_129] {strides = array<i32>} : memref<16x128xf32, #tpu.memory_space<vmem>>, vector<16xf32>,
    tpu.vector_store %arg28[%swap3A_128, %swap3A_129], %broadcast_in_dim3A_0 {strides = array<i32>} : memref<16x128xf32, #tpu.memory_space<vmem>>, vector<16xf32>,
    %swap3A_131 = arith.constant 2 : i32
    %swap3A_132 = arith.index_cast %swap3A_131 : i32 to index
    %swap3A_133 = arith.constant 16 : index
    %swap3A_134 = tpu.vector_load %arg28[%swap3A_132, %swap3A_133] {strides = array<i32>} : memref<16x128xf32, #tpu.memory_space<vmem>>, vector<16xf32>,
    tpu.vector_store %arg28[%swap3A_132, %swap3A_133], %broadcast_in_dim3A_0 {strides = array<i32>} : memref<16x128xf32, #tpu.memory_space<vmem>>, vector<16xf32>,
    %swap3A_135 = arith.constant 2 : i32
    %swap3A_136 = arith.index_cast %swap3A_135 : i32 to index
    %swap3A_137 = arith.constant 32 : index
    %swap3A_138 = tpu.vector_load %arg28[%swap3A_136, %swap3A_137] {strides = array<i32>} : memref<16x128xf32, #tpu.memory_space<vmem>>, vector<16xf32>,
    tpu.vector_store %arg28[%swap3A_136, %swap3A_137], %broadcast_in_dim3A_0 {strides = array<i32>} : memref<16x128xf32, #tpu.memory_space<vmem>>, vector<16xf32>,
    %swap3A_139 = arith.constant 2 : i32
    %swap3A_140 = arith.index_cast %swap3A_139 : i32 to index
    %swap3A_141 = arith.constant 48 : index
    %swap3A_142 = tpu.vector_load %arg28[%swap3A_140, %swap3A_141] {strides = array<i32>} : memref<16x128xf32, #tpu.memory_space<vmem>>, vector<16xf32>,
    tpu.vector_store %arg28[%swap3A_140, %swap3A_141], %broadcast_in_dim3A_0 {strides = array<i32>} : memref<16x128xf32, #tpu.memory_space<vmem>>, vector<16xf32>,
    %swap3A_143 = arith.constant 2 : i32
    %swap3A_144 = arith.index_cast %swap3A_143 : i32 to index
    %swap3A_145 = arith.constant 64 : index
    %swap3A_146 = tpu.vector_load %arg28[%swap3A_144, %swap3A_145] {strides = array<i32>} : memref<16x128xf32, #tpu.memory_space<vmem>>, vector<16xf32>,
    tpu.vector_store %arg28[%swap3A_144, %swap3A_145], %broadcast_in_dim3A_0 {strides = array<i32>} : memref<16x128xf32, #tpu.memory_space<vmem>>, vector<16xf32>,
    %swap3A_147 = arith.constant 2 : i32
    %swap3A_148 = arith.index_cast %swap3A_147 : i32 to index
    %swap3A_149 = arith.constant 80 : index
    %swap3A_150 = tpu.vector_load %arg28[%swap3A_148, %swap3A_149] {strides = array<i32>} : memref<16x128xf32, #tpu.memory_space<vmem>>, vector<16xf32>,
    tpu.vector_store %arg28[%swap3A_148, %swap3A_149], %broadcast_in_dim3A_0 {strides = array<i32>} : memref<16x128xf32, #tpu.memory_space<vmem>>, vector<16xf32>,
    %swap3A_151 = arith.constant 2 : i32
    %swap3A_152 = arith.index_cast %swap3A_151 : i32 to index
    %swap3A_153 = arith.constant 96 : index
    %swap3A_154 = tpu.vector_load %arg28[%swap3A_152, %swap3A_153] {strides = array<i32>} : memref<16x128xf32, #tpu.memory_space<vmem>>, vector<16xf32>,
    tpu.vector_store %arg28[%swap3A_152, %swap3A_153], %broadcast_in_dim3A_0 {strides = array<i32>} : memref<16x128xf32, #tpu.memory_space<vmem>>, vector<16xf32>,
    %swap3A_155 = arith.constant 2 : i32
    %swap3A_156 = arith.index_cast %swap3A_155 : i32 to index
    %swap3A_157 = arith.constant 112 : index
    %swap3A_158 = tpu.vector_load %arg28[%swap3A_156, %swap3A_157] {strides = array<i32>} : memref<16x128xf32, #tpu.memory_space<vmem>>, vector<16xf32>,
    tpu.vector_store %arg28[%swap3A_156, %swap3A_157], %broadcast_in_dim3A_0 {strides = array<i32>} : memref<16x128xf32, #tpu.memory_space<vmem>>, vector<16xf32>,
    %swap3A_159 = arith.constant 3 : i32
    %swap3A_160 = arith.index_cast %swap3A_159 : i32 to index
    %swap3A_161 = arith.constant 0 : index
    %swap3A_162 = tpu.vector_load %arg28[%swap3A_160, %swap3A_161] {strides = array<i32>} : memref<16x128xf32, #tpu.memory_space<vmem>>, vector<16xf32>,
    tpu.vector_store %arg28[%swap3A_160, %swap3A_161], %broadcast_in_dim3A_0 {strides = array<i32>} : memref<16x128xf32, #tpu.memory_space<vmem>>, vector<16xf32>,
    %swap3A_163 = arith.constant 3 : i32
    %swap3A_164 = arith.index_cast %swap3A_163 : i32 to index
    %swap3A_165 = arith.constant 16 : index
    %swap3A_166 = tpu.vector_load %arg28[%swap3A_164, %swap3A_165] {strides = array<i32>} : memref<16x128xf32, #tpu.memory_space<vmem>>, vector<16xf32>,
    tpu.vector_store %arg28[%swap3A_164, %swap3A_165], %broadcast_in_dim3A_0 {strides = array<i32>} : memref<16x128xf32, #tpu.memory_space<vmem>>, vector<16xf32>,
    %swap3A_167 = arith.constant 3 : i32
    %swap3A_168 = arith.index_cast %swap3A_167 : i32 to index
    %swap3A_169 = arith.constant 32 : index
    %swap3A_170 = tpu.vector_load %arg28[%swap3A_168, %swap3A_169] {strides = array<i32>} : memref<16x128xf32, #tpu.memory_space<vmem>>, vector<16xf32>,
    tpu.vector_store %arg28[%swap3A_168, %swap3A_169], %broadcast_in_dim3A_0 {strides = array<i32>} : memref<16x128xf32, #tpu.memory_space<vmem>>, vector<16xf32>,
    %swap3A_171 = arith.constant 3 : i32
    %swap3A_172 = arith.index_cast %swap3A_171 : i32 to index
    %swap3A_173 = arith.constant 48 : index
    %swap3A_174 = tpu.vector_load %arg28[%swap3A_172, %swap3A_173] {strides = array<i32>} : memref<16x128xf32, #tpu.memory_space<vmem>>, vector<16xf32>,
    tpu.vector_store %arg28[%swap3A_172, %swap3A_173], %broadcast_in_dim3A_0 {strides = array<i32>} : memref<16x128xf32, #tpu.memory_space<vmem>>, vector<16xf32>,
    %swap3A_175 = arith.constant 3 : i32
    %swap3A_176 = arith.index_cast %swap3A_175 : i32 to index
    %swap3A_177 = arith.constant 64 : index
    %swap3A_178 = tpu.vector_load %arg28[%swap3A_176, %swap3A_177] {strides = array<i32>} : memref<16x128xf32, #tpu.memory_space<vmem>>, vector<16xf32>,
    tpu.vector_store %arg28[%swap3A_176, %swap3A_177], %broadcast_in_dim3A_0 {strides = array<i32>} : memref<16x128xf32, #tpu.memory_space<vmem>>, vector<16xf32>,
    %swap3A_179 = arith.constant 3 : i32
    %swap3A_180 = arith.index_cast %swap3A_179 : i32 to index
    %swap3A_181 = arith.constant 80 : index
    %swap3A_182 = tpu.vector_load %arg28[%swap3A_180, %swap3A_181] {strides = array<i32>} : memref<16x128xf32, #tpu.memory_space<vmem>>, vector<16xf32>,
    tpu.vector_store %arg28[%swap3A_180, %swap3A_181], %broadcast_in_dim3A_0 {strides = array<i32>} : memref<16x128xf32, #tpu.memory_space<vmem>>, vector<16xf32>,
    %swap3A_183 = arith.constant 3 : i32
    %swap3A_184 = arith.index_cast %swap3A_183 : i32 to index
    %swap3A_185 = arith.constant 96 : index
    %swap3A_186 = tpu.vector_load %arg28[%swap3A_184, %swap3A_185] {strides = array<i32>} : memref<16x128xf32, #tpu.memory_space<vmem>>, vector<16xf32>,
    tpu.vector_store %arg28[%swap3A_184, %swap3A_185], %broadcast_in_dim3A_0 {strides = array<i32>} : memref<16x128xf32, #tpu.memory_space<vmem>>, vector<16xf32>,
    %swap3A_187 = arith.constant 3 : i32
    %swap3A_188 = arith.index_cast %swap3A_187 : i32 to index
    %swap3A_189 = arith.constant 112 : index
    %swap3A_190 = tpu.vector_load %arg28[%swap3A_188, %swap3A_189] {strides = array<i32>} : memref<16x128xf32, #tpu.memory_space<vmem>>, vector<16xf32>,
    tpu.vector_store %arg28[%swap3A_188, %swap3A_189], %broadcast_in_dim3A_0 {strides = array<i32>} : memref<16x128xf32, #tpu.memory_space<vmem>>, vector<16xf32>,
    %swap3A_191 = arith.constant 4 : i32
    %swap3A_192 = arith.index_cast %swap3A_191 : i32 to index
    %swap3A_193 = arith.constant 0 : index
    %swap3A_194 = tpu.vector_load %arg28[%swap3A_192, %swap3A_193] {strides = array<i32>} : memref<16x128xf32, #tpu.memory_space<vmem>>, vector<16xf32>,
    tpu.vector_store %arg28[%swap3A_192, %swap3A_193], %broadcast_in_dim3A_0 {strides = array<i32>} : memref<16x128xf32, #tpu.memory_space<vmem>>, vector<16xf32>,
    %swap3A_195 = arith.constant 4 : i32
    %swap3A_196 = arith.index_cast %swap3A_195 : i32 to index
    %swap3A_197 = arith.constant 16 : index
    %swap3A_198 = tpu.vector_load %arg28[%swap3A_196, %swap3A_197] {strides = array<i32>} : memref<16x128xf32, #tpu.memory_space<vmem>>, vector<16xf32>,
    tpu.vector_store %arg28[%swap3A_196, %swap3A_197], %broadcast_in_dim3A_0 {strides = array<i32>} : memref<16x128xf32, #tpu.memory_space<vmem>>, vector<16xf32>,
    %swap3A_199 = arith.constant 4 : i32
    %swap3A_200 = arith.index_cast %swap3A_199 : i32 to index
    %swap3A_201 = arith.constant 32 : index
    %swap3A_202 = tpu.vector_load %arg28[%swap3A_200, %swap3A_201] {strides = array<i32>} : memref<16x128xf32, #tpu.memory_space<vmem>>, vector<16xf32>,
    tpu.vector_store %arg28[%swap3A_200, %swap3A_201], %broadcast_in_dim3A_0 {strides = array<i32>} : memref<16x128xf32, #tpu.memory_space<vmem>>, vector<16xf32>,
    %swap3A_203 = arith.constant 4 : i32
    %swap3A_204 = arith.index_cast %swap3A_203 : i32 to index
    %swap3A_205 = arith.constant 48 : index
    %swap3A_206 = tpu.vector_load %arg28[%swap3A_204, %swap3A_205] {strides = array<i32>} : memref<16x128xf32, #tpu.memory_space<vmem>>, vector<16xf32>,
    tpu.vector_store %arg28[%swap3A_204, %swap3A_205], %broadcast_in_dim3A_0 {strides = array<i32>} : memref<16x128xf32, #tpu.memory_space<vmem>>, vector<16xf32>,
    %swap3A_207 = arith.constant 4 : i32
    %swap3A_208 = arith.index_cast %swap3A_207 : i32 to index
    %swap3A_209 = arith.constant 64 : index
    %swap3A_210 = tpu.vector_load %arg28[%swap3A_208, %swap3A_209] {strides = array<i32>} : memref<16x128xf32, #tpu.memory_space<vmem>>, vector<16xf32>,
    tpu.vector_store %arg28[%swap3A_208, %swap3A_209], %broadcast_in_dim3A_0 {strides = array<i32>} : memref<16x128xf32, #tpu.memory_space<vmem>>, vector<16xf32>,
    %swap3A_211 = arith.constant 4 : i32
    %swap3A_212 = arith.index_cast %swap3A_211 : i32 to index
    %swap3A_213 = arith.constant 80 : index
    %swap3A_214 = tpu.vector_load %arg28[%swap3A_212, %swap3A_213] {strides = array<i32>} : memref<16x128xf32, #tpu.memory_space<vmem>>, vector<16xf32>,
    tpu.vector_store %arg28[%swap3A_212, %swap3A_213], %broadcast_in_dim3A_0 {strides = array<i32>} : memref<16x128xf32, #tpu.memory_space<vmem>>, vector<16xf32>,
    %swap3A_215 = arith.constant 4 : i32
    %swap3A_216 = arith.index_cast %swap3A_215 : i32 to index
    %swap3A_217 = arith.constant 96 : index
    %swap3A_218 = tpu.vector_load %arg28[%swap3A_216, %swap3A_217] {strides = array<i32>} : memref<16x128xf32, #tpu.memory_space<vmem>>, vector<16xf32>,
    tpu.vector_store %arg28[%swap3A_216, %swap3A_217], %broadcast_in_dim3A_0 {strides = array<i32>} : memref<16x128xf32, #tpu.memory_space<vmem>>, vector<16xf32>,
    %swap3A_219 = arith.constant 4 : i32
    %swap3A_220 = arith.index_cast %swap3A_219 : i32 to index
    %swap3A_221 = arith.constant 112 : index
    %swap3A_222 = tpu.vector_load %arg28[%swap3A_220, %swap3A_221] {strides = array<i32>} : memref<16x128xf32, #tpu.memory_space<vmem>>, vector<16xf32>,
    tpu.vector_store %arg28[%swap3A_220, %swap3A_221], %broadcast_in_dim3A_0 {strides = array<i32>} : memref<16x128xf32, #tpu.memory_space<vmem>>, vector<16xf32>,
    %swap3A_223 = arith.constant 5 : i32
    %swap3A_224 = arith.index_cast %swap3A_223 : i32 to index
    %swap3A_225 = arith.constant 0 : index
    %swap3A_226 = tpu.vector_load %arg28[%swap3A_224, %swap3A_225] {strides = array<i32>} : memref<16x128xf32, #tpu.memory_space<vmem>>, vector<16xf32>,
    tpu.vector_store %arg28[%swap3A_224, %swap3A_225], %broadcast_in_dim3A_0 {strides = array<i32>} : memref<16x128xf32, #tpu.memory_space<vmem>>, vector<16xf32>,
    %swap3A_227 = arith.constant 5 : i32
    %swap3A_228 = arith.index_cast %swap3A_227 : i32 to index
    %swap3A_229 = arith.constant 16 : index
    %swap3A_230 = tpu.vector_load %arg28[%swap3A_228, %swap3A_229] {strides = array<i32>} : memref<16x128xf32, #tpu.memory_space<vmem>>, vector<16xf32>,
    tpu.vector_store %arg28[%swap3A_228, %swap3A_229], %broadcast_in_dim3A_0 {strides = array<i32>} : memref<16x128xf32, #tpu.memory_space<vmem>>, vector<16xf32>,
    %swap3A_231 = arith.constant 5 : i32
    %swap3A_232 = arith.index_cast %swap3A_231 : i32 to index
    %swap3A_233 = arith.constant 32 : index
    %swap3A_234 = tpu.vector_load %arg28[%swap3A_232, %swap3A_233] {strides = array<i32>} : memref<16x128xf32, #tpu.memory_space<vmem>>, vector<16xf32>,
    tpu.vector_store %arg28[%swap3A_232, %swap3A_233], %broadcast_in_dim3A_0 {strides = array<i32>} : memref<16x128xf32, #tpu.memory_space<vmem>>, vector<16xf32>,
    %swap3A_235 = arith.constant 5 : i32
    %swap3A_236 = arith.index_cast %swap3A_235 : i32 to index
    %swap3A_237 = arith.constant 48 : index
    %swap3A_238 = tpu.vector_load %arg28[%swap3A_236, %swap3A_237] {strides = array<i32>} : memref<16x128xf32, #tpu.memory_space<vmem>>, vector<16xf32>,
    tpu.vector_store %arg28[%swap3A_236, %swap3A_237], %broadcast_in_dim3A_0 {strides = array<i32>} : memref<16x128xf32, #tpu.memory_space<vmem>>, vector<16xf32>,
    %swap3A_239 = arith.constant 5 : i32
    %swap3A_240 = arith.index_cast %swap3A_239 : i32 to index
    %swap3A_241 = arith.constant 64 : index
    %swap3A_242 = tpu.vector_load %arg28[%swap3A_240, %swap3A_241] {strides = array<i32>} : memref<16x128xf32, #tpu.memory_space<vmem>>, vector<16xf32>,
    tpu.vector_store %arg28[%swap3A_240, %swap3A_241], %broadcast_in_dim3A_0 {strides = array<i32>} : memref<16x128xf32, #tpu.memory_space<vmem>>, vector<16xf32>,
    %swap3A_243 = arith.constant 5 : i32
    %swap3A_244 = arith.index_cast %swap3A_243 : i32 to index
    %swap3A_245 = arith.constant 80 : index
    %swap3A_246 = tpu.vector_load %arg28[%swap3A_244, %swap3A_245] {strides = array<i32>} : memref<16x128xf32, #tpu.memory_space<vmem>>, vector<16xf32>,
    tpu.vector_store %arg28[%swap3A_244, %swap3A_245], %broadcast_in_dim3A_0 {strides = array<i32>} : memref<16x128xf32, #tpu.memory_space<vmem>>, vector<16xf32>,
    %swap3A_247 = arith.constant 5 : i32
    %swap3A_248 = arith.index_cast %swap3A_247 : i32 to index
    %swap3A_249 = arith.constant 96 : index
    %swap3A_250 = tpu.vector_load %arg28[%swap3A_248, %swap3A_249] {strides = array<i32>} : memref<16x128xf32, #tpu.memory_space<vmem>>, vector<16xf32>,
    tpu.vector_store %arg28[%swap3A_248, %swap3A_249], %broadcast_in_dim3A_0 {strides = array<i32>} : memref<16x128xf32, #tpu.memory_space<vmem>>, vector<16xf32>,
    %swap3A_251 = arith.constant 5 : i32
    %swap3A_252 = arith.index_cast %swap3A_251 : i32 to index
    %swap3A_253 = arith.constant 112 : index
    %swap3A_254 = tpu.vector_load %arg28[%swap3A_252, %swap3A_253] {strides = array<i32>} : memref<16x128xf32, #tpu.memory_space<vmem>>, vector<16xf32>,
    tpu.vector_store %arg28[%swap3A_252, %swap3A_253], %broadcast_in_dim3A_0 {strides = array<i32>} : memref<16x128xf32, #tpu.memory_space<vmem>>, vector<16xf32>,
    %swap3A_255 = arith.constant 6 : i32
    %swap3A_256 = arith.index_cast %swap3A_255 : i32 to index
    %swap3A_257 = arith.constant 0 : index
    %swap3A_258 = tpu.vector_load %arg28[%swap3A_256, %swap3A_257] {strides = array<i32>} : memref<16x128xf32, #tpu.memory_space<vmem>>, vector<16xf32>,
    tpu.vector_store %arg28[%swap3A_256, %swap3A_257], %broadcast_in_dim3A_0 {strides = array<i32>} : memref<16x128xf32, #tpu.memory_space<vmem>>, vector<16xf32>,
    %swap3A_259 = arith.constant 6 : i32
    %swap3A_260 = arith.index_cast %swap3A_259 : i32 to index
    %swap3A_261 = arith.constant 16 : index
    %swap3A_262 = tpu.vector_load %arg28[%swap3A_260, %swap3A_261] {strides = array<i32>} : memref<16x128xf32, #tpu.memory_space<vmem>>, vector<16xf32>,
    tpu.vector_store %arg28[%swap3A_260, %swap3A_261], %broadcast_in_dim3A_0 {strides = array<i32>} : memref<16x128xf32, #tpu.memory_space<vmem>>, vector<16xf32>,
    %swap3A_263 = arith.constant 6 : i32
    %swap3A_264 = arith.index_cast %swap3A_263 : i32 to index
    %swap3A_265 = arith.constant 32 : index
    %swap3A_266 = tpu.vector_load %arg28[%swap3A_264, %swap3A_265] {strides = array<i32>} : memref<16x128xf32, #tpu.memory_space<vmem>>, vector<16xf32>,
    tpu.vector_store %arg28[%swap3A_264, %swap3A_265], %broadcast_in_dim3A_0 {strides = array<i32>} : memref<16x128xf32, #tpu.memory_space<vmem>>, vector<16xf32>,
    %swap3A_267 = arith.constant 6 : i32
    %swap3A_268 = arith.index_cast %swap3A_267 : i32 to index
    %swap3A_269 = arith.constant 48 : index
    %swap3A_270 = tpu.vector_load %arg28[%swap3A_268, %swap3A_269] {strides = array<i32>} : memref<16x128xf32, #tpu.memory_space<vmem>>, vector<16xf32>,
    tpu.vector_store %arg28[%swap3A_268, %swap3A_269], %broadcast_in_dim3A_0 {strides = array<i32>} : memref<16x128xf32, #tpu.memory_space<vmem>>, vector<16xf32>,
    %swap3A_271 = arith.constant 6 : i32
    %swap3A_272 = arith.index_cast %swap3A_271 : i32 to index
    %swap3A_273 = arith.constant 64 : index
    %swap3A_274 = tpu.vector_load %arg28[%swap3A_272, %swap3A_273] {strides = array<i32>} : memref<16x128xf32, #tpu.memory_space<vmem>>, vector<16xf32>,
    tpu.vector_store %arg28[%swap3A_272, %swap3A_273], %broadcast_in_dim3A_0 {strides = array<i32>} : memref<16x128xf32, #tpu.memory_space<vmem>>, vector<16xf32>,
    %swap3A_275 = arith.constant 6 : i32
    %swap3A_276 = arith.index_cast %swap3A_275 : i32 to index
    %swap3A_277 = arith.constant 80 : index
    %swap3A_278 = tpu.vector_load %arg28[%swap3A_276, %swap3A_277] {strides = array<i32>} : memref<16x128xf32, #tpu.memory_space<vmem>>, vector<16xf32>,
    tpu.vector_store %arg28[%swap3A_276, %swap3A_277], %broadcast_in_dim3A_0 {strides = array<i32>} : memref<16x128xf32, #tpu.memory_space<vmem>>, vector<16xf32>,
    %swap3A_279 = arith.constant 6 : i32
    %swap3A_280 = arith.index_cast %swap3A_279 : i32 to index
    %swap3A_281 = arith.constant 96 : index
    %swap3A_282 = tpu.vector_load %arg28[%swap3A_280, %swap3A_281] {strides = array<i32>} : memref<16x128xf32, #tpu.memory_space<vmem>>, vector<16xf32>,
    tpu.vector_store %arg28[%swap3A_280, %swap3A_281], %broadcast_in_dim3A_0 {strides = array<i32>} : memref<16x128xf32, #tpu.memory_space<vmem>>, vector<16xf32>,
    %swap3A_283 = arith.constant 6 : i32
    %swap3A_284 = arith.index_cast %swap3A_283 : i32 to index
    %swap3A_285 = arith.constant 112 : index
    %swap3A_286 = tpu.vector_load %arg28[%swap3A_284, %swap3A_285] {strides = array<i32>} : memref<16x128xf32, #tpu.memory_space<vmem>>, vector<16xf32>,
    tpu.vector_store %arg28[%swap3A_284, %swap3A_285], %broadcast_in_dim3A_0 {strides = array<i32>} : memref<16x128xf32, #tpu.memory_space<vmem>>, vector<16xf32>,
    %swap3A_287 = arith.constant 7 : i32
    %swap3A_288 = arith.index_cast %swap3A_287 : i32 to index
    %swap3A_289 = arith.constant 0 : index
    %swap3A_290 = tpu.vector_load %arg28[%swap3A_288, %swap3A_289] {strides = array<i32>} : memref<16x128xf32, #tpu.memory_space<vmem>>, vector<16xf32>,
    tpu.vector_store %arg28[%swap3A_288, %swap3A_289], %broadcast_in_dim3A_0 {strides = array<i32>} : memref<16x128xf32, #tpu.memory_space<vmem>>, vector<16xf32>,
    %swap3A_291 = arith.constant 7 : i32
    %swap3A_292 = arith.index_cast %swap3A_291 : i32 to index
    %swap3A_293 = arith.constant 16 : index
    %swap3A_294 = tpu.vector_load %arg28[%swap3A_292, %swap3A_293] {strides = array<i32>} : memref<16x128xf32, #tpu.memory_space<vmem>>, vector<16xf32>,
    tpu.vector_store %arg28[%swap3A_292, %swap3A_293], %broadcast_in_dim3A_0 {strides = array<i32>} : memref<16x128xf32, #tpu.memory_space<vmem>>, vector<16xf32>,
    %swap3A_295 = arith.constant 7 : i32
    %swap3A_296 = arith.index_cast %swap3A_295 : i32 to index
    %swap3A_297 = arith.constant 32 : index
    %swap3A_298 = tpu.vector_load %arg28[%swap3A_296, %swap3A_297] {strides = array<i32>} : memref<16x128xf32, #tpu.memory_space<vmem>>, vector<16xf32>,
    tpu.vector_store %arg28[%swap3A_296, %swap3A_297], %broadcast_in_dim3A_0 {strides = array<i32>} : memref<16x128xf32, #tpu.memory_space<vmem>>, vector<16xf32>,
    %swap3A_299 = arith.constant 7 : i32
    %swap3A_300 = arith.index_cast %swap3A_299 : i32 to index
    %swap3A_301 = arith.constant 48 : index
    %swap3A_302 = tpu.vector_load %arg28[%swap3A_300, %swap3A_301] {strides = array<i32>} : memref<16x128xf32, #tpu.memory_space<vmem>>, vector<16xf32>,
    tpu.vector_store %arg28[%swap3A_300, %swap3A_301], %broadcast_in_dim3A_0 {strides = array<i32>} : memref<16x128xf32, #tpu.memory_space<vmem>>, vector<16xf32>,
    %swap3A_303 = arith.constant 7 : i32
    %swap3A_304 = arith.index_cast %swap3A_303 : i32 to index
    %swap3A_305 = arith.constant 64 : index
    %swap3A_306 = tpu.vector_load %arg28[%swap3A_304, %swap3A_305] {strides = array<i32>} : memref<16x128xf32, #tpu.memory_space<vmem>>, vector<16xf32>,
    tpu.vector_store %arg28[%swap3A_304, %swap3A_305], %broadcast_in_dim3A_0 {strides = array<i32>} : memref<16x128xf32, #tpu.memory_space<vmem>>, vector<16xf32>,
    %swap3A_307 = arith.constant 7 : i32
    %swap3A_308 = arith.index_cast %swap3A_307 : i32 to index
    %swap3A_309 = arith.constant 80 : index
    %swap3A_310 = tpu.vector_load %arg28[%swap3A_308, %swap3A_309] {strides = array<i32>} : memref<16x128xf32, #tpu.memory_space<vmem>>, vector<16xf32>,
    tpu.vector_store %arg28[%swap3A_308, %swap3A_309], %broadcast_in_dim3A_0 {strides = array<i32>} : memref<16x128xf32, #tpu.memory_space<vmem>>, vector<16xf32>,
    %swap3A_311 = arith.constant 7 : i32
    %swap3A_312 = arith.index_cast %swap3A_311 : i32 to index
    %swap3A_313 = arith.constant 96 : index
    %swap3A_314 = tpu.vector_load %arg28[%swap3A_312, %swap3A_313] {strides = array<i32>} : memref<16x128xf32, #tpu.memory_space<vmem>>, vector<16xf32>,
    tpu.vector_store %arg28[%swap3A_312, %swap3A_313], %broadcast_in_dim3A_0 {strides = array<i32>} : memref<16x128xf32, #tpu.memory_space<vmem>>, vector<16xf32>,
    %swap3A_315 = arith.constant 7 : i32
    %swap3A_316 = arith.index_cast %swap3A_315 : i32 to index
    %swap3A_317 = arith.constant 112 : index
    %swap3A_318 = tpu.vector_load %arg28[%swap3A_316, %swap3A_317] {strides = array<i32>} : memref<16x128xf32, #tpu.memory_space<vmem>>, vector<16xf32>,
    tpu.vector_store %arg28[%swap3A_316, %swap3A_317], %broadcast_in_dim3A_0 {strides = array<i32>} : memref<16x128xf32, #tpu.memory_space<vmem>>, vector<16xf32>,
    %swap3A_319 = arith.constant 8 : i32
    %swap3A_320 = arith.index_cast %swap3A_319 : i32 to index
    %swap3A_321 = arith.constant 0 : index
    %swap3A_322 = tpu.vector_load %arg28[%swap3A_320, %swap3A_321] {strides = array<i32>} : memref<16x128xf32, #tpu.memory_space<vmem>>, vector<16xf32>,
    tpu.vector_store %arg28[%swap3A_320, %swap3A_321], %broadcast_in_dim3A_0 {strides = array<i32>} : memref<16x128xf32, #tpu.memory_space<vmem>>, vector<16xf32>,
    %swap3A_323 = arith.constant 8 : i32
    %swap3A_324 = arith.index_cast %swap3A_323 : i32 to index
    %swap3A_325 = arith.constant 16 : index
    %swap3A_326 = tpu.vector_load %arg28[%swap3A_324, %swap3A_325] {strides = array<i32>} : memref<16x128xf32, #tpu.memory_space<vmem>>, vector<16xf32>,
    tpu.vector_store %arg28[%swap3A_324, %swap3A_325], %broadcast_in_dim3A_0 {strides = array<i32>} : memref<16x128xf32, #tpu.memory_space<vmem>>, vector<16xf32>,
    %swap3A_327 = arith.constant 8 : i32
    %swap3A_328 = arith.index_cast %swap3A_327 : i32 to index
    %swap3A_329 = arith.constant 32 : index
    %swap3A_330 = tpu.vector_load %arg28[%swap3A_328, %swap3A_329] {strides = array<i32>} : memref<16x128xf32, #tpu.memory_space<vmem>>, vector<16xf32>,
    tpu.vector_store %arg28[%swap3A_328, %swap3A_329], %broadcast_in_dim3A_0 {strides = array<i32>} : memref<16x128xf32, #tpu.memory_space<vmem>>, vector<16xf32>,
    %swap3A_331 = arith.constant 8 : i32
    %swap3A_332 = arith.index_cast %swap3A_331 : i32 to index
    %swap3A_333 = arith.constant 48 : index
    %swap3A_334 = tpu.vector_load %arg28[%swap3A_332, %swap3A_333] {strides = array<i32>} : memref<16x128xf32, #tpu.memory_space<vmem>>, vector<16xf32>,
    tpu.vector_store %arg28[%swap3A_332, %swap3A_333], %broadcast_in_dim3A_0 {strides = array<i32>} : memref<16x128xf32, #tpu.memory_space<vmem>>, vector<16xf32>,
    %swap3A_335 = arith.constant 8 : i32
    %swap3A_336 = arith.index_cast %swap3A_335 : i32 to index
    %swap3A_337 = arith.constant 64 : index
    %swap3A_338 = tpu.vector_load %arg28[%swap3A_336, %swap3A_337] {strides = array<i32>} : memref<16x128xf32, #tpu.memory_space<vmem>>, vector<16xf32>,
    tpu.vector_store %arg28[%swap3A_336, %swap3A_337], %broadcast_in_dim3A_0 {strides = array<i32>} : memref<16x128xf32, #tpu.memory_space<vmem>>, vector<16xf32>,
    %swap3A_339 = arith.constant 8 : i32
    %swap3A_340 = arith.index_cast %swap3A_339 : i32 to index
    %swap3A_341 = arith.constant 80 : index
    %swap3A_342 = tpu.vector_load %arg28[%swap3A_340, %swap3A_341] {strides = array<i32>} : memref<16x128xf32, #tpu.memory_space<vmem>>, vector<16xf32>,
    tpu.vector_store %arg28[%swap3A_340, %swap3A_341], %broadcast_in_dim3A_0 {strides = array<i32>} : memref<16x128xf32, #tpu.memory_space<vmem>>, vector<16xf32>,
    %swap3A_343 = arith.constant 8 : i32
    %swap3A_344 = arith.index_cast %swap3A_343 : i32 to index
    %swap3A_345 = arith.constant 96 : index
    %swap3A_346 = tpu.vector_load %arg28[%swap3A_344, %swap3A_345] {strides = array<i32>} : memref<16x128xf32, #tpu.memory_space<vmem>>, vector<16xf32>,
    tpu.vector_store %arg28[%swap3A_344, %swap3A_345], %broadcast_in_dim3A_0 {strides = array<i32>} : memref<16x128xf32, #tpu.memory_space<vmem>>, vector<16xf32>,
    %swap3A_347 = arith.constant 8 : i32
    %swap3A_348 = arith.index_cast %swap3A_347 : i32 to index
    %swap3A_349 = arith.constant 112 : index
    %swap3A_350 = tpu.vector_load %arg28[%swap3A_348, %swap3A_349] {strides = array<i32>} : memref<16x128xf32, #tpu.memory_space<vmem>>, vector<16xf32>,
    tpu.vector_store %arg28[%swap3A_348, %swap3A_349], %broadcast_in_dim3A_0 {strides = array<i32>} : memref<16x128xf32, #tpu.memory_space<vmem>>, vector<16xf32>,
    %swap3A_351 = arith.constant 9 : i32
    %swap3A_352 = arith.index_cast %swap3A_351 : i32 to index
    %swap3A_353 = arith.constant 0 : index
    %swap3A_354 = tpu.vector_load %arg28[%swap3A_352, %swap3A_353] {strides = array<i32>} : memref<16x128xf32, #tpu.memory_space<vmem>>, vector<16xf32>,
    tpu.vector_store %arg28[%swap3A_352, %swap3A_353], %broadcast_in_dim3A_0 {strides = array<i32>} : memref<16x128xf32, #tpu.memory_space<vmem>>, vector<16xf32>,
    %swap3A_355 = arith.constant 9 : i32
    %swap3A_356 = arith.index_cast %swap3A_355 : i32 to index
    %swap3A_357 = arith.constant 16 : index
    %swap3A_358 = tpu.vector_load %arg28[%swap3A_356, %swap3A_357] {strides = array<i32>} : memref<16x128xf32, #tpu.memory_space<vmem>>, vector<16xf32>,
    tpu.vector_store %arg28[%swap3A_356, %swap3A_357], %broadcast_in_dim3A_0 {strides = array<i32>} : memref<16x128xf32, #tpu.memory_space<vmem>>, vector<16xf32>,
    %swap3A_359 = arith.constant 9 : i32
    %swap3A_360 = arith.index_cast %swap3A_359 : i32 to index
    %swap3A_361 = arith.constant 32 : index
    %swap3A_362 = tpu.vector_load %arg28[%swap3A_360, %swap3A_361] {strides = array<i32>} : memref<16x128xf32, #tpu.memory_space<vmem>>, vector<16xf32>,
    tpu.vector_store %arg28[%swap3A_360, %swap3A_361], %broadcast_in_dim3A_0 {strides = array<i32>} : memref<16x128xf32, #tpu.memory_space<vmem>>, vector<16xf32>,
    %swap3A_363 = arith.constant 9 : i32
    %swap3A_364 = arith.index_cast %swap3A_363 : i32 to index
    %swap3A_365 = arith.constant 48 : index
    %swap3A_366 = tpu.vector_load %arg28[%swap3A_364, %swap3A_365] {strides = array<i32>} : memref<16x128xf32, #tpu.memory_space<vmem>>, vector<16xf32>,
    tpu.vector_store %arg28[%swap3A_364, %swap3A_365], %broadcast_in_dim3A_0 {strides = array<i32>} : memref<16x128xf32, #tpu.memory_space<vmem>>, vector<16xf32>,
    %swap3A_367 = arith.constant 9 : i32
    %swap3A_368 = arith.index_cast %swap3A_367 : i32 to index
    %swap3A_369 = arith.constant 64 : index
    %swap3A_370 = tpu.vector_load %arg28[%swap3A_368, %swap3A_369] {strides = array<i32>} : memref<16x128xf32, #tpu.memory_space<vmem>>, vector<16xf32>,
    tpu.vector_store %arg28[%swap3A_368, %swap3A_369], %broadcast_in_dim3A_0 {strides = array<i32>} : memref<16x128xf32, #tpu.memory_space<vmem>>, vector<16xf32>,
    %swap3A_371 = arith.constant 9 : i32
    %swap3A_372 = arith.index_cast %swap3A_371 : i32 to index
    %swap3A_373 = arith.constant 80 : index
    %swap3A_374 = tpu.vector_load %arg28[%swap3A_372, %swap3A_373] {strides = array<i32>} : memref<16x128xf32, #tpu.memory_space<vmem>>, vector<16xf32>,
    tpu.vector_store %arg28[%swap3A_372, %swap3A_373], %broadcast_in_dim3A_0 {strides = array<i32>} : memref<16x128xf32, #tpu.memory_space<vmem>>, vector<16xf32>,
    %swap3A_375 = arith.constant 9 : i32
    %swap3A_376 = arith.index_cast %swap3A_375 : i32 to index
    %swap3A_377 = arith.constant 96 : index
    %swap3A_378 = tpu.vector_load %arg28[%swap3A_376, %swap3A_377] {strides = array<i32>} : memref<16x128xf32, #tpu.memory_space<vmem>>, vector<16xf32>,
    tpu.vector_store %arg28[%swap3A_376, %swap3A_377], %broadcast_in_dim3A_0 {strides = array<i32>} : memref<16x128xf32, #tpu.memory_space<vmem>>, vector<16xf32>,
    %swap3A_379 = arith.constant 9 : i32
    %swap3A_380 = arith.index_cast %swap3A_379 : i32 to index
    %swap3A_381 = arith.constant 112 : index
    %swap3A_382 = tpu.vector_load %arg28[%swap3A_380, %swap3A_381] {strides = array<i32>} : memref<16x128xf32, #tpu.memory_space<vmem>>, vector<16xf32>,
    tpu.vector_store %arg28[%swap3A_380, %swap3A_381], %broadcast_in_dim3A_0 {strides = array<i32>} : memref<16x128xf32, #tpu.memory_space<vmem>>, vector<16xf32>,
    %swap3A_383 = arith.constant 10 : i32
    %swap3A_384 = arith.index_cast %swap3A_383 : i32 to index
    %swap3A_385 = arith.constant 0 : index
    %swap3A_386 = tpu.vector_load %arg28[%swap3A_384, %swap3A_385] {strides = array<i32>} : memref<16x128xf32, #tpu.memory_space<vmem>>, vector<16xf32>,
    tpu.vector_store %arg28[%swap3A_384, %swap3A_385], %broadcast_in_dim3A_0 {strides = array<i32>} : memref<16x128xf32, #tpu.memory_space<vmem>>, vector<16xf32>,
    %swap3A_387 = arith.constant 10 : i32
    %swap3A_388 = arith.index_cast %swap3A_387 : i32 to index
    %swap3A_389 = arith.constant 16 : index
    %swap3A_390 = tpu.vector_load %arg28[%swap3A_388, %swap3A_389] {strides = array<i32>} : memref<16x128xf32, #tpu.memory_space<vmem>>, vector<16xf32>,
    tpu.vector_store %arg28[%swap3A_388, %swap3A_389], %broadcast_in_dim3A_0 {strides = array<i32>} : memref<16x128xf32, #tpu.memory_space<vmem>>, vector<16xf32>,
    %swap3A_391 = arith.constant 10 : i32
    %swap3A_392 = arith.index_cast %swap3A_391 : i32 to index
    %swap3A_393 = arith.constant 32 : index
    %swap3A_394 = tpu.vector_load %arg28[%swap3A_392, %swap3A_393] {strides = array<i32>} : memref<16x128xf32, #tpu.memory_space<vmem>>, vector<16xf32>,
    tpu.vector_store %arg28[%swap3A_392, %swap3A_393], %broadcast_in_dim3A_0 {strides = array<i32>} : memref<16x128xf32, #tpu.memory_space<vmem>>, vector<16xf32>,
    %swap3A_395 = arith.constant 10 : i32
    %swap3A_396 = arith.index_cast %swap3A_395 : i32 to index
    %swap3A_397 = arith.constant 48 : index
    %swap3A_398 = tpu.vector_load %arg28[%swap3A_396, %swap3A_397] {strides = array<i32>} : memref<16x128xf32, #tpu.memory_space<vmem>>, vector<16xf32>,
    tpu.vector_store %arg28[%swap3A_396, %swap3A_397], %broadcast_in_dim3A_0 {strides = array<i32>} : memref<16x128xf32, #tpu.memory_space<vmem>>, vector<16xf32>,
    %swap3A_399 = arith.constant 10 : i32
    %swap3A_400 = arith.index_cast %swap3A_399 : i32 to index
    %swap3A_401 = arith.constant 64 : index
    %swap3A_402 = tpu.vector_load %arg28[%swap3A_400, %swap3A_401] {strides = array<i32>} : memref<16x128xf32, #tpu.memory_space<vmem>>, vector<16xf32>,
    tpu.vector_store %arg28[%swap3A_400, %swap3A_401], %broadcast_in_dim3A_0 {strides = array<i32>} : memref<16x128xf32, #tpu.memory_space<vmem>>, vector<16xf32>,
    %swap3A_403 = arith.constant 10 : i32
    %swap3A_404 = arith.index_cast %swap3A_403 : i32 to index
    %swap3A_405 = arith.constant 80 : index
    %swap3A_406 = tpu.vector_load %arg28[%swap3A_404, %swap3A_405] {strides = array<i32>} : memref<16x128xf32, #tpu.memory_space<vmem>>, vector<16xf32>,
    tpu.vector_store %arg28[%swap3A_404, %swap3A_405], %broadcast_in_dim3A_0 {strides = array<i32>} : memref<16x128xf32, #tpu.memory_space<vmem>>, vector<16xf32>,
    %swap3A_407 = arith.constant 10 : i32
    %swap3A_408 = arith.index_cast %swap3A_407 : i32 to index
    %swap3A_409 = arith.constant 96 : index
    %swap3A_410 = tpu.vector_load %arg28[%swap3A_408, %swap3A_409] {strides = array<i32>} : memref<16x128xf32, #tpu.memory_space<vmem>>, vector<16xf32>,
    tpu.vector_store %arg28[%swap3A_408, %swap3A_409], %broadcast_in_dim3A_0 {strides = array<i32>} : memref<16x128xf32, #tpu.memory_space<vmem>>, vector<16xf32>,
    %swap3A_411 = arith.constant 10 : i32
    %swap3A_412 = arith.index_cast %swap3A_411 : i32 to index
    %swap3A_413 = arith.constant 112 : index
    %swap3A_414 = tpu.vector_load %arg28[%swap3A_412, %swap3A_413] {strides = array<i32>} : memref<16x128xf32, #tpu.memory_space<vmem>>, vector<16xf32>,
    tpu.vector_store %arg28[%swap3A_412, %swap3A_413], %broadcast_in_dim3A_0 {strides = array<i32>} : memref<16x128xf32, #tpu.memory_space<vmem>>, vector<16xf32>,
    %swap3A_415 = arith.constant 11 : i32
    %swap3A_416 = arith.index_cast %swap3A_415 : i32 to index
    %swap3A_417 = arith.constant 0 : index
    %swap3A_418 = tpu.vector_load %arg28[%swap3A_416, %swap3A_417] {strides = array<i32>} : memref<16x128xf32, #tpu.memory_space<vmem>>, vector<16xf32>,
    tpu.vector_store %arg28[%swap3A_416, %swap3A_417], %broadcast_in_dim3A_0 {strides = array<i32>} : memref<16x128xf32, #tpu.memory_space<vmem>>, vector<16xf32>,
    %swap3A_419 = arith.constant 11 : i32
    %swap3A_420 = arith.index_cast %swap3A_419 : i32 to index
    %swap3A_421 = arith.constant 16 : index
    %swap3A_422 = tpu.vector_load %arg28[%swap3A_420, %swap3A_421] {strides = array<i32>} : memref<16x128xf32, #tpu.memory_space<vmem>>, vector<16xf32>,
    tpu.vector_store %arg28[%swap3A_420, %swap3A_421], %broadcast_in_dim3A_0 {strides = array<i32>} : memref<16x128xf32, #tpu.memory_space<vmem>>, vector<16xf32>,
    %swap3A_423 = arith.constant 11 : i32
    %swap3A_424 = arith.index_cast %swap3A_423 : i32 to index
    %swap3A_425 = arith.constant 32 : index
    %swap3A_426 = tpu.vector_load %arg28[%swap3A_424, %swap3A_425] {strides = array<i32>} : memref<16x128xf32, #tpu.memory_space<vmem>>, vector<16xf32>,
    tpu.vector_store %arg28[%swap3A_424, %swap3A_425], %broadcast_in_dim3A_0 {strides = array<i32>} : memref<16x128xf32, #tpu.memory_space<vmem>>, vector<16xf32>,
    %swap3A_427 = arith.constant 11 : i32
    %swap3A_428 = arith.index_cast %swap3A_427 : i32 to index
    %swap3A_429 = arith.constant 48 : index
    %swap3A_430 = tpu.vector_load %arg28[%swap3A_428, %swap3A_429] {strides = array<i32>} : memref<16x128xf32, #tpu.memory_space<vmem>>, vector<16xf32>,
    tpu.vector_store %arg28[%swap3A_428, %swap3A_429], %broadcast_in_dim3A_0 {strides = array<i32>} : memref<16x128xf32, #tpu.memory_space<vmem>>, vector<16xf32>,
    %swap3A_431 = arith.constant 11 : i32
    %swap3A_432 = arith.index_cast %swap3A_431 : i32 to index
    %swap3A_433 = arith.constant 64 : index
    %swap3A_434 = tpu.vector_load %arg28[%swap3A_432, %swap3A_433] {strides = array<i32>} : memref<16x128xf32, #tpu.memory_space<vmem>>, vector<16xf32>,
    tpu.vector_store %arg28[%swap3A_432, %swap3A_433], %broadcast_in_dim3A_0 {strides = array<i32>} : memref<16x128xf32, #tpu.memory_space<vmem>>, vector<16xf32>,
    %swap3A_435 = arith.constant 11 : i32
    %swap3A_436 = arith.index_cast %swap3A_435 : i32 to index
    %swap3A_437 = arith.constant 80 : index
    %swap3A_438 = tpu.vector_load %arg28[%swap3A_436, %swap3A_437] {strides = array<i32>} : memref<16x128xf32, #tpu.memory_space<vmem>>, vector<16xf32>,
    tpu.vector_store %arg28[%swap3A_436, %swap3A_437], %broadcast_in_dim3A_0 {strides = array<i32>} : memref<16x128xf32, #tpu.memory_space<vmem>>, vector<16xf32>,
    %swap3A_439 = arith.constant 11 : i32
    %swap3A_440 = arith.index_cast %swap3A_439 : i32 to index
    %swap3A_441 = arith.constant 96 : index
    %swap3A_442 = tpu.vector_load %arg28[%swap3A_440, %swap3A_441] {strides = array<i32>} : memref<16x128xf32, #tpu.memory_space<vmem>>, vector<16xf32>,
    tpu.vector_store %arg28[%swap3A_440, %swap3A_441], %broadcast_in_dim3A_0 {strides = array<i32>} : memref<16x128xf32, #tpu.memory_space<vmem>>, vector<16xf32>,
    %swap3A_443 = arith.constant 11 : i32
    %swap3A_444 = arith.index_cast %swap3A_443 : i32 to index
    %swap3A_445 = arith.constant 112 : index
    %swap3A_446 = tpu.vector_load %arg28[%swap3A_444, %swap3A_445] {strides = array<i32>} : memref<16x128xf32, #tpu.memory_space<vmem>>, vector<16xf32>,
    tpu.vector_store %arg28[%swap3A_444, %swap3A_445], %broadcast_in_dim3A_0 {strides = array<i32>} : memref<16x128xf32, #tpu.memory_space<vmem>>, vector<16xf32>,
    %swap3A_447 = arith.constant 12 : i32
    %swap3A_448 = arith.index_cast %swap3A_447 : i32 to index
    %swap3A_449 = arith.constant 0 : index
    %swap3A_450 = tpu.vector_load %arg28[%swap3A_448, %swap3A_449] {strides = array<i32>} : memref<16x128xf32, #tpu.memory_space<vmem>>, vector<16xf32>,
    tpu.vector_store %arg28[%swap3A_448, %swap3A_449], %broadcast_in_dim3A_0 {strides = array<i32>} : memref<16x128xf32, #tpu.memory_space<vmem>>, vector<16xf32>,
    %swap3A_451 = arith.constant 12 : i32
    %swap3A_452 = arith.index_cast %swap3A_451 : i32 to index
    %swap3A_453 = arith.constant 16 : index
    %swap3A_454 = tpu.vector_load %arg28[%swap3A_452, %swap3A_453] {strides = array<i32>} : memref<16x128xf32, #tpu.memory_space<vmem>>, vector<16xf32>,
    tpu.vector_store %arg28[%swap3A_452, %swap3A_453], %broadcast_in_dim3A_0 {strides = array<i32>} : memref<16x128xf32, #tpu.memory_space<vmem>>, vector<16xf32>,
    %swap3A_455 = arith.constant 12 : i32
    %swap3A_456 = arith.index_cast %swap3A_455 : i32 to index
    %swap3A_457 = arith.constant 32 : index
    %swap3A_458 = tpu.vector_load %arg28[%swap3A_456, %swap3A_457] {strides = array<i32>} : memref<16x128xf32, #tpu.memory_space<vmem>>, vector<16xf32>,
    tpu.vector_store %arg28[%swap3A_456, %swap3A_457], %broadcast_in_dim3A_0 {strides = array<i32>} : memref<16x128xf32, #tpu.memory_space<vmem>>, vector<16xf32>,
    %swap3A_459 = arith.constant 12 : i32
    %swap3A_460 = arith.index_cast %swap3A_459 : i32 to index
    %swap3A_461 = arith.constant 48 : index
    %swap3A_462 = tpu.vector_load %arg28[%swap3A_460, %swap3A_461] {strides = array<i32>} : memref<16x128xf32, #tpu.memory_space<vmem>>, vector<16xf32>,
    tpu.vector_store %arg28[%swap3A_460, %swap3A_461], %broadcast_in_dim3A_0 {strides = array<i32>} : memref<16x128xf32, #tpu.memory_space<vmem>>, vector<16xf32>,
    %swap3A_463 = arith.constant 12 : i32
    %swap3A_464 = arith.index_cast %swap3A_463 : i32 to index
    %swap3A_465 = arith.constant 64 : index
    %swap3A_466 = tpu.vector_load %arg28[%swap3A_464, %swap3A_465] {strides = array<i32>} : memref<16x128xf32, #tpu.memory_space<vmem>>, vector<16xf32>,
    tpu.vector_store %arg28[%swap3A_464, %swap3A_465], %broadcast_in_dim3A_0 {strides = array<i32>} : memref<16x128xf32, #tpu.memory_space<vmem>>, vector<16xf32>,
    %swap3A_467 = arith.constant 12 : i32
    %swap3A_468 = arith.index_cast %swap3A_467 : i32 to index
    %swap3A_469 = arith.constant 80 : index
    %swap3A_470 = tpu.vector_load %arg28[%swap3A_468, %swap3A_469] {strides = array<i32>} : memref<16x128xf32, #tpu.memory_space<vmem>>, vector<16xf32>,
    tpu.vector_store %arg28[%swap3A_468, %swap3A_469], %broadcast_in_dim3A_0 {strides = array<i32>} : memref<16x128xf32, #tpu.memory_space<vmem>>, vector<16xf32>,
    %swap3A_471 = arith.constant 12 : i32
    %swap3A_472 = arith.index_cast %swap3A_471 : i32 to index
    %swap3A_473 = arith.constant 96 : index
    %swap3A_474 = tpu.vector_load %arg28[%swap3A_472, %swap3A_473] {strides = array<i32>} : memref<16x128xf32, #tpu.memory_space<vmem>>, vector<16xf32>,
    tpu.vector_store %arg28[%swap3A_472, %swap3A_473], %broadcast_in_dim3A_0 {strides = array<i32>} : memref<16x128xf32, #tpu.memory_space<vmem>>, vector<16xf32>,
    %swap3A_475 = arith.constant 12 : i32
    %swap3A_476 = arith.index_cast %swap3A_475 : i32 to index
    %swap3A_477 = arith.constant 112 : index
    %swap3A_478 = tpu.vector_load %arg28[%swap3A_476, %swap3A_477] {strides = array<i32>} : memref<16x128xf32, #tpu.memory_space<vmem>>, vector<16xf32>,
    tpu.vector_store %arg28[%swap3A_476, %swap3A_477], %broadcast_in_dim3A_0 {strides = array<i32>} : memref<16x128xf32, #tpu.memory_space<vmem>>, vector<16xf32>,
    %swap3A_479 = arith.constant 13 : i32
    %swap3A_480 = arith.index_cast %swap3A_479 : i32 to index
    %swap3A_481 = arith.constant 0 : index
    %swap3A_482 = tpu.vector_load %arg28[%swap3A_480, %swap3A_481] {strides = array<i32>} : memref<16x128xf32, #tpu.memory_space<vmem>>, vector<16xf32>,
    tpu.vector_store %arg28[%swap3A_480, %swap3A_481], %broadcast_in_dim3A_0 {strides = array<i32>} : memref<16x128xf32, #tpu.memory_space<vmem>>, vector<16xf32>,
    %swap3A_483 = arith.constant 13 : i32
    %swap3A_484 = arith.index_cast %swap3A_483 : i32 to index
    %swap3A_485 = arith.constant 16 : index
    %swap3A_486 = tpu.vector_load %arg28[%swap3A_484, %swap3A_485] {strides = array<i32>} : memref<16x128xf32, #tpu.memory_space<vmem>>, vector<16xf32>,
    tpu.vector_store %arg28[%swap3A_484, %swap3A_485], %broadcast_in_dim3A_0 {strides = array<i32>} : memref<16x128xf32, #tpu.memory_space<vmem>>, vector<16xf32>,
    %swap3A_487 = arith.constant 13 : i32
    %swap3A_488 = arith.index_cast %swap3A_487 : i32 to index
    %swap3A_489 = arith.constant 32 : index
    %swap3A_490 = tpu.vector_load %arg28[%swap3A_488, %swap3A_489] {strides = array<i32>} : memref<16x128xf32, #tpu.memory_space<vmem>>, vector<16xf32>,
    tpu.vector_store %arg28[%swap3A_488, %swap3A_489], %broadcast_in_dim3A_0 {strides = array<i32>} : memref<16x128xf32, #tpu.memory_space<vmem>>, vector<16xf32>,
    %swap3A_491 = arith.constant 13 : i32
    %swap3A_492 = arith.index_cast %swap3A_491 : i32 to index
    %swap3A_493 = arith.constant 48 : index
    %swap3A_494 = tpu.vector_load %arg28[%swap3A_492, %swap3A_493] {strides = array<i32>} : memref<16x128xf32, #tpu.memory_space<vmem>>, vector<16xf32>,
    tpu.vector_store %arg28[%swap3A_492, %swap3A_493], %broadcast_in_dim3A_0 {strides = array<i32>} : memref<16x128xf32, #tpu.memory_space<vmem>>, vector<16xf32>,
    %swap3A_495 = arith.constant 13 : i32
    %swap3A_496 = arith.index_cast %swap3A_495 : i32 to index
    %swap3A_497 = arith.constant 64 : index
    %swap3A_498 = tpu.vector_load %arg28[%swap3A_496, %swap3A_497] {strides = array<i32>} : memref<16x128xf32, #tpu.memory_space<vmem>>, vector<16xf32>,
    tpu.vector_store %arg28[%swap3A_496, %swap3A_497], %broadcast_in_dim3A_0 {strides = array<i32>} : memref<16x128xf32, #tpu.memory_space<vmem>>, vector<16xf32>,
    %swap3A_499 = arith.constant 13 : i32
    %swap3A_500 = arith.index_cast %swap3A_499 : i32 to index
    %swap3A_501 = arith.constant 80 : index
    %swap3A_502 = tpu.vector_load %arg28[%swap3A_500, %swap3A_501] {strides = array<i32>} : memref<16x128xf32, #tpu.memory_space<vmem>>, vector<16xf32>,
    tpu.vector_store %arg28[%swap3A_500, %swap3A_501], %broadcast_in_dim3A_0 {strides = array<i32>} : memref<16x128xf32, #tpu.memory_space<vmem>>, vector<16xf32>,
    %swap3A_503 = arith.constant 13 : i32
    %swap3A_504 = arith.index_cast %swap3A_503 : i32 to index
    %swap3A_505 = arith.constant 96 : index
    %swap3A_506 = tpu.vector_load %arg28[%swap3A_504, %swap3A_505] {strides = array<i32>} : memref<16x128xf32, #tpu.memory_space<vmem>>, vector<16xf32>,
    tpu.vector_store %arg28[%swap3A_504, %swap3A_505], %broadcast_in_dim3A_0 {strides = array<i32>} : memref<16x128xf32, #tpu.memory_space<vmem>>, vector<16xf32>,
    %swap3A_507 = arith.constant 13 : i32
    %swap3A_508 = arith.index_cast %swap3A_507 : i32 to index
    %swap3A_509 = arith.constant 112 : index
    %swap3A_510 = tpu.vector_load %arg28[%swap3A_508, %swap3A_509] {strides = array<i32>} : memref<16x128xf32, #tpu.memory_space<vmem>>, vector<16xf32>,
    tpu.vector_store %arg28[%swap3A_508, %swap3A_509], %broadcast_in_dim3A_0 {strides = array<i32>} : memref<16x128xf32, #tpu.memory_space<vmem>>, vector<16xf32>,
    %swap3A_511 = arith.constant 14 : i32
    %swap3A_512 = arith.index_cast %swap3A_511 : i32 to index
    %swap3A_513 = arith.constant 0 : index
    %swap3A_514 = tpu.vector_load %arg28[%swap3A_512, %swap3A_513] {strides = array<i32>} : memref<16x128xf32, #tpu.memory_space<vmem>>, vector<16xf32>,
    tpu.vector_store %arg28[%swap3A_512, %swap3A_513], %broadcast_in_dim3A_0 {strides = array<i32>} : memref<16x128xf32, #tpu.memory_space<vmem>>, vector<16xf32>,
    %swap3A_515 = arith.constant 14 : i32
    %swap3A_516 = arith.index_cast %swap3A_515 : i32 to index
    %swap3A_517 = arith.constant 16 : index
    %swap3A_518 = tpu.vector_load %arg28[%swap3A_516, %swap3A_517] {strides = array<i32>} : memref<16x128xf32, #tpu.memory_space<vmem>>, vector<16xf32>,
    tpu.vector_store %arg28[%swap3A_516, %swap3A_517], %broadcast_in_dim3A_0 {strides = array<i32>} : memref<16x128xf32, #tpu.memory_space<vmem>>, vector<16xf32>,
    %swap3A_519 = arith.constant 14 : i32
    %swap3A_520 = arith.index_cast %swap3A_519 : i32 to index
    %swap3A_521 = arith.constant 32 : index
    %swap3A_522 = tpu.vector_load %arg28[%swap3A_520, %swap3A_521] {strides = array<i32>} : memref<16x128xf32, #tpu.memory_space<vmem>>, vector<16xf32>,
    tpu.vector_store %arg28[%swap3A_520, %swap3A_521], %broadcast_in_dim3A_0 {strides = array<i32>} : memref<16x128xf32, #tpu.memory_space<vmem>>, vector<16xf32>,
    %swap3A_523 = arith.constant 14 : i32
    %swap3A_524 = arith.index_cast %swap3A_523 : i32 to index
    %swap3A_525 = arith.constant 48 : index
    %swap3A_526 = tpu.vector_load %arg28[%swap3A_524, %swap3A_525] {strides = array<i32>} : memref<16x128xf32, #tpu.memory_space<vmem>>, vector<16xf32>,
    tpu.vector_store %arg28[%swap3A_524, %swap3A_525], %broadcast_in_dim3A_0 {strides = array<i32>} : memref<16x128xf32, #tpu.memory_space<vmem>>, vector<16xf32>,
    %swap3A_527 = arith.constant 14 : i32
    %swap3A_528 = arith.index_cast %swap3A_527 : i32 to index
    %swap3A_529 = arith.constant 64 : index
    %swap3A_530 = tpu.vector_load %arg28[%swap3A_528, %swap3A_529] {strides = array<i32>} : memref<16x128xf32, #tpu.memory_space<vmem>>, vector<16xf32>,
    tpu.vector_store %arg28[%swap3A_528, %swap3A_529], %broadcast_in_dim3A_0 {strides = array<i32>} : memref<16x128xf32, #tpu.memory_space<vmem>>, vector<16xf32>,
    %swap3A_531 = arith.constant 14 : i32
    %swap3A_532 = arith.index_cast %swap3A_531 : i32 to index
    %swap3A_533 = arith.constant 80 : index
    %swap3A_534 = tpu.vector_load %arg28[%swap3A_532, %swap3A_533] {strides = array<i32>} : memref<16x128xf32, #tpu.memory_space<vmem>>, vector<16xf32>,
    tpu.vector_store %arg28[%swap3A_532, %swap3A_533], %broadcast_in_dim3A_0 {strides = array<i32>} : memref<16x128xf32, #tpu.memory_space<vmem>>, vector<16xf32>,
    %swap3A_535 = arith.constant 14 : i32
    %swap3A_536 = arith.index_cast %swap3A_535 : i32 to index
    %swap3A_537 = arith.constant 96 : index
    %swap3A_538 = tpu.vector_load %arg28[%swap3A_536, %swap3A_537] {strides = array<i32>} : memref<16x128xf32, #tpu.memory_space<vmem>>, vector<16xf32>,
    tpu.vector_store %arg28[%swap3A_536, %swap3A_537], %broadcast_in_dim3A_0 {strides = array<i32>} : memref<16x128xf32, #tpu.memory_space<vmem>>, vector<16xf32>,
    %swap3A_539 = arith.constant 14 : i32
    %swap3A_540 = arith.index_cast %swap3A_539 : i32 to index
    %swap3A_541 = arith.constant 112 : index
    %swap3A_542 = tpu.vector_load %arg28[%swap3A_540, %swap3A_541] {strides = array<i32>} : memref<16x128xf32, #tpu.memory_space<vmem>>, vector<16xf32>,
    tpu.vector_store %arg28[%swap3A_540, %swap3A_541], %broadcast_in_dim3A_0 {strides = array<i32>} : memref<16x128xf32, #tpu.memory_space<vmem>>, vector<16xf32>,
    %swap3A_543 = arith.constant 15 : i32
    %swap3A_544 = arith.index_cast %swap3A_543 : i32 to index
    %swap3A_545 = arith.constant 0 : index
    %swap3A_546 = tpu.vector_load %arg28[%swap3A_544, %swap3A_545] {strides = array<i32>} : memref<16x128xf32, #tpu.memory_space<vmem>>, vector<16xf32>,
    tpu.vector_store %arg28[%swap3A_544, %swap3A_545], %broadcast_in_dim3A_0 {strides = array<i32>} : memref<16x128xf32, #tpu.memory_space<vmem>>, vector<16xf32>,
    %swap3A_547 = arith.constant 15 : i32
    %swap3A_548 = arith.index_cast %swap3A_547 : i32 to index
    %swap3A_549 = arith.constant 16 : index
    %swap3A_550 = tpu.vector_load %arg28[%swap3A_548, %swap3A_549] {strides = array<i32>} : memref<16x128xf32, #tpu.memory_space<vmem>>, vector<16xf32>,
    tpu.vector_store %arg28[%swap3A_548, %swap3A_549], %broadcast_in_dim3A_0 {strides = array<i32>} : memref<16x128xf32, #tpu.memory_space<vmem>>, vector<16xf32>,
    %swap3A_551 = arith.constant 15 : i32
    %swap3A_552 = arith.index_cast %swap3A_551 : i32 to index
    %swap3A_553 = arith.constant 32 : index
    %swap3A_554 = tpu.vector_load %arg28[%swap3A_552, %swap3A_553] {strides = array<i32>} : memref<16x128xf32, #tpu.memory_space<vmem>>, vector<16xf32>,
    tpu.vector_store %arg28[%swap3A_552, %swap3A_553], %broadcast_in_dim3A_0 {strides = array<i32>} : memref<16x128xf32, #tpu.memory_space<vmem>>, vector<16xf32>,
    %swap3A_555 = arith.constant 15 : i32
    %swap3A_556 = arith.index_cast %swap3A_555 : i32 to index
    %swap3A_557 = arith.constant 48 : index
    %swap3A_558 = tpu.vector_load %arg28[%swap3A_556, %swap3A_557] {strides = array<i32>} : memref<16x128xf32, #tpu.memory_space<vmem>>, vector<16xf32>,
    tpu.vector_store %arg28[%swap3A_556, %swap3A_557], %broadcast_in_dim3A_0 {strides = array<i32>} : memref<16x128xf32, #tpu.memory_space<vmem>>, vector<16xf32>,
    %swap3A_559 = arith.constant 15 : i32
    %swap3A_560 = arith.index_cast %swap3A_559 : i32 to index
    %swap3A_561 = arith.constant 64 : index
    %swap3A_562 = tpu.vector_load %arg28[%swap3A_560, %swap3A_561] {strides = array<i32>} : memref<16x128xf32, #tpu.memory_space<vmem>>, vector<16xf32>,
    tpu.vector_store %arg28[%swap3A_560, %swap3A_561], %broadcast_in_dim3A_0 {strides = array<i32>} : memref<16x128xf32, #tpu.memory_space<vmem>>, vector<16xf32>,
    %swap3A_563 = arith.constant 15 : i32
    %swap3A_564 = arith.index_cast %swap3A_563 : i32 to index
    %swap3A_565 = arith.constant 80 : index
    %swap3A_566 = tpu.vector_load %arg28[%swap3A_564, %swap3A_565] {strides = array<i32>} : memref<16x128xf32, #tpu.memory_space<vmem>>, vector<16xf32>,
    tpu.vector_store %arg28[%swap3A_564, %swap3A_565], %broadcast_in_dim3A_0 {strides = array<i32>} : memref<16x128xf32, #tpu.memory_space<vmem>>, vector<16xf32>,
    %swap3A_567 = arith.constant 15 : i32
    %swap3A_568 = arith.index_cast %swap3A_567 : i32 to index
    %swap3A_569 = arith.constant 96 : index
    %swap3A_570 = tpu.vector_load %arg28[%swap3A_568, %swap3A_569] {strides = array<i32>} : memref<16x128xf32, #tpu.memory_space<vmem>>, vector<16xf32>,
    tpu.vector_store %arg28[%swap3A_568, %swap3A_569], %broadcast_in_dim3A_0 {strides = array<i32>} : memref<16x128xf32, #tpu.memory_space<vmem>>, vector<16xf32>,
    %swap3A_571 = arith.constant 15 : i32
    %swap3A_572 = arith.index_cast %swap3A_571 : i32 to index
    %swap3A_573 = arith.constant 112 : index
    %swap3A_574 = tpu.vector_load %arg28[%swap3A_572, %swap3A_573] {strides = array<i32>} : memref<16x128xf32, #tpu.memory_space<vmem>>, vector<16xf32>,
    tpu.vector_store %arg28[%swap3A_572, %swap3A_573], %broadcast_in_dim3A_0 {strides = array<i32>} : memref<16x128xf32, #tpu.memory_space<vmem>>, vector<16xf32>,
    "tpu.region"() ({
      %run_scoped3A_1112 = tpu.sem_alloc : memref<!tpu.dma_semaphore, #tpu.memory_space<semaphore_mem>>
      tpu.enqueue_dma source(%arg17 : memref<128xf32, #tpu.memory_space<hbm>>) target(%arg29 : memref<128xf32, #tpu.memory_space<vmem>>) target_semaphore(%run_scoped3A_1112 : memref<!tpu.dma_semaphore, #tpu.memory_space<semaphore_mem>>)
      tpu.wait_dma2 semaphore(%run_scoped3A_1112 : memref<!tpu.dma_semaphore, #tpu.memory_space<semaphore_mem>>) src(%arg17 : memref<128xf32, #tpu.memory_space<hbm>>) dst(%arg29 : memref<128xf32, #tpu.memory_space<vmem>>)
      tpu.yield
    }) : () -> ()
    %mul3A_575 = arith.constant 320 : i32
    %mul3A_576 = arith.muli %arg1, %mul3A_575 : i32
    "tpu.trace_start"() <{level = 10 : i32, message = "pz_zacc"}> : () -> ()
    %scan3A = arith.constant 0 : i32
    %scan3A_577 = arith.constant 0 : i32
    %scan3A_578 = arith.constant 20 : i32
    %scan3A_579 = arith.addi %scan3A_577, %scan3A_578 : i32
    %scan3A_580 = arith.constant 1 : i32
    scf.for %scan3A_1112 = %scan3A_577 to %scan3A_579 step %scan3A_580  : i32 {
      %mul3A_1113 = arith.constant 16 : i32
      %mul3A_1114 = arith.muli %scan3A_1112, %mul3A_1113 : i32
      %add3A_1115 = arith.addi %mul3A_576, %mul3A_1114 : i32
      "tpu.region"() ({
        %run_scoped3A_1116 = tpu.sem_alloc : memref<!tpu.dma_semaphore, #tpu.memory_space<semaphore_mem>>
        %dma_start3A = arith.constant 0 : i32
        %dma_start3A_1117 = tpu.memref_slice %arg30[%add3A_1115, %dma_start3A] : memref<5120x128xf32, #tpu.memory_space<vmem_shared>> -> memref<16x128xf32, #tpu.memory_space<vmem_shared>>
        %dma_start3A_1118 = arith.constant 0 : i32
        %dma_start3A_1119 = tpu.memref_slice %arg30[%add3A_1115, %dma_start3A_1118] : memref<5120x128xf32, #tpu.memory_space<vmem_shared>> -> memref<16x128xf32, #tpu.memory_space<vmem_shared>>
        tpu.enqueue_dma source(%arg28 : memref<16x128xf32, #tpu.memory_space<vmem>>) target(%dma_start3A_1119 : memref<16x128xf32, #tpu.memory_space<vmem_shared>>) target_semaphore(%run_scoped3A_1116 : memref<!tpu.dma_semaphore, #tpu.memory_space<semaphore_mem>>)
        %dma_wait3A = arith.constant 0 : i32
        %dma_wait3A_1120 = tpu.memref_slice %arg30[%add3A_1115, %dma_wait3A] : memref<5120x128xf32, #tpu.memory_space<vmem_shared>> -> memref<16x128xf32, #tpu.memory_space<vmem_shared>>
        %dma_wait3A_1121 = arith.constant 0 : i32
        %dma_wait3A_1122 = tpu.memref_slice %arg30[%add3A_1115, %dma_wait3A_1121] : memref<5120x128xf32, #tpu.memory_space<vmem_shared>> -> memref<16x128xf32, #tpu.memory_space<vmem_shared>>
        tpu.wait_dma2 semaphore(%run_scoped3A_1116 : memref<!tpu.dma_semaphore, #tpu.memory_space<semaphore_mem>>) src(%arg28 : memref<16x128xf32, #tpu.memory_space<vmem>>) dst(%dma_wait3A_1122 : memref<16x128xf32, #tpu.memory_space<vmem_shared>>)
        tpu.yield
      }) : () -> ()
    }
    %scan3A_581 = arith.constant 20 : i32
    "tpu.trace_stop"() : () -> ()
    "tpu.trace_start"() <{level = 10 : i32, message = "pz_zden"}> : () -> ()
    %scan3A_582 = arith.constant 0 : i32
    %scan3A_583 = arith.constant 0 : i32
    %scan3A_584 = arith.constant 320 : i32
    %scan3A_585 = arith.addi %scan3A_583, %scan3A_584 : i32
    %scan3A_586 = arith.constant 1 : i32
    scf.for %scan3A_1112 = %scan3A_583 to %scan3A_585 step %scan3A_586  : i32 {
      %mul3A_1113 = arith.constant 16 : i32
      %mul3A_1114 = arith.muli %scan3A_1112, %mul3A_1113 : i32
      %swap3A_1115 = arith.index_cast %mul3A_1114 : i32 to index
      %swap3A_1116 = tpu.vector_load %arg21[%swap3A_1115] {strides = array<i32>} : memref<5120xf32, #tpu.memory_space<vmem>>, vector<16xf32>,
      tpu.vector_store %arg21[%swap3A_1115], %broadcast_in_dim3A_0 {strides = array<i32>} : memref<5120xf32, #tpu.memory_space<vmem>>, vector<16xf32>,
    }
    %scan3A_587 = arith.constant 320 : i32
    "tpu.trace_stop"() : () -> ()
    "tpu.trace_start"() <{level = 10 : i32, message = "p0_load"}> : () -> ()
    "tpu.region"() ({
      %run_scoped3A_1112 = tpu.sem_alloc : memref<!tpu.dma_semaphore, #tpu.memory_space<semaphore_mem>>
      %dma_start3A = arith.constant 0 : i32
      %dma_start3A_1113 = tpu.memref_slice %arg19[%dma_start3A] : memref<10240xf32, #tpu.memory_space<vmem>> -> memref<10000xf32, #tpu.memory_space<vmem>>
      %dma_start3A_1114 = arith.constant 0 : i32
      %dma_start3A_1115 = tpu.memref_slice %arg19[%dma_start3A_1114] : memref<10240xf32, #tpu.memory_space<vmem>> -> memref<10000xf32, #tpu.memory_space<vmem>>
      tpu.enqueue_dma source(%arg5 : memref<10000xf32, #tpu.memory_space<hbm>>) target(%dma_start3A_1115 : memref<10000xf32, #tpu.memory_space<vmem>>) target_semaphore(%run_scoped3A_1112 : memref<!tpu.dma_semaphore, #tpu.memory_space<semaphore_mem>>)
      %dma_wait3A = arith.constant 0 : i32
      %dma_wait3A_1116 = tpu.memref_slice %arg19[%dma_wait3A] : memref<10240xf32, #tpu.memory_space<vmem>> -> memref<10000xf32, #tpu.memory_space<vmem>>
      %dma_wait3A_1117 = arith.constant 0 : i32
      %dma_wait3A_1118 = tpu.memref_slice %arg19[%dma_wait3A_1117] : memref<10240xf32, #tpu.memory_space<vmem>> -> memref<10000xf32, #tpu.memory_space<vmem>>
      tpu.wait_dma2 semaphore(%run_scoped3A_1112 : memref<!tpu.dma_semaphore, #tpu.memory_space<semaphore_mem>>) src(%arg5 : memref<10000xf32, #tpu.memory_space<hbm>>) dst(%dma_wait3A_1118 : memref<10000xf32, #tpu.memory_space<vmem>>)
      tpu.yield
    }) : () -> ()
    "tpu.region"() ({
      %run_scoped3A_1112 = tpu.sem_alloc : memref<!tpu.dma_semaphore, #tpu.memory_space<semaphore_mem>>
      %dma_start3A = arith.constant 0 : i32
      %dma_start3A_1113 = tpu.memref_slice %arg20[%dma_start3A] : memref<10240xf32, #tpu.memory_space<vmem>> -> memref<10000xf32, #tpu.memory_space<vmem>>
      %dma_start3A_1114 = arith.constant 0 : i32
      %dma_start3A_1115 = tpu.memref_slice %arg20[%dma_start3A_1114] : memref<10240xf32, #tpu.memory_space<vmem>> -> memref<10000xf32, #tpu.memory_space<vmem>>
      tpu.enqueue_dma source(%arg8 : memref<10000xf32, #tpu.memory_space<hbm>>) target(%dma_start3A_1115 : memref<10000xf32, #tpu.memory_space<vmem>>) target_semaphore(%run_scoped3A_1112 : memref<!tpu.dma_semaphore, #tpu.memory_space<semaphore_mem>>)
      %dma_wait3A = arith.constant 0 : i32
      %dma_wait3A_1116 = tpu.memref_slice %arg20[%dma_wait3A] : memref<10240xf32, #tpu.memory_space<vmem>> -> memref<10000xf32, #tpu.memory_space<vmem>>
      %dma_wait3A_1117 = arith.constant 0 : i32
      %dma_wait3A_1118 = tpu.memref_slice %arg20[%dma_wait3A_1117] : memref<10240xf32, #tpu.memory_space<vmem>> -> memref<10000xf32, #tpu.memory_space<vmem>>
      tpu.wait_dma2 semaphore(%run_scoped3A_1112 : memref<!tpu.dma_semaphore, #tpu.memory_space<semaphore_mem>>) src(%arg8 : memref<10000xf32, #tpu.memory_space<hbm>>) dst(%dma_wait3A_1118 : memref<10000xf32, #tpu.memory_space<vmem>>)
      tpu.yield
    }) : () -> ()
    %run_scoped3A = arith.constant 0 : i32
    "tpu.trace_stop"() : () -> ()
    "tpu.trace_start"() <{level = 10 : i32, message = "p0_load2"}> : () -> ()
    "tpu.region"() ({
      %run_scoped3A_1112 = tpu.sem_alloc : memref<!tpu.dma_semaphore, #tpu.memory_space<semaphore_mem>>
      %dma_start3A = arith.constant 0 : i32
      %dma_start3A_1113 = tpu.memref_slice %arg11[%arg1, %run_scoped3A, %dma_start3A] : memref<16x1x6400xi32, #tpu.memory_space<hbm>> -> memref<1x1x6400xi32, #tpu.memory_space<hbm>>
      %dma_start3A_1114 = tpu.memref_squeeze %dma_start3A_1113 : memref<1x1x6400xi32, #tpu.memory_space<hbm>> -> memref<6400xi32, #tpu.memory_space<hbm>>
      %dma_start3A_1115 = arith.constant 0 : i32
      %dma_start3A_1116 = tpu.memref_slice %arg11[%arg1, %run_scoped3A, %dma_start3A_1115] : memref<16x1x6400xi32, #tpu.memory_space<hbm>> -> memref<1x1x6400xi32, #tpu.memory_space<hbm>>
      %dma_start3A_1117 = tpu.memref_squeeze %dma_start3A_1116 : memref<1x1x6400xi32, #tpu.memory_space<hbm>> -> memref<6400xi32, #tpu.memory_space<hbm>>
      tpu.enqueue_dma source(%dma_start3A_1117 : memref<6400xi32, #tpu.memory_space<hbm>>) target(%arg22 : memref<6400xi32, #tpu.memory_space<vmem>>) target_semaphore(%run_scoped3A_1112 : memref<!tpu.dma_semaphore, #tpu.memory_space<semaphore_mem>>)
      %dma_wait3A = arith.constant 0 : i32
      %dma_wait3A_1118 = tpu.memref_slice %arg11[%arg1, %run_scoped3A, %dma_wait3A] : memref<16x1x6400xi32, #tpu.memory_space<hbm>> -> memref<1x1x6400xi32, #tpu.memory_space<hbm>>
      %dma_wait3A_1119 = tpu.memref_squeeze %dma_wait3A_1118 : memref<1x1x6400xi32, #tpu.memory_space<hbm>> -> memref<6400xi32, #tpu.memory_space<hbm>>
      %dma_wait3A_1120 = arith.constant 0 : i32
      %dma_wait3A_1121 = tpu.memref_slice %arg11[%arg1, %run_scoped3A, %dma_wait3A_1120] : memref<16x1x6400xi32, #tpu.memory_space<hbm>> -> memref<1x1x6400xi32, #tpu.memory_space<hbm>>
      %dma_wait3A_1122 = tpu.memref_squeeze %dma_wait3A_1121 : memref<1x1x6400xi32, #tpu.memory_space<hbm>> -> memref<6400xi32, #tpu.memory_space<hbm>>
      tpu.wait_dma2 semaphore(%run_scoped3A_1112 : memref<!tpu.dma_semaphore, #tpu.memory_space<semaphore_mem>>) src(%dma_wait3A_1122 : memref<6400xi32, #tpu.memory_space<hbm>>) dst(%arg22 : memref<6400xi32, #tpu.memory_space<vmem>>)
      tpu.yield
    }) : () -> ()
    "tpu.region"() ({
      %run_scoped3A_1112 = tpu.sem_alloc : memref<!tpu.dma_semaphore, #tpu.memory_space<semaphore_mem>>
      %dma_start3A = arith.constant 0 : i32
      %dma_start3A_1113 = arith.constant 0 : i32
      %dma_start3A_1114 = tpu.memref_slice %arg12[%arg1, %dma_start3A, %dma_start3A_1113] : memref<16x50x128xi32, #tpu.memory_space<hbm>> -> memref<1x50x128xi32, #tpu.memory_space<hbm>>
      %dma_start3A_1115 = tpu.memref_squeeze %dma_start3A_1114 : memref<1x50x128xi32, #tpu.memory_space<hbm>> -> memref<50x128xi32, #tpu.memory_space<hbm>>
      %dma_start3A_1116 = arith.constant 0 : i32
      %dma_start3A_1117 = arith.constant 0 : i32
      %dma_start3A_1118 = tpu.memref_slice %arg12[%arg1, %dma_start3A_1116, %dma_start3A_1117] : memref<16x50x128xi32, #tpu.memory_space<hbm>> -> memref<1x50x128xi32, #tpu.memory_space<hbm>>
      %dma_start3A_1119 = tpu.memref_squeeze %dma_start3A_1118 : memref<1x50x128xi32, #tpu.memory_space<hbm>> -> memref<50x128xi32, #tpu.memory_space<hbm>>
      tpu.enqueue_dma source(%dma_start3A_1119 : memref<50x128xi32, #tpu.memory_space<hbm>>) target(%arg23 : memref<50x128xi32, #tpu.memory_space<vmem>>) target_semaphore(%run_scoped3A_1112 : memref<!tpu.dma_semaphore, #tpu.memory_space<semaphore_mem>>)
      %dma_wait3A = arith.constant 0 : i32
      %dma_wait3A_1120 = arith.constant 0 : i32
      %dma_wait3A_1121 = tpu.memref_slice %arg12[%arg1, %dma_wait3A, %dma_wait3A_1120] : memref<16x50x128xi32, #tpu.memory_space<hbm>> -> memref<1x50x128xi32, #tpu.memory_space<hbm>>
      %dma_wait3A_1122 = tpu.memref_squeeze %dma_wait3A_1121 : memref<1x50x128xi32, #tpu.memory_space<hbm>> -> memref<50x128xi32, #tpu.memory_space<hbm>>
      %dma_wait3A_1123 = arith.constant 0 : i32
      %dma_wait3A_1124 = arith.constant 0 : i32
      %dma_wait3A_1125 = tpu.memref_slice %arg12[%arg1, %dma_wait3A_1123, %dma_wait3A_1124] : memref<16x50x128xi32, #tpu.memory_space<hbm>> -> memref<1x50x128xi32, #tpu.memory_space<hbm>>
      %dma_wait3A_1126 = tpu.memref_squeeze %dma_wait3A_1125 : memref<1x50x128xi32, #tpu.memory_space<hbm>> -> memref<50x128xi32, #tpu.memory_space<hbm>>
      tpu.wait_dma2 semaphore(%run_scoped3A_1112 : memref<!tpu.dma_semaphore, #tpu.memory_space<semaphore_mem>>) src(%dma_wait3A_1126 : memref<50x128xi32, #tpu.memory_space<hbm>>) dst(%arg23 : memref<50x128xi32, #tpu.memory_space<vmem>>)
      tpu.yield
    }) : () -> ()
    "tpu.trace_stop"() : () -> ()
    "tpu.trace_start"() <{level = 10 : i32, message = "p1_scan"}> : () -> ()
    %scan3A_588 = arith.constant 0 : i32
    %scan3A_589 = arith.constant 0 : i32
    %scan3A_590 = arith.constant 400 : i32
    %scan3A_591 = arith.addi %scan3A_589, %scan3A_590 : i32
    %scan3A_592 = arith.constant 1 : i32
    %scan3A_593 = scf.for %scan3A_1112 = %scan3A_589 to %scan3A_591 step %scan3A_592 iter_args(%scan3A_1113 = %scan3A_588) -> (i32)  : i32 {
      %mul3A_1114 = arith.constant 16 : i32
      %mul3A_1115 = arith.muli %scan3A_1112, %mul3A_1114 : i32
      %get3A = arith.index_cast %mul3A_1115 : i32 to index
      %get3A_1116 = tpu.vector_load %arg22[%get3A] {strides = array<i32>} : memref<6400xi32, #tpu.memory_space<vmem>>, vector<16xi32>,
      %shift_right_logical3A_1117 = arith.constant 3 : i32
      %shift_right_logical3A_1118 = arith.shrui %scan3A_1112, %shift_right_logical3A_1117 : i32
      %rem3A = arith.constant 8 : i32
      %rem3A_1119 = arith.remsi %scan3A_1112, %rem3A : i32
      %mul3A_1120 = arith.constant 16 : i32
      %mul3A_1121 = arith.muli %rem3A_1119, %mul3A_1120 : i32
      %get3A_1122 = arith.index_cast %shift_right_logical3A_1118 : i32 to index
      %get3A_1123 = arith.index_cast %mul3A_1121 : i32 to index
      %get3A_1124 = tpu.vector_load %arg23[%get3A_1122, %get3A_1123] {strides = array<i32>} : memref<50x128xi32, #tpu.memory_space<vmem>>, vector<16xi32>,
      %gather3A = tpu.vector_load_idx %arg19[%get3A_1116] : memref<10240xf32, #tpu.memory_space<vmem>>[vector<16xi32>], vector<16xf32>,
      %gather3A_1125 = tpu.vector_load_idx %arg20[%get3A_1124] : memref<10240xf32, #tpu.memory_space<vmem>>[vector<16xi32>], vector<16xf32>,
      %add3A_1126 = arith.addf %gather3A, %gather3A_1125 : vector<16xf32>
      %gt3A_1127 = arith.constant 0.000000e+00 : f32
      %gt3A_1128 = vector.broadcast %gt3A_1127 : f32 to vector<16xf32>
      %gt3A_1129 = arith.cmpf ogt, %add3A_1126, %gt3A_1128 : vector<16xf32>
      %mul3A_1130 = arith.constant 2.000000e-01 : f32
      %mul3A_1131 = vector.broadcast %mul3A_1130 : f32 to vector<16xf32>
      %mul3A_1132 = arith.mulf %mul3A_1131, %add3A_1126 : vector<16xf32>
      %select_n3A = arith.select %gt3A_1129, %add3A_1126, %mul3A_1132 : vector<16xi1>, vector<16xf32>
      %exp3A = math.exp %select_n3A : vector<16xf32>
      %sub3A_1133 = vector.broadcast %mul3A_3 : i32 to vector<16xi32>
      %sub3A_1134 = arith.subi %get3A_1124, %sub3A_1133 : vector<16xi32>
      %ge3A_1135 = vector.broadcast %mul3A_3 : i32 to vector<16xi32>
      %ge3A_1136 = arith.cmpi sge, %get3A_1124, %ge3A_1135 : vector<16xi32>
      %add3A_1137 = arith.constant 5120 : i32
      %add3A_1138 = arith.addi %mul3A_3, %add3A_1137 : i32
      %lt3A_1139 = vector.broadcast %add3A_1138 : i32 to vector<16xi32>
      %lt3A_1140 = arith.cmpi slt, %get3A_1124, %lt3A_1139 : vector<16xi32>
      %and3A = arith.andi %ge3A_1136, %lt3A_1140 : vector<16xi1>
      %lt3A_1141 = arith.constant 10000 : i32
      %lt3A_1142 = vector.broadcast %lt3A_1141 : i32 to vector<16xi32>
      %lt3A_1143 = arith.cmpi slt, %get3A_1124, %lt3A_1142 : vector<16xi32>
      %and3A_1144 = arith.andi %and3A, %lt3A_1143 : vector<16xi1>
      %jit3A = arith.constant 0 : i32
      %broadcast_in_dim3A_1145 = vector.broadcast %jit3A : i32 to vector<16xi32>
      %select_n3A_1146 = arith.select %and3A_1144, %sub3A_1134, %broadcast_in_dim3A_1145 : vector<16xi1>, vector<16xi32>
      tpu.vector_store_idx %arg21[%select_n3A_1146], %exp3A masked %and3A_1144 {add = true} : memref<5120xf32, #tpu.memory_space<vmem>>[vector<16xi32>], vector<16xf32>, vector<16xi1>
      %swap3A_1147 = arith.index_cast %scan3A_1113 : i32 to index
      %swap3A_1148 = tpu.vector_load %arg24[%swap3A_1147] masked %and3A_1144 {strides = array<i32>} : memref<6464xi32, #tpu.memory_space<vmem>>, vector<16xi32>, vector<16xi1>
      tpu.vector_store %arg24[%swap3A_1147], %get3A_1116 masked %and3A_1144 {strides = array<i32>} : memref<6464xi32, #tpu.memory_space<vmem>>, vector<16xi32>, vector<16xi1>
      %swap3A_1149 = arith.index_cast %scan3A_1113 : i32 to index
      %swap3A_1150 = tpu.vector_load %arg25[%swap3A_1149] masked %and3A_1144 {strides = array<i32>} : memref<6464xi32, #tpu.memory_space<vmem>>, vector<16xi32>, vector<16xi1>
      tpu.vector_store %arg25[%swap3A_1149], %select_n3A_1146 masked %and3A_1144 {strides = array<i32>} : memref<6464xi32, #tpu.memory_space<vmem>>, vector<16xi32>, vector<16xi1>
      %swap3A_1151 = arith.index_cast %scan3A_1113 : i32 to index
      %swap3A_1152 = tpu.vector_load %arg26[%swap3A_1151] masked %and3A_1144 {strides = array<i32>} : memref<6464xf32, #tpu.memory_space<vmem>>, vector<16xf32>, vector<16xi1>
      tpu.vector_store %arg26[%swap3A_1151], %exp3A masked %and3A_1144 {strides = array<i32>} : memref<6464xf32, #tpu.memory_space<vmem>>, vector<16xf32>, vector<16xi1>
      %convert_element_type3A_1153 = arith.extui %and3A_1144 : vector<16xi1> to vector<16xi32>
      %reduce_sum3A = arith.constant true
      %reduce_sum3A_1154 = vector.broadcast %reduce_sum3A : i1 to vector<16xi1>
      %reduce_sum3A_1155 = tpu.scan <sum>, %convert_element_type3A_1153 masked %reduce_sum3A_1154 : vector<16xi32>, vector<16xi1> -> vector<16xi32>
      %reduce_sum3A_1156 = vector.extract %reduce_sum3A_1155[15] : i32 from vector<16xi32>
      %add3A_1157 = arith.addi %scan3A_1113, %reduce_sum3A_1156 : i32
      scf.yield %add3A_1157 : i32
    }
    %scan3A_594 = arith.constant 400 : i32
    "tpu.trace_stop"() : () -> ()
    %add3A = arith.constant 0 : i32
    %add3A_595 = arith.addi %scan3A_593, %add3A : i32
    %swap3A_596 = arith.index_cast %add3A_595 : i32 to index
    %swap3A_597 = tpu.vector_load %arg24[%swap3A_596] {strides = array<i32>} : memref<6464xi32, #tpu.memory_space<vmem>>, vector<16xi32>,
    tpu.vector_store %arg24[%swap3A_596], %broadcast_in_dim3A_2 {strides = array<i32>} : memref<6464xi32, #tpu.memory_space<vmem>>, vector<16xi32>,
    %add3A_598 = arith.constant 0 : i32
    %add3A_599 = arith.addi %scan3A_593, %add3A_598 : i32
    %swap3A_600 = arith.index_cast %add3A_599 : i32 to index
    %swap3A_601 = tpu.vector_load %arg25[%swap3A_600] {strides = array<i32>} : memref<6464xi32, #tpu.memory_space<vmem>>, vector<16xi32>,
    tpu.vector_store %arg25[%swap3A_600], %broadcast_in_dim3A_2 {strides = array<i32>} : memref<6464xi32, #tpu.memory_space<vmem>>, vector<16xi32>,
    %add3A_602 = arith.constant 0 : i32
    %add3A_603 = arith.addi %scan3A_593, %add3A_602 : i32
    %swap3A_604 = arith.index_cast %add3A_603 : i32 to index
    %swap3A_605 = tpu.vector_load %arg26[%swap3A_604] {strides = array<i32>} : memref<6464xf32, #tpu.memory_space<vmem>>, vector<16xf32>,
    tpu.vector_store %arg26[%swap3A_604], %broadcast_in_dim3A_0 {strides = array<i32>} : memref<6464xf32, #tpu.memory_space<vmem>>, vector<16xf32>,
    %add3A_606 = arith.constant 16 : i32
    %add3A_607 = arith.addi %scan3A_593, %add3A_606 : i32
    %swap3A_608 = arith.index_cast %add3A_607 : i32 to index
    %swap3A_609 = tpu.vector_load %arg24[%swap3A_608] {strides = array<i32>} : memref<6464xi32, #tpu.memory_space<vmem>>, vector<16xi32>,
    tpu.vector_store %arg24[%swap3A_608], %broadcast_in_dim3A_2 {strides = array<i32>} : memref<6464xi32, #tpu.memory_space<vmem>>, vector<16xi32>,
    %add3A_610 = arith.constant 16 : i32
    %add3A_611 = arith.addi %scan3A_593, %add3A_610 : i32
    %swap3A_612 = arith.index_cast %add3A_611 : i32 to index
    %swap3A_613 = tpu.vector_load %arg25[%swap3A_612] {strides = array<i32>} : memref<6464xi32, #tpu.memory_space<vmem>>, vector<16xi32>,
    tpu.vector_store %arg25[%swap3A_612], %broadcast_in_dim3A_2 {strides = array<i32>} : memref<6464xi32, #tpu.memory_space<vmem>>, vector<16xi32>,
    %add3A_614 = arith.constant 16 : i32
    %add3A_615 = arith.addi %scan3A_593, %add3A_614 : i32
    %swap3A_616 = arith.index_cast %add3A_615 : i32 to index
    %swap3A_617 = tpu.vector_load %arg26[%swap3A_616] {strides = array<i32>} : memref<6464xf32, #tpu.memory_space<vmem>>, vector<16xf32>,
    tpu.vector_store %arg26[%swap3A_616], %broadcast_in_dim3A_0 {strides = array<i32>} : memref<6464xf32, #tpu.memory_space<vmem>>, vector<16xf32>,
    %add3A_618 = arith.constant 32 : i32
    %add3A_619 = arith.addi %scan3A_593, %add3A_618 : i32
    %swap3A_620 = arith.index_cast %add3A_619 : i32 to index
    %swap3A_621 = tpu.vector_load %arg24[%swap3A_620] {strides = array<i32>} : memref<6464xi32, #tpu.memory_space<vmem>>, vector<16xi32>,
    tpu.vector_store %arg24[%swap3A_620], %broadcast_in_dim3A_2 {strides = array<i32>} : memref<6464xi32, #tpu.memory_space<vmem>>, vector<16xi32>,
    %add3A_622 = arith.constant 32 : i32
    %add3A_623 = arith.addi %scan3A_593, %add3A_622 : i32
    %swap3A_624 = arith.index_cast %add3A_623 : i32 to index
    %swap3A_625 = tpu.vector_load %arg25[%swap3A_624] {strides = array<i32>} : memref<6464xi32, #tpu.memory_space<vmem>>, vector<16xi32>,
    tpu.vector_store %arg25[%swap3A_624], %broadcast_in_dim3A_2 {strides = array<i32>} : memref<6464xi32, #tpu.memory_space<vmem>>, vector<16xi32>,
    %add3A_626 = arith.constant 32 : i32
    %add3A_627 = arith.addi %scan3A_593, %add3A_626 : i32
    %swap3A_628 = arith.index_cast %add3A_627 : i32 to index
    %swap3A_629 = tpu.vector_load %arg26[%swap3A_628] {strides = array<i32>} : memref<6464xf32, #tpu.memory_space<vmem>>, vector<16xf32>,
    tpu.vector_store %arg26[%swap3A_628], %broadcast_in_dim3A_0 {strides = array<i32>} : memref<6464xf32, #tpu.memory_space<vmem>>, vector<16xf32>,
    %add3A_630 = arith.constant 48 : i32
    %add3A_631 = arith.addi %scan3A_593, %add3A_630 : i32
    %swap3A_632 = arith.index_cast %add3A_631 : i32 to index
    %swap3A_633 = tpu.vector_load %arg24[%swap3A_632] {strides = array<i32>} : memref<6464xi32, #tpu.memory_space<vmem>>, vector<16xi32>,
    tpu.vector_store %arg24[%swap3A_632], %broadcast_in_dim3A_2 {strides = array<i32>} : memref<6464xi32, #tpu.memory_space<vmem>>, vector<16xi32>,
    %add3A_634 = arith.constant 48 : i32
    %add3A_635 = arith.addi %scan3A_593, %add3A_634 : i32
    %swap3A_636 = arith.index_cast %add3A_635 : i32 to index
    %swap3A_637 = tpu.vector_load %arg25[%swap3A_636] {strides = array<i32>} : memref<6464xi32, #tpu.memory_space<vmem>>, vector<16xi32>,
    tpu.vector_store %arg25[%swap3A_636], %broadcast_in_dim3A_2 {strides = array<i32>} : memref<6464xi32, #tpu.memory_space<vmem>>, vector<16xi32>,
    %add3A_638 = arith.constant 48 : i32
    %add3A_639 = arith.addi %scan3A_593, %add3A_638 : i32
    %swap3A_640 = arith.index_cast %add3A_639 : i32 to index
    %swap3A_641 = tpu.vector_load %arg26[%swap3A_640] {strides = array<i32>} : memref<6464xf32, #tpu.memory_space<vmem>>, vector<16xf32>,
    tpu.vector_store %arg26[%swap3A_640], %broadcast_in_dim3A_0 {strides = array<i32>} : memref<6464xf32, #tpu.memory_space<vmem>>, vector<16xf32>,
    %add3A_642 = arith.constant 64 : i32
    %add3A_643 = arith.addi %scan3A_593, %add3A_642 : i32
    %sub3A = arith.constant 1 : i32
    %sub3A_644 = arith.subi %add3A_643, %sub3A : i32
    %shift_right_logical3A = arith.constant 6 : i32
    %shift_right_logical3A_645 = arith.shrui %sub3A_644, %shift_right_logical3A : i32
    %iota3A = tpu.iota {dimensions = array<i32: 0>} : vector<16xi32>
    %add3A_646 = arith.constant 0 : i32
    %add3A_647 = arith.addi %mul3A_576, %add3A_646 : i32
    %add3A_648 = vector.broadcast %add3A_647 : i32 to vector<16xi32>
    %add3A_649 = arith.addi %iota3A, %add3A_648 : vector<16xi32>
    %swap3A_650 = arith.constant 0 : index
    %swap3A_651 = tpu.vector_load %arg25[%swap3A_650] {strides = array<i32>} : memref<6464xi32, #tpu.memory_space<vmem>>, vector<16xi32>,
    tpu.vector_store %arg25[%swap3A_650], %add3A_649 {strides = array<i32>} : memref<6464xi32, #tpu.memory_space<vmem>>, vector<16xi32>,
    %add3A_652 = arith.constant 16 : i32
    %add3A_653 = arith.addi %mul3A_576, %add3A_652 : i32
    %add3A_654 = vector.broadcast %add3A_653 : i32 to vector<16xi32>
    %add3A_655 = arith.addi %iota3A, %add3A_654 : vector<16xi32>
    %swap3A_656 = arith.constant 16 : index
    %swap3A_657 = tpu.vector_load %arg25[%swap3A_656] {strides = array<i32>} : memref<6464xi32, #tpu.memory_space<vmem>>, vector<16xi32>,
    tpu.vector_store %arg25[%swap3A_656], %add3A_655 {strides = array<i32>} : memref<6464xi32, #tpu.memory_space<vmem>>, vector<16xi32>,
    %add3A_658 = arith.constant 32 : i32
    %add3A_659 = arith.addi %mul3A_576, %add3A_658 : i32
    %add3A_660 = vector.broadcast %add3A_659 : i32 to vector<16xi32>
    %add3A_661 = arith.addi %iota3A, %add3A_660 : vector<16xi32>
    %swap3A_662 = arith.constant 32 : index
    %swap3A_663 = tpu.vector_load %arg25[%swap3A_662] {strides = array<i32>} : memref<6464xi32, #tpu.memory_space<vmem>>, vector<16xi32>,
    tpu.vector_store %arg25[%swap3A_662], %add3A_661 {strides = array<i32>} : memref<6464xi32, #tpu.memory_space<vmem>>, vector<16xi32>,
    %add3A_664 = arith.constant 48 : i32
    %add3A_665 = arith.addi %mul3A_576, %add3A_664 : i32
    %add3A_666 = vector.broadcast %add3A_665 : i32 to vector<16xi32>
    %add3A_667 = arith.addi %iota3A, %add3A_666 : vector<16xi32>
    %swap3A_668 = arith.constant 48 : index
    %swap3A_669 = tpu.vector_load %arg25[%swap3A_668] {strides = array<i32>} : memref<6464xi32, #tpu.memory_space<vmem>>, vector<16xi32>,
    tpu.vector_store %arg25[%swap3A_668], %add3A_667 {strides = array<i32>} : memref<6464xi32, #tpu.memory_space<vmem>>, vector<16xi32>,
    %add3A_670 = arith.constant 64 : i32
    %add3A_671 = arith.addi %mul3A_576, %add3A_670 : i32
    %add3A_672 = vector.broadcast %add3A_671 : i32 to vector<16xi32>
    %add3A_673 = arith.addi %iota3A, %add3A_672 : vector<16xi32>
    %swap3A_674 = arith.constant 64 : index
    %swap3A_675 = tpu.vector_load %arg25[%swap3A_674] {strides = array<i32>} : memref<6464xi32, #tpu.memory_space<vmem>>, vector<16xi32>,
    tpu.vector_store %arg25[%swap3A_674], %add3A_673 {strides = array<i32>} : memref<6464xi32, #tpu.memory_space<vmem>>, vector<16xi32>,
    %add3A_676 = arith.constant 80 : i32
    %add3A_677 = arith.addi %mul3A_576, %add3A_676 : i32
    %add3A_678 = vector.broadcast %add3A_677 : i32 to vector<16xi32>
    %add3A_679 = arith.addi %iota3A, %add3A_678 : vector<16xi32>
    %swap3A_680 = arith.constant 80 : index
    %swap3A_681 = tpu.vector_load %arg25[%swap3A_680] {strides = array<i32>} : memref<6464xi32, #tpu.memory_space<vmem>>, vector<16xi32>,
    tpu.vector_store %arg25[%swap3A_680], %add3A_679 {strides = array<i32>} : memref<6464xi32, #tpu.memory_space<vmem>>, vector<16xi32>,
    %add3A_682 = arith.constant 96 : i32
    %add3A_683 = arith.addi %mul3A_576, %add3A_682 : i32
    %add3A_684 = vector.broadcast %add3A_683 : i32 to vector<16xi32>
    %add3A_685 = arith.addi %iota3A, %add3A_684 : vector<16xi32>
    %swap3A_686 = arith.constant 96 : index
    %swap3A_687 = tpu.vector_load %arg25[%swap3A_686] {strides = array<i32>} : memref<6464xi32, #tpu.memory_space<vmem>>, vector<16xi32>,
    tpu.vector_store %arg25[%swap3A_686], %add3A_685 {strides = array<i32>} : memref<6464xi32, #tpu.memory_space<vmem>>, vector<16xi32>,
    %add3A_688 = arith.constant 112 : i32
    %add3A_689 = arith.addi %mul3A_576, %add3A_688 : i32
    %add3A_690 = vector.broadcast %add3A_689 : i32 to vector<16xi32>
    %add3A_691 = arith.addi %iota3A, %add3A_690 : vector<16xi32>
    %swap3A_692 = arith.constant 112 : index
    %swap3A_693 = tpu.vector_load %arg25[%swap3A_692] {strides = array<i32>} : memref<6464xi32, #tpu.memory_space<vmem>>, vector<16xi32>,
    tpu.vector_store %arg25[%swap3A_692], %add3A_691 {strides = array<i32>} : memref<6464xi32, #tpu.memory_space<vmem>>, vector<16xi32>,
    %lt3A = arith.constant 8 : i32
    %lt3A_694 = arith.cmpi slt, %arg1, %lt3A : i32
    %convert_element_type3A = arith.extui %lt3A_694 : i1 to i32
    %cond3A = arith.constant 0 : i32
    %cond3A_695 = arith.cmpi ne, %convert_element_type3A, %cond3A : i32
    scf.if %cond3A_695 {
      %mul3A_1112 = arith.constant 5120 : i32
      %mul3A_1113 = arith.muli %arg1, %mul3A_1112 : i32
      "tpu.region"() ({
        %run_scoped3A_1114 = tpu.sem_alloc : memref<!tpu.dma_semaphore, #tpu.memory_space<semaphore_mem>>
        %dma_start3A = tpu.memref_slice %arg31[%mul3A_1113] : memref<40960xf32, #tpu.memory_space<vmem_shared>> -> memref<5120xf32, #tpu.memory_space<vmem_shared>>
        %dma_start3A_1115 = tpu.memref_slice %arg31[%mul3A_1113] : memref<40960xf32, #tpu.memory_space<vmem_shared>> -> memref<5120xf32, #tpu.memory_space<vmem_shared>>
        tpu.enqueue_dma source(%arg21 : memref<5120xf32, #tpu.memory_space<vmem>>) target(%dma_start3A_1115 : memref<5120xf32, #tpu.memory_space<vmem_shared>>) target_semaphore(%run_scoped3A_1114 : memref<!tpu.dma_semaphore, #tpu.memory_space<semaphore_mem>>)
        %dma_wait3A = tpu.memref_slice %arg31[%mul3A_1113] : memref<40960xf32, #tpu.memory_space<vmem_shared>> -> memref<5120xf32, #tpu.memory_space<vmem_shared>>
        %dma_wait3A_1116 = tpu.memref_slice %arg31[%mul3A_1113] : memref<40960xf32, #tpu.memory_space<vmem_shared>> -> memref<5120xf32, #tpu.memory_space<vmem_shared>>
        tpu.wait_dma2 semaphore(%run_scoped3A_1114 : memref<!tpu.dma_semaphore, #tpu.memory_space<semaphore_mem>>) src(%arg21 : memref<5120xf32, #tpu.memory_space<vmem>>) dst(%dma_wait3A_1116 : memref<5120xf32, #tpu.memory_space<vmem_shared>>)
        tpu.yield
      }) : () -> ()
    } else {
    }
    "tpu.trace_start"() <{level = 10 : i32, message = "bar1"}> : () -> ()
    %barrier3A = arith.constant 0 : index
    tpu.barrier barrier_id(%barrier3A)
    %gt3A = arith.constant 0 : i32
    "tpu.trace_stop"() : () -> ()
    "tpu.trace_start"() <{level = 10 : i32, message = "p2_rows"}> : () -> ()
    %gt3A_696 = arith.cmpi sgt, %shift_right_logical3A_645, %gt3A : i32
    %convert_element_type3A_697 = arith.extui %gt3A_696 : i1 to i32
    %cond3A_698 = arith.constant 0 : i32
    %cond3A_699 = arith.cmpi ne, %convert_element_type3A_697, %cond3A_698 : i32
    scf.if %cond3A_699 {
      %dma_start3A = arith.constant 0 : i32
      %dma_start3A_1112 = arith.constant 0 : i32
      %dma_start3A_1113 = tpu.memref_slice %arg27[%dma_start3A, %dma_start3A_1112] : memref<192x128xf32, #tpu.memory_space<vmem>> -> memref<64x128xf32, #tpu.memory_space<vmem>>
      %dma_start3A_1114 = arith.constant 0 : i32
      %dma_start3A_1115 = tpu.memref_slice %arg24[%dma_start3A_1114] : memref<6464xi32, #tpu.memory_space<vmem>> -> memref<64xi32, #tpu.memory_space<vmem>>
      %dma_start3A_1116 = arith.constant 0 : i32
      %dma_start3A_1117 = arith.constant 0 : i32
      %dma_start3A_1118 = tpu.memref_slice %arg2[%dma_start3A_1116, %dma_start3A_1117] : memref<10000x128xf32, #tpu.memory_space<hbm>> -> memref<10000x128xf32, #tpu.memory_space<hbm>>
      tpu.enqueue_indirect_dma source(%dma_start3A_1118 : memref<10000x128xf32, #tpu.memory_space<hbm>>) target(%dma_start3A_1113 : memref<64x128xf32, #tpu.memory_space<vmem>>) offsets(%dma_start3A_1115 : memref<64xi32, #tpu.memory_space<vmem>>) semaphore(%arg32 : memref<!tpu.dma_semaphore, #tpu.memory_space<semaphore_mem>>)
    } else {
    }
    %gt3A_700 = arith.constant 1 : i32
    %gt3A_701 = arith.cmpi sgt, %shift_right_logical3A_645, %gt3A_700 : i32
    %convert_element_type3A_702 = arith.extui %gt3A_701 : i1 to i32
    %cond3A_703 = arith.constant 0 : i32
    %cond3A_704 = arith.cmpi ne, %convert_element_type3A_702, %cond3A_703 : i32
    scf.if %cond3A_704 {
      %dma_start3A = arith.constant 64 : i32
      %dma_start3A_1112 = arith.constant 0 : i32
      %dma_start3A_1113 = tpu.memref_slice %arg27[%dma_start3A, %dma_start3A_1112] : memref<192x128xf32, #tpu.memory_space<vmem>> -> memref<64x128xf32, #tpu.memory_space<vmem>>
      %dma_start3A_1114 = arith.constant 64 : i32
      %dma_start3A_1115 = tpu.memref_slice %arg24[%dma_start3A_1114] : memref<6464xi32, #tpu.memory_space<vmem>> -> memref<64xi32, #tpu.memory_space<vmem>>
      %dma_start3A_1116 = arith.constant 0 : i32
      %dma_start3A_1117 = arith.constant 0 : i32
      %dma_start3A_1118 = tpu.memref_slice %arg2[%dma_start3A_1116, %dma_start3A_1117] : memref<10000x128xf32, #tpu.memory_space<hbm>> -> memref<10000x128xf32, #tpu.memory_space<hbm>>
      tpu.enqueue_indirect_dma source(%dma_start3A_1118 : memref<10000x128xf32, #tpu.memory_space<hbm>>) target(%dma_start3A_1113 : memref<64x128xf32, #tpu.memory_space<vmem>>) offsets(%dma_start3A_1115 : memref<64xi32, #tpu.memory_space<vmem>>) semaphore(%arg33 : memref<!tpu.dma_semaphore, #tpu.memory_space<semaphore_mem>>)
    } else {
    }
    %add3A_705 = arith.constant 2 : i32
    %add3A_706 = arith.addi %shift_right_logical3A_645, %add3A_705 : i32
    %div3A = arith.constant 3 : i32
    %div3A_707 = arith.divsi %add3A_706, %div3A : i32
    %while3A = arith.constant 0 : i32
    %while3A_708 = arith.constant 0 : i32
    %while3A_709 = arith.subi %div3A_707, %while3A_708 : i32
    %while3A_710 = arith.addi %while3A_708, %while3A_709 : i32
    %while3A_711 = arith.constant 1 : i32
    %while3A_712 = arith.divsi %while3A_709, %while3A_711 : i32
    %while3A_713 = arith.muli %while3A_712, %while3A_711 : i32
    %while3A_714 = arith.addi %while3A_708, %while3A_713 : i32
    %while3A_715 = arith.constant 1 : i32
    scf.for %while3A_1112 = %while3A_708 to %while3A_714 step %while3A_715  : i32 {
      %mul3A_1113 = arith.constant 3 : i32
      %mul3A_1114 = arith.muli %mul3A_1113, %while3A_1112 : i32
      %add3A_1115 = arith.constant 0 : i32
      %add3A_1116 = arith.addi %mul3A_1114, %add3A_1115 : i32
      %lt3A_1117 = arith.cmpi slt, %add3A_1116, %shift_right_logical3A_645 : i32
      %convert_element_type3A_1118 = arith.extui %lt3A_1117 : i1 to i32
      %cond3A_1119 = arith.constant 0 : i32
      %cond3A_1120 = arith.cmpi ne, %convert_element_type3A_1118, %cond3A_1119 : i32
      scf.if %cond3A_1120 {
        %mul3A_1137 = arith.constant 64 : i32
        %mul3A_1138 = arith.muli %add3A_1116, %mul3A_1137 : i32
        %dma_wait3A = arith.constant 0 : i32
        %dma_wait3A_1139 = arith.constant 0 : i32
        %dma_wait3A_1140 = tpu.memref_slice %arg27[%dma_wait3A, %dma_wait3A_1139] : memref<192x128xf32, #tpu.memory_space<vmem>> -> memref<64x128xf32, #tpu.memory_space<vmem>>
        %dma_wait3A_1141 = tpu.memref_slice %arg24[%mul3A_1138] : memref<6464xi32, #tpu.memory_space<vmem>> -> memref<64xi32, #tpu.memory_space<vmem>>
        %dma_wait3A_1142 = arith.constant 0 : i32
        %dma_wait3A_1143 = arith.constant 0 : i32
        %dma_wait3A_1144 = tpu.memref_slice %arg2[%dma_wait3A_1142, %dma_wait3A_1143] : memref<10000x128xf32, #tpu.memory_space<hbm>> -> memref<10000x128xf32, #tpu.memory_space<hbm>>
        tpu.wait_indirect_dma semaphore(%arg32 : memref<!tpu.dma_semaphore, #tpu.memory_space<semaphore_mem>>) src(%dma_wait3A_1144 : memref<10000x128xf32, #tpu.memory_space<hbm>>) dst(%dma_wait3A_1140 : memref<64x128xf32, #tpu.memory_space<vmem>>)
        %add3A_1145 = arith.constant 2 : i32
        %add3A_1146 = arith.addi %add3A_1116, %add3A_1145 : i32
        %lt3A_1147 = arith.cmpi slt, %add3A_1146, %shift_right_logical3A_645 : i32
        %convert_element_type3A_1148 = arith.extui %lt3A_1147 : i1 to i32
        %cond3A_1149 = arith.constant 0 : i32
        %cond3A_1150 = arith.cmpi ne, %convert_element_type3A_1148, %cond3A_1149 : i32
        scf.if %cond3A_1150 {
          %add3A_1151 = arith.constant 2 : i32
          %add3A_1152 = arith.addi %add3A_1116, %add3A_1151 : i32
          %mul3A_1153 = arith.constant 64 : i32
          %mul3A_1154 = arith.muli %add3A_1152, %mul3A_1153 : i32
          %dma_start3A = arith.constant 128 : i32
          %dma_start3A_1155 = arith.constant 0 : i32
          %dma_start3A_1156 = tpu.memref_slice %arg27[%dma_start3A, %dma_start3A_1155] : memref<192x128xf32, #tpu.memory_space<vmem>> -> memref<64x128xf32, #tpu.memory_space<vmem>>
          %dma_start3A_1157 = tpu.memref_slice %arg24[%mul3A_1154] : memref<6464xi32, #tpu.memory_space<vmem>> -> memref<64xi32, #tpu.memory_space<vmem>>
          %dma_start3A_1158 = arith.constant 0 : i32
          %dma_start3A_1159 = arith.constant 0 : i32
          %dma_start3A_1160 = tpu.memref_slice %arg2[%dma_start3A_1158, %dma_start3A_1159] : memref<10000x128xf32, #tpu.memory_space<hbm>> -> memref<10000x128xf32, #tpu.memory_space<hbm>>
          tpu.enqueue_indirect_dma source(%dma_start3A_1160 : memref<10000x128xf32, #tpu.memory_space<hbm>>) target(%dma_start3A_1156 : memref<64x128xf32, #tpu.memory_space<vmem>>) offsets(%dma_start3A_1157 : memref<64xi32, #tpu.memory_space<vmem>>) semaphore(%arg35 : memref<!tpu.dma_semaphore, #tpu.memory_space<semaphore_mem>>)
        } else {
        }
      } else {
      }
      %mul3A_1121 = arith.constant 3 : i32
      %mul3A_1122 = arith.muli %mul3A_1121, %while3A_1112 : i32
      %add3A_1123 = arith.constant 1 : i32
      %add3A_1124 = arith.addi %mul3A_1122, %add3A_1123 : i32
      %lt3A_1125 = arith.cmpi slt, %add3A_1124, %shift_right_logical3A_645 : i32
      %convert_element_type3A_1126 = arith.extui %lt3A_1125 : i1 to i32
      %cond3A_1127 = arith.constant 0 : i32
      %cond3A_1128 = arith.cmpi ne, %convert_element_type3A_1126, %cond3A_1127 : i32
      scf.if %cond3A_1128 {
        %mul3A_1137 = arith.constant 64 : i32
        %mul3A_1138 = arith.muli %add3A_1124, %mul3A_1137 : i32
        %dma_wait3A = arith.constant 64 : i32
        %dma_wait3A_1139 = arith.constant 0 : i32
        %dma_wait3A_1140 = tpu.memref_slice %arg27[%dma_wait3A, %dma_wait3A_1139] : memref<192x128xf32, #tpu.memory_space<vmem>> -> memref<64x128xf32, #tpu.memory_space<vmem>>
        %dma_wait3A_1141 = tpu.memref_slice %arg24[%mul3A_1138] : memref<6464xi32, #tpu.memory_space<vmem>> -> memref<64xi32, #tpu.memory_space<vmem>>
        %dma_wait3A_1142 = arith.constant 0 : i32
        %dma_wait3A_1143 = arith.constant 0 : i32
        %dma_wait3A_1144 = tpu.memref_slice %arg2[%dma_wait3A_1142, %dma_wait3A_1143] : memref<10000x128xf32, #tpu.memory_space<hbm>> -> memref<10000x128xf32, #tpu.memory_space<hbm>>
        tpu.wait_indirect_dma semaphore(%arg33 : memref<!tpu.dma_semaphore, #tpu.memory_space<semaphore_mem>>) src(%dma_wait3A_1144 : memref<10000x128xf32, #tpu.memory_space<hbm>>) dst(%dma_wait3A_1140 : memref<64x128xf32, #tpu.memory_space<vmem>>)
        %add3A_1145 = arith.constant 2 : i32
        %add3A_1146 = arith.addi %add3A_1124, %add3A_1145 : i32
        %lt3A_1147 = arith.cmpi slt, %add3A_1146, %shift_right_logical3A_645 : i32
        %convert_element_type3A_1148 = arith.extui %lt3A_1147 : i1 to i32
        %cond3A_1149 = arith.constant 0 : i32
        %cond3A_1150 = arith.cmpi ne, %convert_element_type3A_1148, %cond3A_1149 : i32
        scf.if %cond3A_1150 {
          %add3A_1151 = arith.constant 2 : i32
          %add3A_1152 = arith.addi %add3A_1124, %add3A_1151 : i32
          %mul3A_1153 = arith.constant 64 : i32
          %mul3A_1154 = arith.muli %add3A_1152, %mul3A_1153 : i32
          %dma_start3A = arith.constant 0 : i32
          %dma_start3A_1155 = arith.constant 0 : i32
          %dma_start3A_1156 = tpu.memref_slice %arg27[%dma_start3A, %dma_start3A_1155] : memref<192x128xf32, #tpu.memory_space<vmem>> -> memref<64x128xf32, #tpu.memory_space<vmem>>
          %dma_start3A_1157 = tpu.memref_slice %arg24[%mul3A_1154] : memref<6464xi32, #tpu.memory_space<vmem>> -> memref<64xi32, #tpu.memory_space<vmem>>
          %dma_start3A_1158 = arith.constant 0 : i32
          %dma_start3A_1159 = arith.constant 0 : i32
          %dma_start3A_1160 = tpu.memref_slice %arg2[%dma_start3A_1158, %dma_start3A_1159] : memref<10000x128xf32, #tpu.memory_space<hbm>> -> memref<10000x128xf32, #tpu.memory_space<hbm>>
          tpu.enqueue_indirect_dma source(%dma_start3A_1160 : memref<10000x128xf32, #tpu.memory_space<hbm>>) target(%dma_start3A_1156 : memref<64x128xf32, #tpu.memory_space<vmem>>) offsets(%dma_start3A_1157 : memref<64xi32, #tpu.memory_space<vmem>>) semaphore(%arg32 : memref<!tpu.dma_semaphore, #tpu.memory_space<semaphore_mem>>)
        } else {
        }
      } else {
      }
      %mul3A_1129 = arith.constant 3 : i32
      %mul3A_1130 = arith.muli %mul3A_1129, %while3A_1112 : i32
      %add3A_1131 = arith.constant 2 : i32
      %add3A_1132 = arith.addi %mul3A_1130, %add3A_1131 : i32
      %lt3A_1133 = arith.cmpi slt, %add3A_1132, %shift_right_logical3A_645 : i32
      %convert_element_type3A_1134 = arith.extui %lt3A_1133 : i1 to i32
      %cond3A_1135 = arith.constant 0 : i32
      %cond3A_1136 = arith.cmpi ne, %convert_element_type3A_1134, %cond3A_1135 : i32
      scf.if %cond3A_1136 {
        %mul3A_1137 = arith.constant 64 : i32
        %mul3A_1138 = arith.muli %add3A_1132, %mul3A_1137 : i32
        %dma_wait3A = arith.constant 128 : i32
        %dma_wait3A_1139 = arith.constant 0 : i32
        %dma_wait3A_1140 = tpu.memref_slice %arg27[%dma_wait3A, %dma_wait3A_1139] : memref<192x128xf32, #tpu.memory_space<vmem>> -> memref<64x128xf32, #tpu.memory_space<vmem>>
        %dma_wait3A_1141 = tpu.memref_slice %arg24[%mul3A_1138] : memref<6464xi32, #tpu.memory_space<vmem>> -> memref<64xi32, #tpu.memory_space<vmem>>
        %dma_wait3A_1142 = arith.constant 0 : i32
        %dma_wait3A_1143 = arith.constant 0 : i32
        %dma_wait3A_1144 = tpu.memref_slice %arg2[%dma_wait3A_1142, %dma_wait3A_1143] : memref<10000x128xf32, #tpu.memory_space<hbm>> -> memref<10000x128xf32, #tpu.memory_space<hbm>>
        tpu.wait_indirect_dma semaphore(%arg35 : memref<!tpu.dma_semaphore, #tpu.memory_space<semaphore_mem>>) src(%dma_wait3A_1144 : memref<10000x128xf32, #tpu.memory_space<hbm>>) dst(%dma_wait3A_1140 : memref<64x128xf32, #tpu.memory_space<vmem>>)
        %add3A_1145 = arith.constant 2 : i32
        %add3A_1146 = arith.addi %add3A_1132, %add3A_1145 : i32
        %lt3A_1147 = arith.cmpi slt, %add3A_1146, %shift_right_logical3A_645 : i32
        %convert_element_type3A_1148 = arith.extui %lt3A_1147 : i1 to i32
        %cond3A_1149 = arith.constant 0 : i32
        %cond3A_1150 = arith.cmpi ne, %convert_element_type3A_1148, %cond3A_1149 : i32
        scf.if %cond3A_1150 {
          %add3A_1151 = arith.constant 2 : i32
          %add3A_1152 = arith.addi %add3A_1132, %add3A_1151 : i32
          %mul3A_1153 = arith.constant 64 : i32
          %mul3A_1154 = arith.muli %add3A_1152, %mul3A_1153 : i32
          %dma_start3A = arith.constant 64 : i32
          %dma_start3A_1155 = arith.constant 0 : i32
          %dma_start3A_1156 = tpu.memref_slice %arg27[%dma_start3A, %dma_start3A_1155] : memref<192x128xf32, #tpu.memory_space<vmem>> -> memref<64x128xf32, #tpu.memory_space<vmem>>
          %dma_start3A_1157 = tpu.memref_slice %arg24[%mul3A_1154] : memref<6464xi32, #tpu.memory_space<vmem>> -> memref<64xi32, #tpu.memory_space<vmem>>
          %dma_start3A_1158 = arith.constant 0 : i32
          %dma_start3A_1159 = arith.constant 0 : i32
          %dma_start3A_1160 = tpu.memref_slice %arg2[%dma_start3A_1158, %dma_start3A_1159] : memref<10000x128xf32, #tpu.memory_space<hbm>> -> memref<10000x128xf32, #tpu.memory_space<hbm>>
          tpu.enqueue_indirect_dma source(%dma_start3A_1160 : memref<10000x128xf32, #tpu.memory_space<hbm>>) target(%dma_start3A_1156 : memref<64x128xf32, #tpu.memory_space<vmem>>) offsets(%dma_start3A_1157 : memref<64xi32, #tpu.memory_space<vmem>>) semaphore(%arg33 : memref<!tpu.dma_semaphore, #tpu.memory_space<semaphore_mem>>)
        } else {
        }
      } else {
      }
    }
    %while3A_716 = arith.constant 1 : i32
    scf.for %while3A_1112 = %while3A_714 to %while3A_710 step %while3A_716  : i32 {
      %mul3A_1113 = arith.constant 3 : i32
      %mul3A_1114 = arith.muli %mul3A_1113, %while3A_1112 : i32
      %add3A_1115 = arith.constant 0 : i32
      %add3A_1116 = arith.addi %mul3A_1114, %add3A_1115 : i32
      %lt3A_1117 = arith.cmpi slt, %add3A_1116, %shift_right_logical3A_645 : i32
      %convert_element_type3A_1118 = arith.extui %lt3A_1117 : i1 to i32
      %cond3A_1119 = arith.constant 0 : i32
      %cond3A_1120 = arith.cmpi ne, %convert_element_type3A_1118, %cond3A_1119 : i32
      scf.if %cond3A_1120 {
        %mul3A_1137 = arith.constant 64 : i32
        %mul3A_1138 = arith.muli %add3A_1116, %mul3A_1137 : i32
        %dma_wait3A = arith.constant 0 : i32
        %dma_wait3A_1139 = arith.constant 0 : i32
        %dma_wait3A_1140 = tpu.memref_slice %arg27[%dma_wait3A, %dma_wait3A_1139] : memref<192x128xf32, #tpu.memory_space<vmem>> -> memref<64x128xf32, #tpu.memory_space<vmem>>
        %dma_wait3A_1141 = tpu.memref_slice %arg24[%mul3A_1138] : memref<6464xi32, #tpu.memory_space<vmem>> -> memref<64xi32, #tpu.memory_space<vmem>>
        %dma_wait3A_1142 = arith.constant 0 : i32
        %dma_wait3A_1143 = arith.constant 0 : i32
        %dma_wait3A_1144 = tpu.memref_slice %arg2[%dma_wait3A_1142, %dma_wait3A_1143] : memref<10000x128xf32, #tpu.memory_space<hbm>> -> memref<10000x128xf32, #tpu.memory_space<hbm>>
        tpu.wait_indirect_dma semaphore(%arg32 : memref<!tpu.dma_semaphore, #tpu.memory_space<semaphore_mem>>) src(%dma_wait3A_1144 : memref<10000x128xf32, #tpu.memory_space<hbm>>) dst(%dma_wait3A_1140 : memref<64x128xf32, #tpu.memory_space<vmem>>)
        %add3A_1145 = arith.constant 2 : i32
        %add3A_1146 = arith.addi %add3A_1116, %add3A_1145 : i32
        %lt3A_1147 = arith.cmpi slt, %add3A_1146, %shift_right_logical3A_645 : i32
        %convert_element_type3A_1148 = arith.extui %lt3A_1147 : i1 to i32
        %cond3A_1149 = arith.constant 0 : i32
        %cond3A_1150 = arith.cmpi ne, %convert_element_type3A_1148, %cond3A_1149 : i32
        scf.if %cond3A_1150 {
          %add3A_1151 = arith.constant 2 : i32
          %add3A_1152 = arith.addi %add3A_1116, %add3A_1151 : i32
          %mul3A_1153 = arith.constant 64 : i32
          %mul3A_1154 = arith.muli %add3A_1152, %mul3A_1153 : i32
          %dma_start3A = arith.constant 128 : i32
          %dma_start3A_1155 = arith.constant 0 : i32
          %dma_start3A_1156 = tpu.memref_slice %arg27[%dma_start3A, %dma_start3A_1155] : memref<192x128xf32, #tpu.memory_space<vmem>> -> memref<64x128xf32, #tpu.memory_space<vmem>>
          %dma_start3A_1157 = tpu.memref_slice %arg24[%mul3A_1154] : memref<6464xi32, #tpu.memory_space<vmem>> -> memref<64xi32, #tpu.memory_space<vmem>>
          %dma_start3A_1158 = arith.constant 0 : i32
          %dma_start3A_1159 = arith.constant 0 : i32
          %dma_start3A_1160 = tpu.memref_slice %arg2[%dma_start3A_1158, %dma_start3A_1159] : memref<10000x128xf32, #tpu.memory_space<hbm>> -> memref<10000x128xf32, #tpu.memory_space<hbm>>
          tpu.enqueue_indirect_dma source(%dma_start3A_1160 : memref<10000x128xf32, #tpu.memory_space<hbm>>) target(%dma_start3A_1156 : memref<64x128xf32, #tpu.memory_space<vmem>>) offsets(%dma_start3A_1157 : memref<64xi32, #tpu.memory_space<vmem>>) semaphore(%arg35 : memref<!tpu.dma_semaphore, #tpu.memory_space<semaphore_mem>>)
        } else {
        }
      } else {
      }
      %mul3A_1121 = arith.constant 3 : i32
      %mul3A_1122 = arith.muli %mul3A_1121, %while3A_1112 : i32
      %add3A_1123 = arith.constant 1 : i32
      %add3A_1124 = arith.addi %mul3A_1122, %add3A_1123 : i32
      %lt3A_1125 = arith.cmpi slt, %add3A_1124, %shift_right_logical3A_645 : i32
      %convert_element_type3A_1126 = arith.extui %lt3A_1125 : i1 to i32
      %cond3A_1127 = arith.constant 0 : i32
      %cond3A_1128 = arith.cmpi ne, %convert_element_type3A_1126, %cond3A_1127 : i32
      scf.if %cond3A_1128 {
        %mul3A_1137 = arith.constant 64 : i32
        %mul3A_1138 = arith.muli %add3A_1124, %mul3A_1137 : i32
        %dma_wait3A = arith.constant 64 : i32
        %dma_wait3A_1139 = arith.constant 0 : i32
        %dma_wait3A_1140 = tpu.memref_slice %arg27[%dma_wait3A, %dma_wait3A_1139] : memref<192x128xf32, #tpu.memory_space<vmem>> -> memref<64x128xf32, #tpu.memory_space<vmem>>
        %dma_wait3A_1141 = tpu.memref_slice %arg24[%mul3A_1138] : memref<6464xi32, #tpu.memory_space<vmem>> -> memref<64xi32, #tpu.memory_space<vmem>>
        %dma_wait3A_1142 = arith.constant 0 : i32
        %dma_wait3A_1143 = arith.constant 0 : i32
        %dma_wait3A_1144 = tpu.memref_slice %arg2[%dma_wait3A_1142, %dma_wait3A_1143] : memref<10000x128xf32, #tpu.memory_space<hbm>> -> memref<10000x128xf32, #tpu.memory_space<hbm>>
        tpu.wait_indirect_dma semaphore(%arg33 : memref<!tpu.dma_semaphore, #tpu.memory_space<semaphore_mem>>) src(%dma_wait3A_1144 : memref<10000x128xf32, #tpu.memory_space<hbm>>) dst(%dma_wait3A_1140 : memref<64x128xf32, #tpu.memory_space<vmem>>)
        %add3A_1145 = arith.constant 2 : i32
        %add3A_1146 = arith.addi %add3A_1124, %add3A_1145 : i32
        %lt3A_1147 = arith.cmpi slt, %add3A_1146, %shift_right_logical3A_645 : i32
        %convert_element_type3A_1148 = arith.extui %lt3A_1147 : i1 to i32
        %cond3A_1149 = arith.constant 0 : i32
        %cond3A_1150 = arith.cmpi ne, %convert_element_type3A_1148, %cond3A_1149 : i32
        scf.if %cond3A_1150 {
          %add3A_1151 = arith.constant 2 : i32
          %add3A_1152 = arith.addi %add3A_1124, %add3A_1151 : i32
          %mul3A_1153 = arith.constant 64 : i32
          %mul3A_1154 = arith.muli %add3A_1152, %mul3A_1153 : i32
          %dma_start3A = arith.constant 0 : i32
          %dma_start3A_1155 = arith.constant 0 : i32
          %dma_start3A_1156 = tpu.memref_slice %arg27[%dma_start3A, %dma_start3A_1155] : memref<192x128xf32, #tpu.memory_space<vmem>> -> memref<64x128xf32, #tpu.memory_space<vmem>>
          %dma_start3A_1157 = tpu.memref_slice %arg24[%mul3A_1154] : memref<6464xi32, #tpu.memory_space<vmem>> -> memref<64xi32, #tpu.memory_space<vmem>>
          %dma_start3A_1158 = arith.constant 0 : i32
          %dma_start3A_1159 = arith.constant 0 : i32
          %dma_start3A_1160 = tpu.memref_slice %arg2[%dma_start3A_1158, %dma_start3A_1159] : memref<10000x128xf32, #tpu.memory_space<hbm>> -> memref<10000x128xf32, #tpu.memory_space<hbm>>
          tpu.enqueue_indirect_dma source(%dma_start3A_1160 : memref<10000x128xf32, #tpu.memory_space<hbm>>) target(%dma_start3A_1156 : memref<64x128xf32, #tpu.memory_space<vmem>>) offsets(%dma_start3A_1157 : memref<64xi32, #tpu.memory_space<vmem>>) semaphore(%arg32 : memref<!tpu.dma_semaphore, #tpu.memory_space<semaphore_mem>>)
        } else {
        }
      } else {
      }
      %mul3A_1129 = arith.constant 3 : i32
      %mul3A_1130 = arith.muli %mul3A_1129, %while3A_1112 : i32
      %add3A_1131 = arith.constant 2 : i32
      %add3A_1132 = arith.addi %mul3A_1130, %add3A_1131 : i32
      %lt3A_1133 = arith.cmpi slt, %add3A_1132, %shift_right_logical3A_645 : i32
      %convert_element_type3A_1134 = arith.extui %lt3A_1133 : i1 to i32
      %cond3A_1135 = arith.constant 0 : i32
      %cond3A_1136 = arith.cmpi ne, %convert_element_type3A_1134, %cond3A_1135 : i32
      scf.if %cond3A_1136 {
        %mul3A_1137 = arith.constant 64 : i32
        %mul3A_1138 = arith.muli %add3A_1132, %mul3A_1137 : i32
        %dma_wait3A = arith.constant 128 : i32
        %dma_wait3A_1139 = arith.constant 0 : i32
        %dma_wait3A_1140 = tpu.memref_slice %arg27[%dma_wait3A, %dma_wait3A_1139] : memref<192x128xf32, #tpu.memory_space<vmem>> -> memref<64x128xf32, #tpu.memory_space<vmem>>
        %dma_wait3A_1141 = tpu.memref_slice %arg24[%mul3A_1138] : memref<6464xi32, #tpu.memory_space<vmem>> -> memref<64xi32, #tpu.memory_space<vmem>>
        %dma_wait3A_1142 = arith.constant 0 : i32
        %dma_wait3A_1143 = arith.constant 0 : i32
        %dma_wait3A_1144 = tpu.memref_slice %arg2[%dma_wait3A_1142, %dma_wait3A_1143] : memref<10000x128xf32, #tpu.memory_space<hbm>> -> memref<10000x128xf32, #tpu.memory_space<hbm>>
        tpu.wait_indirect_dma semaphore(%arg35 : memref<!tpu.dma_semaphore, #tpu.memory_space<semaphore_mem>>) src(%dma_wait3A_1144 : memref<10000x128xf32, #tpu.memory_space<hbm>>) dst(%dma_wait3A_1140 : memref<64x128xf32, #tpu.memory_space<vmem>>)
        %add3A_1145 = arith.constant 2 : i32
        %add3A_1146 = arith.addi %add3A_1132, %add3A_1145 : i32
        %lt3A_1147 = arith.cmpi slt, %add3A_1146, %shift_right_logical3A_645 : i32
        %convert_element_type3A_1148 = arith.extui %lt3A_1147 : i1 to i32
        %cond3A_1149 = arith.constant 0 : i32
        %cond3A_1150 = arith.cmpi ne, %convert_element_type3A_1148, %cond3A_1149 : i32
        scf.if %cond3A_1150 {
          %add3A_1151 = arith.constant 2 : i32
          %add3A_1152 = arith.addi %add3A_1132, %add3A_1151 : i32
          %mul3A_1153 = arith.constant 64 : i32
          %mul3A_1154 = arith.muli %add3A_1152, %mul3A_1153 : i32
          %dma_start3A = arith.constant 64 : i32
          %dma_start3A_1155 = arith.constant 0 : i32
          %dma_start3A_1156 = tpu.memref_slice %arg27[%dma_start3A, %dma_start3A_1155] : memref<192x128xf32, #tpu.memory_space<vmem>> -> memref<64x128xf32, #tpu.memory_space<vmem>>
          %dma_start3A_1157 = tpu.memref_slice %arg24[%mul3A_1154] : memref<6464xi32, #tpu.memory_space<vmem>> -> memref<64xi32, #tpu.memory_space<vmem>>
          %dma_start3A_1158 = arith.constant 0 : i32
          %dma_start3A_1159 = arith.constant 0 : i32
          %dma_start3A_1160 = tpu.memref_slice %arg2[%dma_start3A_1158, %dma_start3A_1159] : memref<10000x128xf32, #tpu.memory_space<hbm>> -> memref<10000x128xf32, #tpu.memory_space<hbm>>
          tpu.enqueue_indirect_dma source(%dma_start3A_1160 : memref<10000x128xf32, #tpu.memory_space<hbm>>) target(%dma_start3A_1156 : memref<64x128xf32, #tpu.memory_space<vmem>>) offsets(%dma_start3A_1157 : memref<64xi32, #tpu.memory_space<vmem>>) semaphore(%arg33 : memref<!tpu.dma_semaphore, #tpu.memory_space<semaphore_mem>>)
        } else {
        }
      } else {
      }
    }
    "tpu.trace_stop"() : () -> ()
    "tpu.trace_start"() <{level = 10 : i32, message = "bar2"}> : () -> ()
    %barrier3A_717 = arith.constant 0 : index
    tpu.barrier barrier_id(%barrier3A_717)
    %ge3A = arith.constant 8 : i32
    "tpu.trace_stop"() : () -> ()
    %ge3A_718 = arith.cmpi sge, %arg1, %ge3A : i32
    %convert_element_type3A_719 = arith.extui %ge3A_718 : i1 to i32
    %cond3A_720 = arith.constant 0 : i32
    %cond3A_721 = arith.cmpi ne, %convert_element_type3A_719, %cond3A_720 : i32
    scf.if %cond3A_721 {
      %sub3A_1112 = arith.constant 8 : i32
      %sub3A_1113 = arith.subi %arg1, %sub3A_1112 : i32
      %mul3A_1114 = arith.constant 5120 : i32
      %mul3A_1115 = arith.muli %sub3A_1113, %mul3A_1114 : i32
      "tpu.region"() ({
        %run_scoped3A_1126 = tpu.sem_alloc : memref<!tpu.dma_semaphore, #tpu.memory_space<semaphore_mem>>
        %dma_start3A = arith.constant 0 : i32
        %dma_start3A_1127 = tpu.memref_slice %arg26[%dma_start3A] : memref<6464xf32, #tpu.memory_space<vmem>> -> memref<5120xf32, #tpu.memory_space<vmem>>
        %dma_start3A_1128 = tpu.memref_slice %arg31[%mul3A_1115] : memref<40960xf32, #tpu.memory_space<vmem_shared>> -> memref<5120xf32, #tpu.memory_space<vmem_shared>>
        %dma_start3A_1129 = arith.constant 0 : i32
        %dma_start3A_1130 = tpu.memref_slice %arg26[%dma_start3A_1129] : memref<6464xf32, #tpu.memory_space<vmem>> -> memref<5120xf32, #tpu.memory_space<vmem>>
        %dma_start3A_1131 = tpu.memref_slice %arg31[%mul3A_1115] : memref<40960xf32, #tpu.memory_space<vmem_shared>> -> memref<5120xf32, #tpu.memory_space<vmem_shared>>
        tpu.enqueue_dma source(%dma_start3A_1131 : memref<5120xf32, #tpu.memory_space<vmem_shared>>) target(%dma_start3A_1130 : memref<5120xf32, #tpu.memory_space<vmem>>) target_semaphore(%run_scoped3A_1126 : memref<!tpu.dma_semaphore, #tpu.memory_space<semaphore_mem>>)
        %dma_wait3A = arith.constant 0 : i32
        %dma_wait3A_1132 = tpu.memref_slice %arg26[%dma_wait3A] : memref<6464xf32, #tpu.memory_space<vmem>> -> memref<5120xf32, #tpu.memory_space<vmem>>
        %dma_wait3A_1133 = tpu.memref_slice %arg31[%mul3A_1115] : memref<40960xf32, #tpu.memory_space<vmem_shared>> -> memref<5120xf32, #tpu.memory_space<vmem_shared>>
        %dma_wait3A_1134 = arith.constant 0 : i32
        %dma_wait3A_1135 = tpu.memref_slice %arg26[%dma_wait3A_1134] : memref<6464xf32, #tpu.memory_space<vmem>> -> memref<5120xf32, #tpu.memory_space<vmem>>
        %dma_wait3A_1136 = tpu.memref_slice %arg31[%mul3A_1115] : memref<40960xf32, #tpu.memory_space<vmem_shared>> -> memref<5120xf32, #tpu.memory_space<vmem_shared>>
        tpu.wait_dma2 semaphore(%run_scoped3A_1126 : memref<!tpu.dma_semaphore, #tpu.memory_space<semaphore_mem>>) src(%dma_wait3A_1136 : memref<5120xf32, #tpu.memory_space<vmem_shared>>) dst(%dma_wait3A_1135 : memref<5120xf32, #tpu.memory_space<vmem>>)
        tpu.yield
      }) : () -> ()
      %scan3A_1116 = arith.constant 0 : i32
      %scan3A_1117 = arith.constant 0 : i32
      %scan3A_1118 = arith.constant 320 : i32
      %scan3A_1119 = arith.addi %scan3A_1117, %scan3A_1118 : i32
      %scan3A_1120 = arith.constant 1 : i32
      scf.for %scan3A_1126 = %scan3A_1117 to %scan3A_1119 step %scan3A_1120  : i32 {
        %mul3A_1127 = arith.constant 16 : i32
        %mul3A_1128 = arith.muli %scan3A_1126, %mul3A_1127 : i32
        %get3A = arith.index_cast %mul3A_1128 : i32 to index
        %get3A_1129 = tpu.vector_load %arg21[%get3A] {strides = array<i32>} : memref<5120xf32, #tpu.memory_space<vmem>>, vector<16xf32>,
        %get3A_1130 = arith.index_cast %mul3A_1128 : i32 to index
        %get3A_1131 = tpu.vector_load %arg26[%get3A_1130] {strides = array<i32>} : memref<6464xf32, #tpu.memory_space<vmem>>, vector<16xf32>,
        %add3A_1132 = arith.addf %get3A_1129, %get3A_1131 : vector<16xf32>
        %swap3A_1133 = arith.index_cast %mul3A_1128 : i32 to index
        %swap3A_1134 = tpu.vector_load %arg21[%swap3A_1133] {strides = array<i32>} : memref<5120xf32, #tpu.memory_space<vmem>>, vector<16xf32>,
        tpu.vector_store %arg21[%swap3A_1133], %add3A_1132 {strides = array<i32>} : memref<5120xf32, #tpu.memory_space<vmem>>, vector<16xf32>,
      }
      %scan3A_1121 = arith.constant 320 : i32
      %sub3A_1122 = arith.constant 8 : i32
      %sub3A_1123 = arith.subi %arg1, %sub3A_1122 : i32
      %mul3A_1124 = arith.constant 5120 : i32
      %mul3A_1125 = arith.muli %sub3A_1123, %mul3A_1124 : i32
      "tpu.region"() ({
        %run_scoped3A_1126 = tpu.sem_alloc : memref<!tpu.dma_semaphore, #tpu.memory_space<semaphore_mem>>
        %dma_start3A = tpu.memref_slice %arg31[%mul3A_1125] : memref<40960xf32, #tpu.memory_space<vmem_shared>> -> memref<5120xf32, #tpu.memory_space<vmem_shared>>
        %dma_start3A_1127 = tpu.memref_slice %arg31[%mul3A_1125] : memref<40960xf32, #tpu.memory_space<vmem_shared>> -> memref<5120xf32, #tpu.memory_space<vmem_shared>>
        tpu.enqueue_dma source(%arg21 : memref<5120xf32, #tpu.memory_space<vmem>>) target(%dma_start3A_1127 : memref<5120xf32, #tpu.memory_space<vmem_shared>>) target_semaphore(%run_scoped3A_1126 : memref<!tpu.dma_semaphore, #tpu.memory_space<semaphore_mem>>)
        %dma_wait3A = tpu.memref_slice %arg31[%mul3A_1125] : memref<40960xf32, #tpu.memory_space<vmem_shared>> -> memref<5120xf32, #tpu.memory_space<vmem_shared>>
        %dma_wait3A_1128 = tpu.memref_slice %arg31[%mul3A_1125] : memref<40960xf32, #tpu.memory_space<vmem_shared>> -> memref<5120xf32, #tpu.memory_space<vmem_shared>>
        tpu.wait_dma2 semaphore(%run_scoped3A_1126 : memref<!tpu.dma_semaphore, #tpu.memory_space<semaphore_mem>>) src(%arg21 : memref<5120xf32, #tpu.memory_space<vmem>>) dst(%dma_wait3A_1128 : memref<5120xf32, #tpu.memory_space<vmem_shared>>)
        tpu.yield
      }) : () -> ()
    } else {
    }
    "tpu.trace_start"() <{level = 10 : i32, message = "bar3"}> : () -> ()
    %barrier3A_722 = arith.constant 0 : index
    tpu.barrier barrier_id(%barrier3A_722)
    "tpu.trace_stop"() : () -> ()
    %add3A_723 = arith.constant 0 : i32
    %add3A_724 = arith.addi %add3A_723, %mul3A_576 : i32
    "tpu.region"() ({
      %run_scoped3A_1112 = tpu.sem_alloc : memref<!tpu.dma_semaphore, #tpu.memory_space<semaphore_mem>>
      %dma_start3A = arith.constant 0 : i32
      %dma_start3A_1113 = tpu.memref_slice %arg26[%dma_start3A] : memref<6464xf32, #tpu.memory_space<vmem>> -> memref<320xf32, #tpu.memory_space<vmem>>
      %dma_start3A_1114 = tpu.memref_slice %arg31[%add3A_724] : memref<40960xf32, #tpu.memory_space<vmem_shared>> -> memref<320xf32, #tpu.memory_space<vmem_shared>>
      %dma_start3A_1115 = arith.constant 0 : i32
      %dma_start3A_1116 = tpu.memref_slice %arg26[%dma_start3A_1115] : memref<6464xf32, #tpu.memory_space<vmem>> -> memref<320xf32, #tpu.memory_space<vmem>>
      %dma_start3A_1117 = tpu.memref_slice %arg31[%add3A_724] : memref<40960xf32, #tpu.memory_space<vmem_shared>> -> memref<320xf32, #tpu.memory_space<vmem_shared>>
      tpu.enqueue_dma source(%dma_start3A_1117 : memref<320xf32, #tpu.memory_space<vmem_shared>>) target(%dma_start3A_1116 : memref<320xf32, #tpu.memory_space<vmem>>) target_semaphore(%run_scoped3A_1112 : memref<!tpu.dma_semaphore, #tpu.memory_space<semaphore_mem>>)
      %dma_wait3A = arith.constant 0 : i32
      %dma_wait3A_1118 = tpu.memref_slice %arg26[%dma_wait3A] : memref<6464xf32, #tpu.memory_space<vmem>> -> memref<320xf32, #tpu.memory_space<vmem>>
      %dma_wait3A_1119 = tpu.memref_slice %arg31[%add3A_724] : memref<40960xf32, #tpu.memory_space<vmem_shared>> -> memref<320xf32, #tpu.memory_space<vmem_shared>>
      %dma_wait3A_1120 = arith.constant 0 : i32
      %dma_wait3A_1121 = tpu.memref_slice %arg26[%dma_wait3A_1120] : memref<6464xf32, #tpu.memory_space<vmem>> -> memref<320xf32, #tpu.memory_space<vmem>>
      %dma_wait3A_1122 = tpu.memref_slice %arg31[%add3A_724] : memref<40960xf32, #tpu.memory_space<vmem_shared>> -> memref<320xf32, #tpu.memory_space<vmem_shared>>
      tpu.wait_dma2 semaphore(%run_scoped3A_1112 : memref<!tpu.dma_semaphore, #tpu.memory_space<semaphore_mem>>) src(%dma_wait3A_1122 : memref<320xf32, #tpu.memory_space<vmem_shared>>) dst(%dma_wait3A_1121 : memref<320xf32, #tpu.memory_space<vmem>>)
      tpu.yield
    }) : () -> ()
    %add3A_725 = arith.constant 5120 : i32
    %add3A_726 = arith.addi %add3A_725, %mul3A_576 : i32
    "tpu.region"() ({
      %run_scoped3A_1112 = tpu.sem_alloc : memref<!tpu.dma_semaphore, #tpu.memory_space<semaphore_mem>>
      %dma_start3A = arith.constant 320 : i32
      %dma_start3A_1113 = tpu.memref_slice %arg26[%dma_start3A] : memref<6464xf32, #tpu.memory_space<vmem>> -> memref<320xf32, #tpu.memory_space<vmem>>
      %dma_start3A_1114 = tpu.memref_slice %arg31[%add3A_726] : memref<40960xf32, #tpu.memory_space<vmem_shared>> -> memref<320xf32, #tpu.memory_space<vmem_shared>>
      %dma_start3A_1115 = arith.constant 320 : i32
      %dma_start3A_1116 = tpu.memref_slice %arg26[%dma_start3A_1115] : memref<6464xf32, #tpu.memory_space<vmem>> -> memref<320xf32, #tpu.memory_space<vmem>>
      %dma_start3A_1117 = tpu.memref_slice %arg31[%add3A_726] : memref<40960xf32, #tpu.memory_space<vmem_shared>> -> memref<320xf32, #tpu.memory_space<vmem_shared>>
      tpu.enqueue_dma source(%dma_start3A_1117 : memref<320xf32, #tpu.memory_space<vmem_shared>>) target(%dma_start3A_1116 : memref<320xf32, #tpu.memory_space<vmem>>) target_semaphore(%run_scoped3A_1112 : memref<!tpu.dma_semaphore, #tpu.memory_space<semaphore_mem>>)
      %dma_wait3A = arith.constant 320 : i32
      %dma_wait3A_1118 = tpu.memref_slice %arg26[%dma_wait3A] : memref<6464xf32, #tpu.memory_space<vmem>> -> memref<320xf32, #tpu.memory_space<vmem>>
      %dma_wait3A_1119 = tpu.memref_slice %arg31[%add3A_726] : memref<40960xf32, #tpu.memory_space<vmem_shared>> -> memref<320xf32, #tpu.memory_space<vmem_shared>>
      %dma_wait3A_1120 = arith.constant 320 : i32
      %dma_wait3A_1121 = tpu.memref_slice %arg26[%dma_wait3A_1120] : memref<6464xf32, #tpu.memory_space<vmem>> -> memref<320xf32, #tpu.memory_space<vmem>>
      %dma_wait3A_1122 = tpu.memref_slice %arg31[%add3A_726] : memref<40960xf32, #tpu.memory_space<vmem_shared>> -> memref<320xf32, #tpu.memory_space<vmem_shared>>
      tpu.wait_dma2 semaphore(%run_scoped3A_1112 : memref<!tpu.dma_semaphore, #tpu.memory_space<semaphore_mem>>) src(%dma_wait3A_1122 : memref<320xf32, #tpu.memory_space<vmem_shared>>) dst(%dma_wait3A_1121 : memref<320xf32, #tpu.memory_space<vmem>>)
      tpu.yield
    }) : () -> ()
    %add3A_727 = arith.constant 10240 : i32
    %add3A_728 = arith.addi %add3A_727, %mul3A_576 : i32
    "tpu.region"() ({
      %run_scoped3A_1112 = tpu.sem_alloc : memref<!tpu.dma_semaphore, #tpu.memory_space<semaphore_mem>>
      %dma_start3A = arith.constant 640 : i32
      %dma_start3A_1113 = tpu.memref_slice %arg26[%dma_start3A] : memref<6464xf32, #tpu.memory_space<vmem>> -> memref<320xf32, #tpu.memory_space<vmem>>
      %dma_start3A_1114 = tpu.memref_slice %arg31[%add3A_728] : memref<40960xf32, #tpu.memory_space<vmem_shared>> -> memref<320xf32, #tpu.memory_space<vmem_shared>>
      %dma_start3A_1115 = arith.constant 640 : i32
      %dma_start3A_1116 = tpu.memref_slice %arg26[%dma_start3A_1115] : memref<6464xf32, #tpu.memory_space<vmem>> -> memref<320xf32, #tpu.memory_space<vmem>>
      %dma_start3A_1117 = tpu.memref_slice %arg31[%add3A_728] : memref<40960xf32, #tpu.memory_space<vmem_shared>> -> memref<320xf32, #tpu.memory_space<vmem_shared>>
      tpu.enqueue_dma source(%dma_start3A_1117 : memref<320xf32, #tpu.memory_space<vmem_shared>>) target(%dma_start3A_1116 : memref<320xf32, #tpu.memory_space<vmem>>) target_semaphore(%run_scoped3A_1112 : memref<!tpu.dma_semaphore, #tpu.memory_space<semaphore_mem>>)
      %dma_wait3A = arith.constant 640 : i32
      %dma_wait3A_1118 = tpu.memref_slice %arg26[%dma_wait3A] : memref<6464xf32, #tpu.memory_space<vmem>> -> memref<320xf32, #tpu.memory_space<vmem>>
      %dma_wait3A_1119 = tpu.memref_slice %arg31[%add3A_728] : memref<40960xf32, #tpu.memory_space<vmem_shared>> -> memref<320xf32, #tpu.memory_space<vmem_shared>>
      %dma_wait3A_1120 = arith.constant 640 : i32
      %dma_wait3A_1121 = tpu.memref_slice %arg26[%dma_wait3A_1120] : memref<6464xf32, #tpu.memory_space<vmem>> -> memref<320xf32, #tpu.memory_space<vmem>>
      %dma_wait3A_1122 = tpu.memref_slice %arg31[%add3A_728] : memref<40960xf32, #tpu.memory_space<vmem_shared>> -> memref<320xf32, #tpu.memory_space<vmem_shared>>
      tpu.wait_dma2 semaphore(%run_scoped3A_1112 : memref<!tpu.dma_semaphore, #tpu.memory_space<semaphore_mem>>) src(%dma_wait3A_1122 : memref<320xf32, #tpu.memory_space<vmem_shared>>) dst(%dma_wait3A_1121 : memref<320xf32, #tpu.memory_space<vmem>>)
      tpu.yield
    }) : () -> ()
    %add3A_729 = arith.constant 15360 : i32
    %add3A_730 = arith.addi %add3A_729, %mul3A_576 : i32
    "tpu.region"() ({
      %run_scoped3A_1112 = tpu.sem_alloc : memref<!tpu.dma_semaphore, #tpu.memory_space<semaphore_mem>>
      %dma_start3A = arith.constant 960 : i32
      %dma_start3A_1113 = tpu.memref_slice %arg26[%dma_start3A] : memref<6464xf32, #tpu.memory_space<vmem>> -> memref<320xf32, #tpu.memory_space<vmem>>
      %dma_start3A_1114 = tpu.memref_slice %arg31[%add3A_730] : memref<40960xf32, #tpu.memory_space<vmem_shared>> -> memref<320xf32, #tpu.memory_space<vmem_shared>>
      %dma_start3A_1115 = arith.constant 960 : i32
      %dma_start3A_1116 = tpu.memref_slice %arg26[%dma_start3A_1115] : memref<6464xf32, #tpu.memory_space<vmem>> -> memref<320xf32, #tpu.memory_space<vmem>>
      %dma_start3A_1117 = tpu.memref_slice %arg31[%add3A_730] : memref<40960xf32, #tpu.memory_space<vmem_shared>> -> memref<320xf32, #tpu.memory_space<vmem_shared>>
      tpu.enqueue_dma source(%dma_start3A_1117 : memref<320xf32, #tpu.memory_space<vmem_shared>>) target(%dma_start3A_1116 : memref<320xf32, #tpu.memory_space<vmem>>) target_semaphore(%run_scoped3A_1112 : memref<!tpu.dma_semaphore, #tpu.memory_space<semaphore_mem>>)
      %dma_wait3A = arith.constant 960 : i32
      %dma_wait3A_1118 = tpu.memref_slice %arg26[%dma_wait3A] : memref<6464xf32, #tpu.memory_space<vmem>> -> memref<320xf32, #tpu.memory_space<vmem>>
      %dma_wait3A_1119 = tpu.memref_slice %arg31[%add3A_730] : memref<40960xf32, #tpu.memory_space<vmem_shared>> -> memref<320xf32, #tpu.memory_space<vmem_shared>>
      %dma_wait3A_1120 = arith.constant 960 : i32
      %dma_wait3A_1121 = tpu.memref_slice %arg26[%dma_wait3A_1120] : memref<6464xf32, #tpu.memory_space<vmem>> -> memref<320xf32, #tpu.memory_space<vmem>>
      %dma_wait3A_1122 = tpu.memref_slice %arg31[%add3A_730] : memref<40960xf32, #tpu.memory_space<vmem_shared>> -> memref<320xf32, #tpu.memory_space<vmem_shared>>
      tpu.wait_dma2 semaphore(%run_scoped3A_1112 : memref<!tpu.dma_semaphore, #tpu.memory_space<semaphore_mem>>) src(%dma_wait3A_1122 : memref<320xf32, #tpu.memory_space<vmem_shared>>) dst(%dma_wait3A_1121 : memref<320xf32, #tpu.memory_space<vmem>>)
      tpu.yield
    }) : () -> ()
    %add3A_731 = arith.constant 20480 : i32
    %add3A_732 = arith.addi %add3A_731, %mul3A_576 : i32
    "tpu.region"() ({
      %run_scoped3A_1112 = tpu.sem_alloc : memref<!tpu.dma_semaphore, #tpu.memory_space<semaphore_mem>>
      %dma_start3A = arith.constant 1280 : i32
      %dma_start3A_1113 = tpu.memref_slice %arg26[%dma_start3A] : memref<6464xf32, #tpu.memory_space<vmem>> -> memref<320xf32, #tpu.memory_space<vmem>>
      %dma_start3A_1114 = tpu.memref_slice %arg31[%add3A_732] : memref<40960xf32, #tpu.memory_space<vmem_shared>> -> memref<320xf32, #tpu.memory_space<vmem_shared>>
      %dma_start3A_1115 = arith.constant 1280 : i32
      %dma_start3A_1116 = tpu.memref_slice %arg26[%dma_start3A_1115] : memref<6464xf32, #tpu.memory_space<vmem>> -> memref<320xf32, #tpu.memory_space<vmem>>
      %dma_start3A_1117 = tpu.memref_slice %arg31[%add3A_732] : memref<40960xf32, #tpu.memory_space<vmem_shared>> -> memref<320xf32, #tpu.memory_space<vmem_shared>>
      tpu.enqueue_dma source(%dma_start3A_1117 : memref<320xf32, #tpu.memory_space<vmem_shared>>) target(%dma_start3A_1116 : memref<320xf32, #tpu.memory_space<vmem>>) target_semaphore(%run_scoped3A_1112 : memref<!tpu.dma_semaphore, #tpu.memory_space<semaphore_mem>>)
      %dma_wait3A = arith.constant 1280 : i32
      %dma_wait3A_1118 = tpu.memref_slice %arg26[%dma_wait3A] : memref<6464xf32, #tpu.memory_space<vmem>> -> memref<320xf32, #tpu.memory_space<vmem>>
      %dma_wait3A_1119 = tpu.memref_slice %arg31[%add3A_732] : memref<40960xf32, #tpu.memory_space<vmem_shared>> -> memref<320xf32, #tpu.memory_space<vmem_shared>>
      %dma_wait3A_1120 = arith.constant 1280 : i32
      %dma_wait3A_1121 = tpu.memref_slice %arg26[%dma_wait3A_1120] : memref<6464xf32, #tpu.memory_space<vmem>> -> memref<320xf32, #tpu.memory_space<vmem>>
      %dma_wait3A_1122 = tpu.memref_slice %arg31[%add3A_732] : memref<40960xf32, #tpu.memory_space<vmem_shared>> -> memref<320xf32, #tpu.memory_space<vmem_shared>>
      tpu.wait_dma2 semaphore(%run_scoped3A_1112 : memref<!tpu.dma_semaphore, #tpu.memory_space<semaphore_mem>>) src(%dma_wait3A_1122 : memref<320xf32, #tpu.memory_space<vmem_shared>>) dst(%dma_wait3A_1121 : memref<320xf32, #tpu.memory_space<vmem>>)
      tpu.yield
    }) : () -> ()
    %add3A_733 = arith.constant 25600 : i32
    %add3A_734 = arith.addi %add3A_733, %mul3A_576 : i32
    "tpu.region"() ({
      %run_scoped3A_1112 = tpu.sem_alloc : memref<!tpu.dma_semaphore, #tpu.memory_space<semaphore_mem>>
      %dma_start3A = arith.constant 1600 : i32
      %dma_start3A_1113 = tpu.memref_slice %arg26[%dma_start3A] : memref<6464xf32, #tpu.memory_space<vmem>> -> memref<320xf32, #tpu.memory_space<vmem>>
      %dma_start3A_1114 = tpu.memref_slice %arg31[%add3A_734] : memref<40960xf32, #tpu.memory_space<vmem_shared>> -> memref<320xf32, #tpu.memory_space<vmem_shared>>
      %dma_start3A_1115 = arith.constant 1600 : i32
      %dma_start3A_1116 = tpu.memref_slice %arg26[%dma_start3A_1115] : memref<6464xf32, #tpu.memory_space<vmem>> -> memref<320xf32, #tpu.memory_space<vmem>>
      %dma_start3A_1117 = tpu.memref_slice %arg31[%add3A_734] : memref<40960xf32, #tpu.memory_space<vmem_shared>> -> memref<320xf32, #tpu.memory_space<vmem_shared>>
      tpu.enqueue_dma source(%dma_start3A_1117 : memref<320xf32, #tpu.memory_space<vmem_shared>>) target(%dma_start3A_1116 : memref<320xf32, #tpu.memory_space<vmem>>) target_semaphore(%run_scoped3A_1112 : memref<!tpu.dma_semaphore, #tpu.memory_space<semaphore_mem>>)
      %dma_wait3A = arith.constant 1600 : i32
      %dma_wait3A_1118 = tpu.memref_slice %arg26[%dma_wait3A] : memref<6464xf32, #tpu.memory_space<vmem>> -> memref<320xf32, #tpu.memory_space<vmem>>
      %dma_wait3A_1119 = tpu.memref_slice %arg31[%add3A_734] : memref<40960xf32, #tpu.memory_space<vmem_shared>> -> memref<320xf32, #tpu.memory_space<vmem_shared>>
      %dma_wait3A_1120 = arith.constant 1600 : i32
      %dma_wait3A_1121 = tpu.memref_slice %arg26[%dma_wait3A_1120] : memref<6464xf32, #tpu.memory_space<vmem>> -> memref<320xf32, #tpu.memory_space<vmem>>
      %dma_wait3A_1122 = tpu.memref_slice %arg31[%add3A_734] : memref<40960xf32, #tpu.memory_space<vmem_shared>> -> memref<320xf32, #tpu.memory_space<vmem_shared>>
      tpu.wait_dma2 semaphore(%run_scoped3A_1112 : memref<!tpu.dma_semaphore, #tpu.memory_space<semaphore_mem>>) src(%dma_wait3A_1122 : memref<320xf32, #tpu.memory_space<vmem_shared>>) dst(%dma_wait3A_1121 : memref<320xf32, #tpu.memory_space<vmem>>)
      tpu.yield
    }) : () -> ()
    %add3A_735 = arith.constant 30720 : i32
    %add3A_736 = arith.addi %add3A_735, %mul3A_576 : i32
    "tpu.region"() ({
      %run_scoped3A_1112 = tpu.sem_alloc : memref<!tpu.dma_semaphore, #tpu.memory_space<semaphore_mem>>
      %dma_start3A = arith.constant 1920 : i32
      %dma_start3A_1113 = tpu.memref_slice %arg26[%dma_start3A] : memref<6464xf32, #tpu.memory_space<vmem>> -> memref<320xf32, #tpu.memory_space<vmem>>
      %dma_start3A_1114 = tpu.memref_slice %arg31[%add3A_736] : memref<40960xf32, #tpu.memory_space<vmem_shared>> -> memref<320xf32, #tpu.memory_space<vmem_shared>>
      %dma_start3A_1115 = arith.constant 1920 : i32
      %dma_start3A_1116 = tpu.memref_slice %arg26[%dma_start3A_1115] : memref<6464xf32, #tpu.memory_space<vmem>> -> memref<320xf32, #tpu.memory_space<vmem>>
      %dma_start3A_1117 = tpu.memref_slice %arg31[%add3A_736] : memref<40960xf32, #tpu.memory_space<vmem_shared>> -> memref<320xf32, #tpu.memory_space<vmem_shared>>
      tpu.enqueue_dma source(%dma_start3A_1117 : memref<320xf32, #tpu.memory_space<vmem_shared>>) target(%dma_start3A_1116 : memref<320xf32, #tpu.memory_space<vmem>>) target_semaphore(%run_scoped3A_1112 : memref<!tpu.dma_semaphore, #tpu.memory_space<semaphore_mem>>)
      %dma_wait3A = arith.constant 1920 : i32
      %dma_wait3A_1118 = tpu.memref_slice %arg26[%dma_wait3A] : memref<6464xf32, #tpu.memory_space<vmem>> -> memref<320xf32, #tpu.memory_space<vmem>>
      %dma_wait3A_1119 = tpu.memref_slice %arg31[%add3A_736] : memref<40960xf32, #tpu.memory_space<vmem_shared>> -> memref<320xf32, #tpu.memory_space<vmem_shared>>
      %dma_wait3A_1120 = arith.constant 1920 : i32
      %dma_wait3A_1121 = tpu.memref_slice %arg26[%dma_wait3A_1120] : memref<6464xf32, #tpu.memory_space<vmem>> -> memref<320xf32, #tpu.memory_space<vmem>>
      %dma_wait3A_1122 = tpu.memref_slice %arg31[%add3A_736] : memref<40960xf32, #tpu.memory_space<vmem_shared>> -> memref<320xf32, #tpu.memory_space<vmem_shared>>
      tpu.wait_dma2 semaphore(%run_scoped3A_1112 : memref<!tpu.dma_semaphore, #tpu.memory_space<semaphore_mem>>) src(%dma_wait3A_1122 : memref<320xf32, #tpu.memory_space<vmem_shared>>) dst(%dma_wait3A_1121 : memref<320xf32, #tpu.memory_space<vmem>>)
      tpu.yield
    }) : () -> ()
    %add3A_737 = arith.constant 35840 : i32
    %add3A_738 = arith.addi %add3A_737, %mul3A_576 : i32
    "tpu.region"() ({
      %run_scoped3A_1112 = tpu.sem_alloc : memref<!tpu.dma_semaphore, #tpu.memory_space<semaphore_mem>>
      %dma_start3A = arith.constant 2240 : i32
      %dma_start3A_1113 = tpu.memref_slice %arg26[%dma_start3A] : memref<6464xf32, #tpu.memory_space<vmem>> -> memref<320xf32, #tpu.memory_space<vmem>>
      %dma_start3A_1114 = tpu.memref_slice %arg31[%add3A_738] : memref<40960xf32, #tpu.memory_space<vmem_shared>> -> memref<320xf32, #tpu.memory_space<vmem_shared>>
      %dma_start3A_1115 = arith.constant 2240 : i32
      %dma_start3A_1116 = tpu.memref_slice %arg26[%dma_start3A_1115] : memref<6464xf32, #tpu.memory_space<vmem>> -> memref<320xf32, #tpu.memory_space<vmem>>
      %dma_start3A_1117 = tpu.memref_slice %arg31[%add3A_738] : memref<40960xf32, #tpu.memory_space<vmem_shared>> -> memref<320xf32, #tpu.memory_space<vmem_shared>>
      tpu.enqueue_dma source(%dma_start3A_1117 : memref<320xf32, #tpu.memory_space<vmem_shared>>) target(%dma_start3A_1116 : memref<320xf32, #tpu.memory_space<vmem>>) target_semaphore(%run_scoped3A_1112 : memref<!tpu.dma_semaphore, #tpu.memory_space<semaphore_mem>>)
      %dma_wait3A = arith.constant 2240 : i32
      %dma_wait3A_1118 = tpu.memref_slice %arg26[%dma_wait3A] : memref<6464xf32, #tpu.memory_space<vmem>> -> memref<320xf32, #tpu.memory_space<vmem>>
      %dma_wait3A_1119 = tpu.memref_slice %arg31[%add3A_738] : memref<40960xf32, #tpu.memory_space<vmem_shared>> -> memref<320xf32, #tpu.memory_space<vmem_shared>>
      %dma_wait3A_1120 = arith.constant 2240 : i32
      %dma_wait3A_1121 = tpu.memref_slice %arg26[%dma_wait3A_1120] : memref<6464xf32, #tpu.memory_space<vmem>> -> memref<320xf32, #tpu.memory_space<vmem>>
      %dma_wait3A_1122 = tpu.memref_slice %arg31[%add3A_738] : memref<40960xf32, #tpu.memory_space<vmem_shared>> -> memref<320xf32, #tpu.memory_space<vmem_shared>>
      tpu.wait_dma2 semaphore(%run_scoped3A_1112 : memref<!tpu.dma_semaphore, #tpu.memory_space<semaphore_mem>>) src(%dma_wait3A_1122 : memref<320xf32, #tpu.memory_space<vmem_shared>>) dst(%dma_wait3A_1121 : memref<320xf32, #tpu.memory_space<vmem>>)
      tpu.yield
    }) : () -> ()
    "tpu.trace_start"() <{level = 10 : i32, message = "p3_div"}> : () -> ()
    %scan3A_739 = arith.constant 0 : i32
    %scan3A_740 = arith.constant 0 : i32
    %scan3A_741 = arith.constant 20 : i32
    %scan3A_742 = arith.addi %scan3A_740, %scan3A_741 : i32
    %scan3A_743 = arith.constant 1 : i32
    scf.for %scan3A_1112 = %scan3A_740 to %scan3A_742 step %scan3A_743  : i32 {
      %mul3A_1113 = arith.constant 16 : i32
      %mul3A_1114 = arith.muli %scan3A_1112, %mul3A_1113 : i32
      %add3A_1115 = arith.addi %mul3A_3, %mul3A_576 : i32
      %add3A_1116 = arith.addi %add3A_1115, %mul3A_1114 : i32
      %lt3A_1117 = arith.constant 10000 : i32
      %lt3A_1118 = arith.cmpi slt, %add3A_1116, %lt3A_1117 : i32
      %convert_element_type3A_1119 = arith.extui %lt3A_1118 : i1 to i32
      %cond3A_1120 = arith.constant 0 : i32
      %cond3A_1121 = arith.cmpi ne, %convert_element_type3A_1119, %cond3A_1120 : i32
      scf.if %cond3A_1121 {
        %get3A = arith.index_cast %mul3A_1114 : i32 to index
        %get3A_1122 = tpu.vector_load %arg26[%get3A] {strides = array<i32>} : memref<6464xf32, #tpu.memory_space<vmem>>, vector<16xf32>,
        %add3A_1123 = arith.constant 320 : i32
        %add3A_1124 = arith.addi %add3A_1123, %mul3A_1114 : i32
        %get3A_1125 = arith.index_cast %add3A_1124 : i32 to index
        %get3A_1126 = tpu.vector_load %arg26[%get3A_1125] {strides = array<i32>} : memref<6464xf32, #tpu.memory_space<vmem>>, vector<16xf32>,
        %add3A_1127 = arith.addf %get3A_1122, %get3A_1126 : vector<16xf32>
        %add3A_1128 = arith.constant 640 : i32
        %add3A_1129 = arith.addi %add3A_1128, %mul3A_1114 : i32
        %get3A_1130 = arith.index_cast %add3A_1129 : i32 to index
        %get3A_1131 = tpu.vector_load %arg26[%get3A_1130] {strides = array<i32>} : memref<6464xf32, #tpu.memory_space<vmem>>, vector<16xf32>,
        %add3A_1132 = arith.addf %add3A_1127, %get3A_1131 : vector<16xf32>
        %add3A_1133 = arith.constant 960 : i32
        %add3A_1134 = arith.addi %add3A_1133, %mul3A_1114 : i32
        %get3A_1135 = arith.index_cast %add3A_1134 : i32 to index
        %get3A_1136 = tpu.vector_load %arg26[%get3A_1135] {strides = array<i32>} : memref<6464xf32, #tpu.memory_space<vmem>>, vector<16xf32>,
        %add3A_1137 = arith.addf %add3A_1132, %get3A_1136 : vector<16xf32>
        %add3A_1138 = arith.constant 1280 : i32
        %add3A_1139 = arith.addi %add3A_1138, %mul3A_1114 : i32
        %get3A_1140 = arith.index_cast %add3A_1139 : i32 to index
        %get3A_1141 = tpu.vector_load %arg26[%get3A_1140] {strides = array<i32>} : memref<6464xf32, #tpu.memory_space<vmem>>, vector<16xf32>,
        %add3A_1142 = arith.addf %add3A_1137, %get3A_1141 : vector<16xf32>
        %add3A_1143 = arith.constant 1600 : i32
        %add3A_1144 = arith.addi %add3A_1143, %mul3A_1114 : i32
        %get3A_1145 = arith.index_cast %add3A_1144 : i32 to index
        %get3A_1146 = tpu.vector_load %arg26[%get3A_1145] {strides = array<i32>} : memref<6464xf32, #tpu.memory_space<vmem>>, vector<16xf32>,
        %add3A_1147 = arith.addf %add3A_1142, %get3A_1146 : vector<16xf32>
        %add3A_1148 = arith.constant 1920 : i32
        %add3A_1149 = arith.addi %add3A_1148, %mul3A_1114 : i32
        %get3A_1150 = arith.index_cast %add3A_1149 : i32 to index
        %get3A_1151 = tpu.vector_load %arg26[%get3A_1150] {strides = array<i32>} : memref<6464xf32, #tpu.memory_space<vmem>>, vector<16xf32>,
        %add3A_1152 = arith.addf %add3A_1147, %get3A_1151 : vector<16xf32>
        %add3A_1153 = arith.constant 2240 : i32
        %add3A_1154 = arith.addi %add3A_1153, %mul3A_1114 : i32
        %get3A_1155 = arith.index_cast %add3A_1154 : i32 to index
        %get3A_1156 = tpu.vector_load %arg26[%get3A_1155] {strides = array<i32>} : memref<6464xf32, #tpu.memory_space<vmem>>, vector<16xf32>,
        %add3A_1157 = arith.addf %add3A_1152, %get3A_1156 : vector<16xf32>
        %gt3A_1158 = arith.constant 0.000000e+00 : f32
        %gt3A_1159 = vector.broadcast %gt3A_1158 : f32 to vector<16xf32>
        %gt3A_1160 = arith.cmpf ogt, %add3A_1157, %gt3A_1159 : vector<16xf32>
        %gt3A_1161 = arith.constant 0.000000e+00 : f32
        %gt3A_1162 = vector.broadcast %gt3A_1161 : f32 to vector<16xf32>
        %gt3A_1163 = arith.cmpf ogt, %add3A_1157, %gt3A_1162 : vector<16xf32>
        %jit3A = arith.constant 1.000000e+00 : f32
        %broadcast_in_dim3A_1164 = vector.broadcast %jit3A : f32 to vector<16xf32>
        %select_n3A = arith.select %gt3A_1163, %add3A_1157, %broadcast_in_dim3A_1164 : vector<16xi1>, vector<16xf32>
        %div3A_1165 = arith.constant 1.000000e+00 : f32
        %div3A_1166 = vector.broadcast %div3A_1165 : f32 to vector<16xf32>
        %div3A_1167 = arith.divf %div3A_1166, %select_n3A : vector<16xf32>
        %jit3A_1168 = arith.constant 0.000000e+00 : f32
        %broadcast_in_dim3A_1169 = vector.broadcast %jit3A_1168 : f32 to vector<16xf32>
        %select_n3A_1170 = arith.select %gt3A_1160, %div3A_1167, %broadcast_in_dim3A_1169 : vector<16xi1>, vector<16xf32>
        %add3A_1171 = arith.addi %mul3A_576, %mul3A_1114 : i32
        "tpu.region"() ({
          %run_scoped3A_1178 = tpu.sem_alloc : memref<!tpu.dma_semaphore, #tpu.memory_space<semaphore_mem>>
          %dma_start3A = arith.constant 0 : i32
          %dma_start3A_1179 = arith.constant 0 : i32
          %dma_start3A_1180 = tpu.memref_slice %arg27[%dma_start3A, %dma_start3A_1179] : memref<192x128xf32, #tpu.memory_space<vmem>> -> memref<16x128xf32, #tpu.memory_space<vmem>>
          %dma_start3A_1181 = arith.constant 0 : i32
          %dma_start3A_1182 = tpu.memref_slice %arg30[%add3A_1171, %dma_start3A_1181] : memref<5120x128xf32, #tpu.memory_space<vmem_shared>> -> memref<16x128xf32, #tpu.memory_space<vmem_shared>>
          %dma_start3A_1183 = arith.constant 0 : i32
          %dma_start3A_1184 = arith.constant 0 : i32
          %dma_start3A_1185 = tpu.memref_slice %arg27[%dma_start3A_1183, %dma_start3A_1184] : memref<192x128xf32, #tpu.memory_space<vmem>> -> memref<16x128xf32, #tpu.memory_space<vmem>>
          %dma_start3A_1186 = arith.constant 0 : i32
          %dma_start3A_1187 = tpu.memref_slice %arg30[%add3A_1171, %dma_start3A_1186] : memref<5120x128xf32, #tpu.memory_space<vmem_shared>> -> memref<16x128xf32, #tpu.memory_space<vmem_shared>>
          tpu.enqueue_dma source(%dma_start3A_1187 : memref<16x128xf32, #tpu.memory_space<vmem_shared>>) target(%dma_start3A_1185 : memref<16x128xf32, #tpu.memory_space<vmem>>) target_semaphore(%run_scoped3A_1178 : memref<!tpu.dma_semaphore, #tpu.memory_space<semaphore_mem>>)
          %dma_wait3A = arith.constant 0 : i32
          %dma_wait3A_1188 = arith.constant 0 : i32
          %dma_wait3A_1189 = tpu.memref_slice %arg27[%dma_wait3A, %dma_wait3A_1188] : memref<192x128xf32, #tpu.memory_space<vmem>> -> memref<16x128xf32, #tpu.memory_space<vmem>>
          %dma_wait3A_1190 = arith.constant 0 : i32
          %dma_wait3A_1191 = tpu.memref_slice %arg30[%add3A_1171, %dma_wait3A_1190] : memref<5120x128xf32, #tpu.memory_space<vmem_shared>> -> memref<16x128xf32, #tpu.memory_space<vmem_shared>>
          %dma_wait3A_1192 = arith.constant 0 : i32
          %dma_wait3A_1193 = arith.constant 0 : i32
          %dma_wait3A_1194 = tpu.memref_slice %arg27[%dma_wait3A_1192, %dma_wait3A_1193] : memref<192x128xf32, #tpu.memory_space<vmem>> -> memref<16x128xf32, #tpu.memory_space<vmem>>
          %dma_wait3A_1195 = arith.constant 0 : i32
          %dma_wait3A_1196 = tpu.memref_slice %arg30[%add3A_1171, %dma_wait3A_1195] : memref<5120x128xf32, #tpu.memory_space<vmem_shared>> -> memref<16x128xf32, #tpu.memory_space<vmem_shared>>
          tpu.wait_dma2 semaphore(%run_scoped3A_1178 : memref<!tpu.dma_semaphore, #tpu.memory_space<semaphore_mem>>) src(%dma_wait3A_1196 : memref<16x128xf32, #tpu.memory_space<vmem_shared>>) dst(%dma_wait3A_1194 : memref<16x128xf32, #tpu.memory_space<vmem>>)
          tpu.yield
        }) : () -> ()
        %scan3A_1172 = arith.constant 0 : i32
        %scan3A_1173 = arith.constant 0 : i32
        %scan3A_1174 = arith.constant 16 : i32
        %scan3A_1175 = arith.addi %scan3A_1173, %scan3A_1174 : i32
        %scan3A_1176 = arith.constant 1 : i32
        scf.for %scan3A_1178 = %scan3A_1173 to %scan3A_1175 step %scan3A_1176  : i32 {
          %broadcast_in_dim3A_1179 = vector.broadcast %scan3A_1178 : i32 to vector<16x1xi32>
          %gather3A = vector.shape_cast %broadcast_in_dim3A_1179 : vector<16x1xi32> to vector<16xi32>
          %gather3A_1180 = tpu.dynamic_gather %select_n3A_1170[%gather3A] in [0] : vector<16xf32>, vector<16xi32> -> vector<16xf32>
          %get3A_1181 = arith.index_cast %scan3A_1178 : i32 to index
          %get3A_1182 = arith.constant 0 : index
          %get3A_1183 = tpu.vector_load %arg27[%get3A_1181, %get3A_1182] {strides = array<i32>} : memref<192x128xf32, #tpu.memory_space<vmem>>, vector<16xf32>,
          %mul3A_1184 = arith.mulf %get3A_1183, %gather3A_1180 : vector<16xf32>
          %swap3A_1185 = arith.index_cast %scan3A_1178 : i32 to index
          %swap3A_1186 = arith.constant 0 : index
          %swap3A_1187 = tpu.vector_load %arg27[%swap3A_1185, %swap3A_1186] {strides = array<i32>} : memref<192x128xf32, #tpu.memory_space<vmem>>, vector<16xf32>,
          tpu.vector_store %arg27[%swap3A_1185, %swap3A_1186], %mul3A_1184 {strides = array<i32>} : memref<192x128xf32, #tpu.memory_space<vmem>>, vector<16xf32>,
          %get3A_1188 = arith.index_cast %scan3A_1178 : i32 to index
          %get3A_1189 = arith.constant 16 : index
          %get3A_1190 = tpu.vector_load %arg27[%get3A_1188, %get3A_1189] {strides = array<i32>} : memref<192x128xf32, #tpu.memory_space<vmem>>, vector<16xf32>,
          %mul3A_1191 = arith.mulf %get3A_1190, %gather3A_1180 : vector<16xf32>
          %swap3A_1192 = arith.index_cast %scan3A_1178 : i32 to index
          %swap3A_1193 = arith.constant 16 : index
          %swap3A_1194 = tpu.vector_load %arg27[%swap3A_1192, %swap3A_1193] {strides = array<i32>} : memref<192x128xf32, #tpu.memory_space<vmem>>, vector<16xf32>,
          tpu.vector_store %arg27[%swap3A_1192, %swap3A_1193], %mul3A_1191 {strides = array<i32>} : memref<192x128xf32, #tpu.memory_space<vmem>>, vector<16xf32>,
          %get3A_1195 = arith.index_cast %scan3A_1178 : i32 to index
          %get3A_1196 = arith.constant 32 : index
          %get3A_1197 = tpu.vector_load %arg27[%get3A_1195, %get3A_1196] {strides = array<i32>} : memref<192x128xf32, #tpu.memory_space<vmem>>, vector<16xf32>,
          %mul3A_1198 = arith.mulf %get3A_1197, %gather3A_1180 : vector<16xf32>
          %swap3A_1199 = arith.index_cast %scan3A_1178 : i32 to index
          %swap3A_1200 = arith.constant 32 : index
          %swap3A_1201 = tpu.vector_load %arg27[%swap3A_1199, %swap3A_1200] {strides = array<i32>} : memref<192x128xf32, #tpu.memory_space<vmem>>, vector<16xf32>,
          tpu.vector_store %arg27[%swap3A_1199, %swap3A_1200], %mul3A_1198 {strides = array<i32>} : memref<192x128xf32, #tpu.memory_space<vmem>>, vector<16xf32>,
          %get3A_1202 = arith.index_cast %scan3A_1178 : i32 to index
          %get3A_1203 = arith.constant 48 : index
          %get3A_1204 = tpu.vector_load %arg27[%get3A_1202, %get3A_1203] {strides = array<i32>} : memref<192x128xf32, #tpu.memory_space<vmem>>, vector<16xf32>,
          %mul3A_1205 = arith.mulf %get3A_1204, %gather3A_1180 : vector<16xf32>
          %swap3A_1206 = arith.index_cast %scan3A_1178 : i32 to index
          %swap3A_1207 = arith.constant 48 : index
          %swap3A_1208 = tpu.vector_load %arg27[%swap3A_1206, %swap3A_1207] {strides = array<i32>} : memref<192x128xf32, #tpu.memory_space<vmem>>, vector<16xf32>,
          tpu.vector_store %arg27[%swap3A_1206, %swap3A_1207], %mul3A_1205 {strides = array<i32>} : memref<192x128xf32, #tpu.memory_space<vmem>>, vector<16xf32>,
          %get3A_1209 = arith.index_cast %scan3A_1178 : i32 to index
          %get3A_1210 = arith.constant 64 : index
          %get3A_1211 = tpu.vector_load %arg27[%get3A_1209, %get3A_1210] {strides = array<i32>} : memref<192x128xf32, #tpu.memory_space<vmem>>, vector<16xf32>,
          %mul3A_1212 = arith.mulf %get3A_1211, %gather3A_1180 : vector<16xf32>
          %swap3A_1213 = arith.index_cast %scan3A_1178 : i32 to index
          %swap3A_1214 = arith.constant 64 : index
          %swap3A_1215 = tpu.vector_load %arg27[%swap3A_1213, %swap3A_1214] {strides = array<i32>} : memref<192x128xf32, #tpu.memory_space<vmem>>, vector<16xf32>,
          tpu.vector_store %arg27[%swap3A_1213, %swap3A_1214], %mul3A_1212 {strides = array<i32>} : memref<192x128xf32, #tpu.memory_space<vmem>>, vector<16xf32>,
          %get3A_1216 = arith.index_cast %scan3A_1178 : i32 to index
          %get3A_1217 = arith.constant 80 : index
          %get3A_1218 = tpu.vector_load %arg27[%get3A_1216, %get3A_1217] {strides = array<i32>} : memref<192x128xf32, #tpu.memory_space<vmem>>, vector<16xf32>,
          %mul3A_1219 = arith.mulf %get3A_1218, %gather3A_1180 : vector<16xf32>
          %swap3A_1220 = arith.index_cast %scan3A_1178 : i32 to index
          %swap3A_1221 = arith.constant 80 : index
          %swap3A_1222 = tpu.vector_load %arg27[%swap3A_1220, %swap3A_1221] {strides = array<i32>} : memref<192x128xf32, #tpu.memory_space<vmem>>, vector<16xf32>,
          tpu.vector_store %arg27[%swap3A_1220, %swap3A_1221], %mul3A_1219 {strides = array<i32>} : memref<192x128xf32, #tpu.memory_space<vmem>>, vector<16xf32>,
          %get3A_1223 = arith.index_cast %scan3A_1178 : i32 to index
          %get3A_1224 = arith.constant 96 : index
          %get3A_1225 = tpu.vector_load %arg27[%get3A_1223, %get3A_1224] {strides = array<i32>} : memref<192x128xf32, #tpu.memory_space<vmem>>, vector<16xf32>,
          %mul3A_1226 = arith.mulf %get3A_1225, %gather3A_1180 : vector<16xf32>
          %swap3A_1227 = arith.index_cast %scan3A_1178 : i32 to index
          %swap3A_1228 = arith.constant 96 : index
          %swap3A_1229 = tpu.vector_load %arg27[%swap3A_1227, %swap3A_1228] {strides = array<i32>} : memref<192x128xf32, #tpu.memory_space<vmem>>, vector<16xf32>,
          tpu.vector_store %arg27[%swap3A_1227, %swap3A_1228], %mul3A_1226 {strides = array<i32>} : memref<192x128xf32, #tpu.memory_space<vmem>>, vector<16xf32>,
          %get3A_1230 = arith.index_cast %scan3A_1178 : i32 to index
          %get3A_1231 = arith.constant 112 : index
          %get3A_1232 = tpu.vector_load %arg27[%get3A_1230, %get3A_1231] {strides = array<i32>} : memref<192x128xf32, #tpu.memory_space<vmem>>, vector<16xf32>,
          %mul3A_1233 = arith.mulf %get3A_1232, %gather3A_1180 : vector<16xf32>
          %swap3A_1234 = arith.index_cast %scan3A_1178 : i32 to index
          %swap3A_1235 = arith.constant 112 : index
          %swap3A_1236 = tpu.vector_load %arg27[%swap3A_1234, %swap3A_1235] {strides = array<i32>} : memref<192x128xf32, #tpu.memory_space<vmem>>, vector<16xf32>,
          tpu.vector_store %arg27[%swap3A_1234, %swap3A_1235], %mul3A_1233 {strides = array<i32>} : memref<192x128xf32, #tpu.memory_space<vmem>>, vector<16xf32>,
        }
        %scan3A_1177 = arith.constant 16 : i32
        "tpu.region"() ({
          %run_scoped3A_1178 = tpu.sem_alloc : memref<!tpu.dma_semaphore, #tpu.memory_space<semaphore_mem>>
          %dma_start3A = arith.constant 0 : i32
          %dma_start3A_1179 = arith.constant 0 : i32
          %dma_start3A_1180 = tpu.memref_slice %arg27[%dma_start3A, %dma_start3A_1179] : memref<192x128xf32, #tpu.memory_space<vmem>> -> memref<16x128xf32, #tpu.memory_space<vmem>>
          %dma_start3A_1181 = arith.constant 0 : i32
          %dma_start3A_1182 = tpu.memref_slice %arg18[%add3A_1116, %dma_start3A_1181] : memref<10000x128xf32, #tpu.memory_space<hbm>> -> memref<16x128xf32, #tpu.memory_space<hbm>>
          %dma_start3A_1183 = arith.constant 0 : i32
          %dma_start3A_1184 = tpu.memref_slice %arg18[%add3A_1116, %dma_start3A_1183] : memref<10000x128xf32, #tpu.memory_space<hbm>> -> memref<16x128xf32, #tpu.memory_space<hbm>>
          %dma_start3A_1185 = arith.constant 0 : i32
          %dma_start3A_1186 = arith.constant 0 : i32
          %dma_start3A_1187 = tpu.memref_slice %arg27[%dma_start3A_1185, %dma_start3A_1186] : memref<192x128xf32, #tpu.memory_space<vmem>> -> memref<16x128xf32, #tpu.memory_space<vmem>>
          tpu.enqueue_dma source(%dma_start3A_1187 : memref<16x128xf32, #tpu.memory_space<vmem>>) target(%dma_start3A_1184 : memref<16x128xf32, #tpu.memory_space<hbm>>) target_semaphore(%run_scoped3A_1178 : memref<!tpu.dma_semaphore, #tpu.memory_space<semaphore_mem>>)
          %dma_wait3A = arith.constant 0 : i32
          %dma_wait3A_1188 = arith.constant 0 : i32
          %dma_wait3A_1189 = tpu.memref_slice %arg27[%dma_wait3A, %dma_wait3A_1188] : memref<192x128xf32, #tpu.memory_space<vmem>> -> memref<16x128xf32, #tpu.memory_space<vmem>>
          %dma_wait3A_1190 = arith.constant 0 : i32
          %dma_wait3A_1191 = tpu.memref_slice %arg18[%add3A_1116, %dma_wait3A_1190] : memref<10000x128xf32, #tpu.memory_space<hbm>> -> memref<16x128xf32, #tpu.memory_space<hbm>>
          %dma_wait3A_1192 = arith.constant 0 : i32
          %dma_wait3A_1193 = tpu.memref_slice %arg18[%add3A_1116, %dma_wait3A_1192] : memref<10000x128xf32, #tpu.memory_space<hbm>> -> memref<16x128xf32, #tpu.memory_space<hbm>>
          %dma_wait3A_1194 = arith.constant 0 : i32
          %dma_wait3A_1195 = arith.constant 0 : i32
          %dma_wait3A_1196 = tpu.memref_slice %arg27[%dma_wait3A_1194, %dma_wait3A_1195] : memref<192x128xf32, #tpu.memory_space<vmem>> -> memref<16x128xf32, #tpu.memory_space<vmem>>
          tpu.wait_dma2 semaphore(%run_scoped3A_1178 : memref<!tpu.dma_semaphore, #tpu.memory_space<semaphore_mem>>) src(%dma_wait3A_1196 : memref<16x128xf32, #tpu.memory_space<vmem>>) dst(%dma_wait3A_1193 : memref<16x128xf32, #tpu.memory_space<hbm>>)
          tpu.yield
        }) : () -> ()
      } else {
      }
    }
    %scan3A_744 = arith.constant 20 : i32
    "tpu.trace_stop"() : () -> ()
    "tpu.trace_start"() <{level = 10 : i32, message = "bar4"}> : () -> ()
    %barrier3A_745 = arith.constant 0 : index
    tpu.barrier barrier_id(%barrier3A_745)
    "tpu.trace_stop"() : () -> ()
    "tpu.trace_start"() <{level = 10 : i32, message = "pz_zacc"}> : () -> ()
    %scan3A_746 = arith.constant 0 : i32
    %scan3A_747 = arith.constant 0 : i32
    %scan3A_748 = arith.constant 20 : i32
    %scan3A_749 = arith.addi %scan3A_747, %scan3A_748 : i32
    %scan3A_750 = arith.constant 1 : i32
    scf.for %scan3A_1112 = %scan3A_747 to %scan3A_749 step %scan3A_750  : i32 {
      %mul3A_1113 = arith.constant 16 : i32
      %mul3A_1114 = arith.muli %scan3A_1112, %mul3A_1113 : i32
      %add3A_1115 = arith.addi %mul3A_576, %mul3A_1114 : i32
      "tpu.region"() ({
        %run_scoped3A_1116 = tpu.sem_alloc : memref<!tpu.dma_semaphore, #tpu.memory_space<semaphore_mem>>
        %dma_start3A = arith.constant 0 : i32
        %dma_start3A_1117 = tpu.memref_slice %arg30[%add3A_1115, %dma_start3A] : memref<5120x128xf32, #tpu.memory_space<vmem_shared>> -> memref<16x128xf32, #tpu.memory_space<vmem_shared>>
        %dma_start3A_1118 = arith.constant 0 : i32
        %dma_start3A_1119 = tpu.memref_slice %arg30[%add3A_1115, %dma_start3A_1118] : memref<5120x128xf32, #tpu.memory_space<vmem_shared>> -> memref<16x128xf32, #tpu.memory_space<vmem_shared>>
        tpu.enqueue_dma source(%arg28 : memref<16x128xf32, #tpu.memory_space<vmem>>) target(%dma_start3A_1119 : memref<16x128xf32, #tpu.memory_space<vmem_shared>>) target_semaphore(%run_scoped3A_1116 : memref<!tpu.dma_semaphore, #tpu.memory_space<semaphore_mem>>)
        %dma_wait3A = arith.constant 0 : i32
        %dma_wait3A_1120 = tpu.memref_slice %arg30[%add3A_1115, %dma_wait3A] : memref<5120x128xf32, #tpu.memory_space<vmem_shared>> -> memref<16x128xf32, #tpu.memory_space<vmem_shared>>
        %dma_wait3A_1121 = arith.constant 0 : i32
        %dma_wait3A_1122 = tpu.memref_slice %arg30[%add3A_1115, %dma_wait3A_1121] : memref<5120x128xf32, #tpu.memory_space<vmem_shared>> -> memref<16x128xf32, #tpu.memory_space<vmem_shared>>
        tpu.wait_dma2 semaphore(%run_scoped3A_1116 : memref<!tpu.dma_semaphore, #tpu.memory_space<semaphore_mem>>) src(%arg28 : memref<16x128xf32, #tpu.memory_space<vmem>>) dst(%dma_wait3A_1122 : memref<16x128xf32, #tpu.memory_space<vmem_shared>>)
        tpu.yield
      }) : () -> ()
    }
    %scan3A_751 = arith.constant 20 : i32
    "tpu.trace_stop"() : () -> ()
    "tpu.trace_start"() <{level = 10 : i32, message = "pz_zden"}> : () -> ()
    %scan3A_752 = arith.constant 0 : i32
    %scan3A_753 = arith.constant 0 : i32
    %scan3A_754 = arith.constant 320 : i32
    %scan3A_755 = arith.addi %scan3A_753, %scan3A_754 : i32
    %scan3A_756 = arith.constant 1 : i32
    scf.for %scan3A_1112 = %scan3A_753 to %scan3A_755 step %scan3A_756  : i32 {
      %mul3A_1113 = arith.constant 16 : i32
      %mul3A_1114 = arith.muli %scan3A_1112, %mul3A_1113 : i32
      %swap3A_1115 = arith.index_cast %mul3A_1114 : i32 to index
      %swap3A_1116 = tpu.vector_load %arg21[%swap3A_1115] {strides = array<i32>} : memref<5120xf32, #tpu.memory_space<vmem>>, vector<16xf32>,
      tpu.vector_store %arg21[%swap3A_1115], %broadcast_in_dim3A_0 {strides = array<i32>} : memref<5120xf32, #tpu.memory_space<vmem>>, vector<16xf32>,
    }
    %scan3A_757 = arith.constant 320 : i32
    "tpu.trace_stop"() : () -> ()
    "tpu.trace_start"() <{level = 10 : i32, message = "p0_load"}> : () -> ()
    "tpu.region"() ({
      %run_scoped3A_1112 = tpu.sem_alloc : memref<!tpu.dma_semaphore, #tpu.memory_space<semaphore_mem>>
      %dma_start3A = arith.constant 0 : i32
      %dma_start3A_1113 = tpu.memref_slice %arg19[%dma_start3A] : memref<10240xf32, #tpu.memory_space<vmem>> -> memref<10000xf32, #tpu.memory_space<vmem>>
      %dma_start3A_1114 = arith.constant 0 : i32
      %dma_start3A_1115 = tpu.memref_slice %arg19[%dma_start3A_1114] : memref<10240xf32, #tpu.memory_space<vmem>> -> memref<10000xf32, #tpu.memory_space<vmem>>
      tpu.enqueue_dma source(%arg6 : memref<10000xf32, #tpu.memory_space<hbm>>) target(%dma_start3A_1115 : memref<10000xf32, #tpu.memory_space<vmem>>) target_semaphore(%run_scoped3A_1112 : memref<!tpu.dma_semaphore, #tpu.memory_space<semaphore_mem>>)
      %dma_wait3A = arith.constant 0 : i32
      %dma_wait3A_1116 = tpu.memref_slice %arg19[%dma_wait3A] : memref<10240xf32, #tpu.memory_space<vmem>> -> memref<10000xf32, #tpu.memory_space<vmem>>
      %dma_wait3A_1117 = arith.constant 0 : i32
      %dma_wait3A_1118 = tpu.memref_slice %arg19[%dma_wait3A_1117] : memref<10240xf32, #tpu.memory_space<vmem>> -> memref<10000xf32, #tpu.memory_space<vmem>>
      tpu.wait_dma2 semaphore(%run_scoped3A_1112 : memref<!tpu.dma_semaphore, #tpu.memory_space<semaphore_mem>>) src(%arg6 : memref<10000xf32, #tpu.memory_space<hbm>>) dst(%dma_wait3A_1118 : memref<10000xf32, #tpu.memory_space<vmem>>)
      tpu.yield
    }) : () -> ()
    "tpu.region"() ({
      %run_scoped3A_1112 = tpu.sem_alloc : memref<!tpu.dma_semaphore, #tpu.memory_space<semaphore_mem>>
      %dma_start3A = arith.constant 0 : i32
      %dma_start3A_1113 = tpu.memref_slice %arg20[%dma_start3A] : memref<10240xf32, #tpu.memory_space<vmem>> -> memref<10000xf32, #tpu.memory_space<vmem>>
      %dma_start3A_1114 = arith.constant 0 : i32
      %dma_start3A_1115 = tpu.memref_slice %arg20[%dma_start3A_1114] : memref<10240xf32, #tpu.memory_space<vmem>> -> memref<10000xf32, #tpu.memory_space<vmem>>
      tpu.enqueue_dma source(%arg9 : memref<10000xf32, #tpu.memory_space<hbm>>) target(%dma_start3A_1115 : memref<10000xf32, #tpu.memory_space<vmem>>) target_semaphore(%run_scoped3A_1112 : memref<!tpu.dma_semaphore, #tpu.memory_space<semaphore_mem>>)
      %dma_wait3A = arith.constant 0 : i32
      %dma_wait3A_1116 = tpu.memref_slice %arg20[%dma_wait3A] : memref<10240xf32, #tpu.memory_space<vmem>> -> memref<10000xf32, #tpu.memory_space<vmem>>
      %dma_wait3A_1117 = arith.constant 0 : i32
      %dma_wait3A_1118 = tpu.memref_slice %arg20[%dma_wait3A_1117] : memref<10240xf32, #tpu.memory_space<vmem>> -> memref<10000xf32, #tpu.memory_space<vmem>>
      tpu.wait_dma2 semaphore(%run_scoped3A_1112 : memref<!tpu.dma_semaphore, #tpu.memory_space<semaphore_mem>>) src(%arg9 : memref<10000xf32, #tpu.memory_space<hbm>>) dst(%dma_wait3A_1118 : memref<10000xf32, #tpu.memory_space<vmem>>)
      tpu.yield
    }) : () -> ()
    %run_scoped3A_758 = arith.constant 0 : i32
    "tpu.trace_stop"() : () -> ()
    "tpu.trace_start"() <{level = 10 : i32, message = "p0_load2"}> : () -> ()
    "tpu.region"() ({
      %run_scoped3A_1112 = tpu.sem_alloc : memref<!tpu.dma_semaphore, #tpu.memory_space<semaphore_mem>>
      %dma_start3A = arith.constant 0 : i32
      %dma_start3A_1113 = tpu.memref_slice %arg13[%arg1, %run_scoped3A_758, %dma_start3A] : memref<16x1x6400xi32, #tpu.memory_space<hbm>> -> memref<1x1x6400xi32, #tpu.memory_space<hbm>>
      %dma_start3A_1114 = tpu.memref_squeeze %dma_start3A_1113 : memref<1x1x6400xi32, #tpu.memory_space<hbm>> -> memref<6400xi32, #tpu.memory_space<hbm>>
      %dma_start3A_1115 = arith.constant 0 : i32
      %dma_start3A_1116 = tpu.memref_slice %arg13[%arg1, %run_scoped3A_758, %dma_start3A_1115] : memref<16x1x6400xi32, #tpu.memory_space<hbm>> -> memref<1x1x6400xi32, #tpu.memory_space<hbm>>
      %dma_start3A_1117 = tpu.memref_squeeze %dma_start3A_1116 : memref<1x1x6400xi32, #tpu.memory_space<hbm>> -> memref<6400xi32, #tpu.memory_space<hbm>>
      tpu.enqueue_dma source(%dma_start3A_1117 : memref<6400xi32, #tpu.memory_space<hbm>>) target(%arg22 : memref<6400xi32, #tpu.memory_space<vmem>>) target_semaphore(%run_scoped3A_1112 : memref<!tpu.dma_semaphore, #tpu.memory_space<semaphore_mem>>)
      %dma_wait3A = arith.constant 0 : i32
      %dma_wait3A_1118 = tpu.memref_slice %arg13[%arg1, %run_scoped3A_758, %dma_wait3A] : memref<16x1x6400xi32, #tpu.memory_space<hbm>> -> memref<1x1x6400xi32, #tpu.memory_space<hbm>>
      %dma_wait3A_1119 = tpu.memref_squeeze %dma_wait3A_1118 : memref<1x1x6400xi32, #tpu.memory_space<hbm>> -> memref<6400xi32, #tpu.memory_space<hbm>>
      %dma_wait3A_1120 = arith.constant 0 : i32
      %dma_wait3A_1121 = tpu.memref_slice %arg13[%arg1, %run_scoped3A_758, %dma_wait3A_1120] : memref<16x1x6400xi32, #tpu.memory_space<hbm>> -> memref<1x1x6400xi32, #tpu.memory_space<hbm>>
      %dma_wait3A_1122 = tpu.memref_squeeze %dma_wait3A_1121 : memref<1x1x6400xi32, #tpu.memory_space<hbm>> -> memref<6400xi32, #tpu.memory_space<hbm>>
      tpu.wait_dma2 semaphore(%run_scoped3A_1112 : memref<!tpu.dma_semaphore, #tpu.memory_space<semaphore_mem>>) src(%dma_wait3A_1122 : memref<6400xi32, #tpu.memory_space<hbm>>) dst(%arg22 : memref<6400xi32, #tpu.memory_space<vmem>>)
      tpu.yield
    }) : () -> ()
    "tpu.region"() ({
      %run_scoped3A_1112 = tpu.sem_alloc : memref<!tpu.dma_semaphore, #tpu.memory_space<semaphore_mem>>
      %dma_start3A = arith.constant 0 : i32
      %dma_start3A_1113 = arith.constant 0 : i32
      %dma_start3A_1114 = tpu.memref_slice %arg14[%arg1, %dma_start3A, %dma_start3A_1113] : memref<16x50x128xi32, #tpu.memory_space<hbm>> -> memref<1x50x128xi32, #tpu.memory_space<hbm>>
      %dma_start3A_1115 = tpu.memref_squeeze %dma_start3A_1114 : memref<1x50x128xi32, #tpu.memory_space<hbm>> -> memref<50x128xi32, #tpu.memory_space<hbm>>
      %dma_start3A_1116 = arith.constant 0 : i32
      %dma_start3A_1117 = arith.constant 0 : i32
      %dma_start3A_1118 = tpu.memref_slice %arg14[%arg1, %dma_start3A_1116, %dma_start3A_1117] : memref<16x50x128xi32, #tpu.memory_space<hbm>> -> memref<1x50x128xi32, #tpu.memory_space<hbm>>
      %dma_start3A_1119 = tpu.memref_squeeze %dma_start3A_1118 : memref<1x50x128xi32, #tpu.memory_space<hbm>> -> memref<50x128xi32, #tpu.memory_space<hbm>>
      tpu.enqueue_dma source(%dma_start3A_1119 : memref<50x128xi32, #tpu.memory_space<hbm>>) target(%arg23 : memref<50x128xi32, #tpu.memory_space<vmem>>) target_semaphore(%run_scoped3A_1112 : memref<!tpu.dma_semaphore, #tpu.memory_space<semaphore_mem>>)
      %dma_wait3A = arith.constant 0 : i32
      %dma_wait3A_1120 = arith.constant 0 : i32
      %dma_wait3A_1121 = tpu.memref_slice %arg14[%arg1, %dma_wait3A, %dma_wait3A_1120] : memref<16x50x128xi32, #tpu.memory_space<hbm>> -> memref<1x50x128xi32, #tpu.memory_space<hbm>>
      %dma_wait3A_1122 = tpu.memref_squeeze %dma_wait3A_1121 : memref<1x50x128xi32, #tpu.memory_space<hbm>> -> memref<50x128xi32, #tpu.memory_space<hbm>>
      %dma_wait3A_1123 = arith.constant 0 : i32
      %dma_wait3A_1124 = arith.constant 0 : i32
      %dma_wait3A_1125 = tpu.memref_slice %arg14[%arg1, %dma_wait3A_1123, %dma_wait3A_1124] : memref<16x50x128xi32, #tpu.memory_space<hbm>> -> memref<1x50x128xi32, #tpu.memory_space<hbm>>
      %dma_wait3A_1126 = tpu.memref_squeeze %dma_wait3A_1125 : memref<1x50x128xi32, #tpu.memory_space<hbm>> -> memref<50x128xi32, #tpu.memory_space<hbm>>
      tpu.wait_dma2 semaphore(%run_scoped3A_1112 : memref<!tpu.dma_semaphore, #tpu.memory_space<semaphore_mem>>) src(%dma_wait3A_1126 : memref<50x128xi32, #tpu.memory_space<hbm>>) dst(%arg23 : memref<50x128xi32, #tpu.memory_space<vmem>>)
      tpu.yield
    }) : () -> ()
    "tpu.trace_stop"() : () -> ()
    "tpu.trace_start"() <{level = 10 : i32, message = "p1_scan"}> : () -> ()
    %scan3A_759 = arith.constant 0 : i32
    %scan3A_760 = arith.constant 0 : i32
    %scan3A_761 = arith.constant 400 : i32
    %scan3A_762 = arith.addi %scan3A_760, %scan3A_761 : i32
    %scan3A_763 = arith.constant 1 : i32
    %scan3A_764 = scf.for %scan3A_1112 = %scan3A_760 to %scan3A_762 step %scan3A_763 iter_args(%scan3A_1113 = %scan3A_759) -> (i32)  : i32 {
      %mul3A_1114 = arith.constant 16 : i32
      %mul3A_1115 = arith.muli %scan3A_1112, %mul3A_1114 : i32
      %get3A = arith.index_cast %mul3A_1115 : i32 to index
      %get3A_1116 = tpu.vector_load %arg22[%get3A] {strides = array<i32>} : memref<6400xi32, #tpu.memory_space<vmem>>, vector<16xi32>,
      %shift_right_logical3A_1117 = arith.constant 3 : i32
      %shift_right_logical3A_1118 = arith.shrui %scan3A_1112, %shift_right_logical3A_1117 : i32
      %rem3A = arith.constant 8 : i32
      %rem3A_1119 = arith.remsi %scan3A_1112, %rem3A : i32
      %mul3A_1120 = arith.constant 16 : i32
      %mul3A_1121 = arith.muli %rem3A_1119, %mul3A_1120 : i32
      %get3A_1122 = arith.index_cast %shift_right_logical3A_1118 : i32 to index
      %get3A_1123 = arith.index_cast %mul3A_1121 : i32 to index
      %get3A_1124 = tpu.vector_load %arg23[%get3A_1122, %get3A_1123] {strides = array<i32>} : memref<50x128xi32, #tpu.memory_space<vmem>>, vector<16xi32>,
      %gather3A = tpu.vector_load_idx %arg19[%get3A_1116] : memref<10240xf32, #tpu.memory_space<vmem>>[vector<16xi32>], vector<16xf32>,
      %gather3A_1125 = tpu.vector_load_idx %arg20[%get3A_1124] : memref<10240xf32, #tpu.memory_space<vmem>>[vector<16xi32>], vector<16xf32>,
      %add3A_1126 = arith.addf %gather3A, %gather3A_1125 : vector<16xf32>
      %gt3A_1127 = arith.constant 0.000000e+00 : f32
      %gt3A_1128 = vector.broadcast %gt3A_1127 : f32 to vector<16xf32>
      %gt3A_1129 = arith.cmpf ogt, %add3A_1126, %gt3A_1128 : vector<16xf32>
      %mul3A_1130 = arith.constant 2.000000e-01 : f32
      %mul3A_1131 = vector.broadcast %mul3A_1130 : f32 to vector<16xf32>
      %mul3A_1132 = arith.mulf %mul3A_1131, %add3A_1126 : vector<16xf32>
      %select_n3A = arith.select %gt3A_1129, %add3A_1126, %mul3A_1132 : vector<16xi1>, vector<16xf32>
      %exp3A = math.exp %select_n3A : vector<16xf32>
      %sub3A_1133 = vector.broadcast %mul3A_3 : i32 to vector<16xi32>
      %sub3A_1134 = arith.subi %get3A_1124, %sub3A_1133 : vector<16xi32>
      %ge3A_1135 = vector.broadcast %mul3A_3 : i32 to vector<16xi32>
      %ge3A_1136 = arith.cmpi sge, %get3A_1124, %ge3A_1135 : vector<16xi32>
      %add3A_1137 = arith.constant 5120 : i32
      %add3A_1138 = arith.addi %mul3A_3, %add3A_1137 : i32
      %lt3A_1139 = vector.broadcast %add3A_1138 : i32 to vector<16xi32>
      %lt3A_1140 = arith.cmpi slt, %get3A_1124, %lt3A_1139 : vector<16xi32>
      %and3A = arith.andi %ge3A_1136, %lt3A_1140 : vector<16xi1>
      %lt3A_1141 = arith.constant 10000 : i32
      %lt3A_1142 = vector.broadcast %lt3A_1141 : i32 to vector<16xi32>
      %lt3A_1143 = arith.cmpi slt, %get3A_1124, %lt3A_1142 : vector<16xi32>
      %and3A_1144 = arith.andi %and3A, %lt3A_1143 : vector<16xi1>
      %jit3A = arith.constant 0 : i32
      %broadcast_in_dim3A_1145 = vector.broadcast %jit3A : i32 to vector<16xi32>
      %select_n3A_1146 = arith.select %and3A_1144, %sub3A_1134, %broadcast_in_dim3A_1145 : vector<16xi1>, vector<16xi32>
      tpu.vector_store_idx %arg21[%select_n3A_1146], %exp3A masked %and3A_1144 {add = true} : memref<5120xf32, #tpu.memory_space<vmem>>[vector<16xi32>], vector<16xf32>, vector<16xi1>
      %swap3A_1147 = arith.index_cast %scan3A_1113 : i32 to index
      %swap3A_1148 = tpu.vector_load %arg24[%swap3A_1147] masked %and3A_1144 {strides = array<i32>} : memref<6464xi32, #tpu.memory_space<vmem>>, vector<16xi32>, vector<16xi1>
      tpu.vector_store %arg24[%swap3A_1147], %get3A_1116 masked %and3A_1144 {strides = array<i32>} : memref<6464xi32, #tpu.memory_space<vmem>>, vector<16xi32>, vector<16xi1>
      %swap3A_1149 = arith.index_cast %scan3A_1113 : i32 to index
      %swap3A_1150 = tpu.vector_load %arg25[%swap3A_1149] masked %and3A_1144 {strides = array<i32>} : memref<6464xi32, #tpu.memory_space<vmem>>, vector<16xi32>, vector<16xi1>
      tpu.vector_store %arg25[%swap3A_1149], %select_n3A_1146 masked %and3A_1144 {strides = array<i32>} : memref<6464xi32, #tpu.memory_space<vmem>>, vector<16xi32>, vector<16xi1>
      %swap3A_1151 = arith.index_cast %scan3A_1113 : i32 to index
      %swap3A_1152 = tpu.vector_load %arg26[%swap3A_1151] masked %and3A_1144 {strides = array<i32>} : memref<6464xf32, #tpu.memory_space<vmem>>, vector<16xf32>, vector<16xi1>
      tpu.vector_store %arg26[%swap3A_1151], %exp3A masked %and3A_1144 {strides = array<i32>} : memref<6464xf32, #tpu.memory_space<vmem>>, vector<16xf32>, vector<16xi1>
      %convert_element_type3A_1153 = arith.extui %and3A_1144 : vector<16xi1> to vector<16xi32>
      %reduce_sum3A = arith.constant true
      %reduce_sum3A_1154 = vector.broadcast %reduce_sum3A : i1 to vector<16xi1>
      %reduce_sum3A_1155 = tpu.scan <sum>, %convert_element_type3A_1153 masked %reduce_sum3A_1154 : vector<16xi32>, vector<16xi1> -> vector<16xi32>
      %reduce_sum3A_1156 = vector.extract %reduce_sum3A_1155[15] : i32 from vector<16xi32>
      %add3A_1157 = arith.addi %scan3A_1113, %reduce_sum3A_1156 : i32
      scf.yield %add3A_1157 : i32
    }
    %scan3A_765 = arith.constant 400 : i32
    "tpu.trace_stop"() : () -> ()
    %add3A_766 = arith.constant 0 : i32
    %add3A_767 = arith.addi %scan3A_764, %add3A_766 : i32
    %swap3A_768 = arith.index_cast %add3A_767 : i32 to index
    %swap3A_769 = tpu.vector_load %arg24[%swap3A_768] {strides = array<i32>} : memref<6464xi32, #tpu.memory_space<vmem>>, vector<16xi32>,
    tpu.vector_store %arg24[%swap3A_768], %broadcast_in_dim3A_2 {strides = array<i32>} : memref<6464xi32, #tpu.memory_space<vmem>>, vector<16xi32>,
    %add3A_770 = arith.constant 0 : i32
    %add3A_771 = arith.addi %scan3A_764, %add3A_770 : i32
    %swap3A_772 = arith.index_cast %add3A_771 : i32 to index
    %swap3A_773 = tpu.vector_load %arg25[%swap3A_772] {strides = array<i32>} : memref<6464xi32, #tpu.memory_space<vmem>>, vector<16xi32>,
    tpu.vector_store %arg25[%swap3A_772], %broadcast_in_dim3A_2 {strides = array<i32>} : memref<6464xi32, #tpu.memory_space<vmem>>, vector<16xi32>,
    %add3A_774 = arith.constant 0 : i32
    %add3A_775 = arith.addi %scan3A_764, %add3A_774 : i32
    %swap3A_776 = arith.index_cast %add3A_775 : i32 to index
    %swap3A_777 = tpu.vector_load %arg26[%swap3A_776] {strides = array<i32>} : memref<6464xf32, #tpu.memory_space<vmem>>, vector<16xf32>,
    tpu.vector_store %arg26[%swap3A_776], %broadcast_in_dim3A_0 {strides = array<i32>} : memref<6464xf32, #tpu.memory_space<vmem>>, vector<16xf32>,
    %add3A_778 = arith.constant 16 : i32
    %add3A_779 = arith.addi %scan3A_764, %add3A_778 : i32
    %swap3A_780 = arith.index_cast %add3A_779 : i32 to index
    %swap3A_781 = tpu.vector_load %arg24[%swap3A_780] {strides = array<i32>} : memref<6464xi32, #tpu.memory_space<vmem>>, vector<16xi32>,
    tpu.vector_store %arg24[%swap3A_780], %broadcast_in_dim3A_2 {strides = array<i32>} : memref<6464xi32, #tpu.memory_space<vmem>>, vector<16xi32>,
    %add3A_782 = arith.constant 16 : i32
    %add3A_783 = arith.addi %scan3A_764, %add3A_782 : i32
    %swap3A_784 = arith.index_cast %add3A_783 : i32 to index
    %swap3A_785 = tpu.vector_load %arg25[%swap3A_784] {strides = array<i32>} : memref<6464xi32, #tpu.memory_space<vmem>>, vector<16xi32>,
    tpu.vector_store %arg25[%swap3A_784], %broadcast_in_dim3A_2 {strides = array<i32>} : memref<6464xi32, #tpu.memory_space<vmem>>, vector<16xi32>,
    %add3A_786 = arith.constant 16 : i32
    %add3A_787 = arith.addi %scan3A_764, %add3A_786 : i32
    %swap3A_788 = arith.index_cast %add3A_787 : i32 to index
    %swap3A_789 = tpu.vector_load %arg26[%swap3A_788] {strides = array<i32>} : memref<6464xf32, #tpu.memory_space<vmem>>, vector<16xf32>,
    tpu.vector_store %arg26[%swap3A_788], %broadcast_in_dim3A_0 {strides = array<i32>} : memref<6464xf32, #tpu.memory_space<vmem>>, vector<16xf32>,
    %add3A_790 = arith.constant 32 : i32
    %add3A_791 = arith.addi %scan3A_764, %add3A_790 : i32
    %swap3A_792 = arith.index_cast %add3A_791 : i32 to index
    %swap3A_793 = tpu.vector_load %arg24[%swap3A_792] {strides = array<i32>} : memref<6464xi32, #tpu.memory_space<vmem>>, vector<16xi32>,
    tpu.vector_store %arg24[%swap3A_792], %broadcast_in_dim3A_2 {strides = array<i32>} : memref<6464xi32, #tpu.memory_space<vmem>>, vector<16xi32>,
    %add3A_794 = arith.constant 32 : i32
    %add3A_795 = arith.addi %scan3A_764, %add3A_794 : i32
    %swap3A_796 = arith.index_cast %add3A_795 : i32 to index
    %swap3A_797 = tpu.vector_load %arg25[%swap3A_796] {strides = array<i32>} : memref<6464xi32, #tpu.memory_space<vmem>>, vector<16xi32>,
    tpu.vector_store %arg25[%swap3A_796], %broadcast_in_dim3A_2 {strides = array<i32>} : memref<6464xi32, #tpu.memory_space<vmem>>, vector<16xi32>,
    %add3A_798 = arith.constant 32 : i32
    %add3A_799 = arith.addi %scan3A_764, %add3A_798 : i32
    %swap3A_800 = arith.index_cast %add3A_799 : i32 to index
    %swap3A_801 = tpu.vector_load %arg26[%swap3A_800] {strides = array<i32>} : memref<6464xf32, #tpu.memory_space<vmem>>, vector<16xf32>,
    tpu.vector_store %arg26[%swap3A_800], %broadcast_in_dim3A_0 {strides = array<i32>} : memref<6464xf32, #tpu.memory_space<vmem>>, vector<16xf32>,
    %add3A_802 = arith.constant 48 : i32
    %add3A_803 = arith.addi %scan3A_764, %add3A_802 : i32
    %swap3A_804 = arith.index_cast %add3A_803 : i32 to index
    %swap3A_805 = tpu.vector_load %arg24[%swap3A_804] {strides = array<i32>} : memref<6464xi32, #tpu.memory_space<vmem>>, vector<16xi32>,
    tpu.vector_store %arg24[%swap3A_804], %broadcast_in_dim3A_2 {strides = array<i32>} : memref<6464xi32, #tpu.memory_space<vmem>>, vector<16xi32>,
    %add3A_806 = arith.constant 48 : i32
    %add3A_807 = arith.addi %scan3A_764, %add3A_806 : i32
    %swap3A_808 = arith.index_cast %add3A_807 : i32 to index
    %swap3A_809 = tpu.vector_load %arg25[%swap3A_808] {strides = array<i32>} : memref<6464xi32, #tpu.memory_space<vmem>>, vector<16xi32>,
    tpu.vector_store %arg25[%swap3A_808], %broadcast_in_dim3A_2 {strides = array<i32>} : memref<6464xi32, #tpu.memory_space<vmem>>, vector<16xi32>,
    %add3A_810 = arith.constant 48 : i32
    %add3A_811 = arith.addi %scan3A_764, %add3A_810 : i32
    %swap3A_812 = arith.index_cast %add3A_811 : i32 to index
    %swap3A_813 = tpu.vector_load %arg26[%swap3A_812] {strides = array<i32>} : memref<6464xf32, #tpu.memory_space<vmem>>, vector<16xf32>,
    tpu.vector_store %arg26[%swap3A_812], %broadcast_in_dim3A_0 {strides = array<i32>} : memref<6464xf32, #tpu.memory_space<vmem>>, vector<16xf32>,
    %add3A_814 = arith.constant 64 : i32
    %add3A_815 = arith.addi %scan3A_764, %add3A_814 : i32
    %sub3A_816 = arith.constant 1 : i32
    %sub3A_817 = arith.subi %add3A_815, %sub3A_816 : i32
    %shift_right_logical3A_818 = arith.constant 6 : i32
    %shift_right_logical3A_819 = arith.shrui %sub3A_817, %shift_right_logical3A_818 : i32
    %iota3A_820 = tpu.iota {dimensions = array<i32: 0>} : vector<16xi32>
    %add3A_821 = arith.constant 0 : i32
    %add3A_822 = arith.addi %mul3A_576, %add3A_821 : i32
    %add3A_823 = vector.broadcast %add3A_822 : i32 to vector<16xi32>
    %add3A_824 = arith.addi %iota3A_820, %add3A_823 : vector<16xi32>
    %swap3A_825 = arith.constant 0 : index
    %swap3A_826 = tpu.vector_load %arg25[%swap3A_825] {strides = array<i32>} : memref<6464xi32, #tpu.memory_space<vmem>>, vector<16xi32>,
    tpu.vector_store %arg25[%swap3A_825], %add3A_824 {strides = array<i32>} : memref<6464xi32, #tpu.memory_space<vmem>>, vector<16xi32>,
    %add3A_827 = arith.constant 16 : i32
    %add3A_828 = arith.addi %mul3A_576, %add3A_827 : i32
    %add3A_829 = vector.broadcast %add3A_828 : i32 to vector<16xi32>
    %add3A_830 = arith.addi %iota3A_820, %add3A_829 : vector<16xi32>
    %swap3A_831 = arith.constant 16 : index
    %swap3A_832 = tpu.vector_load %arg25[%swap3A_831] {strides = array<i32>} : memref<6464xi32, #tpu.memory_space<vmem>>, vector<16xi32>,
    tpu.vector_store %arg25[%swap3A_831], %add3A_830 {strides = array<i32>} : memref<6464xi32, #tpu.memory_space<vmem>>, vector<16xi32>,
    %add3A_833 = arith.constant 32 : i32
    %add3A_834 = arith.addi %mul3A_576, %add3A_833 : i32
    %add3A_835 = vector.broadcast %add3A_834 : i32 to vector<16xi32>
    %add3A_836 = arith.addi %iota3A_820, %add3A_835 : vector<16xi32>
    %swap3A_837 = arith.constant 32 : index
    %swap3A_838 = tpu.vector_load %arg25[%swap3A_837] {strides = array<i32>} : memref<6464xi32, #tpu.memory_space<vmem>>, vector<16xi32>,
    tpu.vector_store %arg25[%swap3A_837], %add3A_836 {strides = array<i32>} : memref<6464xi32, #tpu.memory_space<vmem>>, vector<16xi32>,
    %add3A_839 = arith.constant 48 : i32
    %add3A_840 = arith.addi %mul3A_576, %add3A_839 : i32
    %add3A_841 = vector.broadcast %add3A_840 : i32 to vector<16xi32>
    %add3A_842 = arith.addi %iota3A_820, %add3A_841 : vector<16xi32>
    %swap3A_843 = arith.constant 48 : index
    %swap3A_844 = tpu.vector_load %arg25[%swap3A_843] {strides = array<i32>} : memref<6464xi32, #tpu.memory_space<vmem>>, vector<16xi32>,
    tpu.vector_store %arg25[%swap3A_843], %add3A_842 {strides = array<i32>} : memref<6464xi32, #tpu.memory_space<vmem>>, vector<16xi32>,
    %add3A_845 = arith.constant 64 : i32
    %add3A_846 = arith.addi %mul3A_576, %add3A_845 : i32
    %add3A_847 = vector.broadcast %add3A_846 : i32 to vector<16xi32>
    %add3A_848 = arith.addi %iota3A_820, %add3A_847 : vector<16xi32>
    %swap3A_849 = arith.constant 64 : index
    %swap3A_850 = tpu.vector_load %arg25[%swap3A_849] {strides = array<i32>} : memref<6464xi32, #tpu.memory_space<vmem>>, vector<16xi32>,
    tpu.vector_store %arg25[%swap3A_849], %add3A_848 {strides = array<i32>} : memref<6464xi32, #tpu.memory_space<vmem>>, vector<16xi32>,
    %add3A_851 = arith.constant 80 : i32
    %add3A_852 = arith.addi %mul3A_576, %add3A_851 : i32
    %add3A_853 = vector.broadcast %add3A_852 : i32 to vector<16xi32>
    %add3A_854 = arith.addi %iota3A_820, %add3A_853 : vector<16xi32>
    %swap3A_855 = arith.constant 80 : index
    %swap3A_856 = tpu.vector_load %arg25[%swap3A_855] {strides = array<i32>} : memref<6464xi32, #tpu.memory_space<vmem>>, vector<16xi32>,
    tpu.vector_store %arg25[%swap3A_855], %add3A_854 {strides = array<i32>} : memref<6464xi32, #tpu.memory_space<vmem>>, vector<16xi32>,
    %add3A_857 = arith.constant 96 : i32
    %add3A_858 = arith.addi %mul3A_576, %add3A_857 : i32
    %add3A_859 = vector.broadcast %add3A_858 : i32 to vector<16xi32>
    %add3A_860 = arith.addi %iota3A_820, %add3A_859 : vector<16xi32>
    %swap3A_861 = arith.constant 96 : index
    %swap3A_862 = tpu.vector_load %arg25[%swap3A_861] {strides = array<i32>} : memref<6464xi32, #tpu.memory_space<vmem>>, vector<16xi32>,
    tpu.vector_store %arg25[%swap3A_861], %add3A_860 {strides = array<i32>} : memref<6464xi32, #tpu.memory_space<vmem>>, vector<16xi32>,
    %add3A_863 = arith.constant 112 : i32
    %add3A_864 = arith.addi %mul3A_576, %add3A_863 : i32
    %add3A_865 = vector.broadcast %add3A_864 : i32 to vector<16xi32>
    %add3A_866 = arith.addi %iota3A_820, %add3A_865 : vector<16xi32>
    %swap3A_867 = arith.constant 112 : index
    %swap3A_868 = tpu.vector_load %arg25[%swap3A_867] {strides = array<i32>} : memref<6464xi32, #tpu.memory_space<vmem>>, vector<16xi32>,
    tpu.vector_store %arg25[%swap3A_867], %add3A_866 {strides = array<i32>} : memref<6464xi32, #tpu.memory_space<vmem>>, vector<16xi32>,
    %lt3A_869 = arith.constant 8 : i32
    %lt3A_870 = arith.cmpi slt, %arg1, %lt3A_869 : i32
    %convert_element_type3A_871 = arith.extui %lt3A_870 : i1 to i32
    %cond3A_872 = arith.constant 0 : i32
    %cond3A_873 = arith.cmpi ne, %convert_element_type3A_871, %cond3A_872 : i32
    scf.if %cond3A_873 {
      %mul3A_1112 = arith.constant 5120 : i32
      %mul3A_1113 = arith.muli %arg1, %mul3A_1112 : i32
      "tpu.region"() ({
        %run_scoped3A_1114 = tpu.sem_alloc : memref<!tpu.dma_semaphore, #tpu.memory_space<semaphore_mem>>
        %dma_start3A = tpu.memref_slice %arg31[%mul3A_1113] : memref<40960xf32, #tpu.memory_space<vmem_shared>> -> memref<5120xf32, #tpu.memory_space<vmem_shared>>
        %dma_start3A_1115 = tpu.memref_slice %arg31[%mul3A_1113] : memref<40960xf32, #tpu.memory_space<vmem_shared>> -> memref<5120xf32, #tpu.memory_space<vmem_shared>>
        tpu.enqueue_dma source(%arg21 : memref<5120xf32, #tpu.memory_space<vmem>>) target(%dma_start3A_1115 : memref<5120xf32, #tpu.memory_space<vmem_shared>>) target_semaphore(%run_scoped3A_1114 : memref<!tpu.dma_semaphore, #tpu.memory_space<semaphore_mem>>)
        %dma_wait3A = tpu.memref_slice %arg31[%mul3A_1113] : memref<40960xf32, #tpu.memory_space<vmem_shared>> -> memref<5120xf32, #tpu.memory_space<vmem_shared>>
        %dma_wait3A_1116 = tpu.memref_slice %arg31[%mul3A_1113] : memref<40960xf32, #tpu.memory_space<vmem_shared>> -> memref<5120xf32, #tpu.memory_space<vmem_shared>>
        tpu.wait_dma2 semaphore(%run_scoped3A_1114 : memref<!tpu.dma_semaphore, #tpu.memory_space<semaphore_mem>>) src(%arg21 : memref<5120xf32, #tpu.memory_space<vmem>>) dst(%dma_wait3A_1116 : memref<5120xf32, #tpu.memory_space<vmem_shared>>)
        tpu.yield
      }) : () -> ()
    } else {
    }
    "tpu.trace_start"() <{level = 10 : i32, message = "bar1"}> : () -> ()
    %barrier3A_874 = arith.constant 0 : index
    tpu.barrier barrier_id(%barrier3A_874)
    %gt3A_875 = arith.constant 0 : i32
    "tpu.trace_stop"() : () -> ()
    "tpu.trace_start"() <{level = 10 : i32, message = "p2_rows"}> : () -> ()
    %gt3A_876 = arith.cmpi sgt, %shift_right_logical3A_819, %gt3A_875 : i32
    %convert_element_type3A_877 = arith.extui %gt3A_876 : i1 to i32
    %cond3A_878 = arith.constant 0 : i32
    %cond3A_879 = arith.cmpi ne, %convert_element_type3A_877, %cond3A_878 : i32
    scf.if %cond3A_879 {
      %dma_start3A = arith.constant 0 : i32
      %dma_start3A_1112 = arith.constant 0 : i32
      %dma_start3A_1113 = tpu.memref_slice %arg27[%dma_start3A, %dma_start3A_1112] : memref<192x128xf32, #tpu.memory_space<vmem>> -> memref<64x128xf32, #tpu.memory_space<vmem>>
      %dma_start3A_1114 = arith.constant 0 : i32
      %dma_start3A_1115 = tpu.memref_slice %arg24[%dma_start3A_1114] : memref<6464xi32, #tpu.memory_space<vmem>> -> memref<64xi32, #tpu.memory_space<vmem>>
      %dma_start3A_1116 = arith.constant 0 : i32
      %dma_start3A_1117 = arith.constant 0 : i32
      %dma_start3A_1118 = tpu.memref_slice %arg3[%dma_start3A_1116, %dma_start3A_1117] : memref<10000x128xf32, #tpu.memory_space<hbm>> -> memref<10000x128xf32, #tpu.memory_space<hbm>>
      tpu.enqueue_indirect_dma source(%dma_start3A_1118 : memref<10000x128xf32, #tpu.memory_space<hbm>>) target(%dma_start3A_1113 : memref<64x128xf32, #tpu.memory_space<vmem>>) offsets(%dma_start3A_1115 : memref<64xi32, #tpu.memory_space<vmem>>) semaphore(%arg32 : memref<!tpu.dma_semaphore, #tpu.memory_space<semaphore_mem>>)
    } else {
    }
    %gt3A_880 = arith.constant 1 : i32
    %gt3A_881 = arith.cmpi sgt, %shift_right_logical3A_819, %gt3A_880 : i32
    %convert_element_type3A_882 = arith.extui %gt3A_881 : i1 to i32
    %cond3A_883 = arith.constant 0 : i32
    %cond3A_884 = arith.cmpi ne, %convert_element_type3A_882, %cond3A_883 : i32
    scf.if %cond3A_884 {
      %dma_start3A = arith.constant 64 : i32
      %dma_start3A_1112 = arith.constant 0 : i32
      %dma_start3A_1113 = tpu.memref_slice %arg27[%dma_start3A, %dma_start3A_1112] : memref<192x128xf32, #tpu.memory_space<vmem>> -> memref<64x128xf32, #tpu.memory_space<vmem>>
      %dma_start3A_1114 = arith.constant 64 : i32
      %dma_start3A_1115 = tpu.memref_slice %arg24[%dma_start3A_1114] : memref<6464xi32, #tpu.memory_space<vmem>> -> memref<64xi32, #tpu.memory_space<vmem>>
      %dma_start3A_1116 = arith.constant 0 : i32
      %dma_start3A_1117 = arith.constant 0 : i32
      %dma_start3A_1118 = tpu.memref_slice %arg3[%dma_start3A_1116, %dma_start3A_1117] : memref<10000x128xf32, #tpu.memory_space<hbm>> -> memref<10000x128xf32, #tpu.memory_space<hbm>>
      tpu.enqueue_indirect_dma source(%dma_start3A_1118 : memref<10000x128xf32, #tpu.memory_space<hbm>>) target(%dma_start3A_1113 : memref<64x128xf32, #tpu.memory_space<vmem>>) offsets(%dma_start3A_1115 : memref<64xi32, #tpu.memory_space<vmem>>) semaphore(%arg33 : memref<!tpu.dma_semaphore, #tpu.memory_space<semaphore_mem>>)
    } else {
    }
    %add3A_885 = arith.constant 2 : i32
    %add3A_886 = arith.addi %shift_right_logical3A_819, %add3A_885 : i32
    %div3A_887 = arith.constant 3 : i32
    %div3A_888 = arith.divsi %add3A_886, %div3A_887 : i32
    %while3A_889 = arith.constant 0 : i32
    %while3A_890 = arith.constant 0 : i32
    %while3A_891 = arith.subi %div3A_888, %while3A_890 : i32
    %while3A_892 = arith.addi %while3A_890, %while3A_891 : i32
    %while3A_893 = arith.constant 1 : i32
    %while3A_894 = arith.divsi %while3A_891, %while3A_893 : i32
    %while3A_895 = arith.muli %while3A_894, %while3A_893 : i32
    %while3A_896 = arith.addi %while3A_890, %while3A_895 : i32
    %while3A_897 = arith.constant 1 : i32
    scf.for %while3A_1112 = %while3A_890 to %while3A_896 step %while3A_897  : i32 {
      %mul3A_1113 = arith.constant 3 : i32
      %mul3A_1114 = arith.muli %mul3A_1113, %while3A_1112 : i32
      %add3A_1115 = arith.constant 0 : i32
      %add3A_1116 = arith.addi %mul3A_1114, %add3A_1115 : i32
      %lt3A_1117 = arith.cmpi slt, %add3A_1116, %shift_right_logical3A_819 : i32
      %convert_element_type3A_1118 = arith.extui %lt3A_1117 : i1 to i32
      %cond3A_1119 = arith.constant 0 : i32
      %cond3A_1120 = arith.cmpi ne, %convert_element_type3A_1118, %cond3A_1119 : i32
      scf.if %cond3A_1120 {
        %mul3A_1137 = arith.constant 64 : i32
        %mul3A_1138 = arith.muli %add3A_1116, %mul3A_1137 : i32
        %dma_wait3A = arith.constant 0 : i32
        %dma_wait3A_1139 = arith.constant 0 : i32
        %dma_wait3A_1140 = tpu.memref_slice %arg27[%dma_wait3A, %dma_wait3A_1139] : memref<192x128xf32, #tpu.memory_space<vmem>> -> memref<64x128xf32, #tpu.memory_space<vmem>>
        %dma_wait3A_1141 = tpu.memref_slice %arg24[%mul3A_1138] : memref<6464xi32, #tpu.memory_space<vmem>> -> memref<64xi32, #tpu.memory_space<vmem>>
        %dma_wait3A_1142 = arith.constant 0 : i32
        %dma_wait3A_1143 = arith.constant 0 : i32
        %dma_wait3A_1144 = tpu.memref_slice %arg3[%dma_wait3A_1142, %dma_wait3A_1143] : memref<10000x128xf32, #tpu.memory_space<hbm>> -> memref<10000x128xf32, #tpu.memory_space<hbm>>
        tpu.wait_indirect_dma semaphore(%arg32 : memref<!tpu.dma_semaphore, #tpu.memory_space<semaphore_mem>>) src(%dma_wait3A_1144 : memref<10000x128xf32, #tpu.memory_space<hbm>>) dst(%dma_wait3A_1140 : memref<64x128xf32, #tpu.memory_space<vmem>>)
        %add3A_1145 = arith.constant 2 : i32
        %add3A_1146 = arith.addi %add3A_1116, %add3A_1145 : i32
        %lt3A_1147 = arith.cmpi slt, %add3A_1146, %shift_right_logical3A_819 : i32
        %convert_element_type3A_1148 = arith.extui %lt3A_1147 : i1 to i32
        %cond3A_1149 = arith.constant 0 : i32
        %cond3A_1150 = arith.cmpi ne, %convert_element_type3A_1148, %cond3A_1149 : i32
        scf.if %cond3A_1150 {
          %add3A_1151 = arith.constant 2 : i32
          %add3A_1152 = arith.addi %add3A_1116, %add3A_1151 : i32
          %mul3A_1153 = arith.constant 64 : i32
          %mul3A_1154 = arith.muli %add3A_1152, %mul3A_1153 : i32
          %dma_start3A = arith.constant 128 : i32
          %dma_start3A_1155 = arith.constant 0 : i32
          %dma_start3A_1156 = tpu.memref_slice %arg27[%dma_start3A, %dma_start3A_1155] : memref<192x128xf32, #tpu.memory_space<vmem>> -> memref<64x128xf32, #tpu.memory_space<vmem>>
          %dma_start3A_1157 = tpu.memref_slice %arg24[%mul3A_1154] : memref<6464xi32, #tpu.memory_space<vmem>> -> memref<64xi32, #tpu.memory_space<vmem>>
          %dma_start3A_1158 = arith.constant 0 : i32
          %dma_start3A_1159 = arith.constant 0 : i32
          %dma_start3A_1160 = tpu.memref_slice %arg3[%dma_start3A_1158, %dma_start3A_1159] : memref<10000x128xf32, #tpu.memory_space<hbm>> -> memref<10000x128xf32, #tpu.memory_space<hbm>>
          tpu.enqueue_indirect_dma source(%dma_start3A_1160 : memref<10000x128xf32, #tpu.memory_space<hbm>>) target(%dma_start3A_1156 : memref<64x128xf32, #tpu.memory_space<vmem>>) offsets(%dma_start3A_1157 : memref<64xi32, #tpu.memory_space<vmem>>) semaphore(%arg35 : memref<!tpu.dma_semaphore, #tpu.memory_space<semaphore_mem>>)
        } else {
        }
      } else {
      }
      %mul3A_1121 = arith.constant 3 : i32
      %mul3A_1122 = arith.muli %mul3A_1121, %while3A_1112 : i32
      %add3A_1123 = arith.constant 1 : i32
      %add3A_1124 = arith.addi %mul3A_1122, %add3A_1123 : i32
      %lt3A_1125 = arith.cmpi slt, %add3A_1124, %shift_right_logical3A_819 : i32
      %convert_element_type3A_1126 = arith.extui %lt3A_1125 : i1 to i32
      %cond3A_1127 = arith.constant 0 : i32
      %cond3A_1128 = arith.cmpi ne, %convert_element_type3A_1126, %cond3A_1127 : i32
      scf.if %cond3A_1128 {
        %mul3A_1137 = arith.constant 64 : i32
        %mul3A_1138 = arith.muli %add3A_1124, %mul3A_1137 : i32
        %dma_wait3A = arith.constant 64 : i32
        %dma_wait3A_1139 = arith.constant 0 : i32
        %dma_wait3A_1140 = tpu.memref_slice %arg27[%dma_wait3A, %dma_wait3A_1139] : memref<192x128xf32, #tpu.memory_space<vmem>> -> memref<64x128xf32, #tpu.memory_space<vmem>>
        %dma_wait3A_1141 = tpu.memref_slice %arg24[%mul3A_1138] : memref<6464xi32, #tpu.memory_space<vmem>> -> memref<64xi32, #tpu.memory_space<vmem>>
        %dma_wait3A_1142 = arith.constant 0 : i32
        %dma_wait3A_1143 = arith.constant 0 : i32
        %dma_wait3A_1144 = tpu.memref_slice %arg3[%dma_wait3A_1142, %dma_wait3A_1143] : memref<10000x128xf32, #tpu.memory_space<hbm>> -> memref<10000x128xf32, #tpu.memory_space<hbm>>
        tpu.wait_indirect_dma semaphore(%arg33 : memref<!tpu.dma_semaphore, #tpu.memory_space<semaphore_mem>>) src(%dma_wait3A_1144 : memref<10000x128xf32, #tpu.memory_space<hbm>>) dst(%dma_wait3A_1140 : memref<64x128xf32, #tpu.memory_space<vmem>>)
        %add3A_1145 = arith.constant 2 : i32
        %add3A_1146 = arith.addi %add3A_1124, %add3A_1145 : i32
        %lt3A_1147 = arith.cmpi slt, %add3A_1146, %shift_right_logical3A_819 : i32
        %convert_element_type3A_1148 = arith.extui %lt3A_1147 : i1 to i32
        %cond3A_1149 = arith.constant 0 : i32
        %cond3A_1150 = arith.cmpi ne, %convert_element_type3A_1148, %cond3A_1149 : i32
        scf.if %cond3A_1150 {
          %add3A_1151 = arith.constant 2 : i32
          %add3A_1152 = arith.addi %add3A_1124, %add3A_1151 : i32
          %mul3A_1153 = arith.constant 64 : i32
          %mul3A_1154 = arith.muli %add3A_1152, %mul3A_1153 : i32
          %dma_start3A = arith.constant 0 : i32
          %dma_start3A_1155 = arith.constant 0 : i32
          %dma_start3A_1156 = tpu.memref_slice %arg27[%dma_start3A, %dma_start3A_1155] : memref<192x128xf32, #tpu.memory_space<vmem>> -> memref<64x128xf32, #tpu.memory_space<vmem>>
          %dma_start3A_1157 = tpu.memref_slice %arg24[%mul3A_1154] : memref<6464xi32, #tpu.memory_space<vmem>> -> memref<64xi32, #tpu.memory_space<vmem>>
          %dma_start3A_1158 = arith.constant 0 : i32
          %dma_start3A_1159 = arith.constant 0 : i32
          %dma_start3A_1160 = tpu.memref_slice %arg3[%dma_start3A_1158, %dma_start3A_1159] : memref<10000x128xf32, #tpu.memory_space<hbm>> -> memref<10000x128xf32, #tpu.memory_space<hbm>>
          tpu.enqueue_indirect_dma source(%dma_start3A_1160 : memref<10000x128xf32, #tpu.memory_space<hbm>>) target(%dma_start3A_1156 : memref<64x128xf32, #tpu.memory_space<vmem>>) offsets(%dma_start3A_1157 : memref<64xi32, #tpu.memory_space<vmem>>) semaphore(%arg32 : memref<!tpu.dma_semaphore, #tpu.memory_space<semaphore_mem>>)
        } else {
        }
      } else {
      }
      %mul3A_1129 = arith.constant 3 : i32
      %mul3A_1130 = arith.muli %mul3A_1129, %while3A_1112 : i32
      %add3A_1131 = arith.constant 2 : i32
      %add3A_1132 = arith.addi %mul3A_1130, %add3A_1131 : i32
      %lt3A_1133 = arith.cmpi slt, %add3A_1132, %shift_right_logical3A_819 : i32
      %convert_element_type3A_1134 = arith.extui %lt3A_1133 : i1 to i32
      %cond3A_1135 = arith.constant 0 : i32
      %cond3A_1136 = arith.cmpi ne, %convert_element_type3A_1134, %cond3A_1135 : i32
      scf.if %cond3A_1136 {
        %mul3A_1137 = arith.constant 64 : i32
        %mul3A_1138 = arith.muli %add3A_1132, %mul3A_1137 : i32
        %dma_wait3A = arith.constant 128 : i32
        %dma_wait3A_1139 = arith.constant 0 : i32
        %dma_wait3A_1140 = tpu.memref_slice %arg27[%dma_wait3A, %dma_wait3A_1139] : memref<192x128xf32, #tpu.memory_space<vmem>> -> memref<64x128xf32, #tpu.memory_space<vmem>>
        %dma_wait3A_1141 = tpu.memref_slice %arg24[%mul3A_1138] : memref<6464xi32, #tpu.memory_space<vmem>> -> memref<64xi32, #tpu.memory_space<vmem>>
        %dma_wait3A_1142 = arith.constant 0 : i32
        %dma_wait3A_1143 = arith.constant 0 : i32
        %dma_wait3A_1144 = tpu.memref_slice %arg3[%dma_wait3A_1142, %dma_wait3A_1143] : memref<10000x128xf32, #tpu.memory_space<hbm>> -> memref<10000x128xf32, #tpu.memory_space<hbm>>
        tpu.wait_indirect_dma semaphore(%arg35 : memref<!tpu.dma_semaphore, #tpu.memory_space<semaphore_mem>>) src(%dma_wait3A_1144 : memref<10000x128xf32, #tpu.memory_space<hbm>>) dst(%dma_wait3A_1140 : memref<64x128xf32, #tpu.memory_space<vmem>>)
        %add3A_1145 = arith.constant 2 : i32
        %add3A_1146 = arith.addi %add3A_1132, %add3A_1145 : i32
        %lt3A_1147 = arith.cmpi slt, %add3A_1146, %shift_right_logical3A_819 : i32
        %convert_element_type3A_1148 = arith.extui %lt3A_1147 : i1 to i32
        %cond3A_1149 = arith.constant 0 : i32
        %cond3A_1150 = arith.cmpi ne, %convert_element_type3A_1148, %cond3A_1149 : i32
        scf.if %cond3A_1150 {
          %add3A_1151 = arith.constant 2 : i32
          %add3A_1152 = arith.addi %add3A_1132, %add3A_1151 : i32
          %mul3A_1153 = arith.constant 64 : i32
          %mul3A_1154 = arith.muli %add3A_1152, %mul3A_1153 : i32
          %dma_start3A = arith.constant 64 : i32
          %dma_start3A_1155 = arith.constant 0 : i32
          %dma_start3A_1156 = tpu.memref_slice %arg27[%dma_start3A, %dma_start3A_1155] : memref<192x128xf32, #tpu.memory_space<vmem>> -> memref<64x128xf32, #tpu.memory_space<vmem>>
          %dma_start3A_1157 = tpu.memref_slice %arg24[%mul3A_1154] : memref<6464xi32, #tpu.memory_space<vmem>> -> memref<64xi32, #tpu.memory_space<vmem>>
          %dma_start3A_1158 = arith.constant 0 : i32
          %dma_start3A_1159 = arith.constant 0 : i32
          %dma_start3A_1160 = tpu.memref_slice %arg3[%dma_start3A_1158, %dma_start3A_1159] : memref<10000x128xf32, #tpu.memory_space<hbm>> -> memref<10000x128xf32, #tpu.memory_space<hbm>>
          tpu.enqueue_indirect_dma source(%dma_start3A_1160 : memref<10000x128xf32, #tpu.memory_space<hbm>>) target(%dma_start3A_1156 : memref<64x128xf32, #tpu.memory_space<vmem>>) offsets(%dma_start3A_1157 : memref<64xi32, #tpu.memory_space<vmem>>) semaphore(%arg33 : memref<!tpu.dma_semaphore, #tpu.memory_space<semaphore_mem>>)
        } else {
        }
      } else {
      }
    }
    %while3A_898 = arith.constant 1 : i32
    scf.for %while3A_1112 = %while3A_896 to %while3A_892 step %while3A_898  : i32 {
      %mul3A_1113 = arith.constant 3 : i32
      %mul3A_1114 = arith.muli %mul3A_1113, %while3A_1112 : i32
      %add3A_1115 = arith.constant 0 : i32
      %add3A_1116 = arith.addi %mul3A_1114, %add3A_1115 : i32
      %lt3A_1117 = arith.cmpi slt, %add3A_1116, %shift_right_logical3A_819 : i32
      %convert_element_type3A_1118 = arith.extui %lt3A_1117 : i1 to i32
      %cond3A_1119 = arith.constant 0 : i32
      %cond3A_1120 = arith.cmpi ne, %convert_element_type3A_1118, %cond3A_1119 : i32
      scf.if %cond3A_1120 {
        %mul3A_1137 = arith.constant 64 : i32
        %mul3A_1138 = arith.muli %add3A_1116, %mul3A_1137 : i32
        %dma_wait3A = arith.constant 0 : i32
        %dma_wait3A_1139 = arith.constant 0 : i32
        %dma_wait3A_1140 = tpu.memref_slice %arg27[%dma_wait3A, %dma_wait3A_1139] : memref<192x128xf32, #tpu.memory_space<vmem>> -> memref<64x128xf32, #tpu.memory_space<vmem>>
        %dma_wait3A_1141 = tpu.memref_slice %arg24[%mul3A_1138] : memref<6464xi32, #tpu.memory_space<vmem>> -> memref<64xi32, #tpu.memory_space<vmem>>
        %dma_wait3A_1142 = arith.constant 0 : i32
        %dma_wait3A_1143 = arith.constant 0 : i32
        %dma_wait3A_1144 = tpu.memref_slice %arg3[%dma_wait3A_1142, %dma_wait3A_1143] : memref<10000x128xf32, #tpu.memory_space<hbm>> -> memref<10000x128xf32, #tpu.memory_space<hbm>>
        tpu.wait_indirect_dma semaphore(%arg32 : memref<!tpu.dma_semaphore, #tpu.memory_space<semaphore_mem>>) src(%dma_wait3A_1144 : memref<10000x128xf32, #tpu.memory_space<hbm>>) dst(%dma_wait3A_1140 : memref<64x128xf32, #tpu.memory_space<vmem>>)
        %add3A_1145 = arith.constant 2 : i32
        %add3A_1146 = arith.addi %add3A_1116, %add3A_1145 : i32
        %lt3A_1147 = arith.cmpi slt, %add3A_1146, %shift_right_logical3A_819 : i32
        %convert_element_type3A_1148 = arith.extui %lt3A_1147 : i1 to i32
        %cond3A_1149 = arith.constant 0 : i32
        %cond3A_1150 = arith.cmpi ne, %convert_element_type3A_1148, %cond3A_1149 : i32
        scf.if %cond3A_1150 {
          %add3A_1151 = arith.constant 2 : i32
          %add3A_1152 = arith.addi %add3A_1116, %add3A_1151 : i32
          %mul3A_1153 = arith.constant 64 : i32
          %mul3A_1154 = arith.muli %add3A_1152, %mul3A_1153 : i32
          %dma_start3A = arith.constant 128 : i32
          %dma_start3A_1155 = arith.constant 0 : i32
          %dma_start3A_1156 = tpu.memref_slice %arg27[%dma_start3A, %dma_start3A_1155] : memref<192x128xf32, #tpu.memory_space<vmem>> -> memref<64x128xf32, #tpu.memory_space<vmem>>
          %dma_start3A_1157 = tpu.memref_slice %arg24[%mul3A_1154] : memref<6464xi32, #tpu.memory_space<vmem>> -> memref<64xi32, #tpu.memory_space<vmem>>
          %dma_start3A_1158 = arith.constant 0 : i32
          %dma_start3A_1159 = arith.constant 0 : i32
          %dma_start3A_1160 = tpu.memref_slice %arg3[%dma_start3A_1158, %dma_start3A_1159] : memref<10000x128xf32, #tpu.memory_space<hbm>> -> memref<10000x128xf32, #tpu.memory_space<hbm>>
          tpu.enqueue_indirect_dma source(%dma_start3A_1160 : memref<10000x128xf32, #tpu.memory_space<hbm>>) target(%dma_start3A_1156 : memref<64x128xf32, #tpu.memory_space<vmem>>) offsets(%dma_start3A_1157 : memref<64xi32, #tpu.memory_space<vmem>>) semaphore(%arg35 : memref<!tpu.dma_semaphore, #tpu.memory_space<semaphore_mem>>)
        } else {
        }
      } else {
      }
      %mul3A_1121 = arith.constant 3 : i32
      %mul3A_1122 = arith.muli %mul3A_1121, %while3A_1112 : i32
      %add3A_1123 = arith.constant 1 : i32
      %add3A_1124 = arith.addi %mul3A_1122, %add3A_1123 : i32
      %lt3A_1125 = arith.cmpi slt, %add3A_1124, %shift_right_logical3A_819 : i32
      %convert_element_type3A_1126 = arith.extui %lt3A_1125 : i1 to i32
      %cond3A_1127 = arith.constant 0 : i32
      %cond3A_1128 = arith.cmpi ne, %convert_element_type3A_1126, %cond3A_1127 : i32
      scf.if %cond3A_1128 {
        %mul3A_1137 = arith.constant 64 : i32
        %mul3A_1138 = arith.muli %add3A_1124, %mul3A_1137 : i32
        %dma_wait3A = arith.constant 64 : i32
        %dma_wait3A_1139 = arith.constant 0 : i32
        %dma_wait3A_1140 = tpu.memref_slice %arg27[%dma_wait3A, %dma_wait3A_1139] : memref<192x128xf32, #tpu.memory_space<vmem>> -> memref<64x128xf32, #tpu.memory_space<vmem>>
        %dma_wait3A_1141 = tpu.memref_slice %arg24[%mul3A_1138] : memref<6464xi32, #tpu.memory_space<vmem>> -> memref<64xi32, #tpu.memory_space<vmem>>
        %dma_wait3A_1142 = arith.constant 0 : i32
        %dma_wait3A_1143 = arith.constant 0 : i32
        %dma_wait3A_1144 = tpu.memref_slice %arg3[%dma_wait3A_1142, %dma_wait3A_1143] : memref<10000x128xf32, #tpu.memory_space<hbm>> -> memref<10000x128xf32, #tpu.memory_space<hbm>>
        tpu.wait_indirect_dma semaphore(%arg33 : memref<!tpu.dma_semaphore, #tpu.memory_space<semaphore_mem>>) src(%dma_wait3A_1144 : memref<10000x128xf32, #tpu.memory_space<hbm>>) dst(%dma_wait3A_1140 : memref<64x128xf32, #tpu.memory_space<vmem>>)
        %add3A_1145 = arith.constant 2 : i32
        %add3A_1146 = arith.addi %add3A_1124, %add3A_1145 : i32
        %lt3A_1147 = arith.cmpi slt, %add3A_1146, %shift_right_logical3A_819 : i32
        %convert_element_type3A_1148 = arith.extui %lt3A_1147 : i1 to i32
        %cond3A_1149 = arith.constant 0 : i32
        %cond3A_1150 = arith.cmpi ne, %convert_element_type3A_1148, %cond3A_1149 : i32
        scf.if %cond3A_1150 {
          %add3A_1151 = arith.constant 2 : i32
          %add3A_1152 = arith.addi %add3A_1124, %add3A_1151 : i32
          %mul3A_1153 = arith.constant 64 : i32
          %mul3A_1154 = arith.muli %add3A_1152, %mul3A_1153 : i32
          %dma_start3A = arith.constant 0 : i32
          %dma_start3A_1155 = arith.constant 0 : i32
          %dma_start3A_1156 = tpu.memref_slice %arg27[%dma_start3A, %dma_start3A_1155] : memref<192x128xf32, #tpu.memory_space<vmem>> -> memref<64x128xf32, #tpu.memory_space<vmem>>
          %dma_start3A_1157 = tpu.memref_slice %arg24[%mul3A_1154] : memref<6464xi32, #tpu.memory_space<vmem>> -> memref<64xi32, #tpu.memory_space<vmem>>
          %dma_start3A_1158 = arith.constant 0 : i32
          %dma_start3A_1159 = arith.constant 0 : i32
          %dma_start3A_1160 = tpu.memref_slice %arg3[%dma_start3A_1158, %dma_start3A_1159] : memref<10000x128xf32, #tpu.memory_space<hbm>> -> memref<10000x128xf32, #tpu.memory_space<hbm>>
          tpu.enqueue_indirect_dma source(%dma_start3A_1160 : memref<10000x128xf32, #tpu.memory_space<hbm>>) target(%dma_start3A_1156 : memref<64x128xf32, #tpu.memory_space<vmem>>) offsets(%dma_start3A_1157 : memref<64xi32, #tpu.memory_space<vmem>>) semaphore(%arg32 : memref<!tpu.dma_semaphore, #tpu.memory_space<semaphore_mem>>)
        } else {
        }
      } else {
      }
      %mul3A_1129 = arith.constant 3 : i32
      %mul3A_1130 = arith.muli %mul3A_1129, %while3A_1112 : i32
      %add3A_1131 = arith.constant 2 : i32
      %add3A_1132 = arith.addi %mul3A_1130, %add3A_1131 : i32
      %lt3A_1133 = arith.cmpi slt, %add3A_1132, %shift_right_logical3A_819 : i32
      %convert_element_type3A_1134 = arith.extui %lt3A_1133 : i1 to i32
      %cond3A_1135 = arith.constant 0 : i32
      %cond3A_1136 = arith.cmpi ne, %convert_element_type3A_1134, %cond3A_1135 : i32
      scf.if %cond3A_1136 {
        %mul3A_1137 = arith.constant 64 : i32
        %mul3A_1138 = arith.muli %add3A_1132, %mul3A_1137 : i32
        %dma_wait3A = arith.constant 128 : i32
        %dma_wait3A_1139 = arith.constant 0 : i32
        %dma_wait3A_1140 = tpu.memref_slice %arg27[%dma_wait3A, %dma_wait3A_1139] : memref<192x128xf32, #tpu.memory_space<vmem>> -> memref<64x128xf32, #tpu.memory_space<vmem>>
        %dma_wait3A_1141 = tpu.memref_slice %arg24[%mul3A_1138] : memref<6464xi32, #tpu.memory_space<vmem>> -> memref<64xi32, #tpu.memory_space<vmem>>
        %dma_wait3A_1142 = arith.constant 0 : i32
        %dma_wait3A_1143 = arith.constant 0 : i32
        %dma_wait3A_1144 = tpu.memref_slice %arg3[%dma_wait3A_1142, %dma_wait3A_1143] : memref<10000x128xf32, #tpu.memory_space<hbm>> -> memref<10000x128xf32, #tpu.memory_space<hbm>>
        tpu.wait_indirect_dma semaphore(%arg35 : memref<!tpu.dma_semaphore, #tpu.memory_space<semaphore_mem>>) src(%dma_wait3A_1144 : memref<10000x128xf32, #tpu.memory_space<hbm>>) dst(%dma_wait3A_1140 : memref<64x128xf32, #tpu.memory_space<vmem>>)
        %add3A_1145 = arith.constant 2 : i32
        %add3A_1146 = arith.addi %add3A_1132, %add3A_1145 : i32
        %lt3A_1147 = arith.cmpi slt, %add3A_1146, %shift_right_logical3A_819 : i32
        %convert_element_type3A_1148 = arith.extui %lt3A_1147 : i1 to i32
        %cond3A_1149 = arith.constant 0 : i32
        %cond3A_1150 = arith.cmpi ne, %convert_element_type3A_1148, %cond3A_1149 : i32
        scf.if %cond3A_1150 {
          %add3A_1151 = arith.constant 2 : i32
          %add3A_1152 = arith.addi %add3A_1132, %add3A_1151 : i32
          %mul3A_1153 = arith.constant 64 : i32
          %mul3A_1154 = arith.muli %add3A_1152, %mul3A_1153 : i32
          %dma_start3A = arith.constant 64 : i32
          %dma_start3A_1155 = arith.constant 0 : i32
          %dma_start3A_1156 = tpu.memref_slice %arg27[%dma_start3A, %dma_start3A_1155] : memref<192x128xf32, #tpu.memory_space<vmem>> -> memref<64x128xf32, #tpu.memory_space<vmem>>
          %dma_start3A_1157 = tpu.memref_slice %arg24[%mul3A_1154] : memref<6464xi32, #tpu.memory_space<vmem>> -> memref<64xi32, #tpu.memory_space<vmem>>
          %dma_start3A_1158 = arith.constant 0 : i32
          %dma_start3A_1159 = arith.constant 0 : i32
          %dma_start3A_1160 = tpu.memref_slice %arg3[%dma_start3A_1158, %dma_start3A_1159] : memref<10000x128xf32, #tpu.memory_space<hbm>> -> memref<10000x128xf32, #tpu.memory_space<hbm>>
          tpu.enqueue_indirect_dma source(%dma_start3A_1160 : memref<10000x128xf32, #tpu.memory_space<hbm>>) target(%dma_start3A_1156 : memref<64x128xf32, #tpu.memory_space<vmem>>) offsets(%dma_start3A_1157 : memref<64xi32, #tpu.memory_space<vmem>>) semaphore(%arg33 : memref<!tpu.dma_semaphore, #tpu.memory_space<semaphore_mem>>)
        } else {
        }
      } else {
      }
    }
    "tpu.trace_stop"() : () -> ()
    "tpu.trace_start"() <{level = 10 : i32, message = "bar2"}> : () -> ()
    %barrier3A_899 = arith.constant 0 : index
    tpu.barrier barrier_id(%barrier3A_899)
    %ge3A_900 = arith.constant 8 : i32
    "tpu.trace_stop"() : () -> ()
    %ge3A_901 = arith.cmpi sge, %arg1, %ge3A_900 : i32
    %convert_element_type3A_902 = arith.extui %ge3A_901 : i1 to i32
    %cond3A_903 = arith.constant 0 : i32
    %cond3A_904 = arith.cmpi ne, %convert_element_type3A_902, %cond3A_903 : i32
    scf.if %cond3A_904 {
      %sub3A_1112 = arith.constant 8 : i32
      %sub3A_1113 = arith.subi %arg1, %sub3A_1112 : i32
      %mul3A_1114 = arith.constant 5120 : i32
      %mul3A_1115 = arith.muli %sub3A_1113, %mul3A_1114 : i32
      "tpu.region"() ({
        %run_scoped3A_1126 = tpu.sem_alloc : memref<!tpu.dma_semaphore, #tpu.memory_space<semaphore_mem>>
        %dma_start3A = arith.constant 0 : i32
        %dma_start3A_1127 = tpu.memref_slice %arg26[%dma_start3A] : memref<6464xf32, #tpu.memory_space<vmem>> -> memref<5120xf32, #tpu.memory_space<vmem>>
        %dma_start3A_1128 = tpu.memref_slice %arg31[%mul3A_1115] : memref<40960xf32, #tpu.memory_space<vmem_shared>> -> memref<5120xf32, #tpu.memory_space<vmem_shared>>
        %dma_start3A_1129 = arith.constant 0 : i32
        %dma_start3A_1130 = tpu.memref_slice %arg26[%dma_start3A_1129] : memref<6464xf32, #tpu.memory_space<vmem>> -> memref<5120xf32, #tpu.memory_space<vmem>>
        %dma_start3A_1131 = tpu.memref_slice %arg31[%mul3A_1115] : memref<40960xf32, #tpu.memory_space<vmem_shared>> -> memref<5120xf32, #tpu.memory_space<vmem_shared>>
        tpu.enqueue_dma source(%dma_start3A_1131 : memref<5120xf32, #tpu.memory_space<vmem_shared>>) target(%dma_start3A_1130 : memref<5120xf32, #tpu.memory_space<vmem>>) target_semaphore(%run_scoped3A_1126 : memref<!tpu.dma_semaphore, #tpu.memory_space<semaphore_mem>>)
        %dma_wait3A = arith.constant 0 : i32
        %dma_wait3A_1132 = tpu.memref_slice %arg26[%dma_wait3A] : memref<6464xf32, #tpu.memory_space<vmem>> -> memref<5120xf32, #tpu.memory_space<vmem>>
        %dma_wait3A_1133 = tpu.memref_slice %arg31[%mul3A_1115] : memref<40960xf32, #tpu.memory_space<vmem_shared>> -> memref<5120xf32, #tpu.memory_space<vmem_shared>>
        %dma_wait3A_1134 = arith.constant 0 : i32
        %dma_wait3A_1135 = tpu.memref_slice %arg26[%dma_wait3A_1134] : memref<6464xf32, #tpu.memory_space<vmem>> -> memref<5120xf32, #tpu.memory_space<vmem>>
        %dma_wait3A_1136 = tpu.memref_slice %arg31[%mul3A_1115] : memref<40960xf32, #tpu.memory_space<vmem_shared>> -> memref<5120xf32, #tpu.memory_space<vmem_shared>>
        tpu.wait_dma2 semaphore(%run_scoped3A_1126 : memref<!tpu.dma_semaphore, #tpu.memory_space<semaphore_mem>>) src(%dma_wait3A_1136 : memref<5120xf32, #tpu.memory_space<vmem_shared>>) dst(%dma_wait3A_1135 : memref<5120xf32, #tpu.memory_space<vmem>>)
        tpu.yield
      }) : () -> ()
      %scan3A_1116 = arith.constant 0 : i32
      %scan3A_1117 = arith.constant 0 : i32
      %scan3A_1118 = arith.constant 320 : i32
      %scan3A_1119 = arith.addi %scan3A_1117, %scan3A_1118 : i32
      %scan3A_1120 = arith.constant 1 : i32
      scf.for %scan3A_1126 = %scan3A_1117 to %scan3A_1119 step %scan3A_1120  : i32 {
        %mul3A_1127 = arith.constant 16 : i32
        %mul3A_1128 = arith.muli %scan3A_1126, %mul3A_1127 : i32
        %get3A = arith.index_cast %mul3A_1128 : i32 to index
        %get3A_1129 = tpu.vector_load %arg21[%get3A] {strides = array<i32>} : memref<5120xf32, #tpu.memory_space<vmem>>, vector<16xf32>,
        %get3A_1130 = arith.index_cast %mul3A_1128 : i32 to index
        %get3A_1131 = tpu.vector_load %arg26[%get3A_1130] {strides = array<i32>} : memref<6464xf32, #tpu.memory_space<vmem>>, vector<16xf32>,
        %add3A_1132 = arith.addf %get3A_1129, %get3A_1131 : vector<16xf32>
        %swap3A_1133 = arith.index_cast %mul3A_1128 : i32 to index
        %swap3A_1134 = tpu.vector_load %arg21[%swap3A_1133] {strides = array<i32>} : memref<5120xf32, #tpu.memory_space<vmem>>, vector<16xf32>,
        tpu.vector_store %arg21[%swap3A_1133], %add3A_1132 {strides = array<i32>} : memref<5120xf32, #tpu.memory_space<vmem>>, vector<16xf32>,
      }
      %scan3A_1121 = arith.constant 320 : i32
      %sub3A_1122 = arith.constant 8 : i32
      %sub3A_1123 = arith.subi %arg1, %sub3A_1122 : i32
      %mul3A_1124 = arith.constant 5120 : i32
      %mul3A_1125 = arith.muli %sub3A_1123, %mul3A_1124 : i32
      "tpu.region"() ({
        %run_scoped3A_1126 = tpu.sem_alloc : memref<!tpu.dma_semaphore, #tpu.memory_space<semaphore_mem>>
        %dma_start3A = tpu.memref_slice %arg31[%mul3A_1125] : memref<40960xf32, #tpu.memory_space<vmem_shared>> -> memref<5120xf32, #tpu.memory_space<vmem_shared>>
        %dma_start3A_1127 = tpu.memref_slice %arg31[%mul3A_1125] : memref<40960xf32, #tpu.memory_space<vmem_shared>> -> memref<5120xf32, #tpu.memory_space<vmem_shared>>
        tpu.enqueue_dma source(%arg21 : memref<5120xf32, #tpu.memory_space<vmem>>) target(%dma_start3A_1127 : memref<5120xf32, #tpu.memory_space<vmem_shared>>) target_semaphore(%run_scoped3A_1126 : memref<!tpu.dma_semaphore, #tpu.memory_space<semaphore_mem>>)
        %dma_wait3A = tpu.memref_slice %arg31[%mul3A_1125] : memref<40960xf32, #tpu.memory_space<vmem_shared>> -> memref<5120xf32, #tpu.memory_space<vmem_shared>>
        %dma_wait3A_1128 = tpu.memref_slice %arg31[%mul3A_1125] : memref<40960xf32, #tpu.memory_space<vmem_shared>> -> memref<5120xf32, #tpu.memory_space<vmem_shared>>
        tpu.wait_dma2 semaphore(%run_scoped3A_1126 : memref<!tpu.dma_semaphore, #tpu.memory_space<semaphore_mem>>) src(%arg21 : memref<5120xf32, #tpu.memory_space<vmem>>) dst(%dma_wait3A_1128 : memref<5120xf32, #tpu.memory_space<vmem_shared>>)
        tpu.yield
      }) : () -> ()
    } else {
    }
    "tpu.trace_start"() <{level = 10 : i32, message = "bar3"}> : () -> ()
    %barrier3A_905 = arith.constant 0 : index
    tpu.barrier barrier_id(%barrier3A_905)
    "tpu.trace_stop"() : () -> ()
    %add3A_906 = arith.constant 0 : i32
    %add3A_907 = arith.addi %add3A_906, %mul3A_576 : i32
    "tpu.region"() ({
      %run_scoped3A_1112 = tpu.sem_alloc : memref<!tpu.dma_semaphore, #tpu.memory_space<semaphore_mem>>
      %dma_start3A = arith.constant 0 : i32
      %dma_start3A_1113 = tpu.memref_slice %arg26[%dma_start3A] : memref<6464xf32, #tpu.memory_space<vmem>> -> memref<320xf32, #tpu.memory_space<vmem>>
      %dma_start3A_1114 = tpu.memref_slice %arg31[%add3A_907] : memref<40960xf32, #tpu.memory_space<vmem_shared>> -> memref<320xf32, #tpu.memory_space<vmem_shared>>
      %dma_start3A_1115 = arith.constant 0 : i32
      %dma_start3A_1116 = tpu.memref_slice %arg26[%dma_start3A_1115] : memref<6464xf32, #tpu.memory_space<vmem>> -> memref<320xf32, #tpu.memory_space<vmem>>
      %dma_start3A_1117 = tpu.memref_slice %arg31[%add3A_907] : memref<40960xf32, #tpu.memory_space<vmem_shared>> -> memref<320xf32, #tpu.memory_space<vmem_shared>>
      tpu.enqueue_dma source(%dma_start3A_1117 : memref<320xf32, #tpu.memory_space<vmem_shared>>) target(%dma_start3A_1116 : memref<320xf32, #tpu.memory_space<vmem>>) target_semaphore(%run_scoped3A_1112 : memref<!tpu.dma_semaphore, #tpu.memory_space<semaphore_mem>>)
      %dma_wait3A = arith.constant 0 : i32
      %dma_wait3A_1118 = tpu.memref_slice %arg26[%dma_wait3A] : memref<6464xf32, #tpu.memory_space<vmem>> -> memref<320xf32, #tpu.memory_space<vmem>>
      %dma_wait3A_1119 = tpu.memref_slice %arg31[%add3A_907] : memref<40960xf32, #tpu.memory_space<vmem_shared>> -> memref<320xf32, #tpu.memory_space<vmem_shared>>
      %dma_wait3A_1120 = arith.constant 0 : i32
      %dma_wait3A_1121 = tpu.memref_slice %arg26[%dma_wait3A_1120] : memref<6464xf32, #tpu.memory_space<vmem>> -> memref<320xf32, #tpu.memory_space<vmem>>
      %dma_wait3A_1122 = tpu.memref_slice %arg31[%add3A_907] : memref<40960xf32, #tpu.memory_space<vmem_shared>> -> memref<320xf32, #tpu.memory_space<vmem_shared>>
      tpu.wait_dma2 semaphore(%run_scoped3A_1112 : memref<!tpu.dma_semaphore, #tpu.memory_space<semaphore_mem>>) src(%dma_wait3A_1122 : memref<320xf32, #tpu.memory_space<vmem_shared>>) dst(%dma_wait3A_1121 : memref<320xf32, #tpu.memory_space<vmem>>)
      tpu.yield
    }) : () -> ()
    %add3A_908 = arith.constant 5120 : i32
    %add3A_909 = arith.addi %add3A_908, %mul3A_576 : i32
    "tpu.region"() ({
      %run_scoped3A_1112 = tpu.sem_alloc : memref<!tpu.dma_semaphore, #tpu.memory_space<semaphore_mem>>
      %dma_start3A = arith.constant 320 : i32
      %dma_start3A_1113 = tpu.memref_slice %arg26[%dma_start3A] : memref<6464xf32, #tpu.memory_space<vmem>> -> memref<320xf32, #tpu.memory_space<vmem>>
      %dma_start3A_1114 = tpu.memref_slice %arg31[%add3A_909] : memref<40960xf32, #tpu.memory_space<vmem_shared>> -> memref<320xf32, #tpu.memory_space<vmem_shared>>
      %dma_start3A_1115 = arith.constant 320 : i32
      %dma_start3A_1116 = tpu.memref_slice %arg26[%dma_start3A_1115] : memref<6464xf32, #tpu.memory_space<vmem>> -> memref<320xf32, #tpu.memory_space<vmem>>
      %dma_start3A_1117 = tpu.memref_slice %arg31[%add3A_909] : memref<40960xf32, #tpu.memory_space<vmem_shared>> -> memref<320xf32, #tpu.memory_space<vmem_shared>>
      tpu.enqueue_dma source(%dma_start3A_1117 : memref<320xf32, #tpu.memory_space<vmem_shared>>) target(%dma_start3A_1116 : memref<320xf32, #tpu.memory_space<vmem>>) target_semaphore(%run_scoped3A_1112 : memref<!tpu.dma_semaphore, #tpu.memory_space<semaphore_mem>>)
      %dma_wait3A = arith.constant 320 : i32
      %dma_wait3A_1118 = tpu.memref_slice %arg26[%dma_wait3A] : memref<6464xf32, #tpu.memory_space<vmem>> -> memref<320xf32, #tpu.memory_space<vmem>>
      %dma_wait3A_1119 = tpu.memref_slice %arg31[%add3A_909] : memref<40960xf32, #tpu.memory_space<vmem_shared>> -> memref<320xf32, #tpu.memory_space<vmem_shared>>
      %dma_wait3A_1120 = arith.constant 320 : i32
      %dma_wait3A_1121 = tpu.memref_slice %arg26[%dma_wait3A_1120] : memref<6464xf32, #tpu.memory_space<vmem>> -> memref<320xf32, #tpu.memory_space<vmem>>
      %dma_wait3A_1122 = tpu.memref_slice %arg31[%add3A_909] : memref<40960xf32, #tpu.memory_space<vmem_shared>> -> memref<320xf32, #tpu.memory_space<vmem_shared>>
      tpu.wait_dma2 semaphore(%run_scoped3A_1112 : memref<!tpu.dma_semaphore, #tpu.memory_space<semaphore_mem>>) src(%dma_wait3A_1122 : memref<320xf32, #tpu.memory_space<vmem_shared>>) dst(%dma_wait3A_1121 : memref<320xf32, #tpu.memory_space<vmem>>)
      tpu.yield
    }) : () -> ()
    %add3A_910 = arith.constant 10240 : i32
    %add3A_911 = arith.addi %add3A_910, %mul3A_576 : i32
    "tpu.region"() ({
      %run_scoped3A_1112 = tpu.sem_alloc : memref<!tpu.dma_semaphore, #tpu.memory_space<semaphore_mem>>
      %dma_start3A = arith.constant 640 : i32
      %dma_start3A_1113 = tpu.memref_slice %arg26[%dma_start3A] : memref<6464xf32, #tpu.memory_space<vmem>> -> memref<320xf32, #tpu.memory_space<vmem>>
      %dma_start3A_1114 = tpu.memref_slice %arg31[%add3A_911] : memref<40960xf32, #tpu.memory_space<vmem_shared>> -> memref<320xf32, #tpu.memory_space<vmem_shared>>
      %dma_start3A_1115 = arith.constant 640 : i32
      %dma_start3A_1116 = tpu.memref_slice %arg26[%dma_start3A_1115] : memref<6464xf32, #tpu.memory_space<vmem>> -> memref<320xf32, #tpu.memory_space<vmem>>
      %dma_start3A_1117 = tpu.memref_slice %arg31[%add3A_911] : memref<40960xf32, #tpu.memory_space<vmem_shared>> -> memref<320xf32, #tpu.memory_space<vmem_shared>>
      tpu.enqueue_dma source(%dma_start3A_1117 : memref<320xf32, #tpu.memory_space<vmem_shared>>) target(%dma_start3A_1116 : memref<320xf32, #tpu.memory_space<vmem>>) target_semaphore(%run_scoped3A_1112 : memref<!tpu.dma_semaphore, #tpu.memory_space<semaphore_mem>>)
      %dma_wait3A = arith.constant 640 : i32
      %dma_wait3A_1118 = tpu.memref_slice %arg26[%dma_wait3A] : memref<6464xf32, #tpu.memory_space<vmem>> -> memref<320xf32, #tpu.memory_space<vmem>>
      %dma_wait3A_1119 = tpu.memref_slice %arg31[%add3A_911] : memref<40960xf32, #tpu.memory_space<vmem_shared>> -> memref<320xf32, #tpu.memory_space<vmem_shared>>
      %dma_wait3A_1120 = arith.constant 640 : i32
      %dma_wait3A_1121 = tpu.memref_slice %arg26[%dma_wait3A_1120] : memref<6464xf32, #tpu.memory_space<vmem>> -> memref<320xf32, #tpu.memory_space<vmem>>
      %dma_wait3A_1122 = tpu.memref_slice %arg31[%add3A_911] : memref<40960xf32, #tpu.memory_space<vmem_shared>> -> memref<320xf32, #tpu.memory_space<vmem_shared>>
      tpu.wait_dma2 semaphore(%run_scoped3A_1112 : memref<!tpu.dma_semaphore, #tpu.memory_space<semaphore_mem>>) src(%dma_wait3A_1122 : memref<320xf32, #tpu.memory_space<vmem_shared>>) dst(%dma_wait3A_1121 : memref<320xf32, #tpu.memory_space<vmem>>)
      tpu.yield
    }) : () -> ()
    %add3A_912 = arith.constant 15360 : i32
    %add3A_913 = arith.addi %add3A_912, %mul3A_576 : i32
    "tpu.region"() ({
      %run_scoped3A_1112 = tpu.sem_alloc : memref<!tpu.dma_semaphore, #tpu.memory_space<semaphore_mem>>
      %dma_start3A = arith.constant 960 : i32
      %dma_start3A_1113 = tpu.memref_slice %arg26[%dma_start3A] : memref<6464xf32, #tpu.memory_space<vmem>> -> memref<320xf32, #tpu.memory_space<vmem>>
      %dma_start3A_1114 = tpu.memref_slice %arg31[%add3A_913] : memref<40960xf32, #tpu.memory_space<vmem_shared>> -> memref<320xf32, #tpu.memory_space<vmem_shared>>
      %dma_start3A_1115 = arith.constant 960 : i32
      %dma_start3A_1116 = tpu.memref_slice %arg26[%dma_start3A_1115] : memref<6464xf32, #tpu.memory_space<vmem>> -> memref<320xf32, #tpu.memory_space<vmem>>
      %dma_start3A_1117 = tpu.memref_slice %arg31[%add3A_913] : memref<40960xf32, #tpu.memory_space<vmem_shared>> -> memref<320xf32, #tpu.memory_space<vmem_shared>>
      tpu.enqueue_dma source(%dma_start3A_1117 : memref<320xf32, #tpu.memory_space<vmem_shared>>) target(%dma_start3A_1116 : memref<320xf32, #tpu.memory_space<vmem>>) target_semaphore(%run_scoped3A_1112 : memref<!tpu.dma_semaphore, #tpu.memory_space<semaphore_mem>>)
      %dma_wait3A = arith.constant 960 : i32
      %dma_wait3A_1118 = tpu.memref_slice %arg26[%dma_wait3A] : memref<6464xf32, #tpu.memory_space<vmem>> -> memref<320xf32, #tpu.memory_space<vmem>>
      %dma_wait3A_1119 = tpu.memref_slice %arg31[%add3A_913] : memref<40960xf32, #tpu.memory_space<vmem_shared>> -> memref<320xf32, #tpu.memory_space<vmem_shared>>
      %dma_wait3A_1120 = arith.constant 960 : i32
      %dma_wait3A_1121 = tpu.memref_slice %arg26[%dma_wait3A_1120] : memref<6464xf32, #tpu.memory_space<vmem>> -> memref<320xf32, #tpu.memory_space<vmem>>
      %dma_wait3A_1122 = tpu.memref_slice %arg31[%add3A_913] : memref<40960xf32, #tpu.memory_space<vmem_shared>> -> memref<320xf32, #tpu.memory_space<vmem_shared>>
      tpu.wait_dma2 semaphore(%run_scoped3A_1112 : memref<!tpu.dma_semaphore, #tpu.memory_space<semaphore_mem>>) src(%dma_wait3A_1122 : memref<320xf32, #tpu.memory_space<vmem_shared>>) dst(%dma_wait3A_1121 : memref<320xf32, #tpu.memory_space<vmem>>)
      tpu.yield
    }) : () -> ()
    %add3A_914 = arith.constant 20480 : i32
    %add3A_915 = arith.addi %add3A_914, %mul3A_576 : i32
    "tpu.region"() ({
      %run_scoped3A_1112 = tpu.sem_alloc : memref<!tpu.dma_semaphore, #tpu.memory_space<semaphore_mem>>
      %dma_start3A = arith.constant 1280 : i32
      %dma_start3A_1113 = tpu.memref_slice %arg26[%dma_start3A] : memref<6464xf32, #tpu.memory_space<vmem>> -> memref<320xf32, #tpu.memory_space<vmem>>
      %dma_start3A_1114 = tpu.memref_slice %arg31[%add3A_915] : memref<40960xf32, #tpu.memory_space<vmem_shared>> -> memref<320xf32, #tpu.memory_space<vmem_shared>>
      %dma_start3A_1115 = arith.constant 1280 : i32
      %dma_start3A_1116 = tpu.memref_slice %arg26[%dma_start3A_1115] : memref<6464xf32, #tpu.memory_space<vmem>> -> memref<320xf32, #tpu.memory_space<vmem>>
      %dma_start3A_1117 = tpu.memref_slice %arg31[%add3A_915] : memref<40960xf32, #tpu.memory_space<vmem_shared>> -> memref<320xf32, #tpu.memory_space<vmem_shared>>
      tpu.enqueue_dma source(%dma_start3A_1117 : memref<320xf32, #tpu.memory_space<vmem_shared>>) target(%dma_start3A_1116 : memref<320xf32, #tpu.memory_space<vmem>>) target_semaphore(%run_scoped3A_1112 : memref<!tpu.dma_semaphore, #tpu.memory_space<semaphore_mem>>)
      %dma_wait3A = arith.constant 1280 : i32
      %dma_wait3A_1118 = tpu.memref_slice %arg26[%dma_wait3A] : memref<6464xf32, #tpu.memory_space<vmem>> -> memref<320xf32, #tpu.memory_space<vmem>>
      %dma_wait3A_1119 = tpu.memref_slice %arg31[%add3A_915] : memref<40960xf32, #tpu.memory_space<vmem_shared>> -> memref<320xf32, #tpu.memory_space<vmem_shared>>
      %dma_wait3A_1120 = arith.constant 1280 : i32
      %dma_wait3A_1121 = tpu.memref_slice %arg26[%dma_wait3A_1120] : memref<6464xf32, #tpu.memory_space<vmem>> -> memref<320xf32, #tpu.memory_space<vmem>>
      %dma_wait3A_1122 = tpu.memref_slice %arg31[%add3A_915] : memref<40960xf32, #tpu.memory_space<vmem_shared>> -> memref<320xf32, #tpu.memory_space<vmem_shared>>
      tpu.wait_dma2 semaphore(%run_scoped3A_1112 : memref<!tpu.dma_semaphore, #tpu.memory_space<semaphore_mem>>) src(%dma_wait3A_1122 : memref<320xf32, #tpu.memory_space<vmem_shared>>) dst(%dma_wait3A_1121 : memref<320xf32, #tpu.memory_space<vmem>>)
      tpu.yield
    }) : () -> ()
    %add3A_916 = arith.constant 25600 : i32
    %add3A_917 = arith.addi %add3A_916, %mul3A_576 : i32
    "tpu.region"() ({
      %run_scoped3A_1112 = tpu.sem_alloc : memref<!tpu.dma_semaphore, #tpu.memory_space<semaphore_mem>>
      %dma_start3A = arith.constant 1600 : i32
      %dma_start3A_1113 = tpu.memref_slice %arg26[%dma_start3A] : memref<6464xf32, #tpu.memory_space<vmem>> -> memref<320xf32, #tpu.memory_space<vmem>>
      %dma_start3A_1114 = tpu.memref_slice %arg31[%add3A_917] : memref<40960xf32, #tpu.memory_space<vmem_shared>> -> memref<320xf32, #tpu.memory_space<vmem_shared>>
      %dma_start3A_1115 = arith.constant 1600 : i32
      %dma_start3A_1116 = tpu.memref_slice %arg26[%dma_start3A_1115] : memref<6464xf32, #tpu.memory_space<vmem>> -> memref<320xf32, #tpu.memory_space<vmem>>
      %dma_start3A_1117 = tpu.memref_slice %arg31[%add3A_917] : memref<40960xf32, #tpu.memory_space<vmem_shared>> -> memref<320xf32, #tpu.memory_space<vmem_shared>>
      tpu.enqueue_dma source(%dma_start3A_1117 : memref<320xf32, #tpu.memory_space<vmem_shared>>) target(%dma_start3A_1116 : memref<320xf32, #tpu.memory_space<vmem>>) target_semaphore(%run_scoped3A_1112 : memref<!tpu.dma_semaphore, #tpu.memory_space<semaphore_mem>>)
      %dma_wait3A = arith.constant 1600 : i32
      %dma_wait3A_1118 = tpu.memref_slice %arg26[%dma_wait3A] : memref<6464xf32, #tpu.memory_space<vmem>> -> memref<320xf32, #tpu.memory_space<vmem>>
      %dma_wait3A_1119 = tpu.memref_slice %arg31[%add3A_917] : memref<40960xf32, #tpu.memory_space<vmem_shared>> -> memref<320xf32, #tpu.memory_space<vmem_shared>>
      %dma_wait3A_1120 = arith.constant 1600 : i32
      %dma_wait3A_1121 = tpu.memref_slice %arg26[%dma_wait3A_1120] : memref<6464xf32, #tpu.memory_space<vmem>> -> memref<320xf32, #tpu.memory_space<vmem>>
      %dma_wait3A_1122 = tpu.memref_slice %arg31[%add3A_917] : memref<40960xf32, #tpu.memory_space<vmem_shared>> -> memref<320xf32, #tpu.memory_space<vmem_shared>>
      tpu.wait_dma2 semaphore(%run_scoped3A_1112 : memref<!tpu.dma_semaphore, #tpu.memory_space<semaphore_mem>>) src(%dma_wait3A_1122 : memref<320xf32, #tpu.memory_space<vmem_shared>>) dst(%dma_wait3A_1121 : memref<320xf32, #tpu.memory_space<vmem>>)
      tpu.yield
    }) : () -> ()
    %add3A_918 = arith.constant 30720 : i32
    %add3A_919 = arith.addi %add3A_918, %mul3A_576 : i32
    "tpu.region"() ({
      %run_scoped3A_1112 = tpu.sem_alloc : memref<!tpu.dma_semaphore, #tpu.memory_space<semaphore_mem>>
      %dma_start3A = arith.constant 1920 : i32
      %dma_start3A_1113 = tpu.memref_slice %arg26[%dma_start3A] : memref<6464xf32, #tpu.memory_space<vmem>> -> memref<320xf32, #tpu.memory_space<vmem>>
      %dma_start3A_1114 = tpu.memref_slice %arg31[%add3A_919] : memref<40960xf32, #tpu.memory_space<vmem_shared>> -> memref<320xf32, #tpu.memory_space<vmem_shared>>
      %dma_start3A_1115 = arith.constant 1920 : i32
      %dma_start3A_1116 = tpu.memref_slice %arg26[%dma_start3A_1115] : memref<6464xf32, #tpu.memory_space<vmem>> -> memref<320xf32, #tpu.memory_space<vmem>>
      %dma_start3A_1117 = tpu.memref_slice %arg31[%add3A_919] : memref<40960xf32, #tpu.memory_space<vmem_shared>> -> memref<320xf32, #tpu.memory_space<vmem_shared>>
      tpu.enqueue_dma source(%dma_start3A_1117 : memref<320xf32, #tpu.memory_space<vmem_shared>>) target(%dma_start3A_1116 : memref<320xf32, #tpu.memory_space<vmem>>) target_semaphore(%run_scoped3A_1112 : memref<!tpu.dma_semaphore, #tpu.memory_space<semaphore_mem>>)
      %dma_wait3A = arith.constant 1920 : i32
      %dma_wait3A_1118 = tpu.memref_slice %arg26[%dma_wait3A] : memref<6464xf32, #tpu.memory_space<vmem>> -> memref<320xf32, #tpu.memory_space<vmem>>
      %dma_wait3A_1119 = tpu.memref_slice %arg31[%add3A_919] : memref<40960xf32, #tpu.memory_space<vmem_shared>> -> memref<320xf32, #tpu.memory_space<vmem_shared>>
      %dma_wait3A_1120 = arith.constant 1920 : i32
      %dma_wait3A_1121 = tpu.memref_slice %arg26[%dma_wait3A_1120] : memref<6464xf32, #tpu.memory_space<vmem>> -> memref<320xf32, #tpu.memory_space<vmem>>
      %dma_wait3A_1122 = tpu.memref_slice %arg31[%add3A_919] : memref<40960xf32, #tpu.memory_space<vmem_shared>> -> memref<320xf32, #tpu.memory_space<vmem_shared>>
      tpu.wait_dma2 semaphore(%run_scoped3A_1112 : memref<!tpu.dma_semaphore, #tpu.memory_space<semaphore_mem>>) src(%dma_wait3A_1122 : memref<320xf32, #tpu.memory_space<vmem_shared>>) dst(%dma_wait3A_1121 : memref<320xf32, #tpu.memory_space<vmem>>)
      tpu.yield
    }) : () -> ()
    %add3A_920 = arith.constant 35840 : i32
    %add3A_921 = arith.addi %add3A_920, %mul3A_576 : i32
    "tpu.region"() ({
      %run_scoped3A_1112 = tpu.sem_alloc : memref<!tpu.dma_semaphore, #tpu.memory_space<semaphore_mem>>
      %dma_start3A = arith.constant 2240 : i32
      %dma_start3A_1113 = tpu.memref_slice %arg26[%dma_start3A] : memref<6464xf32, #tpu.memory_space<vmem>> -> memref<320xf32, #tpu.memory_space<vmem>>
      %dma_start3A_1114 = tpu.memref_slice %arg31[%add3A_921] : memref<40960xf32, #tpu.memory_space<vmem_shared>> -> memref<320xf32, #tpu.memory_space<vmem_shared>>
      %dma_start3A_1115 = arith.constant 2240 : i32
      %dma_start3A_1116 = tpu.memref_slice %arg26[%dma_start3A_1115] : memref<6464xf32, #tpu.memory_space<vmem>> -> memref<320xf32, #tpu.memory_space<vmem>>
      %dma_start3A_1117 = tpu.memref_slice %arg31[%add3A_921] : memref<40960xf32, #tpu.memory_space<vmem_shared>> -> memref<320xf32, #tpu.memory_space<vmem_shared>>
      tpu.enqueue_dma source(%dma_start3A_1117 : memref<320xf32, #tpu.memory_space<vmem_shared>>) target(%dma_start3A_1116 : memref<320xf32, #tpu.memory_space<vmem>>) target_semaphore(%run_scoped3A_1112 : memref<!tpu.dma_semaphore, #tpu.memory_space<semaphore_mem>>)
      %dma_wait3A = arith.constant 2240 : i32
      %dma_wait3A_1118 = tpu.memref_slice %arg26[%dma_wait3A] : memref<6464xf32, #tpu.memory_space<vmem>> -> memref<320xf32, #tpu.memory_space<vmem>>
      %dma_wait3A_1119 = tpu.memref_slice %arg31[%add3A_921] : memref<40960xf32, #tpu.memory_space<vmem_shared>> -> memref<320xf32, #tpu.memory_space<vmem_shared>>
      %dma_wait3A_1120 = arith.constant 2240 : i32
      %dma_wait3A_1121 = tpu.memref_slice %arg26[%dma_wait3A_1120] : memref<6464xf32, #tpu.memory_space<vmem>> -> memref<320xf32, #tpu.memory_space<vmem>>
      %dma_wait3A_1122 = tpu.memref_slice %arg31[%add3A_921] : memref<40960xf32, #tpu.memory_space<vmem_shared>> -> memref<320xf32, #tpu.memory_space<vmem_shared>>
      tpu.wait_dma2 semaphore(%run_scoped3A_1112 : memref<!tpu.dma_semaphore, #tpu.memory_space<semaphore_mem>>) src(%dma_wait3A_1122 : memref<320xf32, #tpu.memory_space<vmem_shared>>) dst(%dma_wait3A_1121 : memref<320xf32, #tpu.memory_space<vmem>>)
      tpu.yield
    }) : () -> ()
    "tpu.trace_start"() <{level = 10 : i32, message = "p3_div"}> : () -> ()
    %scan3A_922 = arith.constant 0 : i32
    %scan3A_923 = arith.constant 0 : i32
    %scan3A_924 = arith.constant 20 : i32
    %scan3A_925 = arith.addi %scan3A_923, %scan3A_924 : i32
    %scan3A_926 = arith.constant 1 : i32
    scf.for %scan3A_1112 = %scan3A_923 to %scan3A_925 step %scan3A_926  : i32 {
      %mul3A_1113 = arith.constant 16 : i32
      %mul3A_1114 = arith.muli %scan3A_1112, %mul3A_1113 : i32
      %add3A_1115 = arith.addi %mul3A_3, %mul3A_576 : i32
      %add3A_1116 = arith.addi %add3A_1115, %mul3A_1114 : i32
      %lt3A_1117 = arith.constant 10000 : i32
      %lt3A_1118 = arith.cmpi slt, %add3A_1116, %lt3A_1117 : i32
      %convert_element_type3A_1119 = arith.extui %lt3A_1118 : i1 to i32
      %cond3A_1120 = arith.constant 0 : i32
      %cond3A_1121 = arith.cmpi ne, %convert_element_type3A_1119, %cond3A_1120 : i32
      scf.if %cond3A_1121 {
        %get3A = arith.index_cast %mul3A_1114 : i32 to index
        %get3A_1122 = tpu.vector_load %arg26[%get3A] {strides = array<i32>} : memref<6464xf32, #tpu.memory_space<vmem>>, vector<16xf32>,
        %add3A_1123 = arith.constant 320 : i32
        %add3A_1124 = arith.addi %add3A_1123, %mul3A_1114 : i32
        %get3A_1125 = arith.index_cast %add3A_1124 : i32 to index
        %get3A_1126 = tpu.vector_load %arg26[%get3A_1125] {strides = array<i32>} : memref<6464xf32, #tpu.memory_space<vmem>>, vector<16xf32>,
        %add3A_1127 = arith.addf %get3A_1122, %get3A_1126 : vector<16xf32>
        %add3A_1128 = arith.constant 640 : i32
        %add3A_1129 = arith.addi %add3A_1128, %mul3A_1114 : i32
        %get3A_1130 = arith.index_cast %add3A_1129 : i32 to index
        %get3A_1131 = tpu.vector_load %arg26[%get3A_1130] {strides = array<i32>} : memref<6464xf32, #tpu.memory_space<vmem>>, vector<16xf32>,
        %add3A_1132 = arith.addf %add3A_1127, %get3A_1131 : vector<16xf32>
        %add3A_1133 = arith.constant 960 : i32
        %add3A_1134 = arith.addi %add3A_1133, %mul3A_1114 : i32
        %get3A_1135 = arith.index_cast %add3A_1134 : i32 to index
        %get3A_1136 = tpu.vector_load %arg26[%get3A_1135] {strides = array<i32>} : memref<6464xf32, #tpu.memory_space<vmem>>, vector<16xf32>,
        %add3A_1137 = arith.addf %add3A_1132, %get3A_1136 : vector<16xf32>
        %add3A_1138 = arith.constant 1280 : i32
        %add3A_1139 = arith.addi %add3A_1138, %mul3A_1114 : i32
        %get3A_1140 = arith.index_cast %add3A_1139 : i32 to index
        %get3A_1141 = tpu.vector_load %arg26[%get3A_1140] {strides = array<i32>} : memref<6464xf32, #tpu.memory_space<vmem>>, vector<16xf32>,
        %add3A_1142 = arith.addf %add3A_1137, %get3A_1141 : vector<16xf32>
        %add3A_1143 = arith.constant 1600 : i32
        %add3A_1144 = arith.addi %add3A_1143, %mul3A_1114 : i32
        %get3A_1145 = arith.index_cast %add3A_1144 : i32 to index
        %get3A_1146 = tpu.vector_load %arg26[%get3A_1145] {strides = array<i32>} : memref<6464xf32, #tpu.memory_space<vmem>>, vector<16xf32>,
        %add3A_1147 = arith.addf %add3A_1142, %get3A_1146 : vector<16xf32>
        %add3A_1148 = arith.constant 1920 : i32
        %add3A_1149 = arith.addi %add3A_1148, %mul3A_1114 : i32
        %get3A_1150 = arith.index_cast %add3A_1149 : i32 to index
        %get3A_1151 = tpu.vector_load %arg26[%get3A_1150] {strides = array<i32>} : memref<6464xf32, #tpu.memory_space<vmem>>, vector<16xf32>,
        %add3A_1152 = arith.addf %add3A_1147, %get3A_1151 : vector<16xf32>
        %add3A_1153 = arith.constant 2240 : i32
        %add3A_1154 = arith.addi %add3A_1153, %mul3A_1114 : i32
        %get3A_1155 = arith.index_cast %add3A_1154 : i32 to index
        %get3A_1156 = tpu.vector_load %arg26[%get3A_1155] {strides = array<i32>} : memref<6464xf32, #tpu.memory_space<vmem>>, vector<16xf32>,
        %add3A_1157 = arith.addf %add3A_1152, %get3A_1156 : vector<16xf32>
        %gt3A_1158 = arith.constant 0.000000e+00 : f32
        %gt3A_1159 = vector.broadcast %gt3A_1158 : f32 to vector<16xf32>
        %gt3A_1160 = arith.cmpf ogt, %add3A_1157, %gt3A_1159 : vector<16xf32>
        %gt3A_1161 = arith.constant 0.000000e+00 : f32
        %gt3A_1162 = vector.broadcast %gt3A_1161 : f32 to vector<16xf32>
        %gt3A_1163 = arith.cmpf ogt, %add3A_1157, %gt3A_1162 : vector<16xf32>
        %jit3A = arith.constant 1.000000e+00 : f32
        %broadcast_in_dim3A_1164 = vector.broadcast %jit3A : f32 to vector<16xf32>
        %select_n3A = arith.select %gt3A_1163, %add3A_1157, %broadcast_in_dim3A_1164 : vector<16xi1>, vector<16xf32>
        %div3A_1165 = arith.constant 1.000000e+00 : f32
        %div3A_1166 = vector.broadcast %div3A_1165 : f32 to vector<16xf32>
        %div3A_1167 = arith.divf %div3A_1166, %select_n3A : vector<16xf32>
        %jit3A_1168 = arith.constant 0.000000e+00 : f32
        %broadcast_in_dim3A_1169 = vector.broadcast %jit3A_1168 : f32 to vector<16xf32>
        %select_n3A_1170 = arith.select %gt3A_1160, %div3A_1167, %broadcast_in_dim3A_1169 : vector<16xi1>, vector<16xf32>
        %add3A_1171 = arith.addi %mul3A_576, %mul3A_1114 : i32
        "tpu.region"() ({
          %run_scoped3A_1178 = tpu.sem_alloc : memref<!tpu.dma_semaphore, #tpu.memory_space<semaphore_mem>>
          %dma_start3A = arith.constant 0 : i32
          %dma_start3A_1179 = arith.constant 0 : i32
          %dma_start3A_1180 = tpu.memref_slice %arg27[%dma_start3A, %dma_start3A_1179] : memref<192x128xf32, #tpu.memory_space<vmem>> -> memref<16x128xf32, #tpu.memory_space<vmem>>
          %dma_start3A_1181 = arith.constant 0 : i32
          %dma_start3A_1182 = tpu.memref_slice %arg30[%add3A_1171, %dma_start3A_1181] : memref<5120x128xf32, #tpu.memory_space<vmem_shared>> -> memref<16x128xf32, #tpu.memory_space<vmem_shared>>
          %dma_start3A_1183 = arith.constant 0 : i32
          %dma_start3A_1184 = arith.constant 0 : i32
          %dma_start3A_1185 = tpu.memref_slice %arg27[%dma_start3A_1183, %dma_start3A_1184] : memref<192x128xf32, #tpu.memory_space<vmem>> -> memref<16x128xf32, #tpu.memory_space<vmem>>
          %dma_start3A_1186 = arith.constant 0 : i32
          %dma_start3A_1187 = tpu.memref_slice %arg30[%add3A_1171, %dma_start3A_1186] : memref<5120x128xf32, #tpu.memory_space<vmem_shared>> -> memref<16x128xf32, #tpu.memory_space<vmem_shared>>
          tpu.enqueue_dma source(%dma_start3A_1187 : memref<16x128xf32, #tpu.memory_space<vmem_shared>>) target(%dma_start3A_1185 : memref<16x128xf32, #tpu.memory_space<vmem>>) target_semaphore(%run_scoped3A_1178 : memref<!tpu.dma_semaphore, #tpu.memory_space<semaphore_mem>>)
          %dma_wait3A = arith.constant 0 : i32
          %dma_wait3A_1188 = arith.constant 0 : i32
          %dma_wait3A_1189 = tpu.memref_slice %arg27[%dma_wait3A, %dma_wait3A_1188] : memref<192x128xf32, #tpu.memory_space<vmem>> -> memref<16x128xf32, #tpu.memory_space<vmem>>
          %dma_wait3A_1190 = arith.constant 0 : i32
          %dma_wait3A_1191 = tpu.memref_slice %arg30[%add3A_1171, %dma_wait3A_1190] : memref<5120x128xf32, #tpu.memory_space<vmem_shared>> -> memref<16x128xf32, #tpu.memory_space<vmem_shared>>
          %dma_wait3A_1192 = arith.constant 0 : i32
          %dma_wait3A_1193 = arith.constant 0 : i32
          %dma_wait3A_1194 = tpu.memref_slice %arg27[%dma_wait3A_1192, %dma_wait3A_1193] : memref<192x128xf32, #tpu.memory_space<vmem>> -> memref<16x128xf32, #tpu.memory_space<vmem>>
          %dma_wait3A_1195 = arith.constant 0 : i32
          %dma_wait3A_1196 = tpu.memref_slice %arg30[%add3A_1171, %dma_wait3A_1195] : memref<5120x128xf32, #tpu.memory_space<vmem_shared>> -> memref<16x128xf32, #tpu.memory_space<vmem_shared>>
          tpu.wait_dma2 semaphore(%run_scoped3A_1178 : memref<!tpu.dma_semaphore, #tpu.memory_space<semaphore_mem>>) src(%dma_wait3A_1196 : memref<16x128xf32, #tpu.memory_space<vmem_shared>>) dst(%dma_wait3A_1194 : memref<16x128xf32, #tpu.memory_space<vmem>>)
          tpu.yield
        }) : () -> ()
        "tpu.region"() ({
          %run_scoped3A_1178 = tpu.sem_alloc : memref<!tpu.dma_semaphore, #tpu.memory_space<semaphore_mem>>
          %dma_start3A = arith.constant 16 : i32
          %dma_start3A_1179 = arith.constant 0 : i32
          %dma_start3A_1180 = tpu.memref_slice %arg27[%dma_start3A, %dma_start3A_1179] : memref<192x128xf32, #tpu.memory_space<vmem>> -> memref<16x128xf32, #tpu.memory_space<vmem>>
          %dma_start3A_1181 = arith.constant 0 : i32
          %dma_start3A_1182 = tpu.memref_slice %arg18[%add3A_1116, %dma_start3A_1181] : memref<10000x128xf32, #tpu.memory_space<hbm>> -> memref<16x128xf32, #tpu.memory_space<hbm>>
          %dma_start3A_1183 = arith.constant 16 : i32
          %dma_start3A_1184 = arith.constant 0 : i32
          %dma_start3A_1185 = tpu.memref_slice %arg27[%dma_start3A_1183, %dma_start3A_1184] : memref<192x128xf32, #tpu.memory_space<vmem>> -> memref<16x128xf32, #tpu.memory_space<vmem>>
          %dma_start3A_1186 = arith.constant 0 : i32
          %dma_start3A_1187 = tpu.memref_slice %arg18[%add3A_1116, %dma_start3A_1186] : memref<10000x128xf32, #tpu.memory_space<hbm>> -> memref<16x128xf32, #tpu.memory_space<hbm>>
          tpu.enqueue_dma source(%dma_start3A_1187 : memref<16x128xf32, #tpu.memory_space<hbm>>) target(%dma_start3A_1185 : memref<16x128xf32, #tpu.memory_space<vmem>>) target_semaphore(%run_scoped3A_1178 : memref<!tpu.dma_semaphore, #tpu.memory_space<semaphore_mem>>)
          %dma_wait3A = arith.constant 16 : i32
          %dma_wait3A_1188 = arith.constant 0 : i32
          %dma_wait3A_1189 = tpu.memref_slice %arg27[%dma_wait3A, %dma_wait3A_1188] : memref<192x128xf32, #tpu.memory_space<vmem>> -> memref<16x128xf32, #tpu.memory_space<vmem>>
          %dma_wait3A_1190 = arith.constant 0 : i32
          %dma_wait3A_1191 = tpu.memref_slice %arg18[%add3A_1116, %dma_wait3A_1190] : memref<10000x128xf32, #tpu.memory_space<hbm>> -> memref<16x128xf32, #tpu.memory_space<hbm>>
          %dma_wait3A_1192 = arith.constant 16 : i32
          %dma_wait3A_1193 = arith.constant 0 : i32
          %dma_wait3A_1194 = tpu.memref_slice %arg27[%dma_wait3A_1192, %dma_wait3A_1193] : memref<192x128xf32, #tpu.memory_space<vmem>> -> memref<16x128xf32, #tpu.memory_space<vmem>>
          %dma_wait3A_1195 = arith.constant 0 : i32
          %dma_wait3A_1196 = tpu.memref_slice %arg18[%add3A_1116, %dma_wait3A_1195] : memref<10000x128xf32, #tpu.memory_space<hbm>> -> memref<16x128xf32, #tpu.memory_space<hbm>>
          tpu.wait_dma2 semaphore(%run_scoped3A_1178 : memref<!tpu.dma_semaphore, #tpu.memory_space<semaphore_mem>>) src(%dma_wait3A_1196 : memref<16x128xf32, #tpu.memory_space<hbm>>) dst(%dma_wait3A_1194 : memref<16x128xf32, #tpu.memory_space<vmem>>)
          tpu.yield
        }) : () -> ()
        %scan3A_1172 = arith.constant 0 : i32
        %scan3A_1173 = arith.constant 0 : i32
        %scan3A_1174 = arith.constant 16 : i32
        %scan3A_1175 = arith.addi %scan3A_1173, %scan3A_1174 : i32
        %scan3A_1176 = arith.constant 1 : i32
        scf.for %scan3A_1178 = %scan3A_1173 to %scan3A_1175 step %scan3A_1176  : i32 {
          %broadcast_in_dim3A_1179 = vector.broadcast %scan3A_1178 : i32 to vector<16x1xi32>
          %gather3A = vector.shape_cast %broadcast_in_dim3A_1179 : vector<16x1xi32> to vector<16xi32>
          %gather3A_1180 = tpu.dynamic_gather %select_n3A_1170[%gather3A] in [0] : vector<16xf32>, vector<16xi32> -> vector<16xf32>
          %get3A_1181 = arith.index_cast %scan3A_1178 : i32 to index
          %get3A_1182 = arith.constant 0 : index
          %get3A_1183 = tpu.vector_load %arg27[%get3A_1181, %get3A_1182] {strides = array<i32>} : memref<192x128xf32, #tpu.memory_space<vmem>>, vector<16xf32>,
          %mul3A_1184 = arith.mulf %get3A_1183, %gather3A_1180 : vector<16xf32>
          %add3A_1185 = arith.constant 16 : i32
          %add3A_1186 = arith.addi %add3A_1185, %scan3A_1178 : i32
          %get3A_1187 = arith.index_cast %add3A_1186 : i32 to index
          %get3A_1188 = arith.constant 0 : index
          %get3A_1189 = tpu.vector_load %arg27[%get3A_1187, %get3A_1188] {strides = array<i32>} : memref<192x128xf32, #tpu.memory_space<vmem>>, vector<16xf32>,
          %add3A_1190 = arith.addf %mul3A_1184, %get3A_1189 : vector<16xf32>
          %swap3A_1191 = arith.index_cast %scan3A_1178 : i32 to index
          %swap3A_1192 = arith.constant 0 : index
          %swap3A_1193 = tpu.vector_load %arg27[%swap3A_1191, %swap3A_1192] {strides = array<i32>} : memref<192x128xf32, #tpu.memory_space<vmem>>, vector<16xf32>,
          tpu.vector_store %arg27[%swap3A_1191, %swap3A_1192], %add3A_1190 {strides = array<i32>} : memref<192x128xf32, #tpu.memory_space<vmem>>, vector<16xf32>,
          %get3A_1194 = arith.index_cast %scan3A_1178 : i32 to index
          %get3A_1195 = arith.constant 16 : index
          %get3A_1196 = tpu.vector_load %arg27[%get3A_1194, %get3A_1195] {strides = array<i32>} : memref<192x128xf32, #tpu.memory_space<vmem>>, vector<16xf32>,
          %mul3A_1197 = arith.mulf %get3A_1196, %gather3A_1180 : vector<16xf32>
          %add3A_1198 = arith.constant 16 : i32
          %add3A_1199 = arith.addi %add3A_1198, %scan3A_1178 : i32
          %get3A_1200 = arith.index_cast %add3A_1199 : i32 to index
          %get3A_1201 = arith.constant 16 : index
          %get3A_1202 = tpu.vector_load %arg27[%get3A_1200, %get3A_1201] {strides = array<i32>} : memref<192x128xf32, #tpu.memory_space<vmem>>, vector<16xf32>,
          %add3A_1203 = arith.addf %mul3A_1197, %get3A_1202 : vector<16xf32>
          %swap3A_1204 = arith.index_cast %scan3A_1178 : i32 to index
          %swap3A_1205 = arith.constant 16 : index
          %swap3A_1206 = tpu.vector_load %arg27[%swap3A_1204, %swap3A_1205] {strides = array<i32>} : memref<192x128xf32, #tpu.memory_space<vmem>>, vector<16xf32>,
          tpu.vector_store %arg27[%swap3A_1204, %swap3A_1205], %add3A_1203 {strides = array<i32>} : memref<192x128xf32, #tpu.memory_space<vmem>>, vector<16xf32>,
          %get3A_1207 = arith.index_cast %scan3A_1178 : i32 to index
          %get3A_1208 = arith.constant 32 : index
          %get3A_1209 = tpu.vector_load %arg27[%get3A_1207, %get3A_1208] {strides = array<i32>} : memref<192x128xf32, #tpu.memory_space<vmem>>, vector<16xf32>,
          %mul3A_1210 = arith.mulf %get3A_1209, %gather3A_1180 : vector<16xf32>
          %add3A_1211 = arith.constant 16 : i32
          %add3A_1212 = arith.addi %add3A_1211, %scan3A_1178 : i32
          %get3A_1213 = arith.index_cast %add3A_1212 : i32 to index
          %get3A_1214 = arith.constant 32 : index
          %get3A_1215 = tpu.vector_load %arg27[%get3A_1213, %get3A_1214] {strides = array<i32>} : memref<192x128xf32, #tpu.memory_space<vmem>>, vector<16xf32>,
          %add3A_1216 = arith.addf %mul3A_1210, %get3A_1215 : vector<16xf32>
          %swap3A_1217 = arith.index_cast %scan3A_1178 : i32 to index
          %swap3A_1218 = arith.constant 32 : index
          %swap3A_1219 = tpu.vector_load %arg27[%swap3A_1217, %swap3A_1218] {strides = array<i32>} : memref<192x128xf32, #tpu.memory_space<vmem>>, vector<16xf32>,
          tpu.vector_store %arg27[%swap3A_1217, %swap3A_1218], %add3A_1216 {strides = array<i32>} : memref<192x128xf32, #tpu.memory_space<vmem>>, vector<16xf32>,
          %get3A_1220 = arith.index_cast %scan3A_1178 : i32 to index
          %get3A_1221 = arith.constant 48 : index
          %get3A_1222 = tpu.vector_load %arg27[%get3A_1220, %get3A_1221] {strides = array<i32>} : memref<192x128xf32, #tpu.memory_space<vmem>>, vector<16xf32>,
          %mul3A_1223 = arith.mulf %get3A_1222, %gather3A_1180 : vector<16xf32>
          %add3A_1224 = arith.constant 16 : i32
          %add3A_1225 = arith.addi %add3A_1224, %scan3A_1178 : i32
          %get3A_1226 = arith.index_cast %add3A_1225 : i32 to index
          %get3A_1227 = arith.constant 48 : index
          %get3A_1228 = tpu.vector_load %arg27[%get3A_1226, %get3A_1227] {strides = array<i32>} : memref<192x128xf32, #tpu.memory_space<vmem>>, vector<16xf32>,
          %add3A_1229 = arith.addf %mul3A_1223, %get3A_1228 : vector<16xf32>
          %swap3A_1230 = arith.index_cast %scan3A_1178 : i32 to index
          %swap3A_1231 = arith.constant 48 : index
          %swap3A_1232 = tpu.vector_load %arg27[%swap3A_1230, %swap3A_1231] {strides = array<i32>} : memref<192x128xf32, #tpu.memory_space<vmem>>, vector<16xf32>,
          tpu.vector_store %arg27[%swap3A_1230, %swap3A_1231], %add3A_1229 {strides = array<i32>} : memref<192x128xf32, #tpu.memory_space<vmem>>, vector<16xf32>,
          %get3A_1233 = arith.index_cast %scan3A_1178 : i32 to index
          %get3A_1234 = arith.constant 64 : index
          %get3A_1235 = tpu.vector_load %arg27[%get3A_1233, %get3A_1234] {strides = array<i32>} : memref<192x128xf32, #tpu.memory_space<vmem>>, vector<16xf32>,
          %mul3A_1236 = arith.mulf %get3A_1235, %gather3A_1180 : vector<16xf32>
          %add3A_1237 = arith.constant 16 : i32
          %add3A_1238 = arith.addi %add3A_1237, %scan3A_1178 : i32
          %get3A_1239 = arith.index_cast %add3A_1238 : i32 to index
          %get3A_1240 = arith.constant 64 : index
          %get3A_1241 = tpu.vector_load %arg27[%get3A_1239, %get3A_1240] {strides = array<i32>} : memref<192x128xf32, #tpu.memory_space<vmem>>, vector<16xf32>,
          %add3A_1242 = arith.addf %mul3A_1236, %get3A_1241 : vector<16xf32>
          %swap3A_1243 = arith.index_cast %scan3A_1178 : i32 to index
          %swap3A_1244 = arith.constant 64 : index
          %swap3A_1245 = tpu.vector_load %arg27[%swap3A_1243, %swap3A_1244] {strides = array<i32>} : memref<192x128xf32, #tpu.memory_space<vmem>>, vector<16xf32>,
          tpu.vector_store %arg27[%swap3A_1243, %swap3A_1244], %add3A_1242 {strides = array<i32>} : memref<192x128xf32, #tpu.memory_space<vmem>>, vector<16xf32>,
          %get3A_1246 = arith.index_cast %scan3A_1178 : i32 to index
          %get3A_1247 = arith.constant 80 : index
          %get3A_1248 = tpu.vector_load %arg27[%get3A_1246, %get3A_1247] {strides = array<i32>} : memref<192x128xf32, #tpu.memory_space<vmem>>, vector<16xf32>,
          %mul3A_1249 = arith.mulf %get3A_1248, %gather3A_1180 : vector<16xf32>
          %add3A_1250 = arith.constant 16 : i32
          %add3A_1251 = arith.addi %add3A_1250, %scan3A_1178 : i32
          %get3A_1252 = arith.index_cast %add3A_1251 : i32 to index
          %get3A_1253 = arith.constant 80 : index
          %get3A_1254 = tpu.vector_load %arg27[%get3A_1252, %get3A_1253] {strides = array<i32>} : memref<192x128xf32, #tpu.memory_space<vmem>>, vector<16xf32>,
          %add3A_1255 = arith.addf %mul3A_1249, %get3A_1254 : vector<16xf32>
          %swap3A_1256 = arith.index_cast %scan3A_1178 : i32 to index
          %swap3A_1257 = arith.constant 80 : index
          %swap3A_1258 = tpu.vector_load %arg27[%swap3A_1256, %swap3A_1257] {strides = array<i32>} : memref<192x128xf32, #tpu.memory_space<vmem>>, vector<16xf32>,
          tpu.vector_store %arg27[%swap3A_1256, %swap3A_1257], %add3A_1255 {strides = array<i32>} : memref<192x128xf32, #tpu.memory_space<vmem>>, vector<16xf32>,
          %get3A_1259 = arith.index_cast %scan3A_1178 : i32 to index
          %get3A_1260 = arith.constant 96 : index
          %get3A_1261 = tpu.vector_load %arg27[%get3A_1259, %get3A_1260] {strides = array<i32>} : memref<192x128xf32, #tpu.memory_space<vmem>>, vector<16xf32>,
          %mul3A_1262 = arith.mulf %get3A_1261, %gather3A_1180 : vector<16xf32>
          %add3A_1263 = arith.constant 16 : i32
          %add3A_1264 = arith.addi %add3A_1263, %scan3A_1178 : i32
          %get3A_1265 = arith.index_cast %add3A_1264 : i32 to index
          %get3A_1266 = arith.constant 96 : index
          %get3A_1267 = tpu.vector_load %arg27[%get3A_1265, %get3A_1266] {strides = array<i32>} : memref<192x128xf32, #tpu.memory_space<vmem>>, vector<16xf32>,
          %add3A_1268 = arith.addf %mul3A_1262, %get3A_1267 : vector<16xf32>
          %swap3A_1269 = arith.index_cast %scan3A_1178 : i32 to index
          %swap3A_1270 = arith.constant 96 : index
          %swap3A_1271 = tpu.vector_load %arg27[%swap3A_1269, %swap3A_1270] {strides = array<i32>} : memref<192x128xf32, #tpu.memory_space<vmem>>, vector<16xf32>,
          tpu.vector_store %arg27[%swap3A_1269, %swap3A_1270], %add3A_1268 {strides = array<i32>} : memref<192x128xf32, #tpu.memory_space<vmem>>, vector<16xf32>,
          %get3A_1272 = arith.index_cast %scan3A_1178 : i32 to index
          %get3A_1273 = arith.constant 112 : index
          %get3A_1274 = tpu.vector_load %arg27[%get3A_1272, %get3A_1273] {strides = array<i32>} : memref<192x128xf32, #tpu.memory_space<vmem>>, vector<16xf32>,
          %mul3A_1275 = arith.mulf %get3A_1274, %gather3A_1180 : vector<16xf32>
          %add3A_1276 = arith.constant 16 : i32
          %add3A_1277 = arith.addi %add3A_1276, %scan3A_1178 : i32
          %get3A_1278 = arith.index_cast %add3A_1277 : i32 to index
          %get3A_1279 = arith.constant 112 : index
          %get3A_1280 = tpu.vector_load %arg27[%get3A_1278, %get3A_1279] {strides = array<i32>} : memref<192x128xf32, #tpu.memory_space<vmem>>, vector<16xf32>,
          %add3A_1281 = arith.addf %mul3A_1275, %get3A_1280 : vector<16xf32>
          %swap3A_1282 = arith.index_cast %scan3A_1178 : i32 to index
          %swap3A_1283 = arith.constant 112 : index
          %swap3A_1284 = tpu.vector_load %arg27[%swap3A_1282, %swap3A_1283] {strides = array<i32>} : memref<192x128xf32, #tpu.memory_space<vmem>>, vector<16xf32>,
          tpu.vector_store %arg27[%swap3A_1282, %swap3A_1283], %add3A_1281 {strides = array<i32>} : memref<192x128xf32, #tpu.memory_space<vmem>>, vector<16xf32>,
        }
        %scan3A_1177 = arith.constant 16 : i32
        "tpu.region"() ({
          %run_scoped3A_1178 = tpu.sem_alloc : memref<!tpu.dma_semaphore, #tpu.memory_space<semaphore_mem>>
          %dma_start3A = arith.constant 0 : i32
          %dma_start3A_1179 = arith.constant 0 : i32
          %dma_start3A_1180 = tpu.memref_slice %arg27[%dma_start3A, %dma_start3A_1179] : memref<192x128xf32, #tpu.memory_space<vmem>> -> memref<16x128xf32, #tpu.memory_space<vmem>>
          %dma_start3A_1181 = arith.constant 0 : i32
          %dma_start3A_1182 = tpu.memref_slice %arg18[%add3A_1116, %dma_start3A_1181] : memref<10000x128xf32, #tpu.memory_space<hbm>> -> memref<16x128xf32, #tpu.memory_space<hbm>>
          %dma_start3A_1183 = arith.constant 0 : i32
          %dma_start3A_1184 = tpu.memref_slice %arg18[%add3A_1116, %dma_start3A_1183] : memref<10000x128xf32, #tpu.memory_space<hbm>> -> memref<16x128xf32, #tpu.memory_space<hbm>>
          %dma_start3A_1185 = arith.constant 0 : i32
          %dma_start3A_1186 = arith.constant 0 : i32
          %dma_start3A_1187 = tpu.memref_slice %arg27[%dma_start3A_1185, %dma_start3A_1186] : memref<192x128xf32, #tpu.memory_space<vmem>> -> memref<16x128xf32, #tpu.memory_space<vmem>>
          tpu.enqueue_dma source(%dma_start3A_1187 : memref<16x128xf32, #tpu.memory_space<vmem>>) target(%dma_start3A_1184 : memref<16x128xf32, #tpu.memory_space<hbm>>) target_semaphore(%run_scoped3A_1178 : memref<!tpu.dma_semaphore, #tpu.memory_space<semaphore_mem>>)
          %dma_wait3A = arith.constant 0 : i32
          %dma_wait3A_1188 = arith.constant 0 : i32
          %dma_wait3A_1189 = tpu.memref_slice %arg27[%dma_wait3A, %dma_wait3A_1188] : memref<192x128xf32, #tpu.memory_space<vmem>> -> memref<16x128xf32, #tpu.memory_space<vmem>>
          %dma_wait3A_1190 = arith.constant 0 : i32
          %dma_wait3A_1191 = tpu.memref_slice %arg18[%add3A_1116, %dma_wait3A_1190] : memref<10000x128xf32, #tpu.memory_space<hbm>> -> memref<16x128xf32, #tpu.memory_space<hbm>>
          %dma_wait3A_1192 = arith.constant 0 : i32
          %dma_wait3A_1193 = tpu.memref_slice %arg18[%add3A_1116, %dma_wait3A_1192] : memref<10000x128xf32, #tpu.memory_space<hbm>> -> memref<16x128xf32, #tpu.memory_space<hbm>>
          %dma_wait3A_1194 = arith.constant 0 : i32
          %dma_wait3A_1195 = arith.constant 0 : i32
          %dma_wait3A_1196 = tpu.memref_slice %arg27[%dma_wait3A_1194, %dma_wait3A_1195] : memref<192x128xf32, #tpu.memory_space<vmem>> -> memref<16x128xf32, #tpu.memory_space<vmem>>
          tpu.wait_dma2 semaphore(%run_scoped3A_1178 : memref<!tpu.dma_semaphore, #tpu.memory_space<semaphore_mem>>) src(%dma_wait3A_1196 : memref<16x128xf32, #tpu.memory_space<vmem>>) dst(%dma_wait3A_1193 : memref<16x128xf32, #tpu.memory_space<hbm>>)
          tpu.yield
        }) : () -> ()
      } else {
      }
    }
    %scan3A_927 = arith.constant 20 : i32
    "tpu.trace_stop"() : () -> ()
    "tpu.trace_start"() <{level = 10 : i32, message = "bar4"}> : () -> ()
    %barrier3A_928 = arith.constant 0 : index
    tpu.barrier barrier_id(%barrier3A_928)
    "tpu.trace_stop"() : () -> ()
    "tpu.trace_start"() <{level = 10 : i32, message = "pz_zacc"}> : () -> ()
    %scan3A_929 = arith.constant 0 : i32
    %scan3A_930 = arith.constant 0 : i32
    %scan3A_931 = arith.constant 20 : i32
    %scan3A_932 = arith.addi %scan3A_930, %scan3A_931 : i32
    %scan3A_933 = arith.constant 1 : i32
    scf.for %scan3A_1112 = %scan3A_930 to %scan3A_932 step %scan3A_933  : i32 {
      %mul3A_1113 = arith.constant 16 : i32
      %mul3A_1114 = arith.muli %scan3A_1112, %mul3A_1113 : i32
      %add3A_1115 = arith.addi %mul3A_576, %mul3A_1114 : i32
      "tpu.region"() ({
        %run_scoped3A_1116 = tpu.sem_alloc : memref<!tpu.dma_semaphore, #tpu.memory_space<semaphore_mem>>
        %dma_start3A = arith.constant 0 : i32
        %dma_start3A_1117 = tpu.memref_slice %arg30[%add3A_1115, %dma_start3A] : memref<5120x128xf32, #tpu.memory_space<vmem_shared>> -> memref<16x128xf32, #tpu.memory_space<vmem_shared>>
        %dma_start3A_1118 = arith.constant 0 : i32
        %dma_start3A_1119 = tpu.memref_slice %arg30[%add3A_1115, %dma_start3A_1118] : memref<5120x128xf32, #tpu.memory_space<vmem_shared>> -> memref<16x128xf32, #tpu.memory_space<vmem_shared>>
        tpu.enqueue_dma source(%arg28 : memref<16x128xf32, #tpu.memory_space<vmem>>) target(%dma_start3A_1119 : memref<16x128xf32, #tpu.memory_space<vmem_shared>>) target_semaphore(%run_scoped3A_1116 : memref<!tpu.dma_semaphore, #tpu.memory_space<semaphore_mem>>)
        %dma_wait3A = arith.constant 0 : i32
        %dma_wait3A_1120 = tpu.memref_slice %arg30[%add3A_1115, %dma_wait3A] : memref<5120x128xf32, #tpu.memory_space<vmem_shared>> -> memref<16x128xf32, #tpu.memory_space<vmem_shared>>
        %dma_wait3A_1121 = arith.constant 0 : i32
        %dma_wait3A_1122 = tpu.memref_slice %arg30[%add3A_1115, %dma_wait3A_1121] : memref<5120x128xf32, #tpu.memory_space<vmem_shared>> -> memref<16x128xf32, #tpu.memory_space<vmem_shared>>
        tpu.wait_dma2 semaphore(%run_scoped3A_1116 : memref<!tpu.dma_semaphore, #tpu.memory_space<semaphore_mem>>) src(%arg28 : memref<16x128xf32, #tpu.memory_space<vmem>>) dst(%dma_wait3A_1122 : memref<16x128xf32, #tpu.memory_space<vmem_shared>>)
        tpu.yield
      }) : () -> ()
    }
    %scan3A_934 = arith.constant 20 : i32
    "tpu.trace_stop"() : () -> ()
    "tpu.trace_start"() <{level = 10 : i32, message = "pz_zden"}> : () -> ()
    %scan3A_935 = arith.constant 0 : i32
    %scan3A_936 = arith.constant 0 : i32
    %scan3A_937 = arith.constant 320 : i32
    %scan3A_938 = arith.addi %scan3A_936, %scan3A_937 : i32
    %scan3A_939 = arith.constant 1 : i32
    scf.for %scan3A_1112 = %scan3A_936 to %scan3A_938 step %scan3A_939  : i32 {
      %mul3A_1113 = arith.constant 16 : i32
      %mul3A_1114 = arith.muli %scan3A_1112, %mul3A_1113 : i32
      %swap3A_1115 = arith.index_cast %mul3A_1114 : i32 to index
      %swap3A_1116 = tpu.vector_load %arg21[%swap3A_1115] {strides = array<i32>} : memref<5120xf32, #tpu.memory_space<vmem>>, vector<16xf32>,
      tpu.vector_store %arg21[%swap3A_1115], %broadcast_in_dim3A_0 {strides = array<i32>} : memref<5120xf32, #tpu.memory_space<vmem>>, vector<16xf32>,
    }
    %scan3A_940 = arith.constant 320 : i32
    "tpu.trace_stop"() : () -> ()
    "tpu.trace_start"() <{level = 10 : i32, message = "p0_load"}> : () -> ()
    "tpu.region"() ({
      %run_scoped3A_1112 = tpu.sem_alloc : memref<!tpu.dma_semaphore, #tpu.memory_space<semaphore_mem>>
      %dma_start3A = arith.constant 0 : i32
      %dma_start3A_1113 = tpu.memref_slice %arg19[%dma_start3A] : memref<10240xf32, #tpu.memory_space<vmem>> -> memref<10000xf32, #tpu.memory_space<vmem>>
      %dma_start3A_1114 = arith.constant 0 : i32
      %dma_start3A_1115 = tpu.memref_slice %arg19[%dma_start3A_1114] : memref<10240xf32, #tpu.memory_space<vmem>> -> memref<10000xf32, #tpu.memory_space<vmem>>
      tpu.enqueue_dma source(%arg7 : memref<10000xf32, #tpu.memory_space<hbm>>) target(%dma_start3A_1115 : memref<10000xf32, #tpu.memory_space<vmem>>) target_semaphore(%run_scoped3A_1112 : memref<!tpu.dma_semaphore, #tpu.memory_space<semaphore_mem>>)
      %dma_wait3A = arith.constant 0 : i32
      %dma_wait3A_1116 = tpu.memref_slice %arg19[%dma_wait3A] : memref<10240xf32, #tpu.memory_space<vmem>> -> memref<10000xf32, #tpu.memory_space<vmem>>
      %dma_wait3A_1117 = arith.constant 0 : i32
      %dma_wait3A_1118 = tpu.memref_slice %arg19[%dma_wait3A_1117] : memref<10240xf32, #tpu.memory_space<vmem>> -> memref<10000xf32, #tpu.memory_space<vmem>>
      tpu.wait_dma2 semaphore(%run_scoped3A_1112 : memref<!tpu.dma_semaphore, #tpu.memory_space<semaphore_mem>>) src(%arg7 : memref<10000xf32, #tpu.memory_space<hbm>>) dst(%dma_wait3A_1118 : memref<10000xf32, #tpu.memory_space<vmem>>)
      tpu.yield
    }) : () -> ()
    "tpu.region"() ({
      %run_scoped3A_1112 = tpu.sem_alloc : memref<!tpu.dma_semaphore, #tpu.memory_space<semaphore_mem>>
      %dma_start3A = arith.constant 0 : i32
      %dma_start3A_1113 = tpu.memref_slice %arg20[%dma_start3A] : memref<10240xf32, #tpu.memory_space<vmem>> -> memref<10000xf32, #tpu.memory_space<vmem>>
      %dma_start3A_1114 = arith.constant 0 : i32
      %dma_start3A_1115 = tpu.memref_slice %arg20[%dma_start3A_1114] : memref<10240xf32, #tpu.memory_space<vmem>> -> memref<10000xf32, #tpu.memory_space<vmem>>
      tpu.enqueue_dma source(%arg10 : memref<10000xf32, #tpu.memory_space<hbm>>) target(%dma_start3A_1115 : memref<10000xf32, #tpu.memory_space<vmem>>) target_semaphore(%run_scoped3A_1112 : memref<!tpu.dma_semaphore, #tpu.memory_space<semaphore_mem>>)
      %dma_wait3A = arith.constant 0 : i32
      %dma_wait3A_1116 = tpu.memref_slice %arg20[%dma_wait3A] : memref<10240xf32, #tpu.memory_space<vmem>> -> memref<10000xf32, #tpu.memory_space<vmem>>
      %dma_wait3A_1117 = arith.constant 0 : i32
      %dma_wait3A_1118 = tpu.memref_slice %arg20[%dma_wait3A_1117] : memref<10240xf32, #tpu.memory_space<vmem>> -> memref<10000xf32, #tpu.memory_space<vmem>>
      tpu.wait_dma2 semaphore(%run_scoped3A_1112 : memref<!tpu.dma_semaphore, #tpu.memory_space<semaphore_mem>>) src(%arg10 : memref<10000xf32, #tpu.memory_space<hbm>>) dst(%dma_wait3A_1118 : memref<10000xf32, #tpu.memory_space<vmem>>)
      tpu.yield
    }) : () -> ()
    %run_scoped3A_941 = arith.constant 0 : i32
    "tpu.trace_stop"() : () -> ()
    "tpu.trace_start"() <{level = 10 : i32, message = "p0_load2"}> : () -> ()
    "tpu.region"() ({
      %run_scoped3A_1112 = tpu.sem_alloc : memref<!tpu.dma_semaphore, #tpu.memory_space<semaphore_mem>>
      %dma_start3A = arith.constant 0 : i32
      %dma_start3A_1113 = tpu.memref_slice %arg15[%arg1, %run_scoped3A_941, %dma_start3A] : memref<16x1x6400xi32, #tpu.memory_space<hbm>> -> memref<1x1x6400xi32, #tpu.memory_space<hbm>>
      %dma_start3A_1114 = tpu.memref_squeeze %dma_start3A_1113 : memref<1x1x6400xi32, #tpu.memory_space<hbm>> -> memref<6400xi32, #tpu.memory_space<hbm>>
      %dma_start3A_1115 = arith.constant 0 : i32
      %dma_start3A_1116 = tpu.memref_slice %arg15[%arg1, %run_scoped3A_941, %dma_start3A_1115] : memref<16x1x6400xi32, #tpu.memory_space<hbm>> -> memref<1x1x6400xi32, #tpu.memory_space<hbm>>
      %dma_start3A_1117 = tpu.memref_squeeze %dma_start3A_1116 : memref<1x1x6400xi32, #tpu.memory_space<hbm>> -> memref<6400xi32, #tpu.memory_space<hbm>>
      tpu.enqueue_dma source(%dma_start3A_1117 : memref<6400xi32, #tpu.memory_space<hbm>>) target(%arg22 : memref<6400xi32, #tpu.memory_space<vmem>>) target_semaphore(%run_scoped3A_1112 : memref<!tpu.dma_semaphore, #tpu.memory_space<semaphore_mem>>)
      %dma_wait3A = arith.constant 0 : i32
      %dma_wait3A_1118 = tpu.memref_slice %arg15[%arg1, %run_scoped3A_941, %dma_wait3A] : memref<16x1x6400xi32, #tpu.memory_space<hbm>> -> memref<1x1x6400xi32, #tpu.memory_space<hbm>>
      %dma_wait3A_1119 = tpu.memref_squeeze %dma_wait3A_1118 : memref<1x1x6400xi32, #tpu.memory_space<hbm>> -> memref<6400xi32, #tpu.memory_space<hbm>>
      %dma_wait3A_1120 = arith.constant 0 : i32
      %dma_wait3A_1121 = tpu.memref_slice %arg15[%arg1, %run_scoped3A_941, %dma_wait3A_1120] : memref<16x1x6400xi32, #tpu.memory_space<hbm>> -> memref<1x1x6400xi32, #tpu.memory_space<hbm>>
      %dma_wait3A_1122 = tpu.memref_squeeze %dma_wait3A_1121 : memref<1x1x6400xi32, #tpu.memory_space<hbm>> -> memref<6400xi32, #tpu.memory_space<hbm>>
      tpu.wait_dma2 semaphore(%run_scoped3A_1112 : memref<!tpu.dma_semaphore, #tpu.memory_space<semaphore_mem>>) src(%dma_wait3A_1122 : memref<6400xi32, #tpu.memory_space<hbm>>) dst(%arg22 : memref<6400xi32, #tpu.memory_space<vmem>>)
      tpu.yield
    }) : () -> ()
    "tpu.region"() ({
      %run_scoped3A_1112 = tpu.sem_alloc : memref<!tpu.dma_semaphore, #tpu.memory_space<semaphore_mem>>
      %dma_start3A = arith.constant 0 : i32
      %dma_start3A_1113 = arith.constant 0 : i32
      %dma_start3A_1114 = tpu.memref_slice %arg16[%arg1, %dma_start3A, %dma_start3A_1113] : memref<16x50x128xi32, #tpu.memory_space<hbm>> -> memref<1x50x128xi32, #tpu.memory_space<hbm>>
      %dma_start3A_1115 = tpu.memref_squeeze %dma_start3A_1114 : memref<1x50x128xi32, #tpu.memory_space<hbm>> -> memref<50x128xi32, #tpu.memory_space<hbm>>
      %dma_start3A_1116 = arith.constant 0 : i32
      %dma_start3A_1117 = arith.constant 0 : i32
      %dma_start3A_1118 = tpu.memref_slice %arg16[%arg1, %dma_start3A_1116, %dma_start3A_1117] : memref<16x50x128xi32, #tpu.memory_space<hbm>> -> memref<1x50x128xi32, #tpu.memory_space<hbm>>
      %dma_start3A_1119 = tpu.memref_squeeze %dma_start3A_1118 : memref<1x50x128xi32, #tpu.memory_space<hbm>> -> memref<50x128xi32, #tpu.memory_space<hbm>>
      tpu.enqueue_dma source(%dma_start3A_1119 : memref<50x128xi32, #tpu.memory_space<hbm>>) target(%arg23 : memref<50x128xi32, #tpu.memory_space<vmem>>) target_semaphore(%run_scoped3A_1112 : memref<!tpu.dma_semaphore, #tpu.memory_space<semaphore_mem>>)
      %dma_wait3A = arith.constant 0 : i32
      %dma_wait3A_1120 = arith.constant 0 : i32
      %dma_wait3A_1121 = tpu.memref_slice %arg16[%arg1, %dma_wait3A, %dma_wait3A_1120] : memref<16x50x128xi32, #tpu.memory_space<hbm>> -> memref<1x50x128xi32, #tpu.memory_space<hbm>>
      %dma_wait3A_1122 = tpu.memref_squeeze %dma_wait3A_1121 : memref<1x50x128xi32, #tpu.memory_space<hbm>> -> memref<50x128xi32, #tpu.memory_space<hbm>>
      %dma_wait3A_1123 = arith.constant 0 : i32
      %dma_wait3A_1124 = arith.constant 0 : i32
      %dma_wait3A_1125 = tpu.memref_slice %arg16[%arg1, %dma_wait3A_1123, %dma_wait3A_1124] : memref<16x50x128xi32, #tpu.memory_space<hbm>> -> memref<1x50x128xi32, #tpu.memory_space<hbm>>
      %dma_wait3A_1126 = tpu.memref_squeeze %dma_wait3A_1125 : memref<1x50x128xi32, #tpu.memory_space<hbm>> -> memref<50x128xi32, #tpu.memory_space<hbm>>
      tpu.wait_dma2 semaphore(%run_scoped3A_1112 : memref<!tpu.dma_semaphore, #tpu.memory_space<semaphore_mem>>) src(%dma_wait3A_1126 : memref<50x128xi32, #tpu.memory_space<hbm>>) dst(%arg23 : memref<50x128xi32, #tpu.memory_space<vmem>>)
      tpu.yield
    }) : () -> ()
    "tpu.trace_stop"() : () -> ()
    "tpu.trace_start"() <{level = 10 : i32, message = "p1_scan"}> : () -> ()
    %scan3A_942 = arith.constant 0 : i32
    %scan3A_943 = arith.constant 0 : i32
    %scan3A_944 = arith.constant 400 : i32
    %scan3A_945 = arith.addi %scan3A_943, %scan3A_944 : i32
    %scan3A_946 = arith.constant 1 : i32
    %scan3A_947 = scf.for %scan3A_1112 = %scan3A_943 to %scan3A_945 step %scan3A_946 iter_args(%scan3A_1113 = %scan3A_942) -> (i32)  : i32 {
      %mul3A_1114 = arith.constant 16 : i32
      %mul3A_1115 = arith.muli %scan3A_1112, %mul3A_1114 : i32
      %get3A = arith.index_cast %mul3A_1115 : i32 to index
      %get3A_1116 = tpu.vector_load %arg22[%get3A] {strides = array<i32>} : memref<6400xi32, #tpu.memory_space<vmem>>, vector<16xi32>,
      %shift_right_logical3A_1117 = arith.constant 3 : i32
      %shift_right_logical3A_1118 = arith.shrui %scan3A_1112, %shift_right_logical3A_1117 : i32
      %rem3A = arith.constant 8 : i32
      %rem3A_1119 = arith.remsi %scan3A_1112, %rem3A : i32
      %mul3A_1120 = arith.constant 16 : i32
      %mul3A_1121 = arith.muli %rem3A_1119, %mul3A_1120 : i32
      %get3A_1122 = arith.index_cast %shift_right_logical3A_1118 : i32 to index
      %get3A_1123 = arith.index_cast %mul3A_1121 : i32 to index
      %get3A_1124 = tpu.vector_load %arg23[%get3A_1122, %get3A_1123] {strides = array<i32>} : memref<50x128xi32, #tpu.memory_space<vmem>>, vector<16xi32>,
      %gather3A = tpu.vector_load_idx %arg19[%get3A_1116] : memref<10240xf32, #tpu.memory_space<vmem>>[vector<16xi32>], vector<16xf32>,
      %gather3A_1125 = tpu.vector_load_idx %arg20[%get3A_1124] : memref<10240xf32, #tpu.memory_space<vmem>>[vector<16xi32>], vector<16xf32>,
      %add3A_1126 = arith.addf %gather3A, %gather3A_1125 : vector<16xf32>
      %gt3A_1127 = arith.constant 0.000000e+00 : f32
      %gt3A_1128 = vector.broadcast %gt3A_1127 : f32 to vector<16xf32>
      %gt3A_1129 = arith.cmpf ogt, %add3A_1126, %gt3A_1128 : vector<16xf32>
      %mul3A_1130 = arith.constant 2.000000e-01 : f32
      %mul3A_1131 = vector.broadcast %mul3A_1130 : f32 to vector<16xf32>
      %mul3A_1132 = arith.mulf %mul3A_1131, %add3A_1126 : vector<16xf32>
      %select_n3A = arith.select %gt3A_1129, %add3A_1126, %mul3A_1132 : vector<16xi1>, vector<16xf32>
      %exp3A = math.exp %select_n3A : vector<16xf32>
      %sub3A_1133 = vector.broadcast %mul3A_3 : i32 to vector<16xi32>
      %sub3A_1134 = arith.subi %get3A_1124, %sub3A_1133 : vector<16xi32>
      %ge3A_1135 = vector.broadcast %mul3A_3 : i32 to vector<16xi32>
      %ge3A_1136 = arith.cmpi sge, %get3A_1124, %ge3A_1135 : vector<16xi32>
      %add3A_1137 = arith.constant 5120 : i32
      %add3A_1138 = arith.addi %mul3A_3, %add3A_1137 : i32
      %lt3A_1139 = vector.broadcast %add3A_1138 : i32 to vector<16xi32>
      %lt3A_1140 = arith.cmpi slt, %get3A_1124, %lt3A_1139 : vector<16xi32>
      %and3A = arith.andi %ge3A_1136, %lt3A_1140 : vector<16xi1>
      %lt3A_1141 = arith.constant 10000 : i32
      %lt3A_1142 = vector.broadcast %lt3A_1141 : i32 to vector<16xi32>
      %lt3A_1143 = arith.cmpi slt, %get3A_1124, %lt3A_1142 : vector<16xi32>
      %and3A_1144 = arith.andi %and3A, %lt3A_1143 : vector<16xi1>
      %jit3A = arith.constant 0 : i32
      %broadcast_in_dim3A_1145 = vector.broadcast %jit3A : i32 to vector<16xi32>
      %select_n3A_1146 = arith.select %and3A_1144, %sub3A_1134, %broadcast_in_dim3A_1145 : vector<16xi1>, vector<16xi32>
      tpu.vector_store_idx %arg21[%select_n3A_1146], %exp3A masked %and3A_1144 {add = true} : memref<5120xf32, #tpu.memory_space<vmem>>[vector<16xi32>], vector<16xf32>, vector<16xi1>
      %swap3A_1147 = arith.index_cast %scan3A_1113 : i32 to index
      %swap3A_1148 = tpu.vector_load %arg24[%swap3A_1147] masked %and3A_1144 {strides = array<i32>} : memref<6464xi32, #tpu.memory_space<vmem>>, vector<16xi32>, vector<16xi1>
      tpu.vector_store %arg24[%swap3A_1147], %get3A_1116 masked %and3A_1144 {strides = array<i32>} : memref<6464xi32, #tpu.memory_space<vmem>>, vector<16xi32>, vector<16xi1>
      %swap3A_1149 = arith.index_cast %scan3A_1113 : i32 to index
      %swap3A_1150 = tpu.vector_load %arg25[%swap3A_1149] masked %and3A_1144 {strides = array<i32>} : memref<6464xi32, #tpu.memory_space<vmem>>, vector<16xi32>, vector<16xi1>
      tpu.vector_store %arg25[%swap3A_1149], %select_n3A_1146 masked %and3A_1144 {strides = array<i32>} : memref<6464xi32, #tpu.memory_space<vmem>>, vector<16xi32>, vector<16xi1>
      %swap3A_1151 = arith.index_cast %scan3A_1113 : i32 to index
      %swap3A_1152 = tpu.vector_load %arg26[%swap3A_1151] masked %and3A_1144 {strides = array<i32>} : memref<6464xf32, #tpu.memory_space<vmem>>, vector<16xf32>, vector<16xi1>
      tpu.vector_store %arg26[%swap3A_1151], %exp3A masked %and3A_1144 {strides = array<i32>} : memref<6464xf32, #tpu.memory_space<vmem>>, vector<16xf32>, vector<16xi1>
      %convert_element_type3A_1153 = arith.extui %and3A_1144 : vector<16xi1> to vector<16xi32>
      %reduce_sum3A = arith.constant true
      %reduce_sum3A_1154 = vector.broadcast %reduce_sum3A : i1 to vector<16xi1>
      %reduce_sum3A_1155 = tpu.scan <sum>, %convert_element_type3A_1153 masked %reduce_sum3A_1154 : vector<16xi32>, vector<16xi1> -> vector<16xi32>
      %reduce_sum3A_1156 = vector.extract %reduce_sum3A_1155[15] : i32 from vector<16xi32>
      %add3A_1157 = arith.addi %scan3A_1113, %reduce_sum3A_1156 : i32
      scf.yield %add3A_1157 : i32
    }
    %scan3A_948 = arith.constant 400 : i32
    "tpu.trace_stop"() : () -> ()
    %add3A_949 = arith.constant 0 : i32
    %add3A_950 = arith.addi %scan3A_947, %add3A_949 : i32
    %swap3A_951 = arith.index_cast %add3A_950 : i32 to index
    %swap3A_952 = tpu.vector_load %arg24[%swap3A_951] {strides = array<i32>} : memref<6464xi32, #tpu.memory_space<vmem>>, vector<16xi32>,
    tpu.vector_store %arg24[%swap3A_951], %broadcast_in_dim3A_2 {strides = array<i32>} : memref<6464xi32, #tpu.memory_space<vmem>>, vector<16xi32>,
    %add3A_953 = arith.constant 0 : i32
    %add3A_954 = arith.addi %scan3A_947, %add3A_953 : i32
    %swap3A_955 = arith.index_cast %add3A_954 : i32 to index
    %swap3A_956 = tpu.vector_load %arg25[%swap3A_955] {strides = array<i32>} : memref<6464xi32, #tpu.memory_space<vmem>>, vector<16xi32>,
    tpu.vector_store %arg25[%swap3A_955], %broadcast_in_dim3A_2 {strides = array<i32>} : memref<6464xi32, #tpu.memory_space<vmem>>, vector<16xi32>,
    %add3A_957 = arith.constant 0 : i32
    %add3A_958 = arith.addi %scan3A_947, %add3A_957 : i32
    %swap3A_959 = arith.index_cast %add3A_958 : i32 to index
    %swap3A_960 = tpu.vector_load %arg26[%swap3A_959] {strides = array<i32>} : memref<6464xf32, #tpu.memory_space<vmem>>, vector<16xf32>,
    tpu.vector_store %arg26[%swap3A_959], %broadcast_in_dim3A_0 {strides = array<i32>} : memref<6464xf32, #tpu.memory_space<vmem>>, vector<16xf32>,
    %add3A_961 = arith.constant 16 : i32
    %add3A_962 = arith.addi %scan3A_947, %add3A_961 : i32
    %swap3A_963 = arith.index_cast %add3A_962 : i32 to index
    %swap3A_964 = tpu.vector_load %arg24[%swap3A_963] {strides = array<i32>} : memref<6464xi32, #tpu.memory_space<vmem>>, vector<16xi32>,
    tpu.vector_store %arg24[%swap3A_963], %broadcast_in_dim3A_2 {strides = array<i32>} : memref<6464xi32, #tpu.memory_space<vmem>>, vector<16xi32>,
    %add3A_965 = arith.constant 16 : i32
    %add3A_966 = arith.addi %scan3A_947, %add3A_965 : i32
    %swap3A_967 = arith.index_cast %add3A_966 : i32 to index
    %swap3A_968 = tpu.vector_load %arg25[%swap3A_967] {strides = array<i32>} : memref<6464xi32, #tpu.memory_space<vmem>>, vector<16xi32>,
    tpu.vector_store %arg25[%swap3A_967], %broadcast_in_dim3A_2 {strides = array<i32>} : memref<6464xi32, #tpu.memory_space<vmem>>, vector<16xi32>,
    %add3A_969 = arith.constant 16 : i32
    %add3A_970 = arith.addi %scan3A_947, %add3A_969 : i32
    %swap3A_971 = arith.index_cast %add3A_970 : i32 to index
    %swap3A_972 = tpu.vector_load %arg26[%swap3A_971] {strides = array<i32>} : memref<6464xf32, #tpu.memory_space<vmem>>, vector<16xf32>,
    tpu.vector_store %arg26[%swap3A_971], %broadcast_in_dim3A_0 {strides = array<i32>} : memref<6464xf32, #tpu.memory_space<vmem>>, vector<16xf32>,
    %add3A_973 = arith.constant 32 : i32
    %add3A_974 = arith.addi %scan3A_947, %add3A_973 : i32
    %swap3A_975 = arith.index_cast %add3A_974 : i32 to index
    %swap3A_976 = tpu.vector_load %arg24[%swap3A_975] {strides = array<i32>} : memref<6464xi32, #tpu.memory_space<vmem>>, vector<16xi32>,
    tpu.vector_store %arg24[%swap3A_975], %broadcast_in_dim3A_2 {strides = array<i32>} : memref<6464xi32, #tpu.memory_space<vmem>>, vector<16xi32>,
    %add3A_977 = arith.constant 32 : i32
    %add3A_978 = arith.addi %scan3A_947, %add3A_977 : i32
    %swap3A_979 = arith.index_cast %add3A_978 : i32 to index
    %swap3A_980 = tpu.vector_load %arg25[%swap3A_979] {strides = array<i32>} : memref<6464xi32, #tpu.memory_space<vmem>>, vector<16xi32>,
    tpu.vector_store %arg25[%swap3A_979], %broadcast_in_dim3A_2 {strides = array<i32>} : memref<6464xi32, #tpu.memory_space<vmem>>, vector<16xi32>,
    %add3A_981 = arith.constant 32 : i32
    %add3A_982 = arith.addi %scan3A_947, %add3A_981 : i32
    %swap3A_983 = arith.index_cast %add3A_982 : i32 to index
    %swap3A_984 = tpu.vector_load %arg26[%swap3A_983] {strides = array<i32>} : memref<6464xf32, #tpu.memory_space<vmem>>, vector<16xf32>,
    tpu.vector_store %arg26[%swap3A_983], %broadcast_in_dim3A_0 {strides = array<i32>} : memref<6464xf32, #tpu.memory_space<vmem>>, vector<16xf32>,
    %add3A_985 = arith.constant 48 : i32
    %add3A_986 = arith.addi %scan3A_947, %add3A_985 : i32
    %swap3A_987 = arith.index_cast %add3A_986 : i32 to index
    %swap3A_988 = tpu.vector_load %arg24[%swap3A_987] {strides = array<i32>} : memref<6464xi32, #tpu.memory_space<vmem>>, vector<16xi32>,
    tpu.vector_store %arg24[%swap3A_987], %broadcast_in_dim3A_2 {strides = array<i32>} : memref<6464xi32, #tpu.memory_space<vmem>>, vector<16xi32>,
    %add3A_989 = arith.constant 48 : i32
    %add3A_990 = arith.addi %scan3A_947, %add3A_989 : i32
    %swap3A_991 = arith.index_cast %add3A_990 : i32 to index
    %swap3A_992 = tpu.vector_load %arg25[%swap3A_991] {strides = array<i32>} : memref<6464xi32, #tpu.memory_space<vmem>>, vector<16xi32>,
    tpu.vector_store %arg25[%swap3A_991], %broadcast_in_dim3A_2 {strides = array<i32>} : memref<6464xi32, #tpu.memory_space<vmem>>, vector<16xi32>,
    %add3A_993 = arith.constant 48 : i32
    %add3A_994 = arith.addi %scan3A_947, %add3A_993 : i32
    %swap3A_995 = arith.index_cast %add3A_994 : i32 to index
    %swap3A_996 = tpu.vector_load %arg26[%swap3A_995] {strides = array<i32>} : memref<6464xf32, #tpu.memory_space<vmem>>, vector<16xf32>,
    tpu.vector_store %arg26[%swap3A_995], %broadcast_in_dim3A_0 {strides = array<i32>} : memref<6464xf32, #tpu.memory_space<vmem>>, vector<16xf32>,
    %add3A_997 = arith.constant 64 : i32
    %add3A_998 = arith.addi %scan3A_947, %add3A_997 : i32
    %sub3A_999 = arith.constant 1 : i32
    %sub3A_1000 = arith.subi %add3A_998, %sub3A_999 : i32
    %shift_right_logical3A_1001 = arith.constant 6 : i32
    %shift_right_logical3A_1002 = arith.shrui %sub3A_1000, %shift_right_logical3A_1001 : i32
    %iota3A_1003 = tpu.iota {dimensions = array<i32: 0>} : vector<16xi32>
    %add3A_1004 = arith.constant 0 : i32
    %add3A_1005 = arith.addi %mul3A_576, %add3A_1004 : i32
    %add3A_1006 = vector.broadcast %add3A_1005 : i32 to vector<16xi32>
    %add3A_1007 = arith.addi %iota3A_1003, %add3A_1006 : vector<16xi32>
    %swap3A_1008 = arith.constant 0 : index
    %swap3A_1009 = tpu.vector_load %arg25[%swap3A_1008] {strides = array<i32>} : memref<6464xi32, #tpu.memory_space<vmem>>, vector<16xi32>,
    tpu.vector_store %arg25[%swap3A_1008], %add3A_1007 {strides = array<i32>} : memref<6464xi32, #tpu.memory_space<vmem>>, vector<16xi32>,
    %add3A_1010 = arith.constant 16 : i32
    %add3A_1011 = arith.addi %mul3A_576, %add3A_1010 : i32
    %add3A_1012 = vector.broadcast %add3A_1011 : i32 to vector<16xi32>
    %add3A_1013 = arith.addi %iota3A_1003, %add3A_1012 : vector<16xi32>
    %swap3A_1014 = arith.constant 16 : index
    %swap3A_1015 = tpu.vector_load %arg25[%swap3A_1014] {strides = array<i32>} : memref<6464xi32, #tpu.memory_space<vmem>>, vector<16xi32>,
    tpu.vector_store %arg25[%swap3A_1014], %add3A_1013 {strides = array<i32>} : memref<6464xi32, #tpu.memory_space<vmem>>, vector<16xi32>,
    %add3A_1016 = arith.constant 32 : i32
    %add3A_1017 = arith.addi %mul3A_576, %add3A_1016 : i32
    %add3A_1018 = vector.broadcast %add3A_1017 : i32 to vector<16xi32>
    %add3A_1019 = arith.addi %iota3A_1003, %add3A_1018 : vector<16xi32>
    %swap3A_1020 = arith.constant 32 : index
    %swap3A_1021 = tpu.vector_load %arg25[%swap3A_1020] {strides = array<i32>} : memref<6464xi32, #tpu.memory_space<vmem>>, vector<16xi32>,
    tpu.vector_store %arg25[%swap3A_1020], %add3A_1019 {strides = array<i32>} : memref<6464xi32, #tpu.memory_space<vmem>>, vector<16xi32>,
    %add3A_1022 = arith.constant 48 : i32
    %add3A_1023 = arith.addi %mul3A_576, %add3A_1022 : i32
    %add3A_1024 = vector.broadcast %add3A_1023 : i32 to vector<16xi32>
    %add3A_1025 = arith.addi %iota3A_1003, %add3A_1024 : vector<16xi32>
    %swap3A_1026 = arith.constant 48 : index
    %swap3A_1027 = tpu.vector_load %arg25[%swap3A_1026] {strides = array<i32>} : memref<6464xi32, #tpu.memory_space<vmem>>, vector<16xi32>,
    tpu.vector_store %arg25[%swap3A_1026], %add3A_1025 {strides = array<i32>} : memref<6464xi32, #tpu.memory_space<vmem>>, vector<16xi32>,
    %add3A_1028 = arith.constant 64 : i32
    %add3A_1029 = arith.addi %mul3A_576, %add3A_1028 : i32
    %add3A_1030 = vector.broadcast %add3A_1029 : i32 to vector<16xi32>
    %add3A_1031 = arith.addi %iota3A_1003, %add3A_1030 : vector<16xi32>
    %swap3A_1032 = arith.constant 64 : index
    %swap3A_1033 = tpu.vector_load %arg25[%swap3A_1032] {strides = array<i32>} : memref<6464xi32, #tpu.memory_space<vmem>>, vector<16xi32>,
    tpu.vector_store %arg25[%swap3A_1032], %add3A_1031 {strides = array<i32>} : memref<6464xi32, #tpu.memory_space<vmem>>, vector<16xi32>,
    %add3A_1034 = arith.constant 80 : i32
    %add3A_1035 = arith.addi %mul3A_576, %add3A_1034 : i32
    %add3A_1036 = vector.broadcast %add3A_1035 : i32 to vector<16xi32>
    %add3A_1037 = arith.addi %iota3A_1003, %add3A_1036 : vector<16xi32>
    %swap3A_1038 = arith.constant 80 : index
    %swap3A_1039 = tpu.vector_load %arg25[%swap3A_1038] {strides = array<i32>} : memref<6464xi32, #tpu.memory_space<vmem>>, vector<16xi32>,
    tpu.vector_store %arg25[%swap3A_1038], %add3A_1037 {strides = array<i32>} : memref<6464xi32, #tpu.memory_space<vmem>>, vector<16xi32>,
    %add3A_1040 = arith.constant 96 : i32
    %add3A_1041 = arith.addi %mul3A_576, %add3A_1040 : i32
    %add3A_1042 = vector.broadcast %add3A_1041 : i32 to vector<16xi32>
    %add3A_1043 = arith.addi %iota3A_1003, %add3A_1042 : vector<16xi32>
    %swap3A_1044 = arith.constant 96 : index
    %swap3A_1045 = tpu.vector_load %arg25[%swap3A_1044] {strides = array<i32>} : memref<6464xi32, #tpu.memory_space<vmem>>, vector<16xi32>,
    tpu.vector_store %arg25[%swap3A_1044], %add3A_1043 {strides = array<i32>} : memref<6464xi32, #tpu.memory_space<vmem>>, vector<16xi32>,
    %add3A_1046 = arith.constant 112 : i32
    %add3A_1047 = arith.addi %mul3A_576, %add3A_1046 : i32
    %add3A_1048 = vector.broadcast %add3A_1047 : i32 to vector<16xi32>
    %add3A_1049 = arith.addi %iota3A_1003, %add3A_1048 : vector<16xi32>
    %swap3A_1050 = arith.constant 112 : index
    %swap3A_1051 = tpu.vector_load %arg25[%swap3A_1050] {strides = array<i32>} : memref<6464xi32, #tpu.memory_space<vmem>>, vector<16xi32>,
    tpu.vector_store %arg25[%swap3A_1050], %add3A_1049 {strides = array<i32>} : memref<6464xi32, #tpu.memory_space<vmem>>, vector<16xi32>,
    %lt3A_1052 = arith.constant 8 : i32
    %lt3A_1053 = arith.cmpi slt, %arg1, %lt3A_1052 : i32
    %convert_element_type3A_1054 = arith.extui %lt3A_1053 : i1 to i32
    %cond3A_1055 = arith.constant 0 : i32
    %cond3A_1056 = arith.cmpi ne, %convert_element_type3A_1054, %cond3A_1055 : i32
    scf.if %cond3A_1056 {
      %mul3A_1112 = arith.constant 5120 : i32
      %mul3A_1113 = arith.muli %arg1, %mul3A_1112 : i32
      "tpu.region"() ({
        %run_scoped3A_1114 = tpu.sem_alloc : memref<!tpu.dma_semaphore, #tpu.memory_space<semaphore_mem>>
        %dma_start3A = tpu.memref_slice %arg31[%mul3A_1113] : memref<40960xf32, #tpu.memory_space<vmem_shared>> -> memref<5120xf32, #tpu.memory_space<vmem_shared>>
        %dma_start3A_1115 = tpu.memref_slice %arg31[%mul3A_1113] : memref<40960xf32, #tpu.memory_space<vmem_shared>> -> memref<5120xf32, #tpu.memory_space<vmem_shared>>
        tpu.enqueue_dma source(%arg21 : memref<5120xf32, #tpu.memory_space<vmem>>) target(%dma_start3A_1115 : memref<5120xf32, #tpu.memory_space<vmem_shared>>) target_semaphore(%run_scoped3A_1114 : memref<!tpu.dma_semaphore, #tpu.memory_space<semaphore_mem>>)
        %dma_wait3A = tpu.memref_slice %arg31[%mul3A_1113] : memref<40960xf32, #tpu.memory_space<vmem_shared>> -> memref<5120xf32, #tpu.memory_space<vmem_shared>>
        %dma_wait3A_1116 = tpu.memref_slice %arg31[%mul3A_1113] : memref<40960xf32, #tpu.memory_space<vmem_shared>> -> memref<5120xf32, #tpu.memory_space<vmem_shared>>
        tpu.wait_dma2 semaphore(%run_scoped3A_1114 : memref<!tpu.dma_semaphore, #tpu.memory_space<semaphore_mem>>) src(%arg21 : memref<5120xf32, #tpu.memory_space<vmem>>) dst(%dma_wait3A_1116 : memref<5120xf32, #tpu.memory_space<vmem_shared>>)
        tpu.yield
      }) : () -> ()
    } else {
    }
    "tpu.trace_start"() <{level = 10 : i32, message = "bar1"}> : () -> ()
    %barrier3A_1057 = arith.constant 0 : index
    tpu.barrier barrier_id(%barrier3A_1057)
    %gt3A_1058 = arith.constant 0 : i32
    "tpu.trace_stop"() : () -> ()
    "tpu.trace_start"() <{level = 10 : i32, message = "p2_rows"}> : () -> ()
    %gt3A_1059 = arith.cmpi sgt, %shift_right_logical3A_1002, %gt3A_1058 : i32
    %convert_element_type3A_1060 = arith.extui %gt3A_1059 : i1 to i32
    %cond3A_1061 = arith.constant 0 : i32
    %cond3A_1062 = arith.cmpi ne, %convert_element_type3A_1060, %cond3A_1061 : i32
    scf.if %cond3A_1062 {
      %dma_start3A = arith.constant 0 : i32
      %dma_start3A_1112 = arith.constant 0 : i32
      %dma_start3A_1113 = tpu.memref_slice %arg27[%dma_start3A, %dma_start3A_1112] : memref<192x128xf32, #tpu.memory_space<vmem>> -> memref<64x128xf32, #tpu.memory_space<vmem>>
      %dma_start3A_1114 = arith.constant 0 : i32
      %dma_start3A_1115 = tpu.memref_slice %arg24[%dma_start3A_1114] : memref<6464xi32, #tpu.memory_space<vmem>> -> memref<64xi32, #tpu.memory_space<vmem>>
      %dma_start3A_1116 = arith.constant 0 : i32
      %dma_start3A_1117 = arith.constant 0 : i32
      %dma_start3A_1118 = tpu.memref_slice %arg4[%dma_start3A_1116, %dma_start3A_1117] : memref<10000x128xf32, #tpu.memory_space<hbm>> -> memref<10000x128xf32, #tpu.memory_space<hbm>>
      tpu.enqueue_indirect_dma source(%dma_start3A_1118 : memref<10000x128xf32, #tpu.memory_space<hbm>>) target(%dma_start3A_1113 : memref<64x128xf32, #tpu.memory_space<vmem>>) offsets(%dma_start3A_1115 : memref<64xi32, #tpu.memory_space<vmem>>) semaphore(%arg32 : memref<!tpu.dma_semaphore, #tpu.memory_space<semaphore_mem>>)
    } else {
    }
    %gt3A_1063 = arith.constant 1 : i32
    %gt3A_1064 = arith.cmpi sgt, %shift_right_logical3A_1002, %gt3A_1063 : i32
    %convert_element_type3A_1065 = arith.extui %gt3A_1064 : i1 to i32
    %cond3A_1066 = arith.constant 0 : i32
    %cond3A_1067 = arith.cmpi ne, %convert_element_type3A_1065, %cond3A_1066 : i32
    scf.if %cond3A_1067 {
      %dma_start3A = arith.constant 64 : i32
      %dma_start3A_1112 = arith.constant 0 : i32
      %dma_start3A_1113 = tpu.memref_slice %arg27[%dma_start3A, %dma_start3A_1112] : memref<192x128xf32, #tpu.memory_space<vmem>> -> memref<64x128xf32, #tpu.memory_space<vmem>>
      %dma_start3A_1114 = arith.constant 64 : i32
      %dma_start3A_1115 = tpu.memref_slice %arg24[%dma_start3A_1114] : memref<6464xi32, #tpu.memory_space<vmem>> -> memref<64xi32, #tpu.memory_space<vmem>>
      %dma_start3A_1116 = arith.constant 0 : i32
      %dma_start3A_1117 = arith.constant 0 : i32
      %dma_start3A_1118 = tpu.memref_slice %arg4[%dma_start3A_1116, %dma_start3A_1117] : memref<10000x128xf32, #tpu.memory_space<hbm>> -> memref<10000x128xf32, #tpu.memory_space<hbm>>
      tpu.enqueue_indirect_dma source(%dma_start3A_1118 : memref<10000x128xf32, #tpu.memory_space<hbm>>) target(%dma_start3A_1113 : memref<64x128xf32, #tpu.memory_space<vmem>>) offsets(%dma_start3A_1115 : memref<64xi32, #tpu.memory_space<vmem>>) semaphore(%arg33 : memref<!tpu.dma_semaphore, #tpu.memory_space<semaphore_mem>>)
    } else {
    }
    %add3A_1068 = arith.constant 2 : i32
    %add3A_1069 = arith.addi %shift_right_logical3A_1002, %add3A_1068 : i32
    %div3A_1070 = arith.constant 3 : i32
    %div3A_1071 = arith.divsi %add3A_1069, %div3A_1070 : i32
    %while3A_1072 = arith.constant 0 : i32
    %while3A_1073 = arith.constant 0 : i32
    %while3A_1074 = arith.subi %div3A_1071, %while3A_1073 : i32
    %while3A_1075 = arith.addi %while3A_1073, %while3A_1074 : i32
    %while3A_1076 = arith.constant 1 : i32
    %while3A_1077 = arith.divsi %while3A_1074, %while3A_1076 : i32
    %while3A_1078 = arith.muli %while3A_1077, %while3A_1076 : i32
    %while3A_1079 = arith.addi %while3A_1073, %while3A_1078 : i32
    %while3A_1080 = arith.constant 1 : i32
    scf.for %while3A_1112 = %while3A_1073 to %while3A_1079 step %while3A_1080  : i32 {
      %mul3A_1113 = arith.constant 3 : i32
      %mul3A_1114 = arith.muli %mul3A_1113, %while3A_1112 : i32
      %add3A_1115 = arith.constant 0 : i32
      %add3A_1116 = arith.addi %mul3A_1114, %add3A_1115 : i32
      %lt3A_1117 = arith.cmpi slt, %add3A_1116, %shift_right_logical3A_1002 : i32
      %convert_element_type3A_1118 = arith.extui %lt3A_1117 : i1 to i32
      %cond3A_1119 = arith.constant 0 : i32
      %cond3A_1120 = arith.cmpi ne, %convert_element_type3A_1118, %cond3A_1119 : i32
      scf.if %cond3A_1120 {
        %mul3A_1137 = arith.constant 64 : i32
        %mul3A_1138 = arith.muli %add3A_1116, %mul3A_1137 : i32
        %dma_wait3A = arith.constant 0 : i32
        %dma_wait3A_1139 = arith.constant 0 : i32
        %dma_wait3A_1140 = tpu.memref_slice %arg27[%dma_wait3A, %dma_wait3A_1139] : memref<192x128xf32, #tpu.memory_space<vmem>> -> memref<64x128xf32, #tpu.memory_space<vmem>>
        %dma_wait3A_1141 = tpu.memref_slice %arg24[%mul3A_1138] : memref<6464xi32, #tpu.memory_space<vmem>> -> memref<64xi32, #tpu.memory_space<vmem>>
        %dma_wait3A_1142 = arith.constant 0 : i32
        %dma_wait3A_1143 = arith.constant 0 : i32
        %dma_wait3A_1144 = tpu.memref_slice %arg4[%dma_wait3A_1142, %dma_wait3A_1143] : memref<10000x128xf32, #tpu.memory_space<hbm>> -> memref<10000x128xf32, #tpu.memory_space<hbm>>
        tpu.wait_indirect_dma semaphore(%arg32 : memref<!tpu.dma_semaphore, #tpu.memory_space<semaphore_mem>>) src(%dma_wait3A_1144 : memref<10000x128xf32, #tpu.memory_space<hbm>>) dst(%dma_wait3A_1140 : memref<64x128xf32, #tpu.memory_space<vmem>>)
        %add3A_1145 = arith.constant 2 : i32
        %add3A_1146 = arith.addi %add3A_1116, %add3A_1145 : i32
        %lt3A_1147 = arith.cmpi slt, %add3A_1146, %shift_right_logical3A_1002 : i32
        %convert_element_type3A_1148 = arith.extui %lt3A_1147 : i1 to i32
        %cond3A_1149 = arith.constant 0 : i32
        %cond3A_1150 = arith.cmpi ne, %convert_element_type3A_1148, %cond3A_1149 : i32
        scf.if %cond3A_1150 {
          %add3A_1151 = arith.constant 2 : i32
          %add3A_1152 = arith.addi %add3A_1116, %add3A_1151 : i32
          %mul3A_1153 = arith.constant 64 : i32
          %mul3A_1154 = arith.muli %add3A_1152, %mul3A_1153 : i32
          %dma_start3A = arith.constant 128 : i32
          %dma_start3A_1155 = arith.constant 0 : i32
          %dma_start3A_1156 = tpu.memref_slice %arg27[%dma_start3A, %dma_start3A_1155] : memref<192x128xf32, #tpu.memory_space<vmem>> -> memref<64x128xf32, #tpu.memory_space<vmem>>
          %dma_start3A_1157 = tpu.memref_slice %arg24[%mul3A_1154] : memref<6464xi32, #tpu.memory_space<vmem>> -> memref<64xi32, #tpu.memory_space<vmem>>
          %dma_start3A_1158 = arith.constant 0 : i32
          %dma_start3A_1159 = arith.constant 0 : i32
          %dma_start3A_1160 = tpu.memref_slice %arg4[%dma_start3A_1158, %dma_start3A_1159] : memref<10000x128xf32, #tpu.memory_space<hbm>> -> memref<10000x128xf32, #tpu.memory_space<hbm>>
          tpu.enqueue_indirect_dma source(%dma_start3A_1160 : memref<10000x128xf32, #tpu.memory_space<hbm>>) target(%dma_start3A_1156 : memref<64x128xf32, #tpu.memory_space<vmem>>) offsets(%dma_start3A_1157 : memref<64xi32, #tpu.memory_space<vmem>>) semaphore(%arg35 : memref<!tpu.dma_semaphore, #tpu.memory_space<semaphore_mem>>)
        } else {
        }
      } else {
      }
      %mul3A_1121 = arith.constant 3 : i32
      %mul3A_1122 = arith.muli %mul3A_1121, %while3A_1112 : i32
      %add3A_1123 = arith.constant 1 : i32
      %add3A_1124 = arith.addi %mul3A_1122, %add3A_1123 : i32
      %lt3A_1125 = arith.cmpi slt, %add3A_1124, %shift_right_logical3A_1002 : i32
      %convert_element_type3A_1126 = arith.extui %lt3A_1125 : i1 to i32
      %cond3A_1127 = arith.constant 0 : i32
      %cond3A_1128 = arith.cmpi ne, %convert_element_type3A_1126, %cond3A_1127 : i32
      scf.if %cond3A_1128 {
        %mul3A_1137 = arith.constant 64 : i32
        %mul3A_1138 = arith.muli %add3A_1124, %mul3A_1137 : i32
        %dma_wait3A = arith.constant 64 : i32
        %dma_wait3A_1139 = arith.constant 0 : i32
        %dma_wait3A_1140 = tpu.memref_slice %arg27[%dma_wait3A, %dma_wait3A_1139] : memref<192x128xf32, #tpu.memory_space<vmem>> -> memref<64x128xf32, #tpu.memory_space<vmem>>
        %dma_wait3A_1141 = tpu.memref_slice %arg24[%mul3A_1138] : memref<6464xi32, #tpu.memory_space<vmem>> -> memref<64xi32, #tpu.memory_space<vmem>>
        %dma_wait3A_1142 = arith.constant 0 : i32
        %dma_wait3A_1143 = arith.constant 0 : i32
        %dma_wait3A_1144 = tpu.memref_slice %arg4[%dma_wait3A_1142, %dma_wait3A_1143] : memref<10000x128xf32, #tpu.memory_space<hbm>> -> memref<10000x128xf32, #tpu.memory_space<hbm>>
        tpu.wait_indirect_dma semaphore(%arg33 : memref<!tpu.dma_semaphore, #tpu.memory_space<semaphore_mem>>) src(%dma_wait3A_1144 : memref<10000x128xf32, #tpu.memory_space<hbm>>) dst(%dma_wait3A_1140 : memref<64x128xf32, #tpu.memory_space<vmem>>)
        %add3A_1145 = arith.constant 2 : i32
        %add3A_1146 = arith.addi %add3A_1124, %add3A_1145 : i32
        %lt3A_1147 = arith.cmpi slt, %add3A_1146, %shift_right_logical3A_1002 : i32
        %convert_element_type3A_1148 = arith.extui %lt3A_1147 : i1 to i32
        %cond3A_1149 = arith.constant 0 : i32
        %cond3A_1150 = arith.cmpi ne, %convert_element_type3A_1148, %cond3A_1149 : i32
        scf.if %cond3A_1150 {
          %add3A_1151 = arith.constant 2 : i32
          %add3A_1152 = arith.addi %add3A_1124, %add3A_1151 : i32
          %mul3A_1153 = arith.constant 64 : i32
          %mul3A_1154 = arith.muli %add3A_1152, %mul3A_1153 : i32
          %dma_start3A = arith.constant 0 : i32
          %dma_start3A_1155 = arith.constant 0 : i32
          %dma_start3A_1156 = tpu.memref_slice %arg27[%dma_start3A, %dma_start3A_1155] : memref<192x128xf32, #tpu.memory_space<vmem>> -> memref<64x128xf32, #tpu.memory_space<vmem>>
          %dma_start3A_1157 = tpu.memref_slice %arg24[%mul3A_1154] : memref<6464xi32, #tpu.memory_space<vmem>> -> memref<64xi32, #tpu.memory_space<vmem>>
          %dma_start3A_1158 = arith.constant 0 : i32
          %dma_start3A_1159 = arith.constant 0 : i32
          %dma_start3A_1160 = tpu.memref_slice %arg4[%dma_start3A_1158, %dma_start3A_1159] : memref<10000x128xf32, #tpu.memory_space<hbm>> -> memref<10000x128xf32, #tpu.memory_space<hbm>>
          tpu.enqueue_indirect_dma source(%dma_start3A_1160 : memref<10000x128xf32, #tpu.memory_space<hbm>>) target(%dma_start3A_1156 : memref<64x128xf32, #tpu.memory_space<vmem>>) offsets(%dma_start3A_1157 : memref<64xi32, #tpu.memory_space<vmem>>) semaphore(%arg32 : memref<!tpu.dma_semaphore, #tpu.memory_space<semaphore_mem>>)
        } else {
        }
      } else {
      }
      %mul3A_1129 = arith.constant 3 : i32
      %mul3A_1130 = arith.muli %mul3A_1129, %while3A_1112 : i32
      %add3A_1131 = arith.constant 2 : i32
      %add3A_1132 = arith.addi %mul3A_1130, %add3A_1131 : i32
      %lt3A_1133 = arith.cmpi slt, %add3A_1132, %shift_right_logical3A_1002 : i32
      %convert_element_type3A_1134 = arith.extui %lt3A_1133 : i1 to i32
      %cond3A_1135 = arith.constant 0 : i32
      %cond3A_1136 = arith.cmpi ne, %convert_element_type3A_1134, %cond3A_1135 : i32
      scf.if %cond3A_1136 {
        %mul3A_1137 = arith.constant 64 : i32
        %mul3A_1138 = arith.muli %add3A_1132, %mul3A_1137 : i32
        %dma_wait3A = arith.constant 128 : i32
        %dma_wait3A_1139 = arith.constant 0 : i32
        %dma_wait3A_1140 = tpu.memref_slice %arg27[%dma_wait3A, %dma_wait3A_1139] : memref<192x128xf32, #tpu.memory_space<vmem>> -> memref<64x128xf32, #tpu.memory_space<vmem>>
        %dma_wait3A_1141 = tpu.memref_slice %arg24[%mul3A_1138] : memref<6464xi32, #tpu.memory_space<vmem>> -> memref<64xi32, #tpu.memory_space<vmem>>
        %dma_wait3A_1142 = arith.constant 0 : i32
        %dma_wait3A_1143 = arith.constant 0 : i32
        %dma_wait3A_1144 = tpu.memref_slice %arg4[%dma_wait3A_1142, %dma_wait3A_1143] : memref<10000x128xf32, #tpu.memory_space<hbm>> -> memref<10000x128xf32, #tpu.memory_space<hbm>>
        tpu.wait_indirect_dma semaphore(%arg35 : memref<!tpu.dma_semaphore, #tpu.memory_space<semaphore_mem>>) src(%dma_wait3A_1144 : memref<10000x128xf32, #tpu.memory_space<hbm>>) dst(%dma_wait3A_1140 : memref<64x128xf32, #tpu.memory_space<vmem>>)
        %add3A_1145 = arith.constant 2 : i32
        %add3A_1146 = arith.addi %add3A_1132, %add3A_1145 : i32
        %lt3A_1147 = arith.cmpi slt, %add3A_1146, %shift_right_logical3A_1002 : i32
        %convert_element_type3A_1148 = arith.extui %lt3A_1147 : i1 to i32
        %cond3A_1149 = arith.constant 0 : i32
        %cond3A_1150 = arith.cmpi ne, %convert_element_type3A_1148, %cond3A_1149 : i32
        scf.if %cond3A_1150 {
          %add3A_1151 = arith.constant 2 : i32
          %add3A_1152 = arith.addi %add3A_1132, %add3A_1151 : i32
          %mul3A_1153 = arith.constant 64 : i32
          %mul3A_1154 = arith.muli %add3A_1152, %mul3A_1153 : i32
          %dma_start3A = arith.constant 64 : i32
          %dma_start3A_1155 = arith.constant 0 : i32
          %dma_start3A_1156 = tpu.memref_slice %arg27[%dma_start3A, %dma_start3A_1155] : memref<192x128xf32, #tpu.memory_space<vmem>> -> memref<64x128xf32, #tpu.memory_space<vmem>>
          %dma_start3A_1157 = tpu.memref_slice %arg24[%mul3A_1154] : memref<6464xi32, #tpu.memory_space<vmem>> -> memref<64xi32, #tpu.memory_space<vmem>>
          %dma_start3A_1158 = arith.constant 0 : i32
          %dma_start3A_1159 = arith.constant 0 : i32
          %dma_start3A_1160 = tpu.memref_slice %arg4[%dma_start3A_1158, %dma_start3A_1159] : memref<10000x128xf32, #tpu.memory_space<hbm>> -> memref<10000x128xf32, #tpu.memory_space<hbm>>
          tpu.enqueue_indirect_dma source(%dma_start3A_1160 : memref<10000x128xf32, #tpu.memory_space<hbm>>) target(%dma_start3A_1156 : memref<64x128xf32, #tpu.memory_space<vmem>>) offsets(%dma_start3A_1157 : memref<64xi32, #tpu.memory_space<vmem>>) semaphore(%arg33 : memref<!tpu.dma_semaphore, #tpu.memory_space<semaphore_mem>>)
        } else {
        }
      } else {
      }
    }
    %while3A_1081 = arith.constant 1 : i32
    scf.for %while3A_1112 = %while3A_1079 to %while3A_1075 step %while3A_1081  : i32 {
      %mul3A_1113 = arith.constant 3 : i32
      %mul3A_1114 = arith.muli %mul3A_1113, %while3A_1112 : i32
      %add3A_1115 = arith.constant 0 : i32
      %add3A_1116 = arith.addi %mul3A_1114, %add3A_1115 : i32
      %lt3A_1117 = arith.cmpi slt, %add3A_1116, %shift_right_logical3A_1002 : i32
      %convert_element_type3A_1118 = arith.extui %lt3A_1117 : i1 to i32
      %cond3A_1119 = arith.constant 0 : i32
      %cond3A_1120 = arith.cmpi ne, %convert_element_type3A_1118, %cond3A_1119 : i32
      scf.if %cond3A_1120 {
        %mul3A_1137 = arith.constant 64 : i32
        %mul3A_1138 = arith.muli %add3A_1116, %mul3A_1137 : i32
        %dma_wait3A = arith.constant 0 : i32
        %dma_wait3A_1139 = arith.constant 0 : i32
        %dma_wait3A_1140 = tpu.memref_slice %arg27[%dma_wait3A, %dma_wait3A_1139] : memref<192x128xf32, #tpu.memory_space<vmem>> -> memref<64x128xf32, #tpu.memory_space<vmem>>
        %dma_wait3A_1141 = tpu.memref_slice %arg24[%mul3A_1138] : memref<6464xi32, #tpu.memory_space<vmem>> -> memref<64xi32, #tpu.memory_space<vmem>>
        %dma_wait3A_1142 = arith.constant 0 : i32
        %dma_wait3A_1143 = arith.constant 0 : i32
        %dma_wait3A_1144 = tpu.memref_slice %arg4[%dma_wait3A_1142, %dma_wait3A_1143] : memref<10000x128xf32, #tpu.memory_space<hbm>> -> memref<10000x128xf32, #tpu.memory_space<hbm>>
        tpu.wait_indirect_dma semaphore(%arg32 : memref<!tpu.dma_semaphore, #tpu.memory_space<semaphore_mem>>) src(%dma_wait3A_1144 : memref<10000x128xf32, #tpu.memory_space<hbm>>) dst(%dma_wait3A_1140 : memref<64x128xf32, #tpu.memory_space<vmem>>)
        %add3A_1145 = arith.constant 2 : i32
        %add3A_1146 = arith.addi %add3A_1116, %add3A_1145 : i32
        %lt3A_1147 = arith.cmpi slt, %add3A_1146, %shift_right_logical3A_1002 : i32
        %convert_element_type3A_1148 = arith.extui %lt3A_1147 : i1 to i32
        %cond3A_1149 = arith.constant 0 : i32
        %cond3A_1150 = arith.cmpi ne, %convert_element_type3A_1148, %cond3A_1149 : i32
        scf.if %cond3A_1150 {
          %add3A_1151 = arith.constant 2 : i32
          %add3A_1152 = arith.addi %add3A_1116, %add3A_1151 : i32
          %mul3A_1153 = arith.constant 64 : i32
          %mul3A_1154 = arith.muli %add3A_1152, %mul3A_1153 : i32
          %dma_start3A = arith.constant 128 : i32
          %dma_start3A_1155 = arith.constant 0 : i32
          %dma_start3A_1156 = tpu.memref_slice %arg27[%dma_start3A, %dma_start3A_1155] : memref<192x128xf32, #tpu.memory_space<vmem>> -> memref<64x128xf32, #tpu.memory_space<vmem>>
          %dma_start3A_1157 = tpu.memref_slice %arg24[%mul3A_1154] : memref<6464xi32, #tpu.memory_space<vmem>> -> memref<64xi32, #tpu.memory_space<vmem>>
          %dma_start3A_1158 = arith.constant 0 : i32
          %dma_start3A_1159 = arith.constant 0 : i32
          %dma_start3A_1160 = tpu.memref_slice %arg4[%dma_start3A_1158, %dma_start3A_1159] : memref<10000x128xf32, #tpu.memory_space<hbm>> -> memref<10000x128xf32, #tpu.memory_space<hbm>>
          tpu.enqueue_indirect_dma source(%dma_start3A_1160 : memref<10000x128xf32, #tpu.memory_space<hbm>>) target(%dma_start3A_1156 : memref<64x128xf32, #tpu.memory_space<vmem>>) offsets(%dma_start3A_1157 : memref<64xi32, #tpu.memory_space<vmem>>) semaphore(%arg35 : memref<!tpu.dma_semaphore, #tpu.memory_space<semaphore_mem>>)
        } else {
        }
      } else {
      }
      %mul3A_1121 = arith.constant 3 : i32
      %mul3A_1122 = arith.muli %mul3A_1121, %while3A_1112 : i32
      %add3A_1123 = arith.constant 1 : i32
      %add3A_1124 = arith.addi %mul3A_1122, %add3A_1123 : i32
      %lt3A_1125 = arith.cmpi slt, %add3A_1124, %shift_right_logical3A_1002 : i32
      %convert_element_type3A_1126 = arith.extui %lt3A_1125 : i1 to i32
      %cond3A_1127 = arith.constant 0 : i32
      %cond3A_1128 = arith.cmpi ne, %convert_element_type3A_1126, %cond3A_1127 : i32
      scf.if %cond3A_1128 {
        %mul3A_1137 = arith.constant 64 : i32
        %mul3A_1138 = arith.muli %add3A_1124, %mul3A_1137 : i32
        %dma_wait3A = arith.constant 64 : i32
        %dma_wait3A_1139 = arith.constant 0 : i32
        %dma_wait3A_1140 = tpu.memref_slice %arg27[%dma_wait3A, %dma_wait3A_1139] : memref<192x128xf32, #tpu.memory_space<vmem>> -> memref<64x128xf32, #tpu.memory_space<vmem>>
        %dma_wait3A_1141 = tpu.memref_slice %arg24[%mul3A_1138] : memref<6464xi32, #tpu.memory_space<vmem>> -> memref<64xi32, #tpu.memory_space<vmem>>
        %dma_wait3A_1142 = arith.constant 0 : i32
        %dma_wait3A_1143 = arith.constant 0 : i32
        %dma_wait3A_1144 = tpu.memref_slice %arg4[%dma_wait3A_1142, %dma_wait3A_1143] : memref<10000x128xf32, #tpu.memory_space<hbm>> -> memref<10000x128xf32, #tpu.memory_space<hbm>>
        tpu.wait_indirect_dma semaphore(%arg33 : memref<!tpu.dma_semaphore, #tpu.memory_space<semaphore_mem>>) src(%dma_wait3A_1144 : memref<10000x128xf32, #tpu.memory_space<hbm>>) dst(%dma_wait3A_1140 : memref<64x128xf32, #tpu.memory_space<vmem>>)
        %add3A_1145 = arith.constant 2 : i32
        %add3A_1146 = arith.addi %add3A_1124, %add3A_1145 : i32
        %lt3A_1147 = arith.cmpi slt, %add3A_1146, %shift_right_logical3A_1002 : i32
        %convert_element_type3A_1148 = arith.extui %lt3A_1147 : i1 to i32
        %cond3A_1149 = arith.constant 0 : i32
        %cond3A_1150 = arith.cmpi ne, %convert_element_type3A_1148, %cond3A_1149 : i32
        scf.if %cond3A_1150 {
          %add3A_1151 = arith.constant 2 : i32
          %add3A_1152 = arith.addi %add3A_1124, %add3A_1151 : i32
          %mul3A_1153 = arith.constant 64 : i32
          %mul3A_1154 = arith.muli %add3A_1152, %mul3A_1153 : i32
          %dma_start3A = arith.constant 0 : i32
          %dma_start3A_1155 = arith.constant 0 : i32
          %dma_start3A_1156 = tpu.memref_slice %arg27[%dma_start3A, %dma_start3A_1155] : memref<192x128xf32, #tpu.memory_space<vmem>> -> memref<64x128xf32, #tpu.memory_space<vmem>>
          %dma_start3A_1157 = tpu.memref_slice %arg24[%mul3A_1154] : memref<6464xi32, #tpu.memory_space<vmem>> -> memref<64xi32, #tpu.memory_space<vmem>>
          %dma_start3A_1158 = arith.constant 0 : i32
          %dma_start3A_1159 = arith.constant 0 : i32
          %dma_start3A_1160 = tpu.memref_slice %arg4[%dma_start3A_1158, %dma_start3A_1159] : memref<10000x128xf32, #tpu.memory_space<hbm>> -> memref<10000x128xf32, #tpu.memory_space<hbm>>
          tpu.enqueue_indirect_dma source(%dma_start3A_1160 : memref<10000x128xf32, #tpu.memory_space<hbm>>) target(%dma_start3A_1156 : memref<64x128xf32, #tpu.memory_space<vmem>>) offsets(%dma_start3A_1157 : memref<64xi32, #tpu.memory_space<vmem>>) semaphore(%arg32 : memref<!tpu.dma_semaphore, #tpu.memory_space<semaphore_mem>>)
        } else {
        }
      } else {
      }
      %mul3A_1129 = arith.constant 3 : i32
      %mul3A_1130 = arith.muli %mul3A_1129, %while3A_1112 : i32
      %add3A_1131 = arith.constant 2 : i32
      %add3A_1132 = arith.addi %mul3A_1130, %add3A_1131 : i32
      %lt3A_1133 = arith.cmpi slt, %add3A_1132, %shift_right_logical3A_1002 : i32
      %convert_element_type3A_1134 = arith.extui %lt3A_1133 : i1 to i32
      %cond3A_1135 = arith.constant 0 : i32
      %cond3A_1136 = arith.cmpi ne, %convert_element_type3A_1134, %cond3A_1135 : i32
      scf.if %cond3A_1136 {
        %mul3A_1137 = arith.constant 64 : i32
        %mul3A_1138 = arith.muli %add3A_1132, %mul3A_1137 : i32
        %dma_wait3A = arith.constant 128 : i32
        %dma_wait3A_1139 = arith.constant 0 : i32
        %dma_wait3A_1140 = tpu.memref_slice %arg27[%dma_wait3A, %dma_wait3A_1139] : memref<192x128xf32, #tpu.memory_space<vmem>> -> memref<64x128xf32, #tpu.memory_space<vmem>>
        %dma_wait3A_1141 = tpu.memref_slice %arg24[%mul3A_1138] : memref<6464xi32, #tpu.memory_space<vmem>> -> memref<64xi32, #tpu.memory_space<vmem>>
        %dma_wait3A_1142 = arith.constant 0 : i32
        %dma_wait3A_1143 = arith.constant 0 : i32
        %dma_wait3A_1144 = tpu.memref_slice %arg4[%dma_wait3A_1142, %dma_wait3A_1143] : memref<10000x128xf32, #tpu.memory_space<hbm>> -> memref<10000x128xf32, #tpu.memory_space<hbm>>
        tpu.wait_indirect_dma semaphore(%arg35 : memref<!tpu.dma_semaphore, #tpu.memory_space<semaphore_mem>>) src(%dma_wait3A_1144 : memref<10000x128xf32, #tpu.memory_space<hbm>>) dst(%dma_wait3A_1140 : memref<64x128xf32, #tpu.memory_space<vmem>>)
        %add3A_1145 = arith.constant 2 : i32
        %add3A_1146 = arith.addi %add3A_1132, %add3A_1145 : i32
        %lt3A_1147 = arith.cmpi slt, %add3A_1146, %shift_right_logical3A_1002 : i32
        %convert_element_type3A_1148 = arith.extui %lt3A_1147 : i1 to i32
        %cond3A_1149 = arith.constant 0 : i32
        %cond3A_1150 = arith.cmpi ne, %convert_element_type3A_1148, %cond3A_1149 : i32
        scf.if %cond3A_1150 {
          %add3A_1151 = arith.constant 2 : i32
          %add3A_1152 = arith.addi %add3A_1132, %add3A_1151 : i32
          %mul3A_1153 = arith.constant 64 : i32
          %mul3A_1154 = arith.muli %add3A_1152, %mul3A_1153 : i32
          %dma_start3A = arith.constant 64 : i32
          %dma_start3A_1155 = arith.constant 0 : i32
          %dma_start3A_1156 = tpu.memref_slice %arg27[%dma_start3A, %dma_start3A_1155] : memref<192x128xf32, #tpu.memory_space<vmem>> -> memref<64x128xf32, #tpu.memory_space<vmem>>
          %dma_start3A_1157 = tpu.memref_slice %arg24[%mul3A_1154] : memref<6464xi32, #tpu.memory_space<vmem>> -> memref<64xi32, #tpu.memory_space<vmem>>
          %dma_start3A_1158 = arith.constant 0 : i32
          %dma_start3A_1159 = arith.constant 0 : i32
          %dma_start3A_1160 = tpu.memref_slice %arg4[%dma_start3A_1158, %dma_start3A_1159] : memref<10000x128xf32, #tpu.memory_space<hbm>> -> memref<10000x128xf32, #tpu.memory_space<hbm>>
          tpu.enqueue_indirect_dma source(%dma_start3A_1160 : memref<10000x128xf32, #tpu.memory_space<hbm>>) target(%dma_start3A_1156 : memref<64x128xf32, #tpu.memory_space<vmem>>) offsets(%dma_start3A_1157 : memref<64xi32, #tpu.memory_space<vmem>>) semaphore(%arg33 : memref<!tpu.dma_semaphore, #tpu.memory_space<semaphore_mem>>)
        } else {
        }
      } else {
      }
    }
    "tpu.trace_stop"() : () -> ()
    "tpu.trace_start"() <{level = 10 : i32, message = "bar2"}> : () -> ()
    %barrier3A_1082 = arith.constant 0 : index
    tpu.barrier barrier_id(%barrier3A_1082)
    %ge3A_1083 = arith.constant 8 : i32
    "tpu.trace_stop"() : () -> ()
    %ge3A_1084 = arith.cmpi sge, %arg1, %ge3A_1083 : i32
    %convert_element_type3A_1085 = arith.extui %ge3A_1084 : i1 to i32
    %cond3A_1086 = arith.constant 0 : i32
    %cond3A_1087 = arith.cmpi ne, %convert_element_type3A_1085, %cond3A_1086 : i32
    scf.if %cond3A_1087 {
      %sub3A_1112 = arith.constant 8 : i32
      %sub3A_1113 = arith.subi %arg1, %sub3A_1112 : i32
      %mul3A_1114 = arith.constant 5120 : i32
      %mul3A_1115 = arith.muli %sub3A_1113, %mul3A_1114 : i32
      "tpu.region"() ({
        %run_scoped3A_1126 = tpu.sem_alloc : memref<!tpu.dma_semaphore, #tpu.memory_space<semaphore_mem>>
        %dma_start3A = arith.constant 0 : i32
        %dma_start3A_1127 = tpu.memref_slice %arg26[%dma_start3A] : memref<6464xf32, #tpu.memory_space<vmem>> -> memref<5120xf32, #tpu.memory_space<vmem>>
        %dma_start3A_1128 = tpu.memref_slice %arg31[%mul3A_1115] : memref<40960xf32, #tpu.memory_space<vmem_shared>> -> memref<5120xf32, #tpu.memory_space<vmem_shared>>
        %dma_start3A_1129 = arith.constant 0 : i32
        %dma_start3A_1130 = tpu.memref_slice %arg26[%dma_start3A_1129] : memref<6464xf32, #tpu.memory_space<vmem>> -> memref<5120xf32, #tpu.memory_space<vmem>>
        %dma_start3A_1131 = tpu.memref_slice %arg31[%mul3A_1115] : memref<40960xf32, #tpu.memory_space<vmem_shared>> -> memref<5120xf32, #tpu.memory_space<vmem_shared>>
        tpu.enqueue_dma source(%dma_start3A_1131 : memref<5120xf32, #tpu.memory_space<vmem_shared>>) target(%dma_start3A_1130 : memref<5120xf32, #tpu.memory_space<vmem>>) target_semaphore(%run_scoped3A_1126 : memref<!tpu.dma_semaphore, #tpu.memory_space<semaphore_mem>>)
        %dma_wait3A = arith.constant 0 : i32
        %dma_wait3A_1132 = tpu.memref_slice %arg26[%dma_wait3A] : memref<6464xf32, #tpu.memory_space<vmem>> -> memref<5120xf32, #tpu.memory_space<vmem>>
        %dma_wait3A_1133 = tpu.memref_slice %arg31[%mul3A_1115] : memref<40960xf32, #tpu.memory_space<vmem_shared>> -> memref<5120xf32, #tpu.memory_space<vmem_shared>>
        %dma_wait3A_1134 = arith.constant 0 : i32
        %dma_wait3A_1135 = tpu.memref_slice %arg26[%dma_wait3A_1134] : memref<6464xf32, #tpu.memory_space<vmem>> -> memref<5120xf32, #tpu.memory_space<vmem>>
        %dma_wait3A_1136 = tpu.memref_slice %arg31[%mul3A_1115] : memref<40960xf32, #tpu.memory_space<vmem_shared>> -> memref<5120xf32, #tpu.memory_space<vmem_shared>>
        tpu.wait_dma2 semaphore(%run_scoped3A_1126 : memref<!tpu.dma_semaphore, #tpu.memory_space<semaphore_mem>>) src(%dma_wait3A_1136 : memref<5120xf32, #tpu.memory_space<vmem_shared>>) dst(%dma_wait3A_1135 : memref<5120xf32, #tpu.memory_space<vmem>>)
        tpu.yield
      }) : () -> ()
      %scan3A_1116 = arith.constant 0 : i32
      %scan3A_1117 = arith.constant 0 : i32
      %scan3A_1118 = arith.constant 320 : i32
      %scan3A_1119 = arith.addi %scan3A_1117, %scan3A_1118 : i32
      %scan3A_1120 = arith.constant 1 : i32
      scf.for %scan3A_1126 = %scan3A_1117 to %scan3A_1119 step %scan3A_1120  : i32 {
        %mul3A_1127 = arith.constant 16 : i32
        %mul3A_1128 = arith.muli %scan3A_1126, %mul3A_1127 : i32
        %get3A = arith.index_cast %mul3A_1128 : i32 to index
        %get3A_1129 = tpu.vector_load %arg21[%get3A] {strides = array<i32>} : memref<5120xf32, #tpu.memory_space<vmem>>, vector<16xf32>,
        %get3A_1130 = arith.index_cast %mul3A_1128 : i32 to index
        %get3A_1131 = tpu.vector_load %arg26[%get3A_1130] {strides = array<i32>} : memref<6464xf32, #tpu.memory_space<vmem>>, vector<16xf32>,
        %add3A_1132 = arith.addf %get3A_1129, %get3A_1131 : vector<16xf32>
        %swap3A_1133 = arith.index_cast %mul3A_1128 : i32 to index
        %swap3A_1134 = tpu.vector_load %arg21[%swap3A_1133] {strides = array<i32>} : memref<5120xf32, #tpu.memory_space<vmem>>, vector<16xf32>,
        tpu.vector_store %arg21[%swap3A_1133], %add3A_1132 {strides = array<i32>} : memref<5120xf32, #tpu.memory_space<vmem>>, vector<16xf32>,
      }
      %scan3A_1121 = arith.constant 320 : i32
      %sub3A_1122 = arith.constant 8 : i32
      %sub3A_1123 = arith.subi %arg1, %sub3A_1122 : i32
      %mul3A_1124 = arith.constant 5120 : i32
      %mul3A_1125 = arith.muli %sub3A_1123, %mul3A_1124 : i32
      "tpu.region"() ({
        %run_scoped3A_1126 = tpu.sem_alloc : memref<!tpu.dma_semaphore, #tpu.memory_space<semaphore_mem>>
        %dma_start3A = tpu.memref_slice %arg31[%mul3A_1125] : memref<40960xf32, #tpu.memory_space<vmem_shared>> -> memref<5120xf32, #tpu.memory_space<vmem_shared>>
        %dma_start3A_1127 = tpu.memref_slice %arg31[%mul3A_1125] : memref<40960xf32, #tpu.memory_space<vmem_shared>> -> memref<5120xf32, #tpu.memory_space<vmem_shared>>
        tpu.enqueue_dma source(%arg21 : memref<5120xf32, #tpu.memory_space<vmem>>) target(%dma_start3A_1127 : memref<5120xf32, #tpu.memory_space<vmem_shared>>) target_semaphore(%run_scoped3A_1126 : memref<!tpu.dma_semaphore, #tpu.memory_space<semaphore_mem>>)
        %dma_wait3A = tpu.memref_slice %arg31[%mul3A_1125] : memref<40960xf32, #tpu.memory_space<vmem_shared>> -> memref<5120xf32, #tpu.memory_space<vmem_shared>>
        %dma_wait3A_1128 = tpu.memref_slice %arg31[%mul3A_1125] : memref<40960xf32, #tpu.memory_space<vmem_shared>> -> memref<5120xf32, #tpu.memory_space<vmem_shared>>
        tpu.wait_dma2 semaphore(%run_scoped3A_1126 : memref<!tpu.dma_semaphore, #tpu.memory_space<semaphore_mem>>) src(%arg21 : memref<5120xf32, #tpu.memory_space<vmem>>) dst(%dma_wait3A_1128 : memref<5120xf32, #tpu.memory_space<vmem_shared>>)
        tpu.yield
      }) : () -> ()
    } else {
    }
    "tpu.trace_start"() <{level = 10 : i32, message = "bar3"}> : () -> ()
    %barrier3A_1088 = arith.constant 0 : index
    tpu.barrier barrier_id(%barrier3A_1088)
    "tpu.trace_stop"() : () -> ()
    %add3A_1089 = arith.constant 0 : i32
    %add3A_1090 = arith.addi %add3A_1089, %mul3A_576 : i32
    "tpu.region"() ({
      %run_scoped3A_1112 = tpu.sem_alloc : memref<!tpu.dma_semaphore, #tpu.memory_space<semaphore_mem>>
      %dma_start3A = arith.constant 0 : i32
      %dma_start3A_1113 = tpu.memref_slice %arg26[%dma_start3A] : memref<6464xf32, #tpu.memory_space<vmem>> -> memref<320xf32, #tpu.memory_space<vmem>>
      %dma_start3A_1114 = tpu.memref_slice %arg31[%add3A_1090] : memref<40960xf32, #tpu.memory_space<vmem_shared>> -> memref<320xf32, #tpu.memory_space<vmem_shared>>
      %dma_start3A_1115 = arith.constant 0 : i32
      %dma_start3A_1116 = tpu.memref_slice %arg26[%dma_start3A_1115] : memref<6464xf32, #tpu.memory_space<vmem>> -> memref<320xf32, #tpu.memory_space<vmem>>
      %dma_start3A_1117 = tpu.memref_slice %arg31[%add3A_1090] : memref<40960xf32, #tpu.memory_space<vmem_shared>> -> memref<320xf32, #tpu.memory_space<vmem_shared>>
      tpu.enqueue_dma source(%dma_start3A_1117 : memref<320xf32, #tpu.memory_space<vmem_shared>>) target(%dma_start3A_1116 : memref<320xf32, #tpu.memory_space<vmem>>) target_semaphore(%run_scoped3A_1112 : memref<!tpu.dma_semaphore, #tpu.memory_space<semaphore_mem>>)
      %dma_wait3A = arith.constant 0 : i32
      %dma_wait3A_1118 = tpu.memref_slice %arg26[%dma_wait3A] : memref<6464xf32, #tpu.memory_space<vmem>> -> memref<320xf32, #tpu.memory_space<vmem>>
      %dma_wait3A_1119 = tpu.memref_slice %arg31[%add3A_1090] : memref<40960xf32, #tpu.memory_space<vmem_shared>> -> memref<320xf32, #tpu.memory_space<vmem_shared>>
      %dma_wait3A_1120 = arith.constant 0 : i32
      %dma_wait3A_1121 = tpu.memref_slice %arg26[%dma_wait3A_1120] : memref<6464xf32, #tpu.memory_space<vmem>> -> memref<320xf32, #tpu.memory_space<vmem>>
      %dma_wait3A_1122 = tpu.memref_slice %arg31[%add3A_1090] : memref<40960xf32, #tpu.memory_space<vmem_shared>> -> memref<320xf32, #tpu.memory_space<vmem_shared>>
      tpu.wait_dma2 semaphore(%run_scoped3A_1112 : memref<!tpu.dma_semaphore, #tpu.memory_space<semaphore_mem>>) src(%dma_wait3A_1122 : memref<320xf32, #tpu.memory_space<vmem_shared>>) dst(%dma_wait3A_1121 : memref<320xf32, #tpu.memory_space<vmem>>)
      tpu.yield
    }) : () -> ()
    %add3A_1091 = arith.constant 5120 : i32
    %add3A_1092 = arith.addi %add3A_1091, %mul3A_576 : i32
    "tpu.region"() ({
      %run_scoped3A_1112 = tpu.sem_alloc : memref<!tpu.dma_semaphore, #tpu.memory_space<semaphore_mem>>
      %dma_start3A = arith.constant 320 : i32
      %dma_start3A_1113 = tpu.memref_slice %arg26[%dma_start3A] : memref<6464xf32, #tpu.memory_space<vmem>> -> memref<320xf32, #tpu.memory_space<vmem>>
      %dma_start3A_1114 = tpu.memref_slice %arg31[%add3A_1092] : memref<40960xf32, #tpu.memory_space<vmem_shared>> -> memref<320xf32, #tpu.memory_space<vmem_shared>>
      %dma_start3A_1115 = arith.constant 320 : i32
      %dma_start3A_1116 = tpu.memref_slice %arg26[%dma_start3A_1115] : memref<6464xf32, #tpu.memory_space<vmem>> -> memref<320xf32, #tpu.memory_space<vmem>>
      %dma_start3A_1117 = tpu.memref_slice %arg31[%add3A_1092] : memref<40960xf32, #tpu.memory_space<vmem_shared>> -> memref<320xf32, #tpu.memory_space<vmem_shared>>
      tpu.enqueue_dma source(%dma_start3A_1117 : memref<320xf32, #tpu.memory_space<vmem_shared>>) target(%dma_start3A_1116 : memref<320xf32, #tpu.memory_space<vmem>>) target_semaphore(%run_scoped3A_1112 : memref<!tpu.dma_semaphore, #tpu.memory_space<semaphore_mem>>)
      %dma_wait3A = arith.constant 320 : i32
      %dma_wait3A_1118 = tpu.memref_slice %arg26[%dma_wait3A] : memref<6464xf32, #tpu.memory_space<vmem>> -> memref<320xf32, #tpu.memory_space<vmem>>
      %dma_wait3A_1119 = tpu.memref_slice %arg31[%add3A_1092] : memref<40960xf32, #tpu.memory_space<vmem_shared>> -> memref<320xf32, #tpu.memory_space<vmem_shared>>
      %dma_wait3A_1120 = arith.constant 320 : i32
      %dma_wait3A_1121 = tpu.memref_slice %arg26[%dma_wait3A_1120] : memref<6464xf32, #tpu.memory_space<vmem>> -> memref<320xf32, #tpu.memory_space<vmem>>
      %dma_wait3A_1122 = tpu.memref_slice %arg31[%add3A_1092] : memref<40960xf32, #tpu.memory_space<vmem_shared>> -> memref<320xf32, #tpu.memory_space<vmem_shared>>
      tpu.wait_dma2 semaphore(%run_scoped3A_1112 : memref<!tpu.dma_semaphore, #tpu.memory_space<semaphore_mem>>) src(%dma_wait3A_1122 : memref<320xf32, #tpu.memory_space<vmem_shared>>) dst(%dma_wait3A_1121 : memref<320xf32, #tpu.memory_space<vmem>>)
      tpu.yield
    }) : () -> ()
    %add3A_1093 = arith.constant 10240 : i32
    %add3A_1094 = arith.addi %add3A_1093, %mul3A_576 : i32
    "tpu.region"() ({
      %run_scoped3A_1112 = tpu.sem_alloc : memref<!tpu.dma_semaphore, #tpu.memory_space<semaphore_mem>>
      %dma_start3A = arith.constant 640 : i32
      %dma_start3A_1113 = tpu.memref_slice %arg26[%dma_start3A] : memref<6464xf32, #tpu.memory_space<vmem>> -> memref<320xf32, #tpu.memory_space<vmem>>
      %dma_start3A_1114 = tpu.memref_slice %arg31[%add3A_1094] : memref<40960xf32, #tpu.memory_space<vmem_shared>> -> memref<320xf32, #tpu.memory_space<vmem_shared>>
      %dma_start3A_1115 = arith.constant 640 : i32
      %dma_start3A_1116 = tpu.memref_slice %arg26[%dma_start3A_1115] : memref<6464xf32, #tpu.memory_space<vmem>> -> memref<320xf32, #tpu.memory_space<vmem>>
      %dma_start3A_1117 = tpu.memref_slice %arg31[%add3A_1094] : memref<40960xf32, #tpu.memory_space<vmem_shared>> -> memref<320xf32, #tpu.memory_space<vmem_shared>>
      tpu.enqueue_dma source(%dma_start3A_1117 : memref<320xf32, #tpu.memory_space<vmem_shared>>) target(%dma_start3A_1116 : memref<320xf32, #tpu.memory_space<vmem>>) target_semaphore(%run_scoped3A_1112 : memref<!tpu.dma_semaphore, #tpu.memory_space<semaphore_mem>>)
      %dma_wait3A = arith.constant 640 : i32
      %dma_wait3A_1118 = tpu.memref_slice %arg26[%dma_wait3A] : memref<6464xf32, #tpu.memory_space<vmem>> -> memref<320xf32, #tpu.memory_space<vmem>>
      %dma_wait3A_1119 = tpu.memref_slice %arg31[%add3A_1094] : memref<40960xf32, #tpu.memory_space<vmem_shared>> -> memref<320xf32, #tpu.memory_space<vmem_shared>>
      %dma_wait3A_1120 = arith.constant 640 : i32
      %dma_wait3A_1121 = tpu.memref_slice %arg26[%dma_wait3A_1120] : memref<6464xf32, #tpu.memory_space<vmem>> -> memref<320xf32, #tpu.memory_space<vmem>>
      %dma_wait3A_1122 = tpu.memref_slice %arg31[%add3A_1094] : memref<40960xf32, #tpu.memory_space<vmem_shared>> -> memref<320xf32, #tpu.memory_space<vmem_shared>>
      tpu.wait_dma2 semaphore(%run_scoped3A_1112 : memref<!tpu.dma_semaphore, #tpu.memory_space<semaphore_mem>>) src(%dma_wait3A_1122 : memref<320xf32, #tpu.memory_space<vmem_shared>>) dst(%dma_wait3A_1121 : memref<320xf32, #tpu.memory_space<vmem>>)
      tpu.yield
    }) : () -> ()
    %add3A_1095 = arith.constant 15360 : i32
    %add3A_1096 = arith.addi %add3A_1095, %mul3A_576 : i32
    "tpu.region"() ({
      %run_scoped3A_1112 = tpu.sem_alloc : memref<!tpu.dma_semaphore, #tpu.memory_space<semaphore_mem>>
      %dma_start3A = arith.constant 960 : i32
      %dma_start3A_1113 = tpu.memref_slice %arg26[%dma_start3A] : memref<6464xf32, #tpu.memory_space<vmem>> -> memref<320xf32, #tpu.memory_space<vmem>>
      %dma_start3A_1114 = tpu.memref_slice %arg31[%add3A_1096] : memref<40960xf32, #tpu.memory_space<vmem_shared>> -> memref<320xf32, #tpu.memory_space<vmem_shared>>
      %dma_start3A_1115 = arith.constant 960 : i32
      %dma_start3A_1116 = tpu.memref_slice %arg26[%dma_start3A_1115] : memref<6464xf32, #tpu.memory_space<vmem>> -> memref<320xf32, #tpu.memory_space<vmem>>
      %dma_start3A_1117 = tpu.memref_slice %arg31[%add3A_1096] : memref<40960xf32, #tpu.memory_space<vmem_shared>> -> memref<320xf32, #tpu.memory_space<vmem_shared>>
      tpu.enqueue_dma source(%dma_start3A_1117 : memref<320xf32, #tpu.memory_space<vmem_shared>>) target(%dma_start3A_1116 : memref<320xf32, #tpu.memory_space<vmem>>) target_semaphore(%run_scoped3A_1112 : memref<!tpu.dma_semaphore, #tpu.memory_space<semaphore_mem>>)
      %dma_wait3A = arith.constant 960 : i32
      %dma_wait3A_1118 = tpu.memref_slice %arg26[%dma_wait3A] : memref<6464xf32, #tpu.memory_space<vmem>> -> memref<320xf32, #tpu.memory_space<vmem>>
      %dma_wait3A_1119 = tpu.memref_slice %arg31[%add3A_1096] : memref<40960xf32, #tpu.memory_space<vmem_shared>> -> memref<320xf32, #tpu.memory_space<vmem_shared>>
      %dma_wait3A_1120 = arith.constant 960 : i32
      %dma_wait3A_1121 = tpu.memref_slice %arg26[%dma_wait3A_1120] : memref<6464xf32, #tpu.memory_space<vmem>> -> memref<320xf32, #tpu.memory_space<vmem>>
      %dma_wait3A_1122 = tpu.memref_slice %arg31[%add3A_1096] : memref<40960xf32, #tpu.memory_space<vmem_shared>> -> memref<320xf32, #tpu.memory_space<vmem_shared>>
      tpu.wait_dma2 semaphore(%run_scoped3A_1112 : memref<!tpu.dma_semaphore, #tpu.memory_space<semaphore_mem>>) src(%dma_wait3A_1122 : memref<320xf32, #tpu.memory_space<vmem_shared>>) dst(%dma_wait3A_1121 : memref<320xf32, #tpu.memory_space<vmem>>)
      tpu.yield
    }) : () -> ()
    %add3A_1097 = arith.constant 20480 : i32
    %add3A_1098 = arith.addi %add3A_1097, %mul3A_576 : i32
    "tpu.region"() ({
      %run_scoped3A_1112 = tpu.sem_alloc : memref<!tpu.dma_semaphore, #tpu.memory_space<semaphore_mem>>
      %dma_start3A = arith.constant 1280 : i32
      %dma_start3A_1113 = tpu.memref_slice %arg26[%dma_start3A] : memref<6464xf32, #tpu.memory_space<vmem>> -> memref<320xf32, #tpu.memory_space<vmem>>
      %dma_start3A_1114 = tpu.memref_slice %arg31[%add3A_1098] : memref<40960xf32, #tpu.memory_space<vmem_shared>> -> memref<320xf32, #tpu.memory_space<vmem_shared>>
      %dma_start3A_1115 = arith.constant 1280 : i32
      %dma_start3A_1116 = tpu.memref_slice %arg26[%dma_start3A_1115] : memref<6464xf32, #tpu.memory_space<vmem>> -> memref<320xf32, #tpu.memory_space<vmem>>
      %dma_start3A_1117 = tpu.memref_slice %arg31[%add3A_1098] : memref<40960xf32, #tpu.memory_space<vmem_shared>> -> memref<320xf32, #tpu.memory_space<vmem_shared>>
      tpu.enqueue_dma source(%dma_start3A_1117 : memref<320xf32, #tpu.memory_space<vmem_shared>>) target(%dma_start3A_1116 : memref<320xf32, #tpu.memory_space<vmem>>) target_semaphore(%run_scoped3A_1112 : memref<!tpu.dma_semaphore, #tpu.memory_space<semaphore_mem>>)
      %dma_wait3A = arith.constant 1280 : i32
      %dma_wait3A_1118 = tpu.memref_slice %arg26[%dma_wait3A] : memref<6464xf32, #tpu.memory_space<vmem>> -> memref<320xf32, #tpu.memory_space<vmem>>
      %dma_wait3A_1119 = tpu.memref_slice %arg31[%add3A_1098] : memref<40960xf32, #tpu.memory_space<vmem_shared>> -> memref<320xf32, #tpu.memory_space<vmem_shared>>
      %dma_wait3A_1120 = arith.constant 1280 : i32
      %dma_wait3A_1121 = tpu.memref_slice %arg26[%dma_wait3A_1120] : memref<6464xf32, #tpu.memory_space<vmem>> -> memref<320xf32, #tpu.memory_space<vmem>>
      %dma_wait3A_1122 = tpu.memref_slice %arg31[%add3A_1098] : memref<40960xf32, #tpu.memory_space<vmem_shared>> -> memref<320xf32, #tpu.memory_space<vmem_shared>>
      tpu.wait_dma2 semaphore(%run_scoped3A_1112 : memref<!tpu.dma_semaphore, #tpu.memory_space<semaphore_mem>>) src(%dma_wait3A_1122 : memref<320xf32, #tpu.memory_space<vmem_shared>>) dst(%dma_wait3A_1121 : memref<320xf32, #tpu.memory_space<vmem>>)
      tpu.yield
    }) : () -> ()
    %add3A_1099 = arith.constant 25600 : i32
    %add3A_1100 = arith.addi %add3A_1099, %mul3A_576 : i32
    "tpu.region"() ({
      %run_scoped3A_1112 = tpu.sem_alloc : memref<!tpu.dma_semaphore, #tpu.memory_space<semaphore_mem>>
      %dma_start3A = arith.constant 1600 : i32
      %dma_start3A_1113 = tpu.memref_slice %arg26[%dma_start3A] : memref<6464xf32, #tpu.memory_space<vmem>> -> memref<320xf32, #tpu.memory_space<vmem>>
      %dma_start3A_1114 = tpu.memref_slice %arg31[%add3A_1100] : memref<40960xf32, #tpu.memory_space<vmem_shared>> -> memref<320xf32, #tpu.memory_space<vmem_shared>>
      %dma_start3A_1115 = arith.constant 1600 : i32
      %dma_start3A_1116 = tpu.memref_slice %arg26[%dma_start3A_1115] : memref<6464xf32, #tpu.memory_space<vmem>> -> memref<320xf32, #tpu.memory_space<vmem>>
      %dma_start3A_1117 = tpu.memref_slice %arg31[%add3A_1100] : memref<40960xf32, #tpu.memory_space<vmem_shared>> -> memref<320xf32, #tpu.memory_space<vmem_shared>>
      tpu.enqueue_dma source(%dma_start3A_1117 : memref<320xf32, #tpu.memory_space<vmem_shared>>) target(%dma_start3A_1116 : memref<320xf32, #tpu.memory_space<vmem>>) target_semaphore(%run_scoped3A_1112 : memref<!tpu.dma_semaphore, #tpu.memory_space<semaphore_mem>>)
      %dma_wait3A = arith.constant 1600 : i32
      %dma_wait3A_1118 = tpu.memref_slice %arg26[%dma_wait3A] : memref<6464xf32, #tpu.memory_space<vmem>> -> memref<320xf32, #tpu.memory_space<vmem>>
      %dma_wait3A_1119 = tpu.memref_slice %arg31[%add3A_1100] : memref<40960xf32, #tpu.memory_space<vmem_shared>> -> memref<320xf32, #tpu.memory_space<vmem_shared>>
      %dma_wait3A_1120 = arith.constant 1600 : i32
      %dma_wait3A_1121 = tpu.memref_slice %arg26[%dma_wait3A_1120] : memref<6464xf32, #tpu.memory_space<vmem>> -> memref<320xf32, #tpu.memory_space<vmem>>
      %dma_wait3A_1122 = tpu.memref_slice %arg31[%add3A_1100] : memref<40960xf32, #tpu.memory_space<vmem_shared>> -> memref<320xf32, #tpu.memory_space<vmem_shared>>
      tpu.wait_dma2 semaphore(%run_scoped3A_1112 : memref<!tpu.dma_semaphore, #tpu.memory_space<semaphore_mem>>) src(%dma_wait3A_1122 : memref<320xf32, #tpu.memory_space<vmem_shared>>) dst(%dma_wait3A_1121 : memref<320xf32, #tpu.memory_space<vmem>>)
      tpu.yield
    }) : () -> ()
    %add3A_1101 = arith.constant 30720 : i32
    %add3A_1102 = arith.addi %add3A_1101, %mul3A_576 : i32
    "tpu.region"() ({
      %run_scoped3A_1112 = tpu.sem_alloc : memref<!tpu.dma_semaphore, #tpu.memory_space<semaphore_mem>>
      %dma_start3A = arith.constant 1920 : i32
      %dma_start3A_1113 = tpu.memref_slice %arg26[%dma_start3A] : memref<6464xf32, #tpu.memory_space<vmem>> -> memref<320xf32, #tpu.memory_space<vmem>>
      %dma_start3A_1114 = tpu.memref_slice %arg31[%add3A_1102] : memref<40960xf32, #tpu.memory_space<vmem_shared>> -> memref<320xf32, #tpu.memory_space<vmem_shared>>
      %dma_start3A_1115 = arith.constant 1920 : i32
      %dma_start3A_1116 = tpu.memref_slice %arg26[%dma_start3A_1115] : memref<6464xf32, #tpu.memory_space<vmem>> -> memref<320xf32, #tpu.memory_space<vmem>>
      %dma_start3A_1117 = tpu.memref_slice %arg31[%add3A_1102] : memref<40960xf32, #tpu.memory_space<vmem_shared>> -> memref<320xf32, #tpu.memory_space<vmem_shared>>
      tpu.enqueue_dma source(%dma_start3A_1117 : memref<320xf32, #tpu.memory_space<vmem_shared>>) target(%dma_start3A_1116 : memref<320xf32, #tpu.memory_space<vmem>>) target_semaphore(%run_scoped3A_1112 : memref<!tpu.dma_semaphore, #tpu.memory_space<semaphore_mem>>)
      %dma_wait3A = arith.constant 1920 : i32
      %dma_wait3A_1118 = tpu.memref_slice %arg26[%dma_wait3A] : memref<6464xf32, #tpu.memory_space<vmem>> -> memref<320xf32, #tpu.memory_space<vmem>>
      %dma_wait3A_1119 = tpu.memref_slice %arg31[%add3A_1102] : memref<40960xf32, #tpu.memory_space<vmem_shared>> -> memref<320xf32, #tpu.memory_space<vmem_shared>>
      %dma_wait3A_1120 = arith.constant 1920 : i32
      %dma_wait3A_1121 = tpu.memref_slice %arg26[%dma_wait3A_1120] : memref<6464xf32, #tpu.memory_space<vmem>> -> memref<320xf32, #tpu.memory_space<vmem>>
      %dma_wait3A_1122 = tpu.memref_slice %arg31[%add3A_1102] : memref<40960xf32, #tpu.memory_space<vmem_shared>> -> memref<320xf32, #tpu.memory_space<vmem_shared>>
      tpu.wait_dma2 semaphore(%run_scoped3A_1112 : memref<!tpu.dma_semaphore, #tpu.memory_space<semaphore_mem>>) src(%dma_wait3A_1122 : memref<320xf32, #tpu.memory_space<vmem_shared>>) dst(%dma_wait3A_1121 : memref<320xf32, #tpu.memory_space<vmem>>)
      tpu.yield
    }) : () -> ()
    %add3A_1103 = arith.constant 35840 : i32
    %add3A_1104 = arith.addi %add3A_1103, %mul3A_576 : i32
    "tpu.region"() ({
      %run_scoped3A_1112 = tpu.sem_alloc : memref<!tpu.dma_semaphore, #tpu.memory_space<semaphore_mem>>
      %dma_start3A = arith.constant 2240 : i32
      %dma_start3A_1113 = tpu.memref_slice %arg26[%dma_start3A] : memref<6464xf32, #tpu.memory_space<vmem>> -> memref<320xf32, #tpu.memory_space<vmem>>
      %dma_start3A_1114 = tpu.memref_slice %arg31[%add3A_1104] : memref<40960xf32, #tpu.memory_space<vmem_shared>> -> memref<320xf32, #tpu.memory_space<vmem_shared>>
      %dma_start3A_1115 = arith.constant 2240 : i32
      %dma_start3A_1116 = tpu.memref_slice %arg26[%dma_start3A_1115] : memref<6464xf32, #tpu.memory_space<vmem>> -> memref<320xf32, #tpu.memory_space<vmem>>
      %dma_start3A_1117 = tpu.memref_slice %arg31[%add3A_1104] : memref<40960xf32, #tpu.memory_space<vmem_shared>> -> memref<320xf32, #tpu.memory_space<vmem_shared>>
      tpu.enqueue_dma source(%dma_start3A_1117 : memref<320xf32, #tpu.memory_space<vmem_shared>>) target(%dma_start3A_1116 : memref<320xf32, #tpu.memory_space<vmem>>) target_semaphore(%run_scoped3A_1112 : memref<!tpu.dma_semaphore, #tpu.memory_space<semaphore_mem>>)
      %dma_wait3A = arith.constant 2240 : i32
      %dma_wait3A_1118 = tpu.memref_slice %arg26[%dma_wait3A] : memref<6464xf32, #tpu.memory_space<vmem>> -> memref<320xf32, #tpu.memory_space<vmem>>
      %dma_wait3A_1119 = tpu.memref_slice %arg31[%add3A_1104] : memref<40960xf32, #tpu.memory_space<vmem_shared>> -> memref<320xf32, #tpu.memory_space<vmem_shared>>
      %dma_wait3A_1120 = arith.constant 2240 : i32
      %dma_wait3A_1121 = tpu.memref_slice %arg26[%dma_wait3A_1120] : memref<6464xf32, #tpu.memory_space<vmem>> -> memref<320xf32, #tpu.memory_space<vmem>>
      %dma_wait3A_1122 = tpu.memref_slice %arg31[%add3A_1104] : memref<40960xf32, #tpu.memory_space<vmem_shared>> -> memref<320xf32, #tpu.memory_space<vmem_shared>>
      tpu.wait_dma2 semaphore(%run_scoped3A_1112 : memref<!tpu.dma_semaphore, #tpu.memory_space<semaphore_mem>>) src(%dma_wait3A_1122 : memref<320xf32, #tpu.memory_space<vmem_shared>>) dst(%dma_wait3A_1121 : memref<320xf32, #tpu.memory_space<vmem>>)
      tpu.yield
    }) : () -> ()
    "tpu.trace_start"() <{level = 10 : i32, message = "p3_div"}> : () -> ()
    %scan3A_1105 = arith.constant 0 : i32
    %scan3A_1106 = arith.constant 0 : i32
    %scan3A_1107 = arith.constant 20 : i32
    %scan3A_1108 = arith.addi %scan3A_1106, %scan3A_1107 : i32
    %scan3A_1109 = arith.constant 1 : i32
    scf.for %scan3A_1112 = %scan3A_1106 to %scan3A_1108 step %scan3A_1109  : i32 {
      %mul3A_1113 = arith.constant 16 : i32
      %mul3A_1114 = arith.muli %scan3A_1112, %mul3A_1113 : i32
      %add3A_1115 = arith.addi %mul3A_3, %mul3A_576 : i32
      %add3A_1116 = arith.addi %add3A_1115, %mul3A_1114 : i32
      %lt3A_1117 = arith.constant 10000 : i32
      %lt3A_1118 = arith.cmpi slt, %add3A_1116, %lt3A_1117 : i32
      %convert_element_type3A_1119 = arith.extui %lt3A_1118 : i1 to i32
      %cond3A_1120 = arith.constant 0 : i32
      %cond3A_1121 = arith.cmpi ne, %convert_element_type3A_1119, %cond3A_1120 : i32
      scf.if %cond3A_1121 {
        %get3A = arith.index_cast %mul3A_1114 : i32 to index
        %get3A_1122 = tpu.vector_load %arg26[%get3A] {strides = array<i32>} : memref<6464xf32, #tpu.memory_space<vmem>>, vector<16xf32>,
        %add3A_1123 = arith.constant 320 : i32
        %add3A_1124 = arith.addi %add3A_1123, %mul3A_1114 : i32
        %get3A_1125 = arith.index_cast %add3A_1124 : i32 to index
        %get3A_1126 = tpu.vector_load %arg26[%get3A_1125] {strides = array<i32>} : memref<6464xf32, #tpu.memory_space<vmem>>, vector<16xf32>,
        %add3A_1127 = arith.addf %get3A_1122, %get3A_1126 : vector<16xf32>
        %add3A_1128 = arith.constant 640 : i32
        %add3A_1129 = arith.addi %add3A_1128, %mul3A_1114 : i32
        %get3A_1130 = arith.index_cast %add3A_1129 : i32 to index
        %get3A_1131 = tpu.vector_load %arg26[%get3A_1130] {strides = array<i32>} : memref<6464xf32, #tpu.memory_space<vmem>>, vector<16xf32>,
        %add3A_1132 = arith.addf %add3A_1127, %get3A_1131 : vector<16xf32>
        %add3A_1133 = arith.constant 960 : i32
        %add3A_1134 = arith.addi %add3A_1133, %mul3A_1114 : i32
        %get3A_1135 = arith.index_cast %add3A_1134 : i32 to index
        %get3A_1136 = tpu.vector_load %arg26[%get3A_1135] {strides = array<i32>} : memref<6464xf32, #tpu.memory_space<vmem>>, vector<16xf32>,
        %add3A_1137 = arith.addf %add3A_1132, %get3A_1136 : vector<16xf32>
        %add3A_1138 = arith.constant 1280 : i32
        %add3A_1139 = arith.addi %add3A_1138, %mul3A_1114 : i32
        %get3A_1140 = arith.index_cast %add3A_1139 : i32 to index
        %get3A_1141 = tpu.vector_load %arg26[%get3A_1140] {strides = array<i32>} : memref<6464xf32, #tpu.memory_space<vmem>>, vector<16xf32>,
        %add3A_1142 = arith.addf %add3A_1137, %get3A_1141 : vector<16xf32>
        %add3A_1143 = arith.constant 1600 : i32
        %add3A_1144 = arith.addi %add3A_1143, %mul3A_1114 : i32
        %get3A_1145 = arith.index_cast %add3A_1144 : i32 to index
        %get3A_1146 = tpu.vector_load %arg26[%get3A_1145] {strides = array<i32>} : memref<6464xf32, #tpu.memory_space<vmem>>, vector<16xf32>,
        %add3A_1147 = arith.addf %add3A_1142, %get3A_1146 : vector<16xf32>
        %add3A_1148 = arith.constant 1920 : i32
        %add3A_1149 = arith.addi %add3A_1148, %mul3A_1114 : i32
        %get3A_1150 = arith.index_cast %add3A_1149 : i32 to index
        %get3A_1151 = tpu.vector_load %arg26[%get3A_1150] {strides = array<i32>} : memref<6464xf32, #tpu.memory_space<vmem>>, vector<16xf32>,
        %add3A_1152 = arith.addf %add3A_1147, %get3A_1151 : vector<16xf32>
        %add3A_1153 = arith.constant 2240 : i32
        %add3A_1154 = arith.addi %add3A_1153, %mul3A_1114 : i32
        %get3A_1155 = arith.index_cast %add3A_1154 : i32 to index
        %get3A_1156 = tpu.vector_load %arg26[%get3A_1155] {strides = array<i32>} : memref<6464xf32, #tpu.memory_space<vmem>>, vector<16xf32>,
        %add3A_1157 = arith.addf %add3A_1152, %get3A_1156 : vector<16xf32>
        %gt3A_1158 = arith.constant 0.000000e+00 : f32
        %gt3A_1159 = vector.broadcast %gt3A_1158 : f32 to vector<16xf32>
        %gt3A_1160 = arith.cmpf ogt, %add3A_1157, %gt3A_1159 : vector<16xf32>
        %gt3A_1161 = arith.constant 0.000000e+00 : f32
        %gt3A_1162 = vector.broadcast %gt3A_1161 : f32 to vector<16xf32>
        %gt3A_1163 = arith.cmpf ogt, %add3A_1157, %gt3A_1162 : vector<16xf32>
        %jit3A = arith.constant 1.000000e+00 : f32
        %broadcast_in_dim3A_1164 = vector.broadcast %jit3A : f32 to vector<16xf32>
        %select_n3A = arith.select %gt3A_1163, %add3A_1157, %broadcast_in_dim3A_1164 : vector<16xi1>, vector<16xf32>
        %div3A_1165 = arith.constant 1.000000e+00 : f32
        %div3A_1166 = vector.broadcast %div3A_1165 : f32 to vector<16xf32>
        %div3A_1167 = arith.divf %div3A_1166, %select_n3A : vector<16xf32>
        %jit3A_1168 = arith.constant 0.000000e+00 : f32
        %broadcast_in_dim3A_1169 = vector.broadcast %jit3A_1168 : f32 to vector<16xf32>
        %select_n3A_1170 = arith.select %gt3A_1160, %div3A_1167, %broadcast_in_dim3A_1169 : vector<16xi1>, vector<16xf32>
        %add3A_1171 = arith.addi %mul3A_576, %mul3A_1114 : i32
        "tpu.region"() ({
          %run_scoped3A_1178 = tpu.sem_alloc : memref<!tpu.dma_semaphore, #tpu.memory_space<semaphore_mem>>
          %dma_start3A = arith.constant 0 : i32
          %dma_start3A_1179 = arith.constant 0 : i32
          %dma_start3A_1180 = tpu.memref_slice %arg27[%dma_start3A, %dma_start3A_1179] : memref<192x128xf32, #tpu.memory_space<vmem>> -> memref<16x128xf32, #tpu.memory_space<vmem>>
          %dma_start3A_1181 = arith.constant 0 : i32
          %dma_start3A_1182 = tpu.memref_slice %arg30[%add3A_1171, %dma_start3A_1181] : memref<5120x128xf32, #tpu.memory_space<vmem_shared>> -> memref<16x128xf32, #tpu.memory_space<vmem_shared>>
          %dma_start3A_1183 = arith.constant 0 : i32
          %dma_start3A_1184 = arith.constant 0 : i32
          %dma_start3A_1185 = tpu.memref_slice %arg27[%dma_start3A_1183, %dma_start3A_1184] : memref<192x128xf32, #tpu.memory_space<vmem>> -> memref<16x128xf32, #tpu.memory_space<vmem>>
          %dma_start3A_1186 = arith.constant 0 : i32
          %dma_start3A_1187 = tpu.memref_slice %arg30[%add3A_1171, %dma_start3A_1186] : memref<5120x128xf32, #tpu.memory_space<vmem_shared>> -> memref<16x128xf32, #tpu.memory_space<vmem_shared>>
          tpu.enqueue_dma source(%dma_start3A_1187 : memref<16x128xf32, #tpu.memory_space<vmem_shared>>) target(%dma_start3A_1185 : memref<16x128xf32, #tpu.memory_space<vmem>>) target_semaphore(%run_scoped3A_1178 : memref<!tpu.dma_semaphore, #tpu.memory_space<semaphore_mem>>)
          %dma_wait3A = arith.constant 0 : i32
          %dma_wait3A_1188 = arith.constant 0 : i32
          %dma_wait3A_1189 = tpu.memref_slice %arg27[%dma_wait3A, %dma_wait3A_1188] : memref<192x128xf32, #tpu.memory_space<vmem>> -> memref<16x128xf32, #tpu.memory_space<vmem>>
          %dma_wait3A_1190 = arith.constant 0 : i32
          %dma_wait3A_1191 = tpu.memref_slice %arg30[%add3A_1171, %dma_wait3A_1190] : memref<5120x128xf32, #tpu.memory_space<vmem_shared>> -> memref<16x128xf32, #tpu.memory_space<vmem_shared>>
          %dma_wait3A_1192 = arith.constant 0 : i32
          %dma_wait3A_1193 = arith.constant 0 : i32
          %dma_wait3A_1194 = tpu.memref_slice %arg27[%dma_wait3A_1192, %dma_wait3A_1193] : memref<192x128xf32, #tpu.memory_space<vmem>> -> memref<16x128xf32, #tpu.memory_space<vmem>>
          %dma_wait3A_1195 = arith.constant 0 : i32
          %dma_wait3A_1196 = tpu.memref_slice %arg30[%add3A_1171, %dma_wait3A_1195] : memref<5120x128xf32, #tpu.memory_space<vmem_shared>> -> memref<16x128xf32, #tpu.memory_space<vmem_shared>>
          tpu.wait_dma2 semaphore(%run_scoped3A_1178 : memref<!tpu.dma_semaphore, #tpu.memory_space<semaphore_mem>>) src(%dma_wait3A_1196 : memref<16x128xf32, #tpu.memory_space<vmem_shared>>) dst(%dma_wait3A_1194 : memref<16x128xf32, #tpu.memory_space<vmem>>)
          tpu.yield
        }) : () -> ()
        "tpu.region"() ({
          %run_scoped3A_1178 = tpu.sem_alloc : memref<!tpu.dma_semaphore, #tpu.memory_space<semaphore_mem>>
          %dma_start3A = arith.constant 16 : i32
          %dma_start3A_1179 = arith.constant 0 : i32
          %dma_start3A_1180 = tpu.memref_slice %arg27[%dma_start3A, %dma_start3A_1179] : memref<192x128xf32, #tpu.memory_space<vmem>> -> memref<16x128xf32, #tpu.memory_space<vmem>>
          %dma_start3A_1181 = arith.constant 0 : i32
          %dma_start3A_1182 = tpu.memref_slice %arg18[%add3A_1116, %dma_start3A_1181] : memref<10000x128xf32, #tpu.memory_space<hbm>> -> memref<16x128xf32, #tpu.memory_space<hbm>>
          %dma_start3A_1183 = arith.constant 16 : i32
          %dma_start3A_1184 = arith.constant 0 : i32
          %dma_start3A_1185 = tpu.memref_slice %arg27[%dma_start3A_1183, %dma_start3A_1184] : memref<192x128xf32, #tpu.memory_space<vmem>> -> memref<16x128xf32, #tpu.memory_space<vmem>>
          %dma_start3A_1186 = arith.constant 0 : i32
          %dma_start3A_1187 = tpu.memref_slice %arg18[%add3A_1116, %dma_start3A_1186] : memref<10000x128xf32, #tpu.memory_space<hbm>> -> memref<16x128xf32, #tpu.memory_space<hbm>>
          tpu.enqueue_dma source(%dma_start3A_1187 : memref<16x128xf32, #tpu.memory_space<hbm>>) target(%dma_start3A_1185 : memref<16x128xf32, #tpu.memory_space<vmem>>) target_semaphore(%run_scoped3A_1178 : memref<!tpu.dma_semaphore, #tpu.memory_space<semaphore_mem>>)
          %dma_wait3A = arith.constant 16 : i32
          %dma_wait3A_1188 = arith.constant 0 : i32
          %dma_wait3A_1189 = tpu.memref_slice %arg27[%dma_wait3A, %dma_wait3A_1188] : memref<192x128xf32, #tpu.memory_space<vmem>> -> memref<16x128xf32, #tpu.memory_space<vmem>>
          %dma_wait3A_1190 = arith.constant 0 : i32
          %dma_wait3A_1191 = tpu.memref_slice %arg18[%add3A_1116, %dma_wait3A_1190] : memref<10000x128xf32, #tpu.memory_space<hbm>> -> memref<16x128xf32, #tpu.memory_space<hbm>>
          %dma_wait3A_1192 = arith.constant 16 : i32
          %dma_wait3A_1193 = arith.constant 0 : i32
          %dma_wait3A_1194 = tpu.memref_slice %arg27[%dma_wait3A_1192, %dma_wait3A_1193] : memref<192x128xf32, #tpu.memory_space<vmem>> -> memref<16x128xf32, #tpu.memory_space<vmem>>
          %dma_wait3A_1195 = arith.constant 0 : i32
          %dma_wait3A_1196 = tpu.memref_slice %arg18[%add3A_1116, %dma_wait3A_1195] : memref<10000x128xf32, #tpu.memory_space<hbm>> -> memref<16x128xf32, #tpu.memory_space<hbm>>
          tpu.wait_dma2 semaphore(%run_scoped3A_1178 : memref<!tpu.dma_semaphore, #tpu.memory_space<semaphore_mem>>) src(%dma_wait3A_1196 : memref<16x128xf32, #tpu.memory_space<hbm>>) dst(%dma_wait3A_1194 : memref<16x128xf32, #tpu.memory_space<vmem>>)
          tpu.yield
        }) : () -> ()
        %scan3A_1172 = arith.constant 0 : i32
        %scan3A_1173 = arith.constant 0 : i32
        %scan3A_1174 = arith.constant 16 : i32
        %scan3A_1175 = arith.addi %scan3A_1173, %scan3A_1174 : i32
        %scan3A_1176 = arith.constant 1 : i32
        scf.for %scan3A_1178 = %scan3A_1173 to %scan3A_1175 step %scan3A_1176  : i32 {
          %broadcast_in_dim3A_1179 = vector.broadcast %scan3A_1178 : i32 to vector<16x1xi32>
          %gather3A = vector.shape_cast %broadcast_in_dim3A_1179 : vector<16x1xi32> to vector<16xi32>
          %gather3A_1180 = tpu.dynamic_gather %select_n3A_1170[%gather3A] in [0] : vector<16xf32>, vector<16xi32> -> vector<16xf32>
          %get3A_1181 = arith.index_cast %scan3A_1178 : i32 to index
          %get3A_1182 = arith.constant 0 : index
          %get3A_1183 = tpu.vector_load %arg27[%get3A_1181, %get3A_1182] {strides = array<i32>} : memref<192x128xf32, #tpu.memory_space<vmem>>, vector<16xf32>,
          %mul3A_1184 = arith.mulf %get3A_1183, %gather3A_1180 : vector<16xf32>
          %add3A_1185 = arith.constant 16 : i32
          %add3A_1186 = arith.addi %add3A_1185, %scan3A_1178 : i32
          %get3A_1187 = arith.index_cast %add3A_1186 : i32 to index
          %get3A_1188 = arith.constant 0 : index
          %get3A_1189 = tpu.vector_load %arg27[%get3A_1187, %get3A_1188] {strides = array<i32>} : memref<192x128xf32, #tpu.memory_space<vmem>>, vector<16xf32>,
          %add3A_1190 = arith.addf %mul3A_1184, %get3A_1189 : vector<16xf32>
          %get3A_1191 = arith.constant 0 : index
          %get3A_1192 = tpu.vector_load %arg29[%get3A_1191] {strides = array<i32>} : memref<128xf32, #tpu.memory_space<vmem>>, vector<16xf32>,
          %add3A_1193 = arith.addf %add3A_1190, %get3A_1192 : vector<16xf32>
          %swap3A_1194 = arith.index_cast %scan3A_1178 : i32 to index
          %swap3A_1195 = arith.constant 0 : index
          %swap3A_1196 = tpu.vector_load %arg27[%swap3A_1194, %swap3A_1195] {strides = array<i32>} : memref<192x128xf32, #tpu.memory_space<vmem>>, vector<16xf32>,
          tpu.vector_store %arg27[%swap3A_1194, %swap3A_1195], %add3A_1193 {strides = array<i32>} : memref<192x128xf32, #tpu.memory_space<vmem>>, vector<16xf32>,
          %get3A_1197 = arith.index_cast %scan3A_1178 : i32 to index
          %get3A_1198 = arith.constant 16 : index
          %get3A_1199 = tpu.vector_load %arg27[%get3A_1197, %get3A_1198] {strides = array<i32>} : memref<192x128xf32, #tpu.memory_space<vmem>>, vector<16xf32>,
          %mul3A_1200 = arith.mulf %get3A_1199, %gather3A_1180 : vector<16xf32>
          %add3A_1201 = arith.constant 16 : i32
          %add3A_1202 = arith.addi %add3A_1201, %scan3A_1178 : i32
          %get3A_1203 = arith.index_cast %add3A_1202 : i32 to index
          %get3A_1204 = arith.constant 16 : index
          %get3A_1205 = tpu.vector_load %arg27[%get3A_1203, %get3A_1204] {strides = array<i32>} : memref<192x128xf32, #tpu.memory_space<vmem>>, vector<16xf32>,
          %add3A_1206 = arith.addf %mul3A_1200, %get3A_1205 : vector<16xf32>
          %get3A_1207 = arith.constant 16 : index
          %get3A_1208 = tpu.vector_load %arg29[%get3A_1207] {strides = array<i32>} : memref<128xf32, #tpu.memory_space<vmem>>, vector<16xf32>,
          %add3A_1209 = arith.addf %add3A_1206, %get3A_1208 : vector<16xf32>
          %swap3A_1210 = arith.index_cast %scan3A_1178 : i32 to index
          %swap3A_1211 = arith.constant 16 : index
          %swap3A_1212 = tpu.vector_load %arg27[%swap3A_1210, %swap3A_1211] {strides = array<i32>} : memref<192x128xf32, #tpu.memory_space<vmem>>, vector<16xf32>,
          tpu.vector_store %arg27[%swap3A_1210, %swap3A_1211], %add3A_1209 {strides = array<i32>} : memref<192x128xf32, #tpu.memory_space<vmem>>, vector<16xf32>,
          %get3A_1213 = arith.index_cast %scan3A_1178 : i32 to index
          %get3A_1214 = arith.constant 32 : index
          %get3A_1215 = tpu.vector_load %arg27[%get3A_1213, %get3A_1214] {strides = array<i32>} : memref<192x128xf32, #tpu.memory_space<vmem>>, vector<16xf32>,
          %mul3A_1216 = arith.mulf %get3A_1215, %gather3A_1180 : vector<16xf32>
          %add3A_1217 = arith.constant 16 : i32
          %add3A_1218 = arith.addi %add3A_1217, %scan3A_1178 : i32
          %get3A_1219 = arith.index_cast %add3A_1218 : i32 to index
          %get3A_1220 = arith.constant 32 : index
          %get3A_1221 = tpu.vector_load %arg27[%get3A_1219, %get3A_1220] {strides = array<i32>} : memref<192x128xf32, #tpu.memory_space<vmem>>, vector<16xf32>,
          %add3A_1222 = arith.addf %mul3A_1216, %get3A_1221 : vector<16xf32>
          %get3A_1223 = arith.constant 32 : index
          %get3A_1224 = tpu.vector_load %arg29[%get3A_1223] {strides = array<i32>} : memref<128xf32, #tpu.memory_space<vmem>>, vector<16xf32>,
          %add3A_1225 = arith.addf %add3A_1222, %get3A_1224 : vector<16xf32>
          %swap3A_1226 = arith.index_cast %scan3A_1178 : i32 to index
          %swap3A_1227 = arith.constant 32 : index
          %swap3A_1228 = tpu.vector_load %arg27[%swap3A_1226, %swap3A_1227] {strides = array<i32>} : memref<192x128xf32, #tpu.memory_space<vmem>>, vector<16xf32>,
          tpu.vector_store %arg27[%swap3A_1226, %swap3A_1227], %add3A_1225 {strides = array<i32>} : memref<192x128xf32, #tpu.memory_space<vmem>>, vector<16xf32>,
          %get3A_1229 = arith.index_cast %scan3A_1178 : i32 to index
          %get3A_1230 = arith.constant 48 : index
          %get3A_1231 = tpu.vector_load %arg27[%get3A_1229, %get3A_1230] {strides = array<i32>} : memref<192x128xf32, #tpu.memory_space<vmem>>, vector<16xf32>,
          %mul3A_1232 = arith.mulf %get3A_1231, %gather3A_1180 : vector<16xf32>
          %add3A_1233 = arith.constant 16 : i32
          %add3A_1234 = arith.addi %add3A_1233, %scan3A_1178 : i32
          %get3A_1235 = arith.index_cast %add3A_1234 : i32 to index
          %get3A_1236 = arith.constant 48 : index
          %get3A_1237 = tpu.vector_load %arg27[%get3A_1235, %get3A_1236] {strides = array<i32>} : memref<192x128xf32, #tpu.memory_space<vmem>>, vector<16xf32>,
          %add3A_1238 = arith.addf %mul3A_1232, %get3A_1237 : vector<16xf32>
          %get3A_1239 = arith.constant 48 : index
          %get3A_1240 = tpu.vector_load %arg29[%get3A_1239] {strides = array<i32>} : memref<128xf32, #tpu.memory_space<vmem>>, vector<16xf32>,
          %add3A_1241 = arith.addf %add3A_1238, %get3A_1240 : vector<16xf32>
          %swap3A_1242 = arith.index_cast %scan3A_1178 : i32 to index
          %swap3A_1243 = arith.constant 48 : index
          %swap3A_1244 = tpu.vector_load %arg27[%swap3A_1242, %swap3A_1243] {strides = array<i32>} : memref<192x128xf32, #tpu.memory_space<vmem>>, vector<16xf32>,
          tpu.vector_store %arg27[%swap3A_1242, %swap3A_1243], %add3A_1241 {strides = array<i32>} : memref<192x128xf32, #tpu.memory_space<vmem>>, vector<16xf32>,
          %get3A_1245 = arith.index_cast %scan3A_1178 : i32 to index
          %get3A_1246 = arith.constant 64 : index
          %get3A_1247 = tpu.vector_load %arg27[%get3A_1245, %get3A_1246] {strides = array<i32>} : memref<192x128xf32, #tpu.memory_space<vmem>>, vector<16xf32>,
          %mul3A_1248 = arith.mulf %get3A_1247, %gather3A_1180 : vector<16xf32>
          %add3A_1249 = arith.constant 16 : i32
          %add3A_1250 = arith.addi %add3A_1249, %scan3A_1178 : i32
          %get3A_1251 = arith.index_cast %add3A_1250 : i32 to index
          %get3A_1252 = arith.constant 64 : index
          %get3A_1253 = tpu.vector_load %arg27[%get3A_1251, %get3A_1252] {strides = array<i32>} : memref<192x128xf32, #tpu.memory_space<vmem>>, vector<16xf32>,
          %add3A_1254 = arith.addf %mul3A_1248, %get3A_1253 : vector<16xf32>
          %get3A_1255 = arith.constant 64 : index
          %get3A_1256 = tpu.vector_load %arg29[%get3A_1255] {strides = array<i32>} : memref<128xf32, #tpu.memory_space<vmem>>, vector<16xf32>,
          %add3A_1257 = arith.addf %add3A_1254, %get3A_1256 : vector<16xf32>
          %swap3A_1258 = arith.index_cast %scan3A_1178 : i32 to index
          %swap3A_1259 = arith.constant 64 : index
          %swap3A_1260 = tpu.vector_load %arg27[%swap3A_1258, %swap3A_1259] {strides = array<i32>} : memref<192x128xf32, #tpu.memory_space<vmem>>, vector<16xf32>,
          tpu.vector_store %arg27[%swap3A_1258, %swap3A_1259], %add3A_1257 {strides = array<i32>} : memref<192x128xf32, #tpu.memory_space<vmem>>, vector<16xf32>,
          %get3A_1261 = arith.index_cast %scan3A_1178 : i32 to index
          %get3A_1262 = arith.constant 80 : index
          %get3A_1263 = tpu.vector_load %arg27[%get3A_1261, %get3A_1262] {strides = array<i32>} : memref<192x128xf32, #tpu.memory_space<vmem>>, vector<16xf32>,
          %mul3A_1264 = arith.mulf %get3A_1263, %gather3A_1180 : vector<16xf32>
          %add3A_1265 = arith.constant 16 : i32
          %add3A_1266 = arith.addi %add3A_1265, %scan3A_1178 : i32
          %get3A_1267 = arith.index_cast %add3A_1266 : i32 to index
          %get3A_1268 = arith.constant 80 : index
          %get3A_1269 = tpu.vector_load %arg27[%get3A_1267, %get3A_1268] {strides = array<i32>} : memref<192x128xf32, #tpu.memory_space<vmem>>, vector<16xf32>,
          %add3A_1270 = arith.addf %mul3A_1264, %get3A_1269 : vector<16xf32>
          %get3A_1271 = arith.constant 80 : index
          %get3A_1272 = tpu.vector_load %arg29[%get3A_1271] {strides = array<i32>} : memref<128xf32, #tpu.memory_space<vmem>>, vector<16xf32>,
          %add3A_1273 = arith.addf %add3A_1270, %get3A_1272 : vector<16xf32>
          %swap3A_1274 = arith.index_cast %scan3A_1178 : i32 to index
          %swap3A_1275 = arith.constant 80 : index
          %swap3A_1276 = tpu.vector_load %arg27[%swap3A_1274, %swap3A_1275] {strides = array<i32>} : memref<192x128xf32, #tpu.memory_space<vmem>>, vector<16xf32>,
          tpu.vector_store %arg27[%swap3A_1274, %swap3A_1275], %add3A_1273 {strides = array<i32>} : memref<192x128xf32, #tpu.memory_space<vmem>>, vector<16xf32>,
          %get3A_1277 = arith.index_cast %scan3A_1178 : i32 to index
          %get3A_1278 = arith.constant 96 : index
          %get3A_1279 = tpu.vector_load %arg27[%get3A_1277, %get3A_1278] {strides = array<i32>} : memref<192x128xf32, #tpu.memory_space<vmem>>, vector<16xf32>,
          %mul3A_1280 = arith.mulf %get3A_1279, %gather3A_1180 : vector<16xf32>
          %add3A_1281 = arith.constant 16 : i32
          %add3A_1282 = arith.addi %add3A_1281, %scan3A_1178 : i32
          %get3A_1283 = arith.index_cast %add3A_1282 : i32 to index
          %get3A_1284 = arith.constant 96 : index
          %get3A_1285 = tpu.vector_load %arg27[%get3A_1283, %get3A_1284] {strides = array<i32>} : memref<192x128xf32, #tpu.memory_space<vmem>>, vector<16xf32>,
          %add3A_1286 = arith.addf %mul3A_1280, %get3A_1285 : vector<16xf32>
          %get3A_1287 = arith.constant 96 : index
          %get3A_1288 = tpu.vector_load %arg29[%get3A_1287] {strides = array<i32>} : memref<128xf32, #tpu.memory_space<vmem>>, vector<16xf32>,
          %add3A_1289 = arith.addf %add3A_1286, %get3A_1288 : vector<16xf32>
          %swap3A_1290 = arith.index_cast %scan3A_1178 : i32 to index
          %swap3A_1291 = arith.constant 96 : index
          %swap3A_1292 = tpu.vector_load %arg27[%swap3A_1290, %swap3A_1291] {strides = array<i32>} : memref<192x128xf32, #tpu.memory_space<vmem>>, vector<16xf32>,
          tpu.vector_store %arg27[%swap3A_1290, %swap3A_1291], %add3A_1289 {strides = array<i32>} : memref<192x128xf32, #tpu.memory_space<vmem>>, vector<16xf32>,
          %get3A_1293 = arith.index_cast %scan3A_1178 : i32 to index
          %get3A_1294 = arith.constant 112 : index
          %get3A_1295 = tpu.vector_load %arg27[%get3A_1293, %get3A_1294] {strides = array<i32>} : memref<192x128xf32, #tpu.memory_space<vmem>>, vector<16xf32>,
          %mul3A_1296 = arith.mulf %get3A_1295, %gather3A_1180 : vector<16xf32>
          %add3A_1297 = arith.constant 16 : i32
          %add3A_1298 = arith.addi %add3A_1297, %scan3A_1178 : i32
          %get3A_1299 = arith.index_cast %add3A_1298 : i32 to index
          %get3A_1300 = arith.constant 112 : index
          %get3A_1301 = tpu.vector_load %arg27[%get3A_1299, %get3A_1300] {strides = array<i32>} : memref<192x128xf32, #tpu.memory_space<vmem>>, vector<16xf32>,
          %add3A_1302 = arith.addf %mul3A_1296, %get3A_1301 : vector<16xf32>
          %get3A_1303 = arith.constant 112 : index
          %get3A_1304 = tpu.vector_load %arg29[%get3A_1303] {strides = array<i32>} : memref<128xf32, #tpu.memory_space<vmem>>, vector<16xf32>,
          %add3A_1305 = arith.addf %add3A_1302, %get3A_1304 : vector<16xf32>
          %swap3A_1306 = arith.index_cast %scan3A_1178 : i32 to index
          %swap3A_1307 = arith.constant 112 : index
          %swap3A_1308 = tpu.vector_load %arg27[%swap3A_1306, %swap3A_1307] {strides = array<i32>} : memref<192x128xf32, #tpu.memory_space<vmem>>, vector<16xf32>,
          tpu.vector_store %arg27[%swap3A_1306, %swap3A_1307], %add3A_1305 {strides = array<i32>} : memref<192x128xf32, #tpu.memory_space<vmem>>, vector<16xf32>,
        }
        %scan3A_1177 = arith.constant 16 : i32
        "tpu.region"() ({
          %run_scoped3A_1178 = tpu.sem_alloc : memref<!tpu.dma_semaphore, #tpu.memory_space<semaphore_mem>>
          %dma_start3A = arith.constant 0 : i32
          %dma_start3A_1179 = arith.constant 0 : i32
          %dma_start3A_1180 = tpu.memref_slice %arg27[%dma_start3A, %dma_start3A_1179] : memref<192x128xf32, #tpu.memory_space<vmem>> -> memref<16x128xf32, #tpu.memory_space<vmem>>
          %dma_start3A_1181 = arith.constant 0 : i32
          %dma_start3A_1182 = tpu.memref_slice %arg18[%add3A_1116, %dma_start3A_1181] : memref<10000x128xf32, #tpu.memory_space<hbm>> -> memref<16x128xf32, #tpu.memory_space<hbm>>
          %dma_start3A_1183 = arith.constant 0 : i32
          %dma_start3A_1184 = tpu.memref_slice %arg18[%add3A_1116, %dma_start3A_1183] : memref<10000x128xf32, #tpu.memory_space<hbm>> -> memref<16x128xf32, #tpu.memory_space<hbm>>
          %dma_start3A_1185 = arith.constant 0 : i32
          %dma_start3A_1186 = arith.constant 0 : i32
          %dma_start3A_1187 = tpu.memref_slice %arg27[%dma_start3A_1185, %dma_start3A_1186] : memref<192x128xf32, #tpu.memory_space<vmem>> -> memref<16x128xf32, #tpu.memory_space<vmem>>
          tpu.enqueue_dma source(%dma_start3A_1187 : memref<16x128xf32, #tpu.memory_space<vmem>>) target(%dma_start3A_1184 : memref<16x128xf32, #tpu.memory_space<hbm>>) target_semaphore(%run_scoped3A_1178 : memref<!tpu.dma_semaphore, #tpu.memory_space<semaphore_mem>>)
          %dma_wait3A = arith.constant 0 : i32
          %dma_wait3A_1188 = arith.constant 0 : i32
          %dma_wait3A_1189 = tpu.memref_slice %arg27[%dma_wait3A, %dma_wait3A_1188] : memref<192x128xf32, #tpu.memory_space<vmem>> -> memref<16x128xf32, #tpu.memory_space<vmem>>
          %dma_wait3A_1190 = arith.constant 0 : i32
          %dma_wait3A_1191 = tpu.memref_slice %arg18[%add3A_1116, %dma_wait3A_1190] : memref<10000x128xf32, #tpu.memory_space<hbm>> -> memref<16x128xf32, #tpu.memory_space<hbm>>
          %dma_wait3A_1192 = arith.constant 0 : i32
          %dma_wait3A_1193 = tpu.memref_slice %arg18[%add3A_1116, %dma_wait3A_1192] : memref<10000x128xf32, #tpu.memory_space<hbm>> -> memref<16x128xf32, #tpu.memory_space<hbm>>
          %dma_wait3A_1194 = arith.constant 0 : i32
          %dma_wait3A_1195 = arith.constant 0 : i32
          %dma_wait3A_1196 = tpu.memref_slice %arg27[%dma_wait3A_1194, %dma_wait3A_1195] : memref<192x128xf32, #tpu.memory_space<vmem>> -> memref<16x128xf32, #tpu.memory_space<vmem>>
          tpu.wait_dma2 semaphore(%run_scoped3A_1178 : memref<!tpu.dma_semaphore, #tpu.memory_space<semaphore_mem>>) src(%dma_wait3A_1196 : memref<16x128xf32, #tpu.memory_space<vmem>>) dst(%dma_wait3A_1193 : memref<16x128xf32, #tpu.memory_space<hbm>>)
          tpu.yield
        }) : () -> ()
      } else {
      }
    }
    %scan3A_1110 = arith.constant 20 : i32
    "tpu.trace_stop"() : () -> ()
    "tpu.trace_start"() <{level = 10 : i32, message = "bar4"}> : () -> ()
    %barrier3A_1111 = arith.constant 0 : index
    tpu.barrier barrier_id(%barrier3A_1111)
    "tpu.trace_stop"() : () -> ()
    return
  }
}

module attributes {stable_mosaic.version = 14 : i64} {
  func.func @_proj_body(%arg0: i32, %arg1: memref<400x128xf32, #tpu.memory_space<vmem>>, %arg2: memref<3x128x128xf32, #tpu.memory_space<vmem>>, %arg3: memref<3x128xf32, #tpu.memory_space<vmem>>, %arg4: memref<3x128xf32, #tpu.memory_space<vmem>>, %arg5: memref<3x400x128xf32, #tpu.memory_space<vmem>>, %arg6: memref<6x1x1x400xf32, #tpu.memory_space<vmem>>) attributes {dimension_semantics = [#tpu.dimension_semantics<arbitrary>], iteration_bounds = array<i64: 25>, scalar_prefetch = 0 : i64, scratch_operands = 0 : i64, tpu.core_type = #tpu.core_type<tc>, window_params = [{transform_indices = @transform_0, window_bounds = array<i64: 400, 128>}, {pipeline_mode = #tpu.pipeline_mode<synchronous>, transform_indices = @transform_1, window_bounds = array<i64: 3, 128, 128>}, {pipeline_mode = #tpu.pipeline_mode<synchronous>, transform_indices = @transform_2, window_bounds = array<i64: 3, 128>}, {pipeline_mode = #tpu.pipeline_mode<synchronous>, transform_indices = @transform_3, window_bounds = array<i64: 3, 128>}, {transform_indices = @transform_4, window_bounds = array<i64: 3, 400, 128>}, {transform_indices = @transform_5, window_bounds = array<i64: 6, 1, 1, 400>}]} {
    %get3A = arith.constant 0 : index
    %get3A_0 = arith.constant 0 : index
    %get3A_1 = vector.load %arg1[%get3A, %get3A_0] : memref<400x128xf32, #tpu.memory_space<vmem>>, vector<400x128xf32>
    %get3A_2 = arith.constant 0 : index
    %get3A_3 = arith.constant 0 : index
    %get3A_4 = arith.constant 0 : index
    %get3A_5 = vector.load %arg2[%get3A_2, %get3A_3, %get3A_4] : memref<3x128x128xf32, #tpu.memory_space<vmem>>, vector<1x128x128xf32>
    %get3A_6 = vector.shape_cast %get3A_5 : vector<1x128x128xf32> to vector<128x128xf32>
    %dot_general3A = arith.constant dense<0.000000e+00> : vector<400x128xf32>
    %dot_general3A_7 = tpu.matmul %get3A_1, %get3A_6, %dot_general3A {dimension_numbers = #tpu.dot_dimension_numbers<[1], [0], [0], [1], [0, 0, 1, 1], [], []>, transpose_lhs_hint = false} : vector<400x128xf32>, vector<128x128xf32>, vector<400x128xf32> -> vector<400x128xf32>
    %swap3A = arith.constant 0 : index
    %swap3A_8 = arith.constant 0 : index
    %swap3A_9 = arith.constant 0 : index
    %swap3A_10 = vector.load %arg5[%swap3A, %swap3A_8, %swap3A_9] : memref<3x400x128xf32, #tpu.memory_space<vmem>>, vector<1x400x128xf32>
    %swap3A_11 = vector.shape_cast %swap3A_10 : vector<1x400x128xf32> to vector<400x128xf32>
    %swap3A_12 = vector.shape_cast %dot_general3A_7 : vector<400x128xf32> to vector<1x400x128xf32>
    tpu.vector_store %arg5[%swap3A, %swap3A_8, %swap3A_9], %swap3A_12 {strides = array<i32>} : memref<3x400x128xf32, #tpu.memory_space<vmem>>, vector<1x400x128xf32>,
    %get3A_13 = arith.constant 0 : index
    %get3A_14 = arith.constant 0 : index
    %get3A_15 = vector.load %arg3[%get3A_13, %get3A_14] : memref<3x128xf32, #tpu.memory_space<vmem>>, vector<1x128xf32>
    %get3A_16 = vector.shape_cast %get3A_15 : vector<1x128xf32> to vector<128xf32>
    %broadcast_in_dim3A = vector.shape_cast %get3A_16 : vector<128xf32> to vector<1x128xf32>
    %mul3A = vector.broadcast %broadcast_in_dim3A : vector<1x128xf32> to vector<400x128xf32>
    %mul3A_17 = arith.mulf %dot_general3A_7, %mul3A : vector<400x128xf32>
    %reduce_sum3A = arith.constant dense<0.000000e+00> : vector<400xf32>
    %reduce_sum3A_18 = vector.multi_reduction <add>, %mul3A_17, %reduce_sum3A [1] : vector<400x128xf32> to vector<400xf32>
    %swap3A_19 = arith.constant 0 : index
    %swap3A_20 = arith.constant 0 : index
    %swap3A_21 = arith.constant 0 : index
    %swap3A_22 = arith.constant 0 : index
    %swap3A_23 = vector.load %arg6[%swap3A_19, %swap3A_20, %swap3A_21, %swap3A_22] : memref<6x1x1x400xf32, #tpu.memory_space<vmem>>, vector<1x1x1x400xf32>
    %swap3A_24 = vector.shape_cast %swap3A_23 : vector<1x1x1x400xf32> to vector<400xf32>
    %swap3A_25 = vector.shape_cast %reduce_sum3A_18 : vector<400xf32> to vector<1x1x1x400xf32>
    tpu.vector_store %arg6[%swap3A_19, %swap3A_20, %swap3A_21, %swap3A_22], %swap3A_25 {strides = array<i32>} : memref<6x1x1x400xf32, #tpu.memory_space<vmem>>, vector<1x1x1x400xf32>,
    %get3A_26 = arith.constant 0 : index
    %get3A_27 = arith.constant 0 : index
    %get3A_28 = vector.load %arg4[%get3A_26, %get3A_27] : memref<3x128xf32, #tpu.memory_space<vmem>>, vector<1x128xf32>
    %get3A_29 = vector.shape_cast %get3A_28 : vector<1x128xf32> to vector<128xf32>
    %broadcast_in_dim3A_30 = vector.shape_cast %get3A_29 : vector<128xf32> to vector<1x128xf32>
    %mul3A_31 = vector.broadcast %broadcast_in_dim3A_30 : vector<1x128xf32> to vector<400x128xf32>
    %mul3A_32 = arith.mulf %dot_general3A_7, %mul3A_31 : vector<400x128xf32>
    %reduce_sum3A_33 = arith.constant dense<0.000000e+00> : vector<400xf32>
    %reduce_sum3A_34 = vector.multi_reduction <add>, %mul3A_32, %reduce_sum3A_33 [1] : vector<400x128xf32> to vector<400xf32>
    %swap3A_35 = arith.constant 3 : index
    %swap3A_36 = arith.constant 0 : index
    %swap3A_37 = arith.constant 0 : index
    %swap3A_38 = arith.constant 0 : index
    %swap3A_39 = vector.load %arg6[%swap3A_35, %swap3A_36, %swap3A_37, %swap3A_38] : memref<6x1x1x400xf32, #tpu.memory_space<vmem>>, vector<1x1x1x400xf32>
    %swap3A_40 = vector.shape_cast %swap3A_39 : vector<1x1x1x400xf32> to vector<400xf32>
    %swap3A_41 = vector.shape_cast %reduce_sum3A_34 : vector<400xf32> to vector<1x1x1x400xf32>
    tpu.vector_store %arg6[%swap3A_35, %swap3A_36, %swap3A_37, %swap3A_38], %swap3A_41 {strides = array<i32>} : memref<6x1x1x400xf32, #tpu.memory_space<vmem>>, vector<1x1x1x400xf32>,
    %get3A_42 = arith.constant 1 : index
    %get3A_43 = arith.constant 0 : index
    %get3A_44 = arith.constant 0 : index
    %get3A_45 = vector.load %arg2[%get3A_42, %get3A_43, %get3A_44] : memref<3x128x128xf32, #tpu.memory_space<vmem>>, vector<1x128x128xf32>
    %get3A_46 = vector.shape_cast %get3A_45 : vector<1x128x128xf32> to vector<128x128xf32>
    %dot_general3A_47 = arith.constant dense<0.000000e+00> : vector<400x128xf32>
    %dot_general3A_48 = tpu.matmul %get3A_1, %get3A_46, %dot_general3A_47 {dimension_numbers = #tpu.dot_dimension_numbers<[1], [0], [0], [1], [0, 0, 1, 1], [], []>, transpose_lhs_hint = false} : vector<400x128xf32>, vector<128x128xf32>, vector<400x128xf32> -> vector<400x128xf32>
    %swap3A_49 = arith.constant 1 : index
    %swap3A_50 = arith.constant 0 : index
    %swap3A_51 = arith.constant 0 : index
    %swap3A_52 = vector.load %arg5[%swap3A_49, %swap3A_50, %swap3A_51] : memref<3x400x128xf32, #tpu.memory_space<vmem>>, vector<1x400x128xf32>
    %swap3A_53 = vector.shape_cast %swap3A_52 : vector<1x400x128xf32> to vector<400x128xf32>
    %swap3A_54 = vector.shape_cast %dot_general3A_48 : vector<400x128xf32> to vector<1x400x128xf32>
    tpu.vector_store %arg5[%swap3A_49, %swap3A_50, %swap3A_51], %swap3A_54 {strides = array<i32>} : memref<3x400x128xf32, #tpu.memory_space<vmem>>, vector<1x400x128xf32>,
    %get3A_55 = arith.constant 1 : index
    %get3A_56 = arith.constant 0 : index
    %get3A_57 = vector.load %arg3[%get3A_55, %get3A_56] : memref<3x128xf32, #tpu.memory_space<vmem>>, vector<1x128xf32>
    %get3A_58 = vector.shape_cast %get3A_57 : vector<1x128xf32> to vector<128xf32>
    %broadcast_in_dim3A_59 = vector.shape_cast %get3A_58 : vector<128xf32> to vector<1x128xf32>
    %mul3A_60 = vector.broadcast %broadcast_in_dim3A_59 : vector<1x128xf32> to vector<400x128xf32>
    %mul3A_61 = arith.mulf %dot_general3A_48, %mul3A_60 : vector<400x128xf32>
    %reduce_sum3A_62 = arith.constant dense<0.000000e+00> : vector<400xf32>
    %reduce_sum3A_63 = vector.multi_reduction <add>, %mul3A_61, %reduce_sum3A_62 [1] : vector<400x128xf32> to vector<400xf32>
    %swap3A_64 = arith.constant 1 : index
    %swap3A_65 = arith.constant 0 : index
    %swap3A_66 = arith.constant 0 : index
    %swap3A_67 = arith.constant 0 : index
    %swap3A_68 = vector.load %arg6[%swap3A_64, %swap3A_65, %swap3A_66, %swap3A_67] : memref<6x1x1x400xf32, #tpu.memory_space<vmem>>, vector<1x1x1x400xf32>
    %swap3A_69 = vector.shape_cast %swap3A_68 : vector<1x1x1x400xf32> to vector<400xf32>
    %swap3A_70 = vector.shape_cast %reduce_sum3A_63 : vector<400xf32> to vector<1x1x1x400xf32>
    tpu.vector_store %arg6[%swap3A_64, %swap3A_65, %swap3A_66, %swap3A_67], %swap3A_70 {strides = array<i32>} : memref<6x1x1x400xf32, #tpu.memory_space<vmem>>, vector<1x1x1x400xf32>,
    %get3A_71 = arith.constant 1 : index
    %get3A_72 = arith.constant 0 : index
    %get3A_73 = vector.load %arg4[%get3A_71, %get3A_72] : memref<3x128xf32, #tpu.memory_space<vmem>>, vector<1x128xf32>
    %get3A_74 = vector.shape_cast %get3A_73 : vector<1x128xf32> to vector<128xf32>
    %broadcast_in_dim3A_75 = vector.shape_cast %get3A_74 : vector<128xf32> to vector<1x128xf32>
    %mul3A_76 = vector.broadcast %broadcast_in_dim3A_75 : vector<1x128xf32> to vector<400x128xf32>
    %mul3A_77 = arith.mulf %dot_general3A_48, %mul3A_76 : vector<400x128xf32>
    %reduce_sum3A_78 = arith.constant dense<0.000000e+00> : vector<400xf32>
    %reduce_sum3A_79 = vector.multi_reduction <add>, %mul3A_77, %reduce_sum3A_78 [1] : vector<400x128xf32> to vector<400xf32>
    %swap3A_80 = arith.constant 4 : index
    %swap3A_81 = arith.constant 0 : index
    %swap3A_82 = arith.constant 0 : index
    %swap3A_83 = arith.constant 0 : index
    %swap3A_84 = vector.load %arg6[%swap3A_80, %swap3A_81, %swap3A_82, %swap3A_83] : memref<6x1x1x400xf32, #tpu.memory_space<vmem>>, vector<1x1x1x400xf32>
    %swap3A_85 = vector.shape_cast %swap3A_84 : vector<1x1x1x400xf32> to vector<400xf32>
    %swap3A_86 = vector.shape_cast %reduce_sum3A_79 : vector<400xf32> to vector<1x1x1x400xf32>
    tpu.vector_store %arg6[%swap3A_80, %swap3A_81, %swap3A_82, %swap3A_83], %swap3A_86 {strides = array<i32>} : memref<6x1x1x400xf32, #tpu.memory_space<vmem>>, vector<1x1x1x400xf32>,
    %get3A_87 = arith.constant 2 : index
    %get3A_88 = arith.constant 0 : index
    %get3A_89 = arith.constant 0 : index
    %get3A_90 = vector.load %arg2[%get3A_87, %get3A_88, %get3A_89] : memref<3x128x128xf32, #tpu.memory_space<vmem>>, vector<1x128x128xf32>
    %get3A_91 = vector.shape_cast %get3A_90 : vector<1x128x128xf32> to vector<128x128xf32>
    %dot_general3A_92 = arith.constant dense<0.000000e+00> : vector<400x128xf32>
    %dot_general3A_93 = tpu.matmul %get3A_1, %get3A_91, %dot_general3A_92 {dimension_numbers = #tpu.dot_dimension_numbers<[1], [0], [0], [1], [0, 0, 1, 1], [], []>, transpose_lhs_hint = false} : vector<400x128xf32>, vector<128x128xf32>, vector<400x128xf32> -> vector<400x128xf32>
    %swap3A_94 = arith.constant 2 : index
    %swap3A_95 = arith.constant 0 : index
    %swap3A_96 = arith.constant 0 : index
    %swap3A_97 = vector.load %arg5[%swap3A_94, %swap3A_95, %swap3A_96] : memref<3x400x128xf32, #tpu.memory_space<vmem>>, vector<1x400x128xf32>
    %swap3A_98 = vector.shape_cast %swap3A_97 : vector<1x400x128xf32> to vector<400x128xf32>
    %swap3A_99 = vector.shape_cast %dot_general3A_93 : vector<400x128xf32> to vector<1x400x128xf32>
    tpu.vector_store %arg5[%swap3A_94, %swap3A_95, %swap3A_96], %swap3A_99 {strides = array<i32>} : memref<3x400x128xf32, #tpu.memory_space<vmem>>, vector<1x400x128xf32>,
    %get3A_100 = arith.constant 2 : index
    %get3A_101 = arith.constant 0 : index
    %get3A_102 = vector.load %arg3[%get3A_100, %get3A_101] : memref<3x128xf32, #tpu.memory_space<vmem>>, vector<1x128xf32>
    %get3A_103 = vector.shape_cast %get3A_102 : vector<1x128xf32> to vector<128xf32>
    %broadcast_in_dim3A_104 = vector.shape_cast %get3A_103 : vector<128xf32> to vector<1x128xf32>
    %mul3A_105 = vector.broadcast %broadcast_in_dim3A_104 : vector<1x128xf32> to vector<400x128xf32>
    %mul3A_106 = arith.mulf %dot_general3A_93, %mul3A_105 : vector<400x128xf32>
    %reduce_sum3A_107 = arith.constant dense<0.000000e+00> : vector<400xf32>
    %reduce_sum3A_108 = vector.multi_reduction <add>, %mul3A_106, %reduce_sum3A_107 [1] : vector<400x128xf32> to vector<400xf32>
    %swap3A_109 = arith.constant 2 : index
    %swap3A_110 = arith.constant 0 : index
    %swap3A_111 = arith.constant 0 : index
    %swap3A_112 = arith.constant 0 : index
    %swap3A_113 = vector.load %arg6[%swap3A_109, %swap3A_110, %swap3A_111, %swap3A_112] : memref<6x1x1x400xf32, #tpu.memory_space<vmem>>, vector<1x1x1x400xf32>
    %swap3A_114 = vector.shape_cast %swap3A_113 : vector<1x1x1x400xf32> to vector<400xf32>
    %swap3A_115 = vector.shape_cast %reduce_sum3A_108 : vector<400xf32> to vector<1x1x1x400xf32>
    tpu.vector_store %arg6[%swap3A_109, %swap3A_110, %swap3A_111, %swap3A_112], %swap3A_115 {strides = array<i32>} : memref<6x1x1x400xf32, #tpu.memory_space<vmem>>, vector<1x1x1x400xf32>,
    %get3A_116 = arith.constant 2 : index
    %get3A_117 = arith.constant 0 : index
    %get3A_118 = vector.load %arg4[%get3A_116, %get3A_117] : memref<3x128xf32, #tpu.memory_space<vmem>>, vector<1x128xf32>
    %get3A_119 = vector.shape_cast %get3A_118 : vector<1x128xf32> to vector<128xf32>
    %broadcast_in_dim3A_120 = vector.shape_cast %get3A_119 : vector<128xf32> to vector<1x128xf32>
    %mul3A_121 = vector.broadcast %broadcast_in_dim3A_120 : vector<1x128xf32> to vector<400x128xf32>
    %mul3A_122 = arith.mulf %dot_general3A_93, %mul3A_121 : vector<400x128xf32>
    %reduce_sum3A_123 = arith.constant dense<0.000000e+00> : vector<400xf32>
    %reduce_sum3A_124 = vector.multi_reduction <add>, %mul3A_122, %reduce_sum3A_123 [1] : vector<400x128xf32> to vector<400xf32>
    %swap3A_125 = arith.constant 5 : index
    %swap3A_126 = arith.constant 0 : index
    %swap3A_127 = arith.constant 0 : index
    %swap3A_128 = arith.constant 0 : index
    %swap3A_129 = vector.load %arg6[%swap3A_125, %swap3A_126, %swap3A_127, %swap3A_128] : memref<6x1x1x400xf32, #tpu.memory_space<vmem>>, vector<1x1x1x400xf32>
    %swap3A_130 = vector.shape_cast %swap3A_129 : vector<1x1x1x400xf32> to vector<400xf32>
    %swap3A_131 = vector.shape_cast %reduce_sum3A_124 : vector<400xf32> to vector<1x1x1x400xf32>
    tpu.vector_store %arg6[%swap3A_125, %swap3A_126, %swap3A_127, %swap3A_128], %swap3A_131 {strides = array<i32>} : memref<6x1x1x400xf32, #tpu.memory_space<vmem>>, vector<1x1x1x400xf32>,
    return
  }
  func.func @transform_0(%arg0: i32) -> (i32, i32) {
    %c0_i32 = arith.constant 0 : i32
    %c0_i32_0 = arith.constant 0 : i32
    return %arg0, %c0_i32 : i32, i32
  }
  func.func @transform_1(%arg0: i32) -> (i32, i32, i32) {
    %c0_i32 = arith.constant 0 : i32
    %c0_i32_0 = arith.constant 0 : i32
    %c0_i32_1 = arith.constant 0 : i32
    %c0_i32_2 = arith.constant 0 : i32
    return %c0_i32, %c0_i32_0, %c0_i32_1 : i32, i32, i32
  }
  func.func @transform_2(%arg0: i32) -> (i32, i32) {
    %c0_i32 = arith.constant 0 : i32
    %c0_i32_0 = arith.constant 0 : i32
    %c0_i32_1 = arith.constant 0 : i32
    return %c0_i32, %c0_i32_0 : i32, i32
  }
  func.func @transform_3(%arg0: i32) -> (i32, i32) {
    %c0_i32 = arith.constant 0 : i32
    %c0_i32_0 = arith.constant 0 : i32
    %c0_i32_1 = arith.constant 0 : i32
    return %c0_i32, %c0_i32_0 : i32, i32
  }
  func.func @transform_4(%arg0: i32) -> (i32, i32, i32) {
    %c0_i32 = arith.constant 0 : i32
    %c0_i32_0 = arith.constant 0 : i32
    %c0_i32_1 = arith.constant 0 : i32
    return %c0_i32, %arg0, %c0_i32_0 : i32, i32, i32
  }
  func.func @transform_5(%arg0: i32) -> (i32, i32, i32, i32) {
    %c0_i32 = arith.constant 0 : i32
    %c0_i32_0 = arith.constant 0 : i32
    %c0_i32_1 = arith.constant 0 : i32
    %c0_i32_2 = arith.constant 0 : i32
    return %c0_i32, %arg0, %c0_i32_0, %c0_i32_1 : i32, i32, i32, i32
  }
}

</mosaic_0001>

<sc_bundles>
// kernel: kernel.4.cloned.1.call-start
scs
__scs_entry_jumppad:
0x0: {  	(pc) =	sbr.rel $0x88, $3  }
0x1: {  	(tag) =	ssettag $0x0;
	lr =	simm.s32 $0x1  }
0x2: {  	[smem:$0x3F99] =	sst lr;
	_ =	strace $0xD0000000  }
0x3: {  	_ = 	snop  }
0x4: {  	_ = 	snop  }
0x5: {  	_ = 	snop  }
0x6: {  	_ = 	snop  }
0x7: {  	_ = 	snop  }
__scs_overlays_trampoline_lowered:
0x8: {  	[smem:$0x3FA8] =	sst s0  }
0x9: {  	[smem:$0x3FA9] =	sst s1  }
0xa: {  	[smem:$0x3FAA] =	sst s2  }
0xb: {  	[smem:$0x3FAB] =	sst s3  }
0xc: {  	[smem:$0x3FAC] =	sst s4  }
0xd: {  	[smem:$0x3FAD] =	sst s5  }
0xe: {  	[smem:$0x3FAE] =	sst s6  }
0xf: {  	[smem:$0x3FAF] =	sst s7  }
0x10: {  	[smem:$0x3FB0] =	sst s8  }
0x11: {  	[smem:$0x3FB1] =	sst s9;
	s0 =	simm.s32 @!p0 $0x0  }
0x12: {  	s1 =	sld [smem:$0x3F97];
	s0 =	simm.s32 @p0 $0x1  }
0x13: {  	[smem:$0x3FB2] =	sst s0;
	s0 =	simm.s32 @!p1 $0x0  }
0x14: {  	s2 =	sld [smem:$0x3F96];
	s0 =	simm.s32 @p1 $0x1  }
0x15: {  	[smem:$0x3FB3] =	sst s0;
	s0 =	simm.s32 @!p2 $0x0  }
0x16: {  	s3 =	sld [smem:$0x3FDB];
	s0 =	simm.s32 @p2 $0x1  }
0x17: {  	s4 =	simm.s32 $0x1BF5;
	[smem:$0x3FB5] =	sst s0  }
0x18: {  	s0 =	sld [smem:$0x3F98];
	_ =	swait.ge [sflag:s4], $0x0  }
0x19: {  	s7 =	sld [smem:$0x3F99]  }
0x1a: {  	s8 =	sadd.s32 $0xFFFFE003, lr  }
0x1b: {  	s9 =	sadd.s32 $0xFFFFFEF7, lr;
	s5 =	simm.s32 $0xFFFFFFFF;
	p2 =	slt.u32 s8, $0xFFFFF086  }
0x1c: {  	p1 =	slt.u32 s9, $0xF7A;
	s5 =	simm.s32 @!p2 $0x0  }
0x1d: {  	s5 =	simm.s32 @p1 $0x1;
	p0 =	seq.s32 s7, s2  }
0x1e: {  	s7 =	smul.u32 @!p0 $0xF7A, s2;
	p2 =	seq.s32 @!p0 s5, $0x0  }
0x1f: {  	s9 =	smul.u32 $0xF7A, s1;
	s8 =	simm.s32 @!p0 $0x1BF5;
	p2 =	por !p2, p0  }
0x20: {  	[sflag:s8] =	ssyncset.s32 @!p0 $0xFFFFF086;
	s6 =	sadd.s32 @!p0 s3, s7;
	s7 =	simm.s32 @!p0 $0x108  }
0x21: {  	s3 =	sadd.s32 s3, s9;
	s6 =	sadd.s32 @!p0 $0x88, s6;
	s7 =	simm.s32 @p2 $0x1082  }
0x22: {  	[simem:s7], [sflag:s8] =	dma.local @!p0 [hbm:s6], $0xF7A  }
0x23: {  	s9 =	sor.u32 $0xD0000000, s2;
	s6 =	simm.s32 $0x108;
	_ =	swait.ge @!p0 [sflag:s8], $0x0  }
0x24: {  	s3 =	sadd.s32 $0x88, s3;
	s6 =	simm.s32 @!p1 $0x1082;
	[sflag:s4] =	ssyncset.s32 $0xFFFFF086  }
0x25: {  	[simem:s6], [sflag:s4] =	dma.local [hbm:s3], $0xF7A  }
0x26: {  	[smem:$0x3F99] =	sst s1;
	(tag) =	ssettag s2;
	_ =	strace s9  }
0x27: {  	s1 =	sld [smem:$0x3FA9]  }
0x28: {  	s2 =	sld [smem:$0x3FAA]  }
0x29: {  	s4 =	sld [smem:$0x3FAC]  }
0x2a: {  	p0 =	seq.s32 s5, $0x0;
	s5 =	sld [smem:$0x3FAD]  }
0x2b: {  	s6 =	sld [smem:$0x3FAE]  }
0x2c: {  	s7 =	sld [smem:$0x3FAF]  }
0x2d: {  	s3 =	simm.s32 $0x108;
	s8 =	sld [smem:$0x3FB0]  }
0x2e: {  	s3 =	simm.s32 @!p0 $0x1082;
	s9 =	sld [smem:$0x3FB1]  }
0x2f: {  	lr =	sadd.s32 s0, s3;
	s0 =	sld [smem:$0x3FA8]  }
0x30: {  	s3 =	sld [smem:$0x3FAB]  }
0x31: {  	[smem:$0x3FB4] =	sst s10  }
0x32: {  	s10 =	sld [smem:$0x3FB2];
	_ =	sdelay $0x3  }
0x33: {  	p0 =	seq.s32 s10, $0x1;
	s10 =	sld [smem:$0x3FB4];
	_ =	sdelay $0x3  }
0x34: {  	[smem:$0x3FB4] =	sst s10  }
0x35: {  	s10 =	sld [smem:$0x3FB3];
	_ =	sdelay $0x3  }
0x36: {  	p1 =	seq.s32 s10, $0x1;
	s10 =	sld [smem:$0x3FB4];
	_ =	sdelay $0x3  }
0x37: {  	[smem:$0x3FB4] =	sst s10  }
0x38: {  	s10 =	sld [smem:$0x3FB5]  }
0x39: {  	_ = 	snop;
	(pc) =	sbr.ind lr, $3  }
0x3a: {  	_ = 	snop  }
0x3b: {  	_ = 	snop  }
0x3c: {  	p2 =	seq.s32 s10, $0x1;
	s10 =	sld [smem:$0x3FB4]  }
0x3d: {  	_ =	shalt  }
0x3e: {  	_ =	shalt  }
0x3f: {  	_ =	shalt  }
0x40: {  	_ =	shalt  }
0x41: {  	_ =	shalt  }
0x42: {  	_ =	shalt  }
0x43: {  	_ =	shalt  }
0x44: {  	_ =	shalt  }
0x45: {  	_ =	shalt  }
0x46: {  	_ =	shalt  }
0x47: {  	_ =	shalt  }
0x48: {  	_ =	shalt  }
0x49: {  	_ =	shalt  }
0x4a: {  	_ =	shalt  }
0x4b: {  	_ =	shalt  }
0x4c: {  	_ =	shalt  }
0x4d: {  	_ =	shalt  }
0x4e: {  	_ =	shalt  }
0x4f: {  	_ =	shalt  }
0x50: {  	_ =	shalt  }
0x51: {  	_ =	shalt  }
0x52: {  	_ =	shalt  }
0x53: {  	_ =	shalt  }
0x54: {  	_ =	shalt  }
0x55: {  	_ =	shalt  }
0x56: {  	_ =	shalt  }
0x57: {  	_ =	shalt  }
0x58: {  	_ =	shalt  }
0x59: {  	_ =	shalt  }
0x5a: {  	_ =	shalt  }
0x5b: {  	_ =	shalt  }
0x5c: {  	_ =	shalt  }
0x5d: {  	_ =	shalt  }
0x5e: {  	_ =	shalt  }
0x5f: {  	_ =	shalt  }
0x60: {  	_ =	shalt  }
0x61: {  	_ =	shalt  }
0x62: {  	_ =	shalt  }
0x63: {  	_ =	shalt  }
0x64: {  	_ =	shalt  }
0x65: {  	_ =	shalt  }
0x66: {  	_ =	shalt  }
0x67: {  	_ =	shalt  }
0x68: {  	_ =	shalt  }
0x69: {  	_ =	shalt  }
0x6a: {  	_ =	shalt  }
0x6b: {  	_ =	shalt  }
0x6c: {  	_ =	shalt  }
0x6d: {  	_ =	shalt  }
0x6e: {  	_ =	shalt  }
0x6f: {  	_ =	shalt  }
0x70: {  	_ =	shalt  }
0x71: {  	_ =	shalt  }
0x72: {  	_ =	shalt  }
0x73: {  	_ =	shalt  }
0x74: {  	_ =	shalt  }
0x75: {  	_ =	shalt  }
0x76: {  	_ =	shalt  }
0x77: {  	_ =	shalt  }
0x78: {  	_ =	shalt  }
0x79: {  	_ =	shalt  }
0x7a: {  	_ =	shalt  }
0x7b: {  	_ =	shalt  }
0x7c: {  	_ =	shalt  }
0x7d: {  	_ =	shalt  }
0x7e: {  	_ =	shalt  }
0x7f: {  	_ =	shalt  }
0x80: {  	_ =	shalt  }
0x81: {  	_ =	shalt  }
0x82: {  	_ =	shalt  }
0x83: {  	_ =	shalt  }
0x84: {  	_ =	shalt  }
0x85: {  	_ =	shalt  }
0x86: {  	_ =	shalt  }
0x87: {  	_ =	shalt  }
.Lfunc_end0:
.L_simem_size_0:
called_computation_lowered:
.L_overlay_start_0:
0x88: {  	s2 =	sld [smem:$0x3FD9]  }
0x89: {  	s3 =	sld [smem:$0x3FFE];
	_ =	sdelay $0x1  }
0x8a: {  	s1 =	srdreg.scid  }
0x8b: {  	s0 =	sand.u32 $0x1, s1  }
0x8c: {  	s17 =	sshll.u32 s0, $0xA;
	s2 =	sadd.s32 s3, s2  }
0x8d: {  	s2 =	sadd.s32 s2, s17  }
0x8e: {  	[smem:$0x3FC0] =	sst s2  }
0x8f: {  	_ = 	snop  }
0x90: {  	s2 =	sld [smem:$0x3FC2]  }
0x91: {  	s18 =	sld [smem:$0x3FD0];
	(tm) =	ssettm $0x1  }
0x92: {  	s4 =	sld [smem:$0x3FFB];
	_ =	sdelay $0x3  }
0x93: {  	_ =	strace s4  }
0x94: {  	s4 =	sld [smem:$0x3FFC];
	_ =	sdelay $0x3  }
0x95: {  	_ =	strace s4  }
0x96: {  	s4 =	sld [smem:$0x3FFD];
	_ =	sdelay $0x3  }
0x97: {  	_ =	strace s4  }
0x98: {  	_ =	strace $0x8FFFFFFF  }
0x99: {  	s19 =	sld [smem:$0x3FDB];
	_ =	sdelay $0x1  }
0x9a: {  	s5 =	simm.s32 $_scs_section_size  }
0x9b: {  	s6 =	simm.s32 $_size__tile_overlayer_lowered;
	s7 =	simm.s32 $_tile_overlayer_lowered  }
0x9c: {  	s22 =	simm.s32 $0x1BFF;
	s21 =	sshll.u32 s7, $0x1;
	s4 =	sadd.s32 s5, s19  }
0x9d: {  	s8 =	simm.s32 $0x0;
	s20 =	sshll.u32 s6, $0x1;
	s6 =	sadd.s32 s21, s4  }
0x9e: {  	[timem:s8], [sflag:s22] =	dma.local [hbm:s6], s20  }
0x9f: {  	_ =	swait.ge [sflag:s22], s20  }
0xa0: {  	s5 =	ssub.s32 $0x0, s20;
	[sflag:s22] =	ssyncset.done $0x0  }
0xa1: {  	[sflag:s22] =	ssyncadd.s32 s5;
	_ =	sdelay $0x1  }
0xa2: {  	s23 =	simm.s32 $0x1B8B  }
0xa3: {  	_ =	swait.ge [sflag:s23], $0x1  }
0xa4: {  	[sflag:s23] =	ssyncset.done $0x0  }
0xa5: {  	s25 =	simm.s32 $0x1B8E;
	s24 =	sld [smem:$0x3FFE];
	[sflag:s23] =	ssyncadd.s32 $0xFFFFFFFF  }
0xa6: {  	s26 =	simm.s32 $execute0_lowered;
	[smem:$0x3FD2] =	sst s25  }
0xa7: {  	s6 =	sshll.u32 s26, $0x1;
	_ =	strace $0x80000046;
	[dreg:$0x1] =	wrdreg $0xFFFFFFFF  }
0xa8: {  	s28 =	simm.s32 $_size_execute0_lowered;
	s4 =	sadd.s32 s4, s6;
	[dreg:$0x0] =	wrdreg $0x0  }
0xa9: {  	s6 =	sshll.u32 s28, $0x1;
	[dreg:$0x2] =	wrdreg s4  }
0xaa: {  	[dreg:$0x3] =	wrdreg s6  }
0xab: {  	[dreg:$0x4] =	wrdreg $0xC0  }
0xac: {  	_ =	task [dreg:s8], $0x5FFFF  }
0xad: {  	[dreg:$0x1] =	wrdreg $0xFFFFFFFF  }
0xae: {  	[dreg:$0x0] =	wrdreg $0x60  }
0xaf: {  	[dreg:$0x2] =	wrdreg s24  }
0xb0: {  	[dreg:$0x3] =	wrdreg s2  }
0xb1: {  	[dreg:$0x4] =	wrdreg s18  }
0xb2: {  	[dreg:$0x5] =	wrdreg $0x14E000  }
0xb3: {  	[dreg:$0x6] =	wrdreg $0x1EE000  }
0xb4: {  	[dreg:$0x7] =	wrdreg $0x9  }
0xb5: {  	_ =	task.clear_ibuf [dreg:s8], $0x8FFFF;
	_ =	strace $0x90000046  }
0xb6: {  	s29 =	simm.s32 $0x9;
	_ =	strace $0x80000069  }
0xb7: {  	_ =	swait.ge [sflag:s29], $0x1  }
0xb8: {  	[sflag:s29] =	ssyncadd.s32 $0xFFFFFFFF  }
0xb9: {  	_ =	strace $0x90000069  }
0xba: {  	_ =	sfence  }
0xbb: {  	s30 =	sld [smem:$0x0];
	_ =	sdelay $0x2  }
0xbc: {  	s31 =	sshll.u32 s1, $0xD;
	s1 =	sshrl.u32 s1, $0x2  }
0xbd: {  	s3 =	sand.u32 $0x4000, s31;
	s1 =	sadd.s32 s1, s30  }
0xbe: {  	s0 =	sor.u32 s3, s0;
	s1 =	sshll.u32 s1, $0x11  }
0xbf: {  	s0 =	sor.u32 s1, s0  }
0xc0: {  	s0 =	sadd.s32 $0x8F2B, s0  }
0xc1: {  	[sflag:s0] =	ssyncadd.remote.s32 $0x1  }
0xc2: {  	_ =	sfence.sel $0xFFFF  }
0xc3: {  	[dreg:$0x0] =	wrdreg $0xFFFFFFFF;
	(pc) =	sbr.abs _section_cstart, $3  }
0xc4: {  	[dreg:$0x1] =	wrdreg $0xFFFFFFFF  }
0xc5: {  	_ =	task.clear_ibuf [dreg:s8], $0x2FFFF;
	_ =	strace $0x9FFFFFFF  }
0xc6: {  	(tm) =	ssettm $0x7FFFFFFF  }
0xc7: {  	_ =	shalt  }
tec
execute0_lowered:
.L_overlay_start_1:
0x0: {  	(tag) =	ssettag $0x1  }
0x1: {  	s1 =	rddreg [dreg:$0x0]  }
0x2: {  	s3 =	rddreg [dreg:$0x2]  }
0x3: {  	s4 =	rddreg [dreg:$0x3]  }
0x4: {  	s0 =	rddreg [dreg:$0x4];
	s5 =	simm.s32 $0x0;
	s16 =	stileid.u32  }
0x5: {  	s7 =	srdreg.scid;
	[smem:$0x7FF] =	sst s5;
	s6 =	sadd.s32 $0x4E400, s1  }
0x6: {  	s8 =	sadd.s32 $0x27200, s1;
	s2 =	sadd.s32 $0x75600, s1;
	s11 =	sadd.s32 $0x77400, s1  }
0x7: {  	s12 =	sadd.s32 $0x76E00, s1;
	_ =	strace $0x80000047;
	[dreg:$0x6] =	wrdreg s2  }
0x8: {  	s13 =	sadd.s32 $0x76800, s1;
	s14 =	smul.u32 $0x320, s16;
	[dreg:$0x7] =	wrdreg s11  }
0x9: {  	s9 =	sadd.s32 $0x76200, s1;
	s15 =	smul.u32 $0x380, s16;
	[dreg:$0x8] =	wrdreg s12  }
0xa: {  	s7 =	sand.u32 $0x1, s7;
	p0 =	sgt.u32 s16, $0x7;
	[dreg:$0x9] =	wrdreg s13  }
0xb: {  	s26 =	sadd.s32 $0x75C00, s1;
	[dreg:$0xa] =	wrdreg s9;
	s2 =	sadd.s32 s14, s1  }
0xc: {  	[dreg:$0x13] =	wrdreg s26;
	s9 =	sadd.s32 s15, s1;
	s19 =	sadd.s32 $0x7B200, s2  }
0xd: {  	s10 =	ssub.s32 $0x2, s7;
	s20 =	sadd.s32 $0x77A00, s9;
	[dreg:$0xb] =	wrdreg s19  }
0xe: {  	s13 =	smul.u32 $0x5000, s16;
	s21 =	sadd.s32 $0x7E400, s2;
	[dreg:$0xc] =	wrdreg s20  }
0xf: {  	s12 =	sshrl.u32 s10, $0x1;
	s22 =	sadd.s32 $0x81600, s9;
	[dreg:$0xe] =	wrdreg s21  }
0x10: {  	s14 =	smul.u32 $0x140, s16;
	s23 =	sadd.s32 $0x84E00, s2;
	[dreg:$0xf] =	wrdreg s22  }
0x11: {  	s10 =	ssub.s32 s10, s12;
	s24 =	sadd.s32 $0x88000, s9;
	[dreg:$0x10] =	wrdreg s23  }
0x12: {  	s18 =	sshrl.u32 s13, $0x2;
	[dreg:$0x11] =	wrdreg s24;
	s25 =	smax.u32 s10, $0x1  }
0x13: {  	s12 =	smul.u32 $0x1400, s7;
	s7 =	sadd.s32 s18, s0;
	[dreg:$0x12] =	wrdreg s25  }
0x14: {  	s19 =	sadd.s32 s14, s0;
	[dreg:$0xd] =	wrdreg s7;
	s28 =	sadd.s32 $0xFFFF6000, s7  }
0x15: {  	s11 =	smul.u32 $0x28000, s16;
	s29 =	sadd.s32 $0x1400, s19;
	[dreg:$0x14] =	wrdreg s28  }
0x16: {  	p1 =	slt.u32 s16, $0x8;
	s30 =	sadd.s32 $0x2800, s19;
	[dreg:$0x15] =	wrdreg s29  }
0x17: {  	s17 =	sshrl.u32 s11, $0x2;
	s2 =	sadd.s32 $0x3C00, s19;
	[dreg:$0x16] =	wrdreg s30  }
0x18: {  	s15 =	sadd.s32 s17, s4;
	s7 =	sadd.s32 $0x5000, s19;
	[dreg:$0x17] =	wrdreg s2  }
0x19: {  	s16 =	sor.u32 $0x10, s14;
	s9 =	sadd.s32 $0x6400, s19;
	[dreg:$0x18] =	wrdreg s7  }
0x1a: {  	s17 =	sor.u32 $0x20, s14;
	s10 =	sadd.s32 $0x7800, s19;
	[dreg:$0x19] =	wrdreg s9  }
0x1b: {  	s20 =	sor.u32 $0x30, s14;
	s11 =	sadd.s32 $0x8C00, s19;
	[dreg:$0x1a] =	wrdreg s10  }
0x1c: {  	s21 =	sadd.s32 $0x40, s14;
	s18 =	sadd.s32 $0x800, s15;
	[dreg:$0x1b] =	wrdreg s11  }
0x1d: {  	s22 =	sadd.s32 $0x50, s14;
	s25 =	sadd.s32 $0x1000, s15;
	[dreg:$0x1c] =	wrdreg s18  }
0x1e: {  	s23 =	sadd.s32 $0x60, s14;
	s26 =	sadd.s32 $0x1800, s15;
	[dreg:$0x1d] =	wrdreg s25  }
0x1f: {  	s24 =	sadd.s32 $0x70, s14;
	[dreg:$0x1e] =	wrdreg s26;
	s28 =	sadd.s32 $0x2000, s15  }
0x20: {  	s13 =	sadd.s32 $0x1400, s12;
	s29 =	sadd.s32 $0x2800, s15;
	[dreg:$0x1f] =	wrdreg s28  }
0x21: {  	s31 =	sadd.s32 $0x8800, s15;
	s30 =	sadd.s32 $0x3000, s15;
	[smem:$0x7F2] =	sst s29  }
0x22: {  	v9 =	vlaneseq.u32;
	s0 =	sadd.s32 $0x9800, s15;
	s2 =	sadd.s32 $0x3800, s15;
	[smem:$0x7F3] =	sst s30  }
0x23: {  	v2 =	vor.u32 s16, v9;
	s16 =	simm.s32 $0xED80;
	s7 =	sadd.s32 $0x4000, s15;
	[smem:$0x7F4] =	sst s2  }
0x24: {  	v3 =	vor.u32 s17, v9;
	s17 =	simm.s32 $0x0;
	s10 =	sadd.s32 $0x4800, s15;
	[smem:$0x7F5] =	sst s7  }
0x25: {  	s9 =	sadd.s32 s14, s12;
	s11 =	sadd.s32 $0x5000, s15;
	[smem:$0x7F6] =	sst s10  }
0x26: {  	s18 =	sadd.s32 $0x5800, s15;
	s25 =	sadd.s32 $0x6000, s15;
	[smem:$0x7F7] =	sst s11  }
0x27: {  	v0 =	vmov s12;
	s26 =	sadd.s32 $0x6800, s15;
	s12 =	simm.s32 $0xE580;
	[smem:$0x7F8] =	sst s18  }
.Ltmp0:
0x28: {  	v1 =	vmov s13;
	s13 =	simm.s32 $0x5;
	[smem:$0x7F9] =	sst s25;
	(pc) =	sbr.rel .LBB2_1-.Ltmp0, $4  }
0x29: {  	[smem:$0x7FA] =	sst s26;
	s28 =	sadd.s32 $0x7000, s15;
	s29 =	sadd.s32 $0x7800, s15  }
0x2a: {  	v10 =	vimm.f32 $0.0e+00;
	v11 =	vimm.s32 $0x0;
	s30 =	sadd.s32 $0x8000, s15;
	s18 =	sadd.s32 $0x9000, s15;
	[smem:$0x7FB] =	sst s28  }
0x2b: {  	v4 =	vor.u32 s20, v9;
	v5 =	vor.u32 s21, v9;
	v6 =	vor.u32 s22, v9;
	s7 =	simm.s32 $0x4;
	s2 =	simm.s32 $0x14580;
	[smem:$0x7FC] =	sst s29  }
0x2c: {  	v7 =	vor.u32 s23, v9;
	v8 =	vor.u32 s24, v9;
	v9 =	vor.u32 s14, v9;
	s10 =	simm.s32 $0x2800;
	s11 =	simm.s32 $0x5000;
	[smem:$0x7FD] =	sst s30  }
.LBB2_55:
0x2d: {  	_ =	strace $0x90000067  }
0x2e: {  	_ =	strace $0x80000068  }
0x2f: {  	[bflag:$0x0] =	sbarrier.arrive $0xFFFF  }
0x30: {  	s17 =	sadd.s32 $0x1, s17;
	s20 =	rddreg [dreg:$0x12]  }
0x31: {  	p2 =	sne.s32 s17, s20  }
.Ltmp1:
0x32: {  	_ = 	snop;
	(pc) =	sbr.rel @!p2 .LBB2_56-.Ltmp1, $2  }
0x33: {  	_ =	sdelay $0x2  }
0x34: {  	_ =	strace $0x90000068  }
.LBB2_1:
0x35: {  	[tilespmem:$0x2710] =	vst v10  }
0x36: {  	[tilespmem:$0x4F10] =	vst v10  }
0x37: {  	[tilespmem:$0x2720] =	vst v10  }
0x38: {  	[tilespmem:$0x4F20] =	vst v10  }
0x39: {  	[tilespmem:$0x2730] =	vst v10  }
0x3a: {  	[tilespmem:$0x4F30] =	vst v10  }
0x3b: {  	[tilespmem:$0x2740] =	vst v10  }
0x3c: {  	[tilespmem:$0x4F40] =	vst v10  }
0x3d: {  	[tilespmem:$0x2750] =	vst v10  }
0x3e: {  	[tilespmem:$0x4F50] =	vst v10  }
0x3f: {  	[tilespmem:$0x2760] =	vst v10  }
0x40: {  	[tilespmem:$0x4F60] =	vst v10  }
0x41: {  	[tilespmem:$0x2770] =	vst v10  }
0x42: {  	[tilespmem:$0x4F70] =	vst v10  }
0x43: {  	[tilespmem:$0x2780] =	vst v10  }
0x44: {  	[tilespmem:$0x4F80] =	vst v10  }
0x45: {  	[tilespmem:$0x2790] =	vst v10  }
0x46: {  	[tilespmem:$0x4F90] =	vst v10  }
0x47: {  	[tilespmem:$0x27A0] =	vst v10  }
0x48: {  	[tilespmem:$0x4FA0] =	vst v10  }
0x49: {  	[tilespmem:$0x27B0] =	vst v10  }
0x4a: {  	[tilespmem:$0x4FB0] =	vst v10  }
0x4b: {  	[tilespmem:$0x27C0] =	vst v10  }
0x4c: {  	[tilespmem:$0x4FC0] =	vst v10  }
0x4d: {  	[tilespmem:$0x27D0] =	vst v10  }
0x4e: {  	[tilespmem:$0x4FD0] =	vst v10  }
0x4f: {  	[tilespmem:$0x27E0] =	vst v10  }
0x50: {  	[tilespmem:$0x4FE0] =	vst v10  }
0x51: {  	[tilespmem:$0x27F0] =	vst v10  }
0x52: {  	[tilespmem:$0x4FF0] =	vst v10  }
0x53: {  	[tilespmem:$0x14580] =	vst v10  }
0x54: {  	[tilespmem:$0x14590] =	vst v10  }
0x55: {  	[tilespmem:$0x145A0] =	vst v10  }
0x56: {  	[tilespmem:$0x145B0] =	vst v10  }
0x57: {  	[tilespmem:$0x145C0] =	vst v10  }
0x58: {  	[tilespmem:$0x145D0] =	vst v10  }
0x59: {  	[tilespmem:$0x145E0] =	vst v10  }
0x5a: {  	[tilespmem:$0x145F0] =	vst v10  }
0x5b: {  	[tilespmem:$0x14600] =	vst v10  }
0x5c: {  	[tilespmem:$0x14610] =	vst v10  }
0x5d: {  	[tilespmem:$0x14620] =	vst v10  }
0x5e: {  	[tilespmem:$0x14630] =	vst v10  }
0x5f: {  	[tilespmem:$0x14640] =	vst v10  }
0x60: {  	[tilespmem:$0x14650] =	vst v10  }
0x61: {  	[tilespmem:$0x14660] =	vst v10  }
0x62: {  	[tilespmem:$0x14670] =	vst v10  }
0x63: {  	[tilespmem:$0x14680] =	vst v10  }
0x64: {  	[tilespmem:$0x14690] =	vst v10  }
0x65: {  	[tilespmem:$0x146A0] =	vst v10  }
0x66: {  	[tilespmem:$0x146B0] =	vst v10  }
0x67: {  	[tilespmem:$0x146C0] =	vst v10  }
0x68: {  	[tilespmem:$0x146D0] =	vst v10  }
0x69: {  	[tilespmem:$0x146E0] =	vst v10  }
0x6a: {  	[tilespmem:$0x146F0] =	vst v10  }
0x6b: {  	[tilespmem:$0x14700] =	vst v10  }
0x6c: {  	[tilespmem:$0x14710] =	vst v10  }
0x6d: {  	[tilespmem:$0x14720] =	vst v10  }
0x6e: {  	[tilespmem:$0x14730] =	vst v10  }
0x6f: {  	[tilespmem:$0x14740] =	vst v10  }
0x70: {  	[tilespmem:$0x14750] =	vst v10  }
0x71: {  	[tilespmem:$0x14760] =	vst v10  }
0x72: {  	[tilespmem:$0x14770] =	vst v10  }
0x73: {  	[tilespmem:$0x14780] =	vst v10  }
0x74: {  	[tilespmem:$0x14790] =	vst v10  }
0x75: {  	[tilespmem:$0x147A0] =	vst v10  }
0x76: {  	[tilespmem:$0x147B0] =	vst v10  }
0x77: {  	[tilespmem:$0x147C0] =	vst v10  }
0x78: {  	[tilespmem:$0x147D0] =	vst v10  }
0x79: {  	[tilespmem:$0x147E0] =	vst v10  }
0x7a: {  	[tilespmem:$0x147F0] =	vst v10  }
0x7b: {  	[tilespmem:$0x14800] =	vst v10  }
0x7c: {  	[tilespmem:$0x14810] =	vst v10  }
0x7d: {  	[tilespmem:$0x14820] =	vst v10  }
0x7e: {  	[tilespmem:$0x14830] =	vst v10  }
0x7f: {  	[tilespmem:$0x14840] =	vst v10  }
0x80: {  	[tilespmem:$0x14850] =	vst v10  }
0x81: {  	[tilespmem:$0x14860] =	vst v10  }
0x82: {  	[tilespmem:$0x14870] =	vst v10  }
0x83: {  	[tilespmem:$0x14880] =	vst v10  }
0x84: {  	[tilespmem:$0x14890] =	vst v10  }
0x85: {  	[tilespmem:$0x148A0] =	vst v10  }
0x86: {  	[tilespmem:$0x148B0] =	vst v10  }
0x87: {  	[tilespmem:$0x148C0] =	vst v10  }
0x88: {  	[tilespmem:$0x148D0] =	vst v10  }
0x89: {  	[tilespmem:$0x148E0] =	vst v10  }
0x8a: {  	[tilespmem:$0x148F0] =	vst v10  }
0x8b: {  	[tilespmem:$0x14900] =	vst v10  }
0x8c: {  	[tilespmem:$0x14910] =	vst v10  }
0x8d: {  	[tilespmem:$0x14920] =	vst v10  }
0x8e: {  	[tilespmem:$0x14930] =	vst v10  }
0x8f: {  	[tilespmem:$0x14940] =	vst v10  }
0x90: {  	[tilespmem:$0x14950] =	vst v10  }
0x91: {  	[tilespmem:$0x14960] =	vst v10  }
0x92: {  	[tilespmem:$0x14970] =	vst v10  }
0x93: {  	[tilespmem:$0x14980] =	vst v10  }
0x94: {  	[tilespmem:$0x14990] =	vst v10  }
0x95: {  	[tilespmem:$0x149A0] =	vst v10  }
0x96: {  	[tilespmem:$0x149B0] =	vst v10  }
0x97: {  	[tilespmem:$0x149C0] =	vst v10  }
0x98: {  	[tilespmem:$0x149D0] =	vst v10  }
0x99: {  	[tilespmem:$0x149E0] =	vst v10  }
0x9a: {  	[tilespmem:$0x149F0] =	vst v10  }
0x9b: {  	[tilespmem:$0x14A00] =	vst v10  }
0x9c: {  	[tilespmem:$0x14A10] =	vst v10  }
0x9d: {  	[tilespmem:$0x14A20] =	vst v10  }
0x9e: {  	[tilespmem:$0x14A30] =	vst v10  }
0x9f: {  	[tilespmem:$0x14A40] =	vst v10  }
0xa0: {  	[tilespmem:$0x14A50] =	vst v10  }
0xa1: {  	[tilespmem:$0x14A60] =	vst v10  }
0xa2: {  	[tilespmem:$0x14A70] =	vst v10  }
0xa3: {  	[tilespmem:$0x14A80] =	vst v10  }
0xa4: {  	[tilespmem:$0x14A90] =	vst v10  }
0xa5: {  	[tilespmem:$0x14AA0] =	vst v10  }
0xa6: {  	[tilespmem:$0x14AB0] =	vst v10  }
0xa7: {  	[tilespmem:$0x14AC0] =	vst v10  }
0xa8: {  	[tilespmem:$0x14AD0] =	vst v10  }
0xa9: {  	[tilespmem:$0x14AE0] =	vst v10  }
0xaa: {  	[tilespmem:$0x14AF0] =	vst v10  }
0xab: {  	[tilespmem:$0x14B00] =	vst v10  }
0xac: {  	[tilespmem:$0x14B10] =	vst v10  }
0xad: {  	[tilespmem:$0x14B20] =	vst v10  }
0xae: {  	[tilespmem:$0x14B30] =	vst v10  }
0xaf: {  	[tilespmem:$0x14B40] =	vst v10  }
0xb0: {  	[tilespmem:$0x14B50] =	vst v10  }
0xb1: {  	[tilespmem:$0x14B60] =	vst v10  }
0xb2: {  	[tilespmem:$0x14B70] =	vst v10  }
0xb3: {  	[tilespmem:$0x14B80] =	vst v10  }
0xb4: {  	[tilespmem:$0x14B90] =	vst v10  }
0xb5: {  	[tilespmem:$0x14BA0] =	vst v10  }
0xb6: {  	[tilespmem:$0x14BB0] =	vst v10  }
0xb7: {  	[tilespmem:$0x14BC0] =	vst v10  }
0xb8: {  	[tilespmem:$0x14BD0] =	vst v10  }
0xb9: {  	[tilespmem:$0x14BE0] =	vst v10  }
0xba: {  	[tilespmem:$0x14BF0] =	vst v10  }
0xbb: {  	[tilespmem:$0x14C00] =	vst v10  }
0xbc: {  	[tilespmem:$0x14C10] =	vst v10  }
0xbd: {  	[tilespmem:$0x14C20] =	vst v10  }
0xbe: {  	[tilespmem:$0x14C30] =	vst v10  }
0xbf: {  	[tilespmem:$0x14C40] =	vst v10  }
0xc0: {  	[tilespmem:$0x14C50] =	vst v10  }
0xc1: {  	[tilespmem:$0x14C60] =	vst v10  }
0xc2: {  	[tilespmem:$0x14C70] =	vst v10  }
0xc3: {  	[tilespmem:$0x14C80] =	vst v10  }
0xc4: {  	[tilespmem:$0x14C90] =	vst v10  }
0xc5: {  	[tilespmem:$0x14CA0] =	vst v10  }
0xc6: {  	[tilespmem:$0x14CB0] =	vst v10  }
0xc7: {  	[tilespmem:$0x14CC0] =	vst v10  }
0xc8: {  	[tilespmem:$0x14CD0] =	vst v10  }
0xc9: {  	[tilespmem:$0x14CE0] =	vst v10  }
0xca: {  	[tilespmem:$0x14CF0] =	vst v10  }
0xcb: {  	[tilespmem:$0x14D00] =	vst v10  }
0xcc: {  	[tilespmem:$0x14D10] =	vst v10  }
0xcd: {  	[tilespmem:$0x14D20] =	vst v10  }
0xce: {  	[tilespmem:$0x14D30] =	vst v10  }
0xcf: {  	[tilespmem:$0x14D40] =	vst v10  }
0xd0: {  	[tilespmem:$0x14D50] =	vst v10  }
0xd1: {  	[tilespmem:$0x14D60] =	vst v10  }
0xd2: {  	[tilespmem:$0x14D70] =	vst v10;
	s20 =	rddreg [dreg:$0x1];
	s21 =	simm.s32 $0x14D80  }
0xd3: {  	[tilespmem:s21], [sflag:$0x4] =	stream.linear.gather [hbm4b:s20+s5], $0x80, $0x38;
	[tilespmem:$0x1F800] =	vst v63  }
0xd4: {  	_ =	swait.ge [sflag:s7], $0x80  }
0xd5: {  	[sflag:s7] =	ssyncset.done $0x0  }
0xd6: {  	[sflag:s7] =	ssyncadd.s32 $0xFFFFFF80  }
0xd7: {  	_ =	strace $0x80000048  }
0xd8: {  	[spmem:s15] =	stream.linear.scatter [tilespmem:s2], [sflag:$0x4], $0x800, $0x200038;
	[tilespmem:$0x1F800] =	vst v63  }
0xd9: {  	_ =	swait.ge [sflag:s7], $0x800  }
0xda: {  	[sflag:s7] =	ssyncset.done $0x0  }
0xdb: {  	s23 =	rddreg [dreg:$0x1c];
	[sflag:s7] =	ssyncadd.s32 $0xFFFFF800  }
0xdc: {  	[spmem:s23] =	stream.linear.scatter [tilespmem:s2], [sflag:$0x4], $0x800, $0x200038;
	[tilespmem:$0x1F800] =	vst v63  }
0xdd: {  	_ =	swait.ge [sflag:s7], $0x800  }
0xde: {  	[sflag:s7] =	ssyncset.done $0x0  }
0xdf: {  	s24 =	rddreg [dreg:$0x1d];
	[sflag:s7] =	ssyncadd.s32 $0xFFFFF800  }
0xe0: {  	[spmem:s24] =	stream.linear.scatter [tilespmem:s2], [sflag:$0x4], $0x800, $0x200038;
	[tilespmem:$0x1F800] =	vst v63  }
0xe1: {  	_ =	swait.ge [sflag:s7], $0x800  }
0xe2: {  	[sflag:s7] =	ssyncset.done $0x0  }
0xe3: {  	s25 =	rddreg [dreg:$0x1e];
	[sflag:s7] =	ssyncadd.s32 $0xFFFFF800  }
0xe4: {  	[spmem:s25] =	stream.linear.scatter [tilespmem:s2], [sflag:$0x4], $0x800, $0x200038;
	[tilespmem:$0x1F800] =	vst v63  }
0xe5: {  	_ =	swait.ge [sflag:s7], $0x800  }
0xe6: {  	[sflag:s7] =	ssyncset.done $0x0  }
0xe7: {  	s26 =	rddreg [dreg:$0x1f];
	[sflag:s7] =	ssyncadd.s32 $0xFFFFF800  }
0xe8: {  	[spmem:s26] =	stream.linear.scatter [tilespmem:s2], [sflag:$0x4], $0x800, $0x200038;
	[tilespmem:$0x1F800] =	vst v63  }
0xe9: {  	_ =	swait.ge [sflag:s7], $0x800  }
0xea: {  	s28 =	sld [smem:$0x7F2]  }
0xeb: {  	[sflag:s7] =	ssyncset.done $0x0  }
0xec: {  	[sflag:s7] =	ssyncadd.s32 $0xFFFFF800  }
0xed: {  	[spmem:s28] =	stream.linear.scatter [tilespmem:s2], [sflag:$0x4], $0x800, $0x200038;
	[tilespmem:$0x1F800] =	vst v63  }
0xee: {  	_ =	swait.ge [sflag:s7], $0x800  }
0xef: {  	s29 =	sld [smem:$0x7F3]  }
0xf0: {  	[sflag:s7] =	ssyncset.done $0x0  }
0xf1: {  	[sflag:s7] =	ssyncadd.s32 $0xFFFFF800  }
0xf2: {  	[spmem:s29] =	stream.linear.scatter [tilespmem:s2], [sflag:$0x4], $0x800, $0x200038;
	[tilespmem:$0x1F800] =	vst v63  }
0xf3: {  	_ =	swait.ge [sflag:s7], $0x800  }
0xf4: {  	s30 =	sld [smem:$0x7F4]  }
0xf5: {  	[sflag:s7] =	ssyncset.done $0x0  }
0xf6: {  	[sflag:s7] =	ssyncadd.s32 $0xFFFFF800  }
0xf7: {  	[spmem:s30] =	stream.linear.scatter [tilespmem:s2], [sflag:$0x4], $0x800, $0x200038;
	[tilespmem:$0x1F800] =	vst v63  }
0xf8: {  	_ =	swait.ge [sflag:s7], $0x800  }
0xf9: {  	s21 =	sld [smem:$0x7F5]  }
0xfa: {  	[sflag:s7] =	ssyncset.done $0x0  }
0xfb: {  	[sflag:s7] =	ssyncadd.s32 $0xFFFFF800  }
0xfc: {  	[spmem:s21] =	stream.linear.scatter [tilespmem:s2], [sflag:$0x4], $0x800, $0x200038;
	[tilespmem:$0x1F800] =	vst v63  }
0xfd: {  	_ =	swait.ge [sflag:s7], $0x800  }
0xfe: {  	s22 =	sld [smem:$0x7F6]  }
0xff: {  	[sflag:s7] =	ssyncset.done $0x0  }
0x100: {  	[sflag:s7] =	ssyncadd.s32 $0xFFFFF800  }
0x101: {  	[spmem:s22] =	stream.linear.scatter [tilespmem:s2], [sflag:$0x4], $0x800, $0x200038;
	[tilespmem:$0x1F800] =	vst v63  }
0x102: {  	_ =	swait.ge [sflag:s7], $0x800  }
0x103: {  	s23 =	sld [smem:$0x7F7]  }
0x104: {  	[sflag:s7] =	ssyncset.done $0x0  }
0x105: {  	[sflag:s7] =	ssyncadd.s32 $0xFFFFF800  }
0x106: {  	[spmem:s23] =	stream.linear.scatter [tilespmem:s2], [sflag:$0x4], $0x800, $0x200038;
	[tilespmem:$0x1F800] =	vst v63  }
0x107: {  	_ =	swait.ge [sflag:s7], $0x800  }
0x108: {  	s24 =	sld [smem:$0x7F8]  }
0x109: {  	[sflag:s7] =	ssyncset.done $0x0  }
0x10a: {  	[sflag:s7] =	ssyncadd.s32 $0xFFFFF800  }
0x10b: {  	[spmem:s24] =	stream.linear.scatter [tilespmem:s2], [sflag:$0x4], $0x800, $0x200038;
	[tilespmem:$0x1F800] =	vst v63  }
0x10c: {  	_ =	swait.ge [sflag:s7], $0x800  }
0x10d: {  	s25 =	sld [smem:$0x7F9]  }
0x10e: {  	[sflag:s7] =	ssyncset.done $0x0  }
0x10f: {  	[sflag:s7] =	ssyncadd.s32 $0xFFFFF800  }
0x110: {  	[spmem:s25] =	stream.linear.scatter [tilespmem:s2], [sflag:$0x4], $0x800, $0x200038;
	[tilespmem:$0x1F800] =	vst v63  }
0x111: {  	_ =	swait.ge [sflag:s7], $0x800  }
0x112: {  	s26 =	sld [smem:$0x7FA]  }
0x113: {  	[sflag:s7] =	ssyncset.done $0x0  }
0x114: {  	[sflag:s7] =	ssyncadd.s32 $0xFFFFF800  }
0x115: {  	[spmem:s26] =	stream.linear.scatter [tilespmem:s2], [sflag:$0x4], $0x800, $0x200038;
	[tilespmem:$0x1F800] =	vst v63  }
0x116: {  	_ =	swait.ge [sflag:s7], $0x800  }
0x117: {  	s28 =	sld [smem:$0x7FB]  }
0x118: {  	[sflag:s7] =	ssyncset.done $0x0  }
0x119: {  	[sflag:s7] =	ssyncadd.s32 $0xFFFFF800  }
0x11a: {  	[spmem:s28] =	stream.linear.scatter [tilespmem:s2], [sflag:$0x4], $0x800, $0x200038;
	[tilespmem:$0x1F800] =	vst v63  }
0x11b: {  	_ =	swait.ge [sflag:s7], $0x800  }
0x11c: {  	s29 =	sld [smem:$0x7FC]  }
0x11d: {  	[sflag:s7] =	ssyncset.done $0x0  }
0x11e: {  	[sflag:s7] =	ssyncadd.s32 $0xFFFFF800  }
0x11f: {  	[spmem:s29] =	stream.linear.scatter [tilespmem:s2], [sflag:$0x4], $0x800, $0x200038;
	[tilespmem:$0x1F800] =	vst v63  }
0x120: {  	_ =	swait.ge [sflag:s7], $0x800  }
0x121: {  	s30 =	sld [smem:$0x7FD]  }
0x122: {  	[sflag:s7] =	ssyncset.done $0x0  }
0x123: {  	[sflag:s7] =	ssyncadd.s32 $0xFFFFF800  }
0x124: {  	[spmem:s30] =	stream.linear.scatter [tilespmem:s2], [sflag:$0x4], $0x800, $0x200038;
	[tilespmem:$0x1F800] =	vst v63  }
0x125: {  	_ =	swait.ge [sflag:s7], $0x800  }
0x126: {  	[sflag:s7] =	ssyncset.done $0x0  }
0x127: {  	[sflag:s7] =	ssyncadd.s32 $0xFFFFF800  }
0x128: {  	[spmem:s31] =	stream.linear.scatter [tilespmem:s2], [sflag:$0x4], $0x800, $0x200038;
	[tilespmem:$0x1F800] =	vst v63  }
0x129: {  	_ =	swait.ge [sflag:s7], $0x800  }
0x12a: {  	[sflag:s7] =	ssyncset.done $0x0  }
0x12b: {  	[sflag:s7] =	ssyncadd.s32 $0xFFFFF800  }
0x12c: {  	[spmem:s18] =	stream.linear.scatter [tilespmem:s2], [sflag:$0x4], $0x800, $0x200038;
	[tilespmem:$0x1F800] =	vst v63  }
0x12d: {  	_ =	swait.ge [sflag:s7], $0x800  }
0x12e: {  	[sflag:s7] =	ssyncset.done $0x0  }
0x12f: {  	[sflag:s7] =	ssyncadd.s32 $0xFFFFF800  }
0x130: {  	[spmem:s0] =	stream.linear.scatter [tilespmem:s2], [sflag:$0x4], $0x800, $0x200038;
	[tilespmem:$0x1F800] =	vst v63  }
0x131: {  	_ =	swait.ge [sflag:s7], $0x800  }
0x132: {  	[sflag:s7] =	ssyncset.done $0x0  }
0x133: {  	[sflag:s7] =	ssyncadd.s32 $0xFFFFF800  }
0x134: {  	_ =	strace $0x90000048  }
0x135: {  	s20 =	simm.s32 $0x40;
	s21 =	simm.s32 $0x0;
	_ =	strace $0x80000049  }
.LBB2_2:
0x136: {  	p2 =	sne.s32 s20, $0x4FC0;
	[tilespmem:s21+$0x5000] =	vst v10;
	s21 =	smov.u32 s20;
	s20 =	sadd.s32 $0x40, s20  }
.Ltmp2:
0x137: {  	(pc) =	sbr.rel @p2 .LBB2_2-.Ltmp2, $2  }
0x138: {  	_ =	sdelay $0x2  }
0x139: {  	s21 =	sshra.s32 s21, $0x2  }
0x13a: {  	[tilespmem:s21+$0x5000] =	vst v10  }
0x13b: {  	_ =	strace $0x90000049  }
0x13c: {  	_ =	strace $0x8000004A  }
0x13d: {  	s20 =	simm.s32 $0x0;
	s26 =	rddreg [dreg:$0x6]  }
0x13e: {  	[tilespmem:s20], [sflag:$0x4] =	stream.linear.gather [hbm4b:s26+s20], $0x2710, $0x200038;
	[tilespmem:$0x1F800] =	vst v63  }
0x13f: {  	_ =	swait.ge [sflag:s7], $0x2710  }
0x140: {  	[sflag:s7] =	ssyncset.done $0x0  }
0x141: {  	s28 =	rddreg [dreg:$0x9];
	[sflag:s7] =	ssyncadd.s32 $0xFFFFD8F0  }
0x142: {  	[tilespmem:s10], [sflag:$0x4] =	stream.linear.gather [hbm4b:s28+s20], $0x2710, $0x200038;
	[tilespmem:$0x1F800] =	vst v63  }
0x143: {  	_ =	swait.ge [sflag:s7], $0x2710  }
0x144: {  	[sflag:s7] =	ssyncset.done $0x0  }
0x145: {  	[sflag:s7] =	ssyncadd.s32 $0xFFFFD8F0  }
0x146: {  	_ =	strace $0x9000004A  }
0x147: {  	_ =	strace $0x8000004B  }
0x148: {  	s21 =	simm.s32 $0x6400;
	s22 =	rddreg [dreg:$0xb]  }
0x149: {  	[tilespmem:s21], [sflag:$0x4] =	stream.linear.gather [hbm4b:s22+s20], $0x1900, $0x200038;
	[tilespmem:$0x1F800] =	vst v63  }
0x14a: {  	_ =	swait.ge [sflag:s7], $0x1900  }
0x14b: {  	[sflag:s7] =	ssyncset.done $0x0  }
0x14c: {  	s23 =	simm.s32 $0x7D00;
	s29 =	rddreg [dreg:$0xc];
	[sflag:s7] =	ssyncadd.s32 $0xFFFFE700  }
0x14d: {  	[tilespmem:s23], [sflag:$0x4] =	stream.linear.gather [hbm4b:s29+s20], $0x1900, $0x200038;
	[tilespmem:$0x1F800] =	vst v63  }
0x14e: {  	_ =	swait.ge [sflag:s7], $0x1900  }
0x14f: {  	[sflag:s7] =	ssyncset.done $0x0  }
0x150: {  	[sflag:s7] =	ssyncadd.s32 $0xFFFFE700  }
0x151: {  	_ =	strace $0x9000004B  }
0x152: {  	_ =	strace $0x8000004C  }
0x153: {  	s30 =	sand.u32 $0x1FF0, s20;
	v13 =	vld [tilespmem:s21+$0x0]  }
0x154: {  	v12 =	vld [tilespmem:s30+$0x7D00];
	_ =	sdelay $0x5  }
0x155: {  	vm0 =	vlt.s32 v12, v1;
	vm1 =	vlt.s32 v12, $0x2710  }
0x156: {  	vm0 =	vmand vm0, vm1;
	vm1 =	vge.s32 v12, v0;
	v14 =	vld.idx.msk [tilespmem:v13+s5+$0x0], $0xffff  }
0x157: {  	vm0 =	vmand vm0, vm1;
	v15 =	vld.idx.msk [tilespmem:v12+s10+$0x0], $0xffff  }
0x158: {  	v16 =	vsel vm0, $0x1, v11  }
0x159: {  	(xrf0) =	vadd.scan.msk.s32 $0xffff, v16;
	_ =	sdelay $0x2  }
0x15a: {  	v14 =	vadd.f32 v15, v14;
	_ =	sdelay $0x1  }
0x15b: {  	v15 =	vmul.f32 $2.000000030e-01, v14  }
0x15c: {  	vm1 =	vgt.f32 v14, $0.0e+00;
	v16, _, _ =	vpop (xrf0)  }
0x15d: {  	(v2sf) =	vpush v16, $0xF;
	v14 =	vsel vm1, v14, v15  }
0x15e: {  	v14 =	vmul.f32 $1.442695020e+00, v14;
	_ =	sdelay $0x1  }
0x15f: {  	(erf) = vpow2.f32 v14;
	_ =	sdelay $0x3  }
0x160: {  	v12 =	vsub.s32 v12, v0  }
0x161: {  	v14 =	vnsel vm0, $0x0, v12;
	_ =	sdelay $0x3  }
0x162: {  	v12 =	vpop (erf)  }
0x163: {  	[tilespmem:v14+s11+$0x0] =	vst.idx.add.f32.msk vm0, v12  }
0x164: {  	[tilespmem:s20+$0x9900] =	vst.msk vm0, v13  }
0x165: {  	s22 =	simm.s32 $0x10;
	s23 =	spop (v2sf);
	[tilespmem:s20+$0xB280] =	vst.msk vm0, v14  }
.LBB2_4:
0x166: {  	p2 =	sne.s32 s22, $0x18F0;
	[tilespmem:s20+$0xCC00] =	vst.msk vm0, v12;
	s20 =	sadd.s32 s20, s23;
	s21 =	sadd.s32 $0x10, s21  }
0x167: {  	s23 =	sand.u32 $0x1FF0, s22;
	s22 =	sadd.s32 $0x10, s22;
	v13 =	vld [tilespmem:s21+$0x0]  }
0x168: {  	v12 =	vld [tilespmem:s23+$0x7D00];
	_ =	sdelay $0x4  }
0x169: {  	vm0 =	vlt.s32 v12, v1;
	vm1 =	vlt.s32 v12, $0x2710  }
0x16a: {  	vm0 =	vmand vm0, vm1  }
0x16b: {  	v14 =	vld.idx.msk [tilespmem:v13+s5+$0x0], $0xffff  }
0x16c: {  	vm1 =	vge.s32 v12, v0;
	v15 =	vld.idx.msk [tilespmem:v12+s10+$0x0], $0xffff  }
0x16d: {  	vm0 =	vmand vm0, vm1  }
0x16e: {  	v16 =	vsel vm0, $0x1, v11  }
0x16f: {  	(xrf0) =	vadd.scan.msk.s32 $0xffff, v16;
	_ =	sdelay $0x2  }
0x170: {  	v14 =	vadd.f32 v15, v14;
	_ =	sdelay $0x1  }
0x171: {  	v15 =	vmul.f32 $2.000000030e-01, v14  }
0x172: {  	vm1 =	vgt.f32 v14, $0.0e+00;
	v16, _, _ =	vpop (xrf0)  }
0x173: {  	v14 =	vsel vm1, v14, v15;
	(v2sf) =	vpush v16, $0xF  }
0x174: {  	v14 =	vmul.f32 $1.442695020e+00, v14;
	_ =	sdelay $0x1  }
0x175: {  	(erf) = vpow2.f32 v14;
	_ =	sdelay $0x3  }
0x176: {  	v12 =	vsub.s32 v12, v0  }
0x177: {  	v14 =	vnsel vm0, $0x0, v12;
	_ =	sdelay $0x2  }
.Ltmp3:
0x178: {  	(pc) =	sbr.rel @p2 .LBB2_4-.Ltmp3, $4  }
0x179: {  	v12 =	vpop (erf)  }
0x17a: {  	[tilespmem:v14+s11+$0x0] =	vst.idx.add.f32.msk vm0, v12  }
0x17b: {  	[tilespmem:s20+$0x9900] =	vst.msk vm0, v13  }
0x17c: {  	[tilespmem:s20+$0xB280] =	vst.msk vm0, v14;
	s23 =	spop (v2sf)  }
0x17d: {  	[tilespmem:s20+$0xCC00] =	vst.msk vm0, v12;
	s29 =	sadd.s32 s20, s23  }
0x17e: {  	_ =	strace $0x9000004C;
	[tilespmem:s29+$0x9900] =	vst v11  }
0x17f: {  	[tilespmem:s29+$0xB280] =	vst v11  }
0x180: {  	[tilespmem:s29+$0xCC00] =	vst v10  }
0x181: {  	[tilespmem:s29+$0x9910] =	vst v11  }
0x182: {  	[tilespmem:s29+$0xB290] =	vst v11  }
0x183: {  	[tilespmem:s29+$0xCC10] =	vst v10  }
0x184: {  	[tilespmem:s29+$0x9920] =	vst v11  }
0x185: {  	[tilespmem:s29+$0xB2A0] =	vst v11  }
0x186: {  	[tilespmem:s29+$0xCC20] =	vst v10  }
0x187: {  	[tilespmem:s29+$0x9930] =	vst v11  }
0x188: {  	[tilespmem:s29+$0xB2B0] =	vst v11  }
0x189: {  	[tilespmem:s29+$0xCC30] =	vst v10  }
0x18a: {  	[tilespmem:$0xB280] =	vst v9  }
0x18b: {  	[tilespmem:$0xB290] =	vst v2  }
0x18c: {  	[tilespmem:$0xB2A0] =	vst v3  }
0x18d: {  	[tilespmem:$0xB2B0] =	vst v4  }
0x18e: {  	[tilespmem:$0xB2C0] =	vst v5  }
0x18f: {  	[tilespmem:$0xB2D0] =	vst v6  }
0x190: {  	[tilespmem:$0xB2E0] =	vst v7  }
0x191: {  	s21 =	simm.s32 @!p0 $0x5000;
	[tilespmem:$0xB2F0] =	vst v8;
	s22 =	rddreg [dreg:$0xd]  }
0x192: {  	[spmem:s22] =	stream.linear.scatter @!p0 [tilespmem:s21], [sflag:$0x4], $0x1400, $0x38;
	[tilespmem:$0x1F800] =	vst v63  }
0x193: {  	s21 =	simm.s32 @!p0 $0x4  }
0x194: {  	_ =	swait.ge @!p0 [sflag:s21], $0x1400  }
0x195: {  	[sflag:s21] =	ssyncset.done @!p0 $0x0  }
0x196: {  	s30 =	sadd.s32 $0x3F, s29;
	[sflag:s21] =	ssyncadd.s32 @!p0 $0xFFFFEC00  }
0x197: {  	s20 =	sshrl.u32 s30, $0x6;
	_ =	strace $0x8000004D  }
0x198: {  	p3 =	slt.u32 s30, $0x80;
	p2 =	seq.s32 s20, $0x0;
	[bflag:$0x0] =	sbarrier.arrive $0xFFFF  }
.Ltmp4:
0x199: {  	s22 =	simm.s32 @!p2 $0x40;
	_ =	strace $0x9000004D;
	(pc) =	sbr.rel @p2 .LBB2_9-.Ltmp4, $4  }
0x19a: {  	s23 =	simm.s32 @!p2 $0x9900;
	s24 =	simm.s32 @!p2 $0xE580;
	_ =	strace $0x8000004E  }
0x19b: {  	[tilespmem:s24], [sflag:$0x1] =	stream.indirect.gather @!p2 [hbm4b:s6+s22], $0x80, s23, s22, $0x2000b8;
	[tilespmem:$0x1F800] =	vst v63  }
0x19c: {  	s21 =	simm.s32 @!p3 $0x40;
	s22 =	simm.s32 @!p3 $0x9940;
	s23 =	simm.s32 @!p3 $0x10580  }
0x19d: {  	[tilespmem:s23], [sflag:$0x2] =	stream.indirect.gather @!p3 [hbm4b:s6+s21], $0x80, s22, s21, $0x2000b8;
	[tilespmem:$0x1F800] =	vst v63  }
0x19e: {  	p2 =	sle.u32 s20, $0x0  }
0x19f: {  	s21 =	sadd.s32 $0x2, s20;
	s22 =	simm.s32 @!p2 $0x1  }
0x1a0: {  	s23 =	smulhi.u32 $0x55555556, s21;
	p3 =	sle.u32 @!p2 s20, $0x2;
	_ =	swait.ge @!p2 [sflag:s22], $0x2000  }
0x1a1: {  	s21 =	simm.s32 $0x9980;
	p3 =	por p3, p2;
	[sflag:s22] =	ssyncset.done @!p2 $0x0  }
0x1a2: {  	s24 =	simm.s32 @!p3 $0x12580;
	[sflag:s22] =	ssyncadd.s32 @!p2 $0xFFFFE000;
	s22 =	simm.s32 @!p3 $0x40  }
0x1a3: {  	[tilespmem:s24], [sflag:$0x3] =	stream.indirect.gather @!p3 [hbm4b:s6+s22], $0x80, s21, s22, $0x2000b8;
	[tilespmem:$0x1F800] =	vst v63  }
0x1a4: {  	s22 =	smul.u32 $0x3, s23  }
0x1a5: {  	p4 =	sle.u32 s20, $0x1  }
0x1a6: {  	p5 =	sle.u32 @!p4 s20, $0x3;
	s24 =	simm.s32 @!p4 $0x2;
	p3 =	sne.s32 s22, $0x3  }
.Ltmp5:
0x1a7: {  	p5 =	por p5, p4;
	_ =	swait.ge @!p4 [sflag:s24], $0x2000;
	(pc) =	sbr.rel @!p3 .LBB2_8-.Ltmp5, $4  }
0x1a8: {  	s28 =	simm.s32 @!p5 $0x99C0;
	p2 =	sle.u32 s20, $0x2;
	[sflag:s24] =	ssyncset.done @!p4 $0x0  }
0x1a9: {  	s29 =	simm.s32 @!p5 $0x40;
	[sflag:s24] =	ssyncadd.s32 @!p4 $0xFFFFE000;
	p4 =	sle.u32 @!p2 s20, $0x4  }
0x1aa: {  	s30 =	simm.s32 @!p5 $0xE580;
	s23 =	simm.s32 $0x3;
	p4 =	por p4, p2  }
0x1ab: {  	s26 =	simm.s32 @!p2 $0x3;
	s24 =	simm.s32 $0x9A40;
	s25 =	simm.s32 @!p4 $0x40  }
.LBB2_7:
0x1ac: {  	[tilespmem:s30], [sflag:$0x1] =	stream.indirect.gather @!p5 [hbm4b:s6+s29], $0x80, s28, s29, $0x2000b8;
	[tilespmem:$0x1F800] =	vst v63  }
0x1ad: {  	s28 =	smov.u32 s23;
	s23 =	sadd.s32 $0x3, s23;
	_ =	swait.ge @!p2 [sflag:s26], $0x2000  }
0x1ae: {  	s21 =	sadd.s32 @!p4 $0x80, s21;
	s29 =	simm.s32 @!p4 $0x10580;
	[sflag:s26] =	ssyncset.done @!p2 $0x0  }
0x1af: {  	p5 =	sge.u32 s28, s20;
	p3 =	sne.s32 s22, s23;
	[sflag:s26] =	ssyncadd.s32 @!p2 $0xFFFFE000  }
0x1b0: {  	[tilespmem:s29], [sflag:$0x2] =	stream.indirect.gather @!p4 [hbm4b:s6+s25], $0x80, s21, s25, $0x2000b8;
	[tilespmem:$0x1F800] =	vst v63  }
0x1b1: {  	s26 =	sadd.s32 @!p5 $0x2, s28;
	s25 =	simm.s32 @!p5 $0x1;
	s21 =	smov.u32 s24  }
0x1b2: {  	p2 =	sge.u32 @!p5 s26, s20;
	s26 =	sadd.s32 $0x1, s28;
	_ =	swait.ge @!p5 [sflag:s25], $0x2000  }
0x1b3: {  	p2 =	por p2, p5;
	p4 =	sge.u32 s26, s20;
	[sflag:s25] =	ssyncset.done @!p5 $0x0  }
0x1b4: {  	s29 =	simm.s32 @!p2 $0x12580;
	[sflag:s25] =	ssyncadd.s32 @!p5 $0xFFFFE000;
	s25 =	simm.s32 @!p2 $0x40  }
0x1b5: {  	[tilespmem:s29], [sflag:$0x3] =	stream.indirect.gather @!p2 [hbm4b:s6+s25], $0x80, s24, s25, $0x2000b8;
	[tilespmem:$0x1F800] =	vst v63  }
0x1b6: {  	s26 =	sadd.s32 @!p4 $0x3, s28  }
0x1b7: {  	p5 =	sge.u32 @!p4 s26, s20;
	s25 =	simm.s32 @!p4 $0x2;
	s29 =	sadd.s32 $0x2, s28  }
.Ltmp6:
0x1b8: {  	p2 =	sge.u32 s29, s20;
	_ =	swait.ge @!p4 [sflag:s25], $0x2000;
	(pc) =	sbr.rel @p3 .LBB2_7-.Ltmp6, $4  }
0x1b9: {  	p5 =	por p5, p4;
	s26 =	sadd.s32 @!p2 $0x4, s28;
	[sflag:s25] =	ssyncset.done @!p4 $0x0  }
0x1ba: {  	s28 =	sadd.s32 @!p5 $0x40, s24;
	[sflag:s25] =	ssyncadd.s32 @!p4 $0xFFFFE000;
	p4 =	sge.u32 @!p2 s26, s20  }
0x1bb: {  	s29 =	simm.s32 @!p5 $0x40;
	s30 =	simm.s32 @!p5 $0xE580;
	p4 =	por p4, p2  }
0x1bc: {  	s24 =	sadd.s32 $0xC0, s24;
	s26 =	simm.s32 @!p2 $0x3;
	s25 =	simm.s32 @!p4 $0x40  }
.LBB2_8:
0x1bd: {  	[tilespmem:s30], [sflag:$0x1] =	stream.indirect.gather @!p5 [hbm4b:s6+s29], $0x80, s28, s29, $0x2000b8;
	[tilespmem:$0x1F800] =	vst v63  }
0x1be: {  	_ =	swait.ge @!p2 [sflag:s26], $0x2000  }
0x1bf: {  	[sflag:s26] =	ssyncset.done @!p2 $0x0  }
0x1c0: {  	s20 =	sadd.s32 @!p4 $0x80, s21;
	s21 =	simm.s32 @!p4 $0x10580;
	[sflag:s26] =	ssyncadd.s32 @!p2 $0xFFFFE000  }
0x1c1: {  	[tilespmem:s21], [sflag:$0x2] =	stream.indirect.gather @!p4 [hbm4b:s6+s25], $0x80, s20, s25, $0x2000b8;
	[tilespmem:$0x1F800] =	vst v63  }
.LBB2_9:
.Ltmp7:
0x1c2: {  	(pc) =	sbr.rel @p1 .LBB2_13-.Ltmp7, $4  }
0x1c3: {  	_ =	strace $0x9000004E  }
0x1c4: {  	_ =	strace $0x8000004F  }
0x1c5: {  	[bflag:$0x0] =	sbarrier.arrive $0xFFFF  }
0x1c6: {  	_ =	strace $0x9000004F  }
0x1c7: {  	s20 =	rddreg [dreg:$0x14];
	s21 =	simm.s32 $0xCC00  }
0x1c8: {  	[tilespmem:s21], [sflag:$0x4] =	stream.linear.gather [spmem:s20], $0x1400, $0x38;
	[tilespmem:$0x1F800] =	vst v63  }
0x1c9: {  	_ =	swait.ge [sflag:s7], $0x1400  }
0x1ca: {  	[sflag:s7] =	ssyncset.done $0x0  }
0x1cb: {  	s20 =	simm.s32 $0x0;
	[sflag:s7] =	ssyncadd.s32 $0xFFFFEC00  }
0x1cc: {  	s21 =	simm.s32 $0x40;
	v12 =	vld [tilespmem:s20+$0xCC00]  }
.LBB2_11:
0x1cd: {  	p2 =	sne.s32 s21, $0x4FC0;
	v13 =	vld [tilespmem:s20+$0x5000];
	_ =	sdelay $0x2  }
.Ltmp8:
0x1ce: {  	(pc) =	sbr.rel @p2 .LBB2_11-.Ltmp8, $4  }
0x1cf: {  	_ = 	snop  }
0x1d0: {  	v13 =	vadd.f32 v12, v13  }
0x1d1: {  	s22 =	sshra.s32 s21, $0x2  }
0x1d2: {  	s21 =	sadd.s32 $0x40, s21;
	v12 =	vld [tilespmem:s22+$0xCC00];
	[tilespmem:s20+$0x5000] =	vst v13;
	s20 =	smov.u32 s22  }
0x1d3: {  	v13 =	vld [tilespmem:s20+$0x5000];
	_ =	sdelay $0x4  }
0x1d4: {  	v12 =	vadd.f32 v12, v13;
	_ =	sdelay $0x1  }
0x1d5: {  	s30 =	rddreg [dreg:$0x14];
	[tilespmem:s20+$0x5000] =	vst v12  }
0x1d6: {  	[spmem:s30] =	stream.linear.scatter [tilespmem:s11], [sflag:$0x4], $0x1400, $0x38;
	[tilespmem:$0x1F800] =	vst v63  }
0x1d7: {  	_ =	swait.ge [sflag:s7], $0x1400  }
0x1d8: {  	[sflag:s7] =	ssyncset.done $0x0  }
0x1d9: {  	[sflag:s7] =	ssyncadd.s32 $0xFFFFEC00  }
.LBB2_13:
0x1da: {  	_ =	strace $0x80000050  }
0x1db: {  	[bflag:$0x0] =	sbarrier.arrive $0xFFFF  }
0x1dc: {  	s20 =	simm.s32 $0xCC00;
	_ =	strace $0x90000050  }
0x1dd: {  	[tilespmem:s20], [sflag:$0x4] =	stream.linear.gather [spmem:s19], $0x140, $0x38;
	[tilespmem:$0x1F800] =	vst v63  }
0x1de: {  	_ =	swait.ge [sflag:s7], $0x140  }
0x1df: {  	[sflag:s7] =	ssyncset.done $0x0  }
0x1e0: {  	s21 =	simm.s32 $0xCD40;
	s25 =	rddreg [dreg:$0x15];
	[sflag:s7] =	ssyncadd.s32 $0xFFFFFEC0  }
0x1e1: {  	[tilespmem:s21], [sflag:$0x4] =	stream.linear.gather [spmem:s25], $0x140, $0x38;
	[tilespmem:$0x1F800] =	vst v63  }
0x1e2: {  	_ =	swait.ge [sflag:s7], $0x140  }
0x1e3: {  	[sflag:s7] =	ssyncset.done $0x0  }
0x1e4: {  	s28 =	simm.s32 $0xCE80;
	s26 =	rddreg [dreg:$0x16];
	[sflag:s7] =	ssyncadd.s32 $0xFFFFFEC0  }
0x1e5: {  	[tilespmem:s28], [sflag:$0x4] =	stream.linear.gather [spmem:s26], $0x140, $0x38;
	[tilespmem:$0x1F800] =	vst v63  }
0x1e6: {  	_ =	swait.ge [sflag:s7], $0x140  }
0x1e7: {  	[sflag:s7] =	ssyncset.done $0x0  }
0x1e8: {  	s30 =	simm.s32 $0xCFC0;
	s29 =	rddreg [dreg:$0x17];
	[sflag:s7] =	ssyncadd.s32 $0xFFFFFEC0  }
0x1e9: {  	[tilespmem:s30], [sflag:$0x4] =	stream.linear.gather [spmem:s29], $0x140, $0x38;
	[tilespmem:$0x1F800] =	vst v63  }
0x1ea: {  	_ =	swait.ge [sflag:s7], $0x140  }
0x1eb: {  	[sflag:s7] =	ssyncset.done $0x0  }
0x1ec: {  	s23 =	simm.s32 $0xD100;
	s22 =	rddreg [dreg:$0x18];
	[sflag:s7] =	ssyncadd.s32 $0xFFFFFEC0  }
0x1ed: {  	[tilespmem:s23], [sflag:$0x4] =	stream.linear.gather [spmem:s22], $0x140, $0x38;
	[tilespmem:$0x1F800] =	vst v63  }
0x1ee: {  	_ =	swait.ge [sflag:s7], $0x140  }
0x1ef: {  	[sflag:s7] =	ssyncset.done $0x0  }
0x1f0: {  	s25 =	simm.s32 $0xD240;
	s24 =	rddreg [dreg:$0x19];
	[sflag:s7] =	ssyncadd.s32 $0xFFFFFEC0  }
0x1f1: {  	[tilespmem:s25], [sflag:$0x4] =	stream.linear.gather [spmem:s24], $0x140, $0x38;
	[tilespmem:$0x1F800] =	vst v63  }
0x1f2: {  	_ =	swait.ge [sflag:s7], $0x140  }
0x1f3: {  	[sflag:s7] =	ssyncset.done $0x0  }
0x1f4: {  	s28 =	simm.s32 $0xD380;
	s26 =	rddreg [dreg:$0x1a];
	[sflag:s7] =	ssyncadd.s32 $0xFFFFFEC0  }
0x1f5: {  	[tilespmem:s28], [sflag:$0x4] =	stream.linear.gather [spmem:s26], $0x140, $0x38;
	[tilespmem:$0x1F800] =	vst v63  }
0x1f6: {  	_ =	swait.ge [sflag:s7], $0x140  }
0x1f7: {  	[sflag:s7] =	ssyncset.done $0x0  }
0x1f8: {  	s30 =	simm.s32 $0xD4C0;
	s29 =	rddreg [dreg:$0x1b];
	[sflag:s7] =	ssyncadd.s32 $0xFFFFFEC0  }
0x1f9: {  	[tilespmem:s30], [sflag:$0x4] =	stream.linear.gather [spmem:s29], $0x140, $0x38;
	[tilespmem:$0x1F800] =	vst v63  }
.Ltmp9:
0x1fa: {  	_ = 	snop;
	(pc) =	sbr.rel .LBB2_14-.Ltmp9, $4  }
0x1fb: {  	_ =	swait.ge [sflag:s7], $0x140  }
0x1fc: {  	[sflag:s7] =	ssyncset.done $0x0  }
0x1fd: {  	[sflag:s7] =	ssyncadd.s32 $0xFFFFFEC0  }
0x1fe: {  	s20 =	simm.s32 $0x0;
	_ =	strace $0x80000051  }
.LBB2_18:
0x1ff: {  	s20 =	sadd.s32 $0x1, s20  }
0x200: {  	p2 =	sne.s32 s20, $0x14  }
.Ltmp10:
0x201: {  	_ = 	snop;
	(pc) =	sbr.rel @!p2 .LBB2_19-.Ltmp10, $1  }
0x202: {  	_ =	sdelay $0x3  }
.LBB2_14:
0x203: {  	s22 =	sshll.u32 s20, $0x4  }
0x204: {  	s21 =	sadd.s32 s22, s9  }
0x205: {  	p2 =	sgt.u32 s21, $0x270F  }
.Ltmp11:
0x206: {  	_ = 	snop;
	(pc) =	sbr.rel @p2 .LBB2_18-.Ltmp11, $1  }
0x207: {  	_ =	sdelay $0x3  }
0x208: {  	v12 =	vld [tilespmem:s22+$0xCC00]  }
0x209: {  	v13 =	vld [tilespmem:s22+$0xCD40]  }
0x20a: {  	s23 =	sand.u32 $0x1F0, s22  }
0x20b: {  	v14 =	vld [tilespmem:s23+$0xCE80];
	_ =	sdelay $0x1  }
0x20c: {  	v15 =	vld [tilespmem:s22+$0xCFC0]  }
0x20d: {  	v12 =	vadd.f32 v13, v12  }
0x20e: {  	v13 =	vld [tilespmem:s23+$0xD100]  }
0x20f: {  	v12 =	vadd.f32 v14, v12  }
0x210: {  	v14 =	vld [tilespmem:s22+$0xD240]  }
0x211: {  	v12 =	vadd.f32 v15, v12  }
0x212: {  	v15 =	vld [tilespmem:s23+$0xD380]  }
0x213: {  	v12 =	vadd.f32 v13, v12  }
0x214: {  	v13 =	vld [tilespmem:s22+$0xD4C0]  }
0x215: {  	v12 =	vadd.f32 v14, v12;
	_ =	sdelay $0x1  }
0x216: {  	v12 =	vadd.f32 v15, v12;
	_ =	sdelay $0x1  }
0x217: {  	v12 =	vadd.f32 v13, v12;
	_ =	sdelay $0x1  }
0x218: {  	vm0 =	vgt.f32 v12, $0.0e+00  }
0x219: {  	v12 =	vnsel vm0, $0x3F800000, v12  }
0x21a: {  	(erf) = vrcp.f32 v12;
	_ =	sdelay $0x4  }
0x21b: {  	s29 =	sadd.s32 s14, s22  }
0x21c: {  	s22 =	sshll.u32 s29, $0x7  }
0x21d: {  	s22 =	sand.u32 $0x3FFFFF80, s22  }
0x21e: {  	s22 =	sadd.s32 s22, s4  }
0x21f: {  	[tilespmem:s12], [sflag:$0x5] =	stream.linear.gather [spmem:s22], $0x800, $0x200038;
	v12 =	vpop (erf);
	[tilespmem:$0x1F800] =	vst v63  }
0x220: {  	_ =	swait.ge [sflag:s13], $0x800  }
0x221: {  	[sflag:s13] =	ssyncset.done $0x0  }
0x222: {  	s22 =	simm.s32 $0xE5C0;
	[sflag:s13] =	ssyncadd.s32 $0xFFFFF800  }
0x223: {  	v17 =	vld [tilespmem:s22+$0xFFFFFFC0]  }
0x224: {  	s30 =	simm.s32 $0x0;
	v19 =	vld [tilespmem:s22+$0xFFFFFFD0]  }
0x225: {  	v13 =	vnsel vm0, $0x0, v12;
	v12 =	vmov s30;
	v18 =	vld [tilespmem:s22+$0xFFFFFFE0]  }
0x226: {  	v12 =	vperm.xlane v13, v12;
	v15 =	vld [tilespmem:s22+$0x0]  }
0x227: {  	v16 =	vld [tilespmem:s22+$0x10]  }
0x228: {  	v14 =	vld [tilespmem:s22+$0x20];
	v20 =	vmul.f32 v17, v12  }
0x229: {  	s24 =	simm.s32 $0xE5C0;
	s23 =	simm.s32 $0x1;
	v19 =	vmul.f32 v19, v12;
	v17 =	vld [tilespmem:s22+$0x30]  }
.LBB2_16:
0x22a: {  	p2 =	sne.s32 s23, $0xF;
	[tilespmem:s22+$0xFFFFFFC0] =	vst v20;
	v18 =	vmul.f32 v18, v12;
	v20 =	vld [tilespmem:s22+$0xFFFFFFF0];
	s24 =	sadd.s32 $0x80, s24  }
0x22b: {  	v21 =	vld [tilespmem:s24+$0xFFFFFFC0];
	[tilespmem:s22+$0xFFFFFFD0] =	vst v19;
	v15 =	vmul.f32 v15, v12  }
0x22c: {  	v19 =	vld [tilespmem:s24+$0xFFFFFFD0];
	[tilespmem:s22+$0xFFFFFFE0] =	vst v18;
	v16 =	vmul.f32 v16, v12  }
.Ltmp12:
0x22d: {  	v22 =	vmov s23;
	v18 =	vld [tilespmem:s24+$0xFFFFFFE0];
	[tilespmem:s22+$0x0] =	vst v15;
	v14 =	vmul.f32 v14, v12;
	(pc) =	sbr.rel @p2 .LBB2_16-.Ltmp12, $4  }
0x22e: {  	v22 =	vperm.xlane v13, v22;
	v15 =	vld [tilespmem:s24+$0x0];
	[tilespmem:s22+$0x10] =	vst v16;
	v17 =	vmul.f32 v17, v12  }
0x22f: {  	v16 =	vld [tilespmem:s24+$0x10];
	v23 =	vmul.f32 v20, v12;
	[tilespmem:s22+$0x20] =	vst v14  }
0x230: {  	v12 =	vmov v22;
	v20 =	vmul.f32 v21, v22;
	v14 =	vld [tilespmem:s24+$0x20];
	[tilespmem:s22+$0x30] =	vst v17  }
0x231: {  	s23 =	sadd.s32 $0x1, s23;
	v19 =	vmul.f32 v19, v12;
	v17 =	vld [tilespmem:s24+$0x30];
	[tilespmem:s22+$0xFFFFFFF0] =	vst v23;
	s22 =	smov.u32 s24  }
0x232: {  	[tilespmem:s22+$0xFFFFFFC0] =	vst v20;
	v13 =	vmul.f32 v18, v12;
	v60 =	vld [tilespmem:s22+$0xFFFFFFF0]  }
0x233: {  	[tilespmem:s22+$0xFFFFFFD0] =	vst v19;
	v15 =	vmul.f32 v15, v12  }
0x234: {  	[tilespmem:s22+$0xFFFFFFE0] =	vst v13;
	v61 =	vmul.f32 v16, v12  }
0x235: {  	[tilespmem:s22+$0x0] =	vst v15;
	v14 =	vmul.f32 v14, v12  }
0x236: {  	[tilespmem:s22+$0x10] =	vst v61;
	v62 =	vmul.f32 v17, v12  }
0x237: {  	v63 =	vmul.f32 v60, v12;
	[tilespmem:s22+$0x20] =	vst v14  }
0x238: {  	s21 =	sshll.u32 s21, $0x4;
	[tilespmem:s22+$0x30] =	vst v62  }
.Ltmp13:
0x239: {  	s21 =	sadd.s32 s3, s21;
	[tilespmem:s22+$0xFFFFFFF0] =	vst v63;
	(pc) =	sbr.rel .LBB2_18-.Ltmp13, $4  }
0x23a: {  	[hbm4b:s21+s5] =	stream.linear.scatter [tilespmem:s12], [sflag:$0x4], $0x800, $0x200038;
	[tilespmem:$0x1F800] =	vst v63  }
0x23b: {  	_ =	swait.ge [sflag:s7], $0x800  }
0x23c: {  	[sflag:s7] =	ssyncset.done $0x0  }
0x23d: {  	[sflag:s7] =	ssyncadd.s32 $0xFFFFF800  }
.LBB2_19:
0x23e: {  	_ =	strace $0x90000051  }
0x23f: {  	_ =	strace $0x80000052  }
0x240: {  	[bflag:$0x0] =	sbarrier.arrive $0xFFFF  }
0x241: {  	_ =	strace $0x90000052  }
0x242: {  	_ =	strace $0x80000053  }
0x243: {  	[spmem:s15] =	stream.linear.scatter [tilespmem:s2], [sflag:$0x4], $0x800, $0x200038;
	[tilespmem:$0x1F800] =	vst v63  }
0x244: {  	_ =	swait.ge [sflag:s7], $0x800  }
0x245: {  	[sflag:s7] =	ssyncset.done $0x0  }
0x246: {  	s20 =	rddreg [dreg:$0x1c];
	[sflag:s7] =	ssyncadd.s32 $0xFFFFF800  }
0x247: {  	[spmem:s20] =	stream.linear.scatter [tilespmem:s2], [sflag:$0x4], $0x800, $0x200038;
	[tilespmem:$0x1F800] =	vst v63  }
0x248: {  	_ =	swait.ge [sflag:s7], $0x800  }
0x249: {  	[sflag:s7] =	ssyncset.done $0x0  }
0x24a: {  	s24 =	rddreg [dreg:$0x1d];
	[sflag:s7] =	ssyncadd.s32 $0xFFFFF800  }
0x24b: {  	[spmem:s24] =	stream.linear.scatter [tilespmem:s2], [sflag:$0x4], $0x800, $0x200038;
	[tilespmem:$0x1F800] =	vst v63  }
0x24c: {  	_ =	swait.ge [sflag:s7], $0x800  }
0x24d: {  	[sflag:s7] =	ssyncset.done $0x0  }
0x24e: {  	s25 =	rddreg [dreg:$0x1e];
	[sflag:s7] =	ssyncadd.s32 $0xFFFFF800  }
0x24f: {  	[spmem:s25] =	stream.linear.scatter [tilespmem:s2], [sflag:$0x4], $0x800, $0x200038;
	[tilespmem:$0x1F800] =	vst v63  }
0x250: {  	_ =	swait.ge [sflag:s7], $0x800  }
0x251: {  	[sflag:s7] =	ssyncset.done $0x0  }
0x252: {  	s26 =	rddreg [dreg:$0x1f];
	[sflag:s7] =	ssyncadd.s32 $0xFFFFF800  }
0x253: {  	[spmem:s26] =	stream.linear.scatter [tilespmem:s2], [sflag:$0x4], $0x800, $0x200038;
	[tilespmem:$0x1F800] =	vst v63  }
0x254: {  	_ =	swait.ge [sflag:s7], $0x800  }
0x255: {  	s28 =	sld [smem:$0x7F2]  }
0x256: {  	[sflag:s7] =	ssyncset.done $0x0  }
0x257: {  	[sflag:s7] =	ssyncadd.s32 $0xFFFFF800  }
0x258: {  	[spmem:s28] =	stream.linear.scatter [tilespmem:s2], [sflag:$0x4], $0x800, $0x200038;
	[tilespmem:$0x1F800] =	vst v63  }
0x259: {  	_ =	swait.ge [sflag:s7], $0x800  }
0x25a: {  	s29 =	sld [smem:$0x7F3]  }
0x25b: {  	[sflag:s7] =	ssyncset.done $0x0  }
0x25c: {  	[sflag:s7] =	ssyncadd.s32 $0xFFFFF800  }
0x25d: {  	[spmem:s29] =	stream.linear.scatter [tilespmem:s2], [sflag:$0x4], $0x800, $0x200038;
	[tilespmem:$0x1F800] =	vst v63  }
0x25e: {  	_ =	swait.ge [sflag:s7], $0x800  }
0x25f: {  	s30 =	sld [smem:$0x7F4]  }
0x260: {  	[sflag:s7] =	ssyncset.done $0x0  }
0x261: {  	[sflag:s7] =	ssyncadd.s32 $0xFFFFF800  }
0x262: {  	[spmem:s30] =	stream.linear.scatter [tilespmem:s2], [sflag:$0x4], $0x800, $0x200038;
	[tilespmem:$0x1F800] =	vst v63  }
0x263: {  	_ =	swait.ge [sflag:s7], $0x800  }
0x264: {  	s21 =	sld [smem:$0x7F5]  }
0x265: {  	[sflag:s7] =	ssyncset.done $0x0  }
0x266: {  	[sflag:s7] =	ssyncadd.s32 $0xFFFFF800  }
0x267: {  	[spmem:s21] =	stream.linear.scatter [tilespmem:s2], [sflag:$0x4], $0x800, $0x200038;
	[tilespmem:$0x1F800] =	vst v63  }
0x268: {  	_ =	swait.ge [sflag:s7], $0x800  }
0x269: {  	s22 =	sld [smem:$0x7F6]  }
0x26a: {  	[sflag:s7] =	ssyncset.done $0x0  }
0x26b: {  	[sflag:s7] =	ssyncadd.s32 $0xFFFFF800  }
0x26c: {  	[spmem:s22] =	stream.linear.scatter [tilespmem:s2], [sflag:$0x4], $0x800, $0x200038;
	[tilespmem:$0x1F800] =	vst v63  }
0x26d: {  	_ =	swait.ge [sflag:s7], $0x800  }
0x26e: {  	s23 =	sld [smem:$0x7F7]  }
0x26f: {  	[sflag:s7] =	ssyncset.done $0x0  }
0x270: {  	[sflag:s7] =	ssyncadd.s32 $0xFFFFF800  }
0x271: {  	[spmem:s23] =	stream.linear.scatter [tilespmem:s2], [sflag:$0x4], $0x800, $0x200038;
	[tilespmem:$0x1F800] =	vst v63  }
0x272: {  	_ =	swait.ge [sflag:s7], $0x800  }
0x273: {  	s24 =	sld [smem:$0x7F8]  }
0x274: {  	[sflag:s7] =	ssyncset.done $0x0  }
0x275: {  	[sflag:s7] =	ssyncadd.s32 $0xFFFFF800  }
0x276: {  	[spmem:s24] =	stream.linear.scatter [tilespmem:s2], [sflag:$0x4], $0x800, $0x200038;
	[tilespmem:$0x1F800] =	vst v63  }
0x277: {  	_ =	swait.ge [sflag:s7], $0x800  }
0x278: {  	s25 =	sld [smem:$0x7F9]  }
0x279: {  	[sflag:s7] =	ssyncset.done $0x0  }
0x27a: {  	[sflag:s7] =	ssyncadd.s32 $0xFFFFF800  }
0x27b: {  	[spmem:s25] =	stream.linear.scatter [tilespmem:s2], [sflag:$0x4], $0x800, $0x200038;
	[tilespmem:$0x1F800] =	vst v63  }
0x27c: {  	_ =	swait.ge [sflag:s7], $0x800  }
0x27d: {  	s26 =	sld [smem:$0x7FA]  }
0x27e: {  	[sflag:s7] =	ssyncset.done $0x0  }
0x27f: {  	[sflag:s7] =	ssyncadd.s32 $0xFFFFF800  }
0x280: {  	[spmem:s26] =	stream.linear.scatter [tilespmem:s2], [sflag:$0x4], $0x800, $0x200038;
	[tilespmem:$0x1F800] =	vst v63  }
0x281: {  	_ =	swait.ge [sflag:s7], $0x800  }
0x282: {  	s28 =	sld [smem:$0x7FB]  }
0x283: {  	[sflag:s7] =	ssyncset.done $0x0  }
0x284: {  	[sflag:s7] =	ssyncadd.s32 $0xFFFFF800  }
0x285: {  	[spmem:s28] =	stream.linear.scatter [tilespmem:s2], [sflag:$0x4], $0x800, $0x200038;
	[tilespmem:$0x1F800] =	vst v63  }
0x286: {  	_ =	swait.ge [sflag:s7], $0x800  }
0x287: {  	s29 =	sld [smem:$0x7FC]  }
0x288: {  	[sflag:s7] =	ssyncset.done $0x0  }
0x289: {  	[sflag:s7] =	ssyncadd.s32 $0xFFFFF800  }
0x28a: {  	[spmem:s29] =	stream.linear.scatter [tilespmem:s2], [sflag:$0x4], $0x800, $0x200038;
	[tilespmem:$0x1F800] =	vst v63  }
0x28b: {  	_ =	swait.ge [sflag:s7], $0x800  }
0x28c: {  	s30 =	sld [smem:$0x7FD]  }
0x28d: {  	[sflag:s7] =	ssyncset.done $0x0  }
0x28e: {  	[sflag:s7] =	ssyncadd.s32 $0xFFFFF800  }
0x28f: {  	[spmem:s30] =	stream.linear.scatter [tilespmem:s2], [sflag:$0x4], $0x800, $0x200038;
	[tilespmem:$0x1F800] =	vst v63  }
0x290: {  	_ =	swait.ge [sflag:s7], $0x800  }
0x291: {  	[sflag:s7] =	ssyncset.done $0x0  }
0x292: {  	[sflag:s7] =	ssyncadd.s32 $0xFFFFF800  }
0x293: {  	[spmem:s31] =	stream.linear.scatter [tilespmem:s2], [sflag:$0x4], $0x800, $0x200038;
	[tilespmem:$0x1F800] =	vst v63  }
0x294: {  	_ =	swait.ge [sflag:s7], $0x800  }
0x295: {  	[sflag:s7] =	ssyncset.done $0x0  }
0x296: {  	[sflag:s7] =	ssyncadd.s32 $0xFFFFF800  }
0x297: {  	[spmem:s18] =	stream.linear.scatter [tilespmem:s2], [sflag:$0x4], $0x800, $0x200038;
	[tilespmem:$0x1F800] =	vst v63  }
0x298: {  	_ =	swait.ge [sflag:s7], $0x800  }
0x299: {  	[sflag:s7] =	ssyncset.done $0x0  }
0x29a: {  	[sflag:s7] =	ssyncadd.s32 $0xFFFFF800  }
0x29b: {  	[spmem:s0] =	stream.linear.scatter [tilespmem:s2], [sflag:$0x4], $0x800, $0x200038;
	[tilespmem:$0x1F800] =	vst v63  }
0x29c: {  	_ =	swait.ge [sflag:s7], $0x800  }
0x29d: {  	[sflag:s7] =	ssyncset.done $0x0  }
0x29e: {  	[sflag:s7] =	ssyncadd.s32 $0xFFFFF800  }
0x29f: {  	_ =	strace $0x90000053  }
0x2a0: {  	s20 =	simm.s32 $0x40;
	s21 =	simm.s32 $0x0;
	_ =	strace $0x80000054  }
.LBB2_20:
0x2a1: {  	p2 =	sne.s32 s20, $0x4FC0;
	[tilespmem:s21+$0x5000] =	vst v10;
	s21 =	smov.u32 s20;
	s20 =	sadd.s32 $0x40, s20  }
.Ltmp14:
0x2a2: {  	(pc) =	sbr.rel @p2 .LBB2_20-.Ltmp14, $2  }
0x2a3: {  	_ =	sdelay $0x2  }
0x2a4: {  	s21 =	sshra.s32 s21, $0x2  }
0x2a5: {  	[tilespmem:s21+$0x5000] =	vst v10  }
0x2a6: {  	_ =	strace $0x90000054  }
0x2a7: {  	_ =	strace $0x80000055  }
0x2a8: {  	s20 =	simm.s32 $0x0;
	s26 =	rddreg [dreg:$0x7]  }
0x2a9: {  	[tilespmem:s20], [sflag:$0x4] =	stream.linear.gather [hbm4b:s26+s20], $0x2710, $0x200038;
	[tilespmem:$0x1F800] =	vst v63  }
0x2aa: {  	_ =	swait.ge [sflag:s7], $0x2710  }
0x2ab: {  	[sflag:s7] =	ssyncset.done $0x0  }
0x2ac: {  	s28 =	rddreg [dreg:$0xa];
	[sflag:s7] =	ssyncadd.s32 $0xFFFFD8F0  }
0x2ad: {  	[tilespmem:s10], [sflag:$0x4] =	stream.linear.gather [hbm4b:s28+s20], $0x2710, $0x200038;
	[tilespmem:$0x1F800] =	vst v63  }
0x2ae: {  	_ =	swait.ge [sflag:s7], $0x2710  }
0x2af: {  	[sflag:s7] =	ssyncset.done $0x0  }
0x2b0: {  	[sflag:s7] =	ssyncadd.s32 $0xFFFFD8F0  }
0x2b1: {  	_ =	strace $0x90000055  }
0x2b2: {  	_ =	strace $0x80000056  }
0x2b3: {  	s21 =	simm.s32 $0x6400;
	s22 =	rddreg [dreg:$0xe]  }
0x2b4: {  	[tilespmem:s21], [sflag:$0x4] =	stream.linear.gather [hbm4b:s22+s20], $0x1900, $0x200038;
	[tilespmem:$0x1F800] =	vst v63  }
0x2b5: {  	_ =	swait.ge [sflag:s7], $0x1900  }
0x2b6: {  	[sflag:s7] =	ssyncset.done $0x0  }
0x2b7: {  	s23 =	simm.s32 $0x7D00;
	s29 =	rddreg [dreg:$0xf];
	[sflag:s7] =	ssyncadd.s32 $0xFFFFE700  }
0x2b8: {  	[tilespmem:s23], [sflag:$0x4] =	stream.linear.gather [hbm4b:s29+s20], $0x1900, $0x200038;
	[tilespmem:$0x1F800] =	vst v63  }
0x2b9: {  	_ =	swait.ge [sflag:s7], $0x1900  }
0x2ba: {  	[sflag:s7] =	ssyncset.done $0x0  }
0x2bb: {  	[sflag:s7] =	ssyncadd.s32 $0xFFFFE700  }
0x2bc: {  	_ =	strace $0x90000056  }
0x2bd: {  	_ =	strace $0x80000057  }
0x2be: {  	s30 =	sand.u32 $0x1FF0, s20;
	v13 =	vld [tilespmem:s21+$0x0]  }
0x2bf: {  	v12 =	vld [tilespmem:s30+$0x7D00];
	_ =	sdelay $0x5  }
0x2c0: {  	vm0 =	vlt.s32 v12, v1;
	vm1 =	vlt.s32 v12, $0x2710  }
0x2c1: {  	vm0 =	vmand vm0, vm1;
	vm1 =	vge.s32 v12, v0;
	v14 =	vld.idx.msk [tilespmem:v13+s5+$0x0], $0xffff  }
0x2c2: {  	vm0 =	vmand vm0, vm1;
	v15 =	vld.idx.msk [tilespmem:v12+s10+$0x0], $0xffff  }
0x2c3: {  	v16 =	vsel vm0, $0x1, v11  }
0x2c4: {  	(xrf0) =	vadd.scan.msk.s32 $0xffff, v16;
	_ =	sdelay $0x2  }
0x2c5: {  	v14 =	vadd.f32 v15, v14;
	_ =	sdelay $0x1  }
0x2c6: {  	v15 =	vmul.f32 $2.000000030e-01, v14  }
0x2c7: {  	vm1 =	vgt.f32 v14, $0.0e+00;
	v16, _, _ =	vpop (xrf0)  }
0x2c8: {  	(v2sf) =	vpush v16, $0xF;
	v14 =	vsel vm1, v14, v15  }
0x2c9: {  	v14 =	vmul.f32 $1.442695020e+00, v14;
	_ =	sdelay $0x1  }
0x2ca: {  	(erf) = vpow2.f32 v14;
	_ =	sdelay $0x3  }
0x2cb: {  	v12 =	vsub.s32 v12, v0  }
0x2cc: {  	v14 =	vnsel vm0, $0x0, v12;
	_ =	sdelay $0x3  }
0x2cd: {  	v12 =	vpop (erf)  }
0x2ce: {  	[tilespmem:v14+s11+$0x0] =	vst.idx.add.f32.msk vm0, v12  }
0x2cf: {  	[tilespmem:s20+$0x9900] =	vst.msk vm0, v13  }
0x2d0: {  	s22 =	simm.s32 $0x10;
	s23 =	spop (v2sf);
	[tilespmem:s20+$0xB280] =	vst.msk vm0, v14  }
.LBB2_22:
0x2d1: {  	p2 =	sne.s32 s22, $0x18F0;
	[tilespmem:s20+$0xCC00] =	vst.msk vm0, v12;
	s20 =	sadd.s32 s20, s23;
	s21 =	sadd.s32 $0x10, s21  }
0x2d2: {  	s23 =	sand.u32 $0x1FF0, s22;
	s22 =	sadd.s32 $0x10, s22;
	v13 =	vld [tilespmem:s21+$0x0]  }
0x2d3: {  	v12 =	vld [tilespmem:s23+$0x7D00];
	_ =	sdelay $0x4  }
0x2d4: {  	vm0 =	vlt.s32 v12, v1;
	vm1 =	vlt.s32 v12, $0x2710  }
0x2d5: {  	vm0 =	vmand vm0, vm1  }
0x2d6: {  	v14 =	vld.idx.msk [tilespmem:v13+s5+$0x0], $0xffff  }
0x2d7: {  	vm1 =	vge.s32 v12, v0;
	v15 =	vld.idx.msk [tilespmem:v12+s10+$0x0], $0xffff  }
0x2d8: {  	vm0 =	vmand vm0, vm1  }
0x2d9: {  	v16 =	vsel vm0, $0x1, v11  }
0x2da: {  	(xrf0) =	vadd.scan.msk.s32 $0xffff, v16;
	_ =	sdelay $0x2  }
0x2db: {  	v14 =	vadd.f32 v15, v14;
	_ =	sdelay $0x1  }
0x2dc: {  	v15 =	vmul.f32 $2.000000030e-01, v14  }
0x2dd: {  	vm1 =	vgt.f32 v14, $0.0e+00;
	v16, _, _ =	vpop (xrf0)  }
0x2de: {  	v14 =	vsel vm1, v14, v15;
	(v2sf) =	vpush v16, $0xF  }
0x2df: {  	v14 =	vmul.f32 $1.442695020e+00, v14;
	_ =	sdelay $0x1  }
0x2e0: {  	(erf) = vpow2.f32 v14;
	_ =	sdelay $0x3  }
0x2e1: {  	v12 =	vsub.s32 v12, v0  }
0x2e2: {  	v14 =	vnsel vm0, $0x0, v12;
	_ =	sdelay $0x2  }
.Ltmp15:
0x2e3: {  	(pc) =	sbr.rel @p2 .LBB2_22-.Ltmp15, $4  }
0x2e4: {  	v12 =	vpop (erf)  }
0x2e5: {  	[tilespmem:v14+s11+$0x0] =	vst.idx.add.f32.msk vm0, v12  }
0x2e6: {  	[tilespmem:s20+$0x9900] =	vst.msk vm0, v13  }
0x2e7: {  	[tilespmem:s20+$0xB280] =	vst.msk vm0, v14;
	s23 =	spop (v2sf)  }
0x2e8: {  	[tilespmem:s20+$0xCC00] =	vst.msk vm0, v12;
	s29 =	sadd.s32 s20, s23  }
0x2e9: {  	_ =	strace $0x90000057;
	[tilespmem:s29+$0x9900] =	vst v11  }
0x2ea: {  	[tilespmem:s29+$0xB280] =	vst v11  }
0x2eb: {  	[tilespmem:s29+$0xCC00] =	vst v10  }
0x2ec: {  	[tilespmem:s29+$0x9910] =	vst v11  }
0x2ed: {  	[tilespmem:s29+$0xB290] =	vst v11  }
0x2ee: {  	[tilespmem:s29+$0xCC10] =	vst v10  }
0x2ef: {  	[tilespmem:s29+$0x9920] =	vst v11  }
0x2f0: {  	[tilespmem:s29+$0xB2A0] =	vst v11  }
0x2f1: {  	[tilespmem:s29+$0xCC20] =	vst v10  }
0x2f2: {  	[tilespmem:s29+$0x9930] =	vst v11  }
0x2f3: {  	[tilespmem:s29+$0xB2B0] =	vst v11  }
0x2f4: {  	[tilespmem:s29+$0xCC30] =	vst v10  }
0x2f5: {  	[tilespmem:$0xB280] =	vst v9  }
0x2f6: {  	[tilespmem:$0xB290] =	vst v2  }
0x2f7: {  	[tilespmem:$0xB2A0] =	vst v3  }
0x2f8: {  	[tilespmem:$0xB2B0] =	vst v4  }
0x2f9: {  	[tilespmem:$0xB2C0] =	vst v5  }
0x2fa: {  	[tilespmem:$0xB2D0] =	vst v6  }
0x2fb: {  	[tilespmem:$0xB2E0] =	vst v7  }
0x2fc: {  	s21 =	simm.s32 @!p0 $0x5000;
	[tilespmem:$0xB2F0] =	vst v8;
	s22 =	rddreg [dreg:$0xd]  }
0x2fd: {  	[spmem:s22] =	stream.linear.scatter @!p0 [tilespmem:s21], [sflag:$0x4], $0x1400, $0x38;
	[tilespmem:$0x1F800] =	vst v63  }
0x2fe: {  	s21 =	simm.s32 @!p0 $0x4  }
0x2ff: {  	_ =	swait.ge @!p0 [sflag:s21], $0x1400  }
0x300: {  	[sflag:s21] =	ssyncset.done @!p0 $0x0  }
0x301: {  	s30 =	sadd.s32 $0x3F, s29;
	[sflag:s21] =	ssyncadd.s32 @!p0 $0xFFFFEC00  }
0x302: {  	s20 =	sshrl.u32 s30, $0x6;
	_ =	strace $0x80000058  }
0x303: {  	p3 =	slt.u32 s30, $0x80;
	p2 =	seq.s32 s20, $0x0;
	[bflag:$0x0] =	sbarrier.arrive $0xFFFF  }
.Ltmp16:
0x304: {  	s22 =	simm.s32 @!p2 $0x40;
	_ =	strace $0x90000058;
	(pc) =	sbr.rel @p2 .LBB2_27-.Ltmp16, $4  }
0x305: {  	s23 =	simm.s32 @!p2 $0x9900;
	s24 =	simm.s32 @!p2 $0xE580;
	_ =	strace $0x80000059  }
0x306: {  	[tilespmem:s24], [sflag:$0x1] =	stream.indirect.gather @!p2 [hbm4b:s8+s22], $0x80, s23, s22, $0x2000b8;
	[tilespmem:$0x1F800] =	vst v63  }
0x307: {  	s21 =	simm.s32 @!p3 $0x40;
	s22 =	simm.s32 @!p3 $0x9940;
	s23 =	simm.s32 @!p3 $0x10580  }
0x308: {  	[tilespmem:s23], [sflag:$0x2] =	stream.indirect.gather @!p3 [hbm4b:s8+s21], $0x80, s22, s21, $0x2000b8;
	[tilespmem:$0x1F800] =	vst v63  }
0x309: {  	p2 =	sle.u32 s20, $0x0  }
0x30a: {  	s21 =	sadd.s32 $0x2, s20;
	s22 =	simm.s32 @!p2 $0x1  }
0x30b: {  	s23 =	smulhi.u32 $0x55555556, s21;
	p3 =	sle.u32 @!p2 s20, $0x2;
	_ =	swait.ge @!p2 [sflag:s22], $0x2000  }
0x30c: {  	s21 =	simm.s32 $0x9980;
	p3 =	por p3, p2;
	[sflag:s22] =	ssyncset.done @!p2 $0x0  }
0x30d: {  	s24 =	simm.s32 @!p3 $0x12580;
	[sflag:s22] =	ssyncadd.s32 @!p2 $0xFFFFE000;
	s22 =	simm.s32 @!p3 $0x40  }
0x30e: {  	[tilespmem:s24], [sflag:$0x3] =	stream.indirect.gather @!p3 [hbm4b:s8+s22], $0x80, s21, s22, $0x2000b8;
	[tilespmem:$0x1F800] =	vst v63  }
0x30f: {  	s22 =	smul.u32 $0x3, s23  }
0x310: {  	p4 =	sle.u32 s20, $0x1  }
0x311: {  	p5 =	sle.u32 @!p4 s20, $0x3;
	s24 =	simm.s32 @!p4 $0x2;
	p3 =	sne.s32 s22, $0x3  }
.Ltmp17:
0x312: {  	p5 =	por p5, p4;
	_ =	swait.ge @!p4 [sflag:s24], $0x2000;
	(pc) =	sbr.rel @!p3 .LBB2_26-.Ltmp17, $4  }
0x313: {  	s28 =	simm.s32 @!p5 $0x99C0;
	p2 =	sle.u32 s20, $0x2;
	[sflag:s24] =	ssyncset.done @!p4 $0x0  }
0x314: {  	s29 =	simm.s32 @!p5 $0x40;
	[sflag:s24] =	ssyncadd.s32 @!p4 $0xFFFFE000;
	p4 =	sle.u32 @!p2 s20, $0x4  }
0x315: {  	s30 =	simm.s32 @!p5 $0xE580;
	s23 =	simm.s32 $0x3;
	p4 =	por p4, p2  }
0x316: {  	s26 =	simm.s32 @!p2 $0x3;
	s24 =	simm.s32 $0x9A40;
	s25 =	simm.s32 @!p4 $0x40  }
.LBB2_25:
0x317: {  	[tilespmem:s30], [sflag:$0x1] =	stream.indirect.gather @!p5 [hbm4b:s8+s29], $0x80, s28, s29, $0x2000b8;
	[tilespmem:$0x1F800] =	vst v63  }
0x318: {  	s28 =	smov.u32 s23;
	s23 =	sadd.s32 $0x3, s23;
	_ =	swait.ge @!p2 [sflag:s26], $0x2000  }
0x319: {  	s21 =	sadd.s32 @!p4 $0x80, s21;
	s29 =	simm.s32 @!p4 $0x10580;
	[sflag:s26] =	ssyncset.done @!p2 $0x0  }
0x31a: {  	p5 =	sge.u32 s28, s20;
	p3 =	sne.s32 s22, s23;
	[sflag:s26] =	ssyncadd.s32 @!p2 $0xFFFFE000  }
0x31b: {  	[tilespmem:s29], [sflag:$0x2] =	stream.indirect.gather @!p4 [hbm4b:s8+s25], $0x80, s21, s25, $0x2000b8;
	[tilespmem:$0x1F800] =	vst v63  }
0x31c: {  	s26 =	sadd.s32 @!p5 $0x2, s28;
	s25 =	simm.s32 @!p5 $0x1;
	s21 =	smov.u32 s24  }
0x31d: {  	p2 =	sge.u32 @!p5 s26, s20;
	s26 =	sadd.s32 $0x1, s28;
	_ =	swait.ge @!p5 [sflag:s25], $0x2000  }
0x31e: {  	p2 =	por p2, p5;
	p4 =	sge.u32 s26, s20;
	[sflag:s25] =	ssyncset.done @!p5 $0x0  }
0x31f: {  	s29 =	simm.s32 @!p2 $0x12580;
	[sflag:s25] =	ssyncadd.s32 @!p5 $0xFFFFE000;
	s25 =	simm.s32 @!p2 $0x40  }
0x320: {  	[tilespmem:s29], [sflag:$0x3] =	stream.indirect.gather @!p2 [hbm4b:s8+s25], $0x80, s24, s25, $0x2000b8;
	[tilespmem:$0x1F800] =	vst v63  }
0x321: {  	s26 =	sadd.s32 @!p4 $0x3, s28  }
0x322: {  	p5 =	sge.u32 @!p4 s26, s20;
	s25 =	simm.s32 @!p4 $0x2;
	s29 =	sadd.s32 $0x2, s28  }
.Ltmp18:
0x323: {  	p2 =	sge.u32 s29, s20;
	_ =	swait.ge @!p4 [sflag:s25], $0x2000;
	(pc) =	sbr.rel @p3 .LBB2_25-.Ltmp18, $4  }
0x324: {  	p5 =	por p5, p4;
	s26 =	sadd.s32 @!p2 $0x4, s28;
	[sflag:s25] =	ssyncset.done @!p4 $0x0  }
0x325: {  	s28 =	sadd.s32 @!p5 $0x40, s24;
	[sflag:s25] =	ssyncadd.s32 @!p4 $0xFFFFE000;
	p4 =	sge.u32 @!p2 s26, s20  }
0x326: {  	s29 =	simm.s32 @!p5 $0x40;
	s30 =	simm.s32 @!p5 $0xE580;
	p4 =	por p4, p2  }
0x327: {  	s24 =	sadd.s32 $0xC0, s24;
	s26 =	simm.s32 @!p2 $0x3;
	s25 =	simm.s32 @!p4 $0x40  }
.LBB2_26:
0x328: {  	[tilespmem:s30], [sflag:$0x1] =	stream.indirect.gather @!p5 [hbm4b:s8+s29], $0x80, s28, s29, $0x2000b8;
	[tilespmem:$0x1F800] =	vst v63  }
0x329: {  	_ =	swait.ge @!p2 [sflag:s26], $0x2000  }
0x32a: {  	[sflag:s26] =	ssyncset.done @!p2 $0x0  }
0x32b: {  	s20 =	sadd.s32 @!p4 $0x80, s21;
	s21 =	simm.s32 @!p4 $0x10580;
	[sflag:s26] =	ssyncadd.s32 @!p2 $0xFFFFE000  }
0x32c: {  	[tilespmem:s21], [sflag:$0x2] =	stream.indirect.gather @!p4 [hbm4b:s8+s25], $0x80, s20, s25, $0x2000b8;
	[tilespmem:$0x1F800] =	vst v63  }
.LBB2_27:
.Ltmp19:
0x32d: {  	(pc) =	sbr.rel @p1 .LBB2_31-.Ltmp19, $4  }
0x32e: {  	_ =	strace $0x90000059  }
0x32f: {  	_ =	strace $0x8000005A  }
0x330: {  	[bflag:$0x0] =	sbarrier.arrive $0xFFFF  }
0x331: {  	_ =	strace $0x9000005A  }
0x332: {  	s20 =	rddreg [dreg:$0x14];
	s21 =	simm.s32 $0xCC00  }
0x333: {  	[tilespmem:s21], [sflag:$0x4] =	stream.linear.gather [spmem:s20], $0x1400, $0x38;
	[tilespmem:$0x1F800] =	vst v63  }
0x334: {  	_ =	swait.ge [sflag:s7], $0x1400  }
0x335: {  	[sflag:s7] =	ssyncset.done $0x0  }
0x336: {  	s20 =	simm.s32 $0x0;
	[sflag:s7] =	ssyncadd.s32 $0xFFFFEC00  }
0x337: {  	s21 =	simm.s32 $0x40;
	v12 =	vld [tilespmem:s20+$0xCC00]  }
.LBB2_29:
0x338: {  	p2 =	sne.s32 s21, $0x4FC0;
	v13 =	vld [tilespmem:s20+$0x5000];
	_ =	sdelay $0x2  }
.Ltmp20:
0x339: {  	(pc) =	sbr.rel @p2 .LBB2_29-.Ltmp20, $4  }
0x33a: {  	_ = 	snop  }
0x33b: {  	v13 =	vadd.f32 v12, v13  }
0x33c: {  	s22 =	sshra.s32 s21, $0x2  }
0x33d: {  	s21 =	sadd.s32 $0x40, s21;
	v12 =	vld [tilespmem:s22+$0xCC00];
	[tilespmem:s20+$0x5000] =	vst v13;
	s20 =	smov.u32 s22  }
0x33e: {  	v13 =	vld [tilespmem:s20+$0x5000];
	_ =	sdelay $0x4  }
0x33f: {  	v12 =	vadd.f32 v12, v13;
	_ =	sdelay $0x1  }
0x340: {  	s30 =	rddreg [dreg:$0x14];
	[tilespmem:s20+$0x5000] =	vst v12  }
0x341: {  	[spmem:s30] =	stream.linear.scatter [tilespmem:s11], [sflag:$0x4], $0x1400, $0x38;
	[tilespmem:$0x1F800] =	vst v63  }
0x342: {  	_ =	swait.ge [sflag:s7], $0x1400  }
0x343: {  	[sflag:s7] =	ssyncset.done $0x0  }
0x344: {  	[sflag:s7] =	ssyncadd.s32 $0xFFFFEC00  }
.LBB2_31:
0x345: {  	_ =	strace $0x8000005B  }
0x346: {  	[bflag:$0x0] =	sbarrier.arrive $0xFFFF  }
0x347: {  	s20 =	simm.s32 $0xCC00;
	_ =	strace $0x9000005B  }
0x348: {  	[tilespmem:s20], [sflag:$0x4] =	stream.linear.gather [spmem:s19], $0x140, $0x38;
	[tilespmem:$0x1F800] =	vst v63  }
0x349: {  	_ =	swait.ge [sflag:s7], $0x140  }
0x34a: {  	[sflag:s7] =	ssyncset.done $0x0  }
0x34b: {  	s21 =	simm.s32 $0xCD40;
	s25 =	rddreg [dreg:$0x15];
	[sflag:s7] =	ssyncadd.s32 $0xFFFFFEC0  }
0x34c: {  	[tilespmem:s21], [sflag:$0x4] =	stream.linear.gather [spmem:s25], $0x140, $0x38;
	[tilespmem:$0x1F800] =	vst v63  }
0x34d: {  	_ =	swait.ge [sflag:s7], $0x140  }
0x34e: {  	[sflag:s7] =	ssyncset.done $0x0  }
0x34f: {  	s28 =	simm.s32 $0xCE80;
	s26 =	rddreg [dreg:$0x16];
	[sflag:s7] =	ssyncadd.s32 $0xFFFFFEC0  }
0x350: {  	[tilespmem:s28], [sflag:$0x4] =	stream.linear.gather [spmem:s26], $0x140, $0x38;
	[tilespmem:$0x1F800] =	vst v63  }
0x351: {  	_ =	swait.ge [sflag:s7], $0x140  }
0x352: {  	[sflag:s7] =	ssyncset.done $0x0  }
0x353: {  	s30 =	simm.s32 $0xCFC0;
	s29 =	rddreg [dreg:$0x17];
	[sflag:s7] =	ssyncadd.s32 $0xFFFFFEC0  }
0x354: {  	[tilespmem:s30], [sflag:$0x4] =	stream.linear.gather [spmem:s29], $0x140, $0x38;
	[tilespmem:$0x1F800] =	vst v63  }
0x355: {  	_ =	swait.ge [sflag:s7], $0x140  }
0x356: {  	[sflag:s7] =	ssyncset.done $0x0  }
0x357: {  	s23 =	simm.s32 $0xD100;
	s22 =	rddreg [dreg:$0x18];
	[sflag:s7] =	ssyncadd.s32 $0xFFFFFEC0  }
0x358: {  	[tilespmem:s23], [sflag:$0x4] =	stream.linear.gather [spmem:s22], $0x140, $0x38;
	[tilespmem:$0x1F800] =	vst v63  }
0x359: {  	_ =	swait.ge [sflag:s7], $0x140  }
0x35a: {  	[sflag:s7] =	ssyncset.done $0x0  }
0x35b: {  	s25 =	simm.s32 $0xD240;
	s24 =	rddreg [dreg:$0x19];
	[sflag:s7] =	ssyncadd.s32 $0xFFFFFEC0  }
0x35c: {  	[tilespmem:s25], [sflag:$0x4] =	stream.linear.gather [spmem:s24], $0x140, $0x38;
	[tilespmem:$0x1F800] =	vst v63  }
0x35d: {  	_ =	swait.ge [sflag:s7], $0x140  }
0x35e: {  	[sflag:s7] =	ssyncset.done $0x0  }
0x35f: {  	s28 =	simm.s32 $0xD380;
	s26 =	rddreg [dreg:$0x1a];
	[sflag:s7] =	ssyncadd.s32 $0xFFFFFEC0  }
0x360: {  	[tilespmem:s28], [sflag:$0x4] =	stream.linear.gather [spmem:s26], $0x140, $0x38;
	[tilespmem:$0x1F800] =	vst v63  }
0x361: {  	_ =	swait.ge [sflag:s7], $0x140  }
0x362: {  	[sflag:s7] =	ssyncset.done $0x0  }
0x363: {  	s30 =	simm.s32 $0xD4C0;
	s29 =	rddreg [dreg:$0x1b];
	[sflag:s7] =	ssyncadd.s32 $0xFFFFFEC0  }
0x364: {  	[tilespmem:s30], [sflag:$0x4] =	stream.linear.gather [spmem:s29], $0x140, $0x38;
	[tilespmem:$0x1F800] =	vst v63  }
.Ltmp21:
0x365: {  	_ = 	snop;
	(pc) =	sbr.rel .LBB2_32-.Ltmp21, $4  }
0x366: {  	_ =	swait.ge [sflag:s7], $0x140  }
0x367: {  	[sflag:s7] =	ssyncset.done $0x0  }
0x368: {  	[sflag:s7] =	ssyncadd.s32 $0xFFFFFEC0  }
0x369: {  	s20 =	simm.s32 $0x0;
	_ =	strace $0x8000005C  }
.LBB2_36:
0x36a: {  	s20 =	sadd.s32 $0x1, s20  }
0x36b: {  	p2 =	sne.s32 s20, $0x14  }
.Ltmp22:
0x36c: {  	_ = 	snop;
	(pc) =	sbr.rel @!p2 .LBB2_37-.Ltmp22, $1  }
0x36d: {  	_ =	sdelay $0x3  }
.LBB2_32:
0x36e: {  	s22 =	sshll.u32 s20, $0x4  }
0x36f: {  	s21 =	sadd.s32 s22, s9  }
0x370: {  	p2 =	sgt.u32 s21, $0x270F  }
.Ltmp23:
0x371: {  	_ = 	snop;
	(pc) =	sbr.rel @p2 .LBB2_36-.Ltmp23, $1  }
0x372: {  	_ =	sdelay $0x3  }
0x373: {  	v12 =	vld [tilespmem:s22+$0xCC00]  }
0x374: {  	v13 =	vld [tilespmem:s22+$0xCD40]  }
0x375: {  	s23 =	sand.u32 $0x1F0, s22  }
0x376: {  	v14 =	vld [tilespmem:s23+$0xCE80];
	_ =	sdelay $0x1  }
0x377: {  	v15 =	vld [tilespmem:s22+$0xCFC0]  }
0x378: {  	v12 =	vadd.f32 v13, v12  }
0x379: {  	v13 =	vld [tilespmem:s23+$0xD100]  }
0x37a: {  	v12 =	vadd.f32 v14, v12  }
0x37b: {  	v14 =	vld [tilespmem:s22+$0xD240]  }
0x37c: {  	v12 =	vadd.f32 v15, v12  }
0x37d: {  	v15 =	vld [tilespmem:s23+$0xD380]  }
0x37e: {  	v12 =	vadd.f32 v13, v12  }
0x37f: {  	v13 =	vld [tilespmem:s22+$0xD4C0]  }
0x380: {  	v12 =	vadd.f32 v14, v12;
	_ =	sdelay $0x1  }
0x381: {  	v12 =	vadd.f32 v15, v12;
	_ =	sdelay $0x1  }
0x382: {  	v12 =	vadd.f32 v13, v12;
	_ =	sdelay $0x1  }
0x383: {  	vm0 =	vgt.f32 v12, $0.0e+00  }
0x384: {  	v12 =	vnsel vm0, $0x3F800000, v12  }
0x385: {  	(erf) = vrcp.f32 v12;
	_ =	sdelay $0x4  }
0x386: {  	s28 =	sadd.s32 s14, s22  }
0x387: {  	s22 =	sshll.u32 s28, $0x7  }
0x388: {  	s22 =	sand.u32 $0x3FFFFF80, s22  }
0x389: {  	s29 =	sadd.s32 s22, s4;
	s22 =	simm.s32 $0xE580  }
0x38a: {  	[tilespmem:s22], [sflag:$0x5] =	stream.linear.gather [spmem:s29], $0x800, $0x200038;
	v15 =	vpop (erf);
	[tilespmem:$0x1F800] =	vst v63  }
0x38b: {  	_ =	swait.ge [sflag:s13], $0x800  }
0x38c: {  	s21 =	sshll.u32 s21, $0x4;
	[sflag:s13] =	ssyncset.done $0x0  }
0x38d: {  	s30 =	simm.s32 $0x0;
	s21 =	sadd.s32 s3, s21;
	[sflag:s13] =	ssyncadd.s32 $0xFFFFF800  }
0x38e: {  	[tilespmem:s16], [sflag:$0x5] =	stream.linear.gather [hbm4b:s21+s30], $0x800, $0x200038;
	[tilespmem:$0x1F800] =	vst v63  }
0x38f: {  	_ =	swait.ge [sflag:s13], $0x800  }
0x390: {  	[sflag:s13] =	ssyncset.done $0x0  }
0x391: {  	[sflag:s13] =	ssyncadd.s32 $0xFFFFF800  }
0x392: {  	v20 =	vld [tilespmem:s22+$0x800]  }
0x393: {  	v17 =	vld [tilespmem:s22+$0x810]  }
0x394: {  	v16 =	vld [tilespmem:s22+$0x820]  }
0x395: {  	v14 =	vld [tilespmem:s22+$0x830]  }
0x396: {  	v13 =	vld [tilespmem:s22+$0x840]  }
0x397: {  	v12 =	vld [tilespmem:s22+$0x850]  }
0x398: {  	v19 =	vld [tilespmem:s22+$0x0]  }
0x399: {  	v24 =	vld [tilespmem:s22+$0x10]  }
0x39a: {  	v18 =	vmov s30;
	v15 =	vnsel vm0, $0x0, v15;
	v25 =	vld [tilespmem:s22+$0x20]  }
0x39b: {  	v18 =	vperm.xlane v15, v18;
	v23 =	vld [tilespmem:s22+$0x30]  }
0x39c: {  	v22 =	vld [tilespmem:s22+$0x40]  }
0x39d: {  	v21 =	vld [tilespmem:s22+$0x50];
	v27 =	vmul.f32 v19, v18  }
0x39e: {  	v19 =	vld [tilespmem:s22+$0x60];
	v26 =	vmul.f32 v24, v18  }
0x39f: {  	s24 =	simm.s32 $0x1;
	s23 =	simm.s32 $0xE580;
	v25 =	vmul.f32 v25, v18;
	v24 =	vadd.f32 v20, v27;
	v20 =	vld [tilespmem:s22+$0x70]  }
.LBB2_34:
0x3a0: {  	p2 =	sne.s32 s24, $0xF;
	v17 =	vadd.f32 v17, v26;
	v23 =	vmul.f32 v23, v18;
	v26 =	vld [tilespmem:s22+$0x860]  }
0x3a1: {  	s22 =	sadd.s32 $0x80, s22;
	[tilespmem:s23+$0x0] =	vst v24;
	v16 =	vadd.f32 v16, v25;
	v22 =	vmul.f32 v22, v18;
	v24 =	vld [tilespmem:s23+$0x870]  }
0x3a2: {  	v25 =	vld [tilespmem:s22+$0x800];
	[tilespmem:s23+$0x10] =	vst v17;
	v14 =	vadd.f32 v14, v23;
	v21 =	vmul.f32 v21, v18  }
0x3a3: {  	v17 =	vld [tilespmem:s22+$0x810];
	[tilespmem:s23+$0x20] =	vst v16;
	v13 =	vadd.f32 v13, v22;
	v19 =	vmul.f32 v19, v18  }
0x3a4: {  	v16 =	vld [tilespmem:s22+$0x820];
	[tilespmem:s23+$0x30] =	vst v14;
	v12 =	vadd.f32 v12, v21;
	v18 =	vmul.f32 v20, v18  }
0x3a5: {  	v14 =	vld [tilespmem:s22+$0x830];
	[tilespmem:s23+$0x40] =	vst v13;
	v19 =	vadd.f32 v26, v19  }
0x3a6: {  	v13 =	vld [tilespmem:s22+$0x840];
	[tilespmem:s23+$0x50] =	vst v12;
	v18 =	vadd.f32 v24, v18  }
0x3a7: {  	v12 =	vld [tilespmem:s22+$0x850];
	[tilespmem:s23+$0x60] =	vst v19  }
0x3a8: {  	v19 =	vld [tilespmem:s22+$0x0];
	[tilespmem:s23+$0x70] =	vst v18;
	s23 =	smov.u32 s22  }
0x3a9: {  	v20 =	vld [tilespmem:s22+$0x10]  }
0x3aa: {  	v18 =	vmov s24;
	v27 =	vld [tilespmem:s22+$0x20]  }
.Ltmp24:
0x3ab: {  	v18 =	vperm.xlane v15, v18;
	v23 =	vld [tilespmem:s22+$0x30];
	(pc) =	sbr.rel @p2 .LBB2_34-.Ltmp24, $4  }
0x3ac: {  	v22 =	vld [tilespmem:s22+$0x40]  }
0x3ad: {  	v24 =	vmul.f32 v19, v18;
	v21 =	vld [tilespmem:s22+$0x50]  }
0x3ae: {  	v26 =	vmul.f32 v20, v18;
	v19 =	vld [tilespmem:s22+$0x60]  }
0x3af: {  	s24 =	sadd.s32 $0x1, s24;
	v24 =	vadd.f32 v25, v24;
	v25 =	vmul.f32 v27, v18;
	v20 =	vld [tilespmem:s22+$0x70]  }
0x3b0: {  	v15 =	vadd.f32 v17, v26;
	v56 =	vmul.f32 v23, v18;
	v57 =	vld [tilespmem:s22+$0x860]  }
0x3b1: {  	v58 =	vld [tilespmem:s23+$0x870];
	[tilespmem:s23+$0x0] =	vst v24;
	v16 =	vadd.f32 v16, v25;
	v22 =	vmul.f32 v22, v18  }
0x3b2: {  	[tilespmem:s23+$0x10] =	vst v15;
	v14 =	vadd.f32 v14, v56;
	v59 =	vmul.f32 v21, v18  }
0x3b3: {  	[tilespmem:s23+$0x20] =	vst v16;
	v13 =	vadd.f32 v13, v22;
	v60 =	vmul.f32 v19, v18  }
0x3b4: {  	[tilespmem:s23+$0x30] =	vst v14;
	v12 =	vadd.f32 v12, v59;
	v61 =	vmul.f32 v20, v18  }
0x3b5: {  	[tilespmem:s23+$0x40] =	vst v13;
	v62 =	vadd.f32 v57, v60  }
0x3b6: {  	[tilespmem:s23+$0x50] =	vst v12;
	v63 =	vadd.f32 v58, v61  }
0x3b7: {  	[tilespmem:s23+$0x60] =	vst v62  }
.Ltmp25:
0x3b8: {  	[tilespmem:s23+$0x70] =	vst v63;
	(pc) =	sbr.rel .LBB2_36-.Ltmp25, $4  }
0x3b9: {  	[hbm4b:s21+s5] =	stream.linear.scatter [tilespmem:s12], [sflag:$0x4], $0x800, $0x200038;
	[tilespmem:$0x1F800] =	vst v63  }
0x3ba: {  	_ =	swait.ge [sflag:s7], $0x800  }
0x3bb: {  	[sflag:s7] =	ssyncset.done $0x0  }
0x3bc: {  	[sflag:s7] =	ssyncadd.s32 $0xFFFFF800  }
.LBB2_37:
0x3bd: {  	_ =	strace $0x9000005C  }
0x3be: {  	_ =	strace $0x8000005D  }
0x3bf: {  	[bflag:$0x0] =	sbarrier.arrive $0xFFFF  }
0x3c0: {  	_ =	strace $0x9000005D  }
0x3c1: {  	_ =	strace $0x8000005E  }
0x3c2: {  	[spmem:s15] =	stream.linear.scatter [tilespmem:s2], [sflag:$0x4], $0x800, $0x200038;
	[tilespmem:$0x1F800] =	vst v63  }
0x3c3: {  	_ =	swait.ge [sflag:s7], $0x800  }
0x3c4: {  	[sflag:s7] =	ssyncset.done $0x0  }
0x3c5: {  	s20 =	rddreg [dreg:$0x1c];
	[sflag:s7] =	ssyncadd.s32 $0xFFFFF800  }
0x3c6: {  	[spmem:s20] =	stream.linear.scatter [tilespmem:s2], [sflag:$0x4], $0x800, $0x200038;
	[tilespmem:$0x1F800] =	vst v63  }
0x3c7: {  	_ =	swait.ge [sflag:s7], $0x800  }
0x3c8: {  	[sflag:s7] =	ssyncset.done $0x0  }
0x3c9: {  	s24 =	rddreg [dreg:$0x1d];
	[sflag:s7] =	ssyncadd.s32 $0xFFFFF800  }
0x3ca: {  	[spmem:s24] =	stream.linear.scatter [tilespmem:s2], [sflag:$0x4], $0x800, $0x200038;
	[tilespmem:$0x1F800] =	vst v63  }
0x3cb: {  	_ =	swait.ge [sflag:s7], $0x800  }
0x3cc: {  	[sflag:s7] =	ssyncset.done $0x0  }
0x3cd: {  	s25 =	rddreg [dreg:$0x1e];
	[sflag:s7] =	ssyncadd.s32 $0xFFFFF800  }
0x3ce: {  	[spmem:s25] =	stream.linear.scatter [tilespmem:s2], [sflag:$0x4], $0x800, $0x200038;
	[tilespmem:$0x1F800] =	vst v63  }
0x3cf: {  	_ =	swait.ge [sflag:s7], $0x800  }
0x3d0: {  	[sflag:s7] =	ssyncset.done $0x0  }
0x3d1: {  	s26 =	rddreg [dreg:$0x1f];
	[sflag:s7] =	ssyncadd.s32 $0xFFFFF800  }
0x3d2: {  	[spmem:s26] =	stream.linear.scatter [tilespmem:s2], [sflag:$0x4], $0x800, $0x200038;
	[tilespmem:$0x1F800] =	vst v63  }
0x3d3: {  	_ =	swait.ge [sflag:s7], $0x800  }
0x3d4: {  	s28 =	sld [smem:$0x7F2]  }
0x3d5: {  	[sflag:s7] =	ssyncset.done $0x0  }
0x3d6: {  	[sflag:s7] =	ssyncadd.s32 $0xFFFFF800  }
0x3d7: {  	[spmem:s28] =	stream.linear.scatter [tilespmem:s2], [sflag:$0x4], $0x800, $0x200038;
	[tilespmem:$0x1F800] =	vst v63  }
0x3d8: {  	_ =	swait.ge [sflag:s7], $0x800  }
0x3d9: {  	s29 =	sld [smem:$0x7F3]  }
0x3da: {  	[sflag:s7] =	ssyncset.done $0x0  }
0x3db: {  	[sflag:s7] =	ssyncadd.s32 $0xFFFFF800  }
0x3dc: {  	[spmem:s29] =	stream.linear.scatter [tilespmem:s2], [sflag:$0x4], $0x800, $0x200038;
	[tilespmem:$0x1F800] =	vst v63  }
0x3dd: {  	_ =	swait.ge [sflag:s7], $0x800  }
0x3de: {  	s30 =	sld [smem:$0x7F4]  }
0x3df: {  	[sflag:s7] =	ssyncset.done $0x0  }
0x3e0: {  	[sflag:s7] =	ssyncadd.s32 $0xFFFFF800  }
0x3e1: {  	[spmem:s30] =	stream.linear.scatter [tilespmem:s2], [sflag:$0x4], $0x800, $0x200038;
	[tilespmem:$0x1F800] =	vst v63  }
0x3e2: {  	_ =	swait.ge [sflag:s7], $0x800  }
0x3e3: {  	s21 =	sld [smem:$0x7F5]  }
0x3e4: {  	[sflag:s7] =	ssyncset.done $0x0  }
0x3e5: {  	[sflag:s7] =	ssyncadd.s32 $0xFFFFF800  }
0x3e6: {  	[spmem:s21] =	stream.linear.scatter [tilespmem:s2], [sflag:$0x4], $0x800, $0x200038;
	[tilespmem:$0x1F800] =	vst v63  }
0x3e7: {  	_ =	swait.ge [sflag:s7], $0x800  }
0x3e8: {  	s22 =	sld [smem:$0x7F6]  }
0x3e9: {  	[sflag:s7] =	ssyncset.done $0x0  }
0x3ea: {  	[sflag:s7] =	ssyncadd.s32 $0xFFFFF800  }
0x3eb: {  	[spmem:s22] =	stream.linear.scatter [tilespmem:s2], [sflag:$0x4], $0x800, $0x200038;
	[tilespmem:$0x1F800] =	vst v63  }
0x3ec: {  	_ =	swait.ge [sflag:s7], $0x800  }
0x3ed: {  	s23 =	sld [smem:$0x7F7]  }
0x3ee: {  	[sflag:s7] =	ssyncset.done $0x0  }
0x3ef: {  	[sflag:s7] =	ssyncadd.s32 $0xFFFFF800  }
0x3f0: {  	[spmem:s23] =	stream.linear.scatter [tilespmem:s2], [sflag:$0x4], $0x800, $0x200038;
	[tilespmem:$0x1F800] =	vst v63  }
0x3f1: {  	_ =	swait.ge [sflag:s7], $0x800  }
0x3f2: {  	s24 =	sld [smem:$0x7F8]  }
0x3f3: {  	[sflag:s7] =	ssyncset.done $0x0  }
0x3f4: {  	[sflag:s7] =	ssyncadd.s32 $0xFFFFF800  }
0x3f5: {  	[spmem:s24] =	stream.linear.scatter [tilespmem:s2], [sflag:$0x4], $0x800, $0x200038;
	[tilespmem:$0x1F800] =	vst v63  }
0x3f6: {  	_ =	swait.ge [sflag:s7], $0x800  }
0x3f7: {  	s25 =	sld [smem:$0x7F9]  }
0x3f8: {  	[sflag:s7] =	ssyncset.done $0x0  }
0x3f9: {  	[sflag:s7] =	ssyncadd.s32 $0xFFFFF800  }
0x3fa: {  	[spmem:s25] =	stream.linear.scatter [tilespmem:s2], [sflag:$0x4], $0x800, $0x200038;
	[tilespmem:$0x1F800] =	vst v63  }
0x3fb: {  	_ =	swait.ge [sflag:s7], $0x800  }
0x3fc: {  	s26 =	sld [smem:$0x7FA]  }
0x3fd: {  	[sflag:s7] =	ssyncset.done $0x0  }
0x3fe: {  	[sflag:s7] =	ssyncadd.s32 $0xFFFFF800  }
0x3ff: {  	[spmem:s26] =	stream.linear.scatter [tilespmem:s2], [sflag:$0x4], $0x800, $0x200038;
	[tilespmem:$0x1F800] =	vst v63  }
0x400: {  	_ =	swait.ge [sflag:s7], $0x800  }
0x401: {  	s28 =	sld [smem:$0x7FB]  }
0x402: {  	[sflag:s7] =	ssyncset.done $0x0  }
0x403: {  	[sflag:s7] =	ssyncadd.s32 $0xFFFFF800  }
0x404: {  	[spmem:s28] =	stream.linear.scatter [tilespmem:s2], [sflag:$0x4], $0x800, $0x200038;
	[tilespmem:$0x1F800] =	vst v63  }
0x405: {  	_ =	swait.ge [sflag:s7], $0x800  }
0x406: {  	s29 =	sld [smem:$0x7FC]  }
0x407: {  	[sflag:s7] =	ssyncset.done $0x0  }
0x408: {  	[sflag:s7] =	ssyncadd.s32 $0xFFFFF800  }
0x409: {  	[spmem:s29] =	stream.linear.scatter [tilespmem:s2], [sflag:$0x4], $0x800, $0x200038;
	[tilespmem:$0x1F800] =	vst v63  }
0x40a: {  	_ =	swait.ge [sflag:s7], $0x800  }
0x40b: {  	s30 =	sld [smem:$0x7FD]  }
0x40c: {  	[sflag:s7] =	ssyncset.done $0x0  }
0x40d: {  	[sflag:s7] =	ssyncadd.s32 $0xFFFFF800  }
0x40e: {  	[spmem:s30] =	stream.linear.scatter [tilespmem:s2], [sflag:$0x4], $0x800, $0x200038;
	[tilespmem:$0x1F800] =	vst v63  }
0x40f: {  	_ =	swait.ge [sflag:s7], $0x800  }
0x410: {  	[sflag:s7] =	ssyncset.done $0x0  }
0x411: {  	[sflag:s7] =	ssyncadd.s32 $0xFFFFF800  }
0x412: {  	[spmem:s31] =	stream.linear.scatter [tilespmem:s2], [sflag:$0x4], $0x800, $0x200038;
	[tilespmem:$0x1F800] =	vst v63  }
0x413: {  	_ =	swait.ge [sflag:s7], $0x800  }
0x414: {  	[sflag:s7] =	ssyncset.done $0x0  }
0x415: {  	[sflag:s7] =	ssyncadd.s32 $0xFFFFF800  }
0x416: {  	[spmem:s18] =	stream.linear.scatter [tilespmem:s2], [sflag:$0x4], $0x800, $0x200038;
	[tilespmem:$0x1F800] =	vst v63  }
0x417: {  	_ =	swait.ge [sflag:s7], $0x800  }
0x418: {  	[sflag:s7] =	ssyncset.done $0x0  }
0x419: {  	[sflag:s7] =	ssyncadd.s32 $0xFFFFF800  }
0x41a: {  	[spmem:s0] =	stream.linear.scatter [tilespmem:s2], [sflag:$0x4], $0x800, $0x200038;
	[tilespmem:$0x1F800] =	vst v63  }
0x41b: {  	_ =	swait.ge [sflag:s7], $0x800  }
0x41c: {  	[sflag:s7] =	ssyncset.done $0x0  }
0x41d: {  	[sflag:s7] =	ssyncadd.s32 $0xFFFFF800  }
0x41e: {  	_ =	strace $0x9000005E  }
0x41f: {  	s20 =	simm.s32 $0x40;
	s21 =	simm.s32 $0x0;
	_ =	strace $0x8000005F  }
.LBB2_38:
0x420: {  	p2 =	sne.s32 s20, $0x4FC0;
	[tilespmem:s21+$0x5000] =	vst v10;
	s21 =	smov.u32 s20;
	s20 =	sadd.s32 $0x40, s20  }
.Ltmp26:
0x421: {  	(pc) =	sbr.rel @p2 .LBB2_38-.Ltmp26, $2  }
0x422: {  	_ =	sdelay $0x2  }
0x423: {  	s21 =	sshra.s32 s21, $0x2  }
0x424: {  	[tilespmem:s21+$0x5000] =	vst v10  }
0x425: {  	_ =	strace $0x9000005F  }
0x426: {  	_ =	strace $0x80000060  }
0x427: {  	s20 =	simm.s32 $0x0;
	s26 =	rddreg [dreg:$0x8]  }
0x428: {  	[tilespmem:s20], [sflag:$0x4] =	stream.linear.gather [hbm4b:s26+s20], $0x2710, $0x200038;
	[tilespmem:$0x1F800] =	vst v63  }
0x429: {  	_ =	swait.ge [sflag:s7], $0x2710  }
0x42a: {  	[sflag:s7] =	ssyncset.done $0x0  }
0x42b: {  	s28 =	rddreg [dreg:$0x13];
	[sflag:s7] =	ssyncadd.s32 $0xFFFFD8F0  }
0x42c: {  	[tilespmem:s10], [sflag:$0x4] =	stream.linear.gather [hbm4b:s28+s20], $0x2710, $0x200038;
	[tilespmem:$0x1F800] =	vst v63  }
0x42d: {  	_ =	swait.ge [sflag:s7], $0x2710  }
0x42e: {  	[sflag:s7] =	ssyncset.done $0x0  }
0x42f: {  	[sflag:s7] =	ssyncadd.s32 $0xFFFFD8F0  }
0x430: {  	_ =	strace $0x90000060  }
0x431: {  	_ =	strace $0x80000061  }
0x432: {  	s21 =	simm.s32 $0x6400;
	s22 =	rddreg [dreg:$0x10]  }
0x433: {  	[tilespmem:s21], [sflag:$0x4] =	stream.linear.gather [hbm4b:s22+s20], $0x1900, $0x200038;
	[tilespmem:$0x1F800] =	vst v63  }
0x434: {  	_ =	swait.ge [sflag:s7], $0x1900  }
0x435: {  	[sflag:s7] =	ssyncset.done $0x0  }
0x436: {  	s23 =	simm.s32 $0x7D00;
	s29 =	rddreg [dreg:$0x11];
	[sflag:s7] =	ssyncadd.s32 $0xFFFFE700  }
0x437: {  	[tilespmem:s23], [sflag:$0x4] =	stream.linear.gather [hbm4b:s29+s20], $0x1900, $0x200038;
	[tilespmem:$0x1F800] =	vst v63  }
0x438: {  	_ =	swait.ge [sflag:s7], $0x1900  }
0x439: {  	[sflag:s7] =	ssyncset.done $0x0  }
0x43a: {  	[sflag:s7] =	ssyncadd.s32 $0xFFFFE700  }
0x43b: {  	_ =	strace $0x90000061  }
0x43c: {  	_ =	strace $0x80000062  }
0x43d: {  	s30 =	sand.u32 $0x1FF0, s20;
	v13 =	vld [tilespmem:s21+$0x0]  }
0x43e: {  	v12 =	vld [tilespmem:s30+$0x7D00];
	_ =	sdelay $0x5  }
0x43f: {  	vm0 =	vlt.s32 v12, v1;
	vm1 =	vlt.s32 v12, $0x2710  }
0x440: {  	vm0 =	vmand vm0, vm1;
	vm1 =	vge.s32 v12, v0;
	v14 =	vld.idx.msk [tilespmem:v13+s5+$0x0], $0xffff  }
0x441: {  	vm0 =	vmand vm0, vm1;
	v15 =	vld.idx.msk [tilespmem:v12+s10+$0x0], $0xffff  }
0x442: {  	v16 =	vsel vm0, $0x1, v11  }
0x443: {  	(xrf0) =	vadd.scan.msk.s32 $0xffff, v16;
	_ =	sdelay $0x2  }
0x444: {  	v14 =	vadd.f32 v15, v14;
	_ =	sdelay $0x1  }
0x445: {  	v15 =	vmul.f32 $2.000000030e-01, v14  }
0x446: {  	vm1 =	vgt.f32 v14, $0.0e+00;
	v16, _, _ =	vpop (xrf0)  }
0x447: {  	(v2sf) =	vpush v16, $0xF;
	v14 =	vsel vm1, v14, v15  }
0x448: {  	v14 =	vmul.f32 $1.442695020e+00, v14;
	_ =	sdelay $0x1  }
0x449: {  	(erf) = vpow2.f32 v14;
	_ =	sdelay $0x3  }
0x44a: {  	v12 =	vsub.s32 v12, v0  }
0x44b: {  	v14 =	vnsel vm0, $0x0, v12;
	_ =	sdelay $0x3  }
0x44c: {  	v12 =	vpop (erf)  }
0x44d: {  	[tilespmem:v14+s11+$0x0] =	vst.idx.add.f32.msk vm0, v12  }
0x44e: {  	[tilespmem:s20+$0x9900] =	vst.msk vm0, v13  }
0x44f: {  	s22 =	simm.s32 $0x10;
	s23 =	spop (v2sf);
	[tilespmem:s20+$0xB280] =	vst.msk vm0, v14  }
.LBB2_40:
0x450: {  	p2 =	sne.s32 s22, $0x18F0;
	[tilespmem:s20+$0xCC00] =	vst.msk vm0, v12;
	s20 =	sadd.s32 s20, s23;
	s21 =	sadd.s32 $0x10, s21  }
0x451: {  	s23 =	sand.u32 $0x1FF0, s22;
	s22 =	sadd.s32 $0x10, s22;
	v13 =	vld [tilespmem:s21+$0x0]  }
0x452: {  	v12 =	vld [tilespmem:s23+$0x7D00];
	_ =	sdelay $0x4  }
0x453: {  	vm0 =	vlt.s32 v12, v1;
	vm1 =	vlt.s32 v12, $0x2710  }
0x454: {  	vm0 =	vmand vm0, vm1  }
0x455: {  	v14 =	vld.idx.msk [tilespmem:v13+s5+$0x0], $0xffff  }
0x456: {  	vm1 =	vge.s32 v12, v0;
	v15 =	vld.idx.msk [tilespmem:v12+s10+$0x0], $0xffff  }
0x457: {  	vm0 =	vmand vm0, vm1  }
0x458: {  	v16 =	vsel vm0, $0x1, v11  }
0x459: {  	(xrf0) =	vadd.scan.msk.s32 $0xffff, v16;
	_ =	sdelay $0x2  }
0x45a: {  	v14 =	vadd.f32 v15, v14;
	_ =	sdelay $0x1  }
0x45b: {  	v15 =	vmul.f32 $2.000000030e-01, v14  }
0x45c: {  	vm1 =	vgt.f32 v14, $0.0e+00;
	v16, _, _ =	vpop (xrf0)  }
0x45d: {  	v14 =	vsel vm1, v14, v15;
	(v2sf) =	vpush v16, $0xF  }
0x45e: {  	v14 =	vmul.f32 $1.442695020e+00, v14;
	_ =	sdelay $0x1  }
0x45f: {  	(erf) = vpow2.f32 v14;
	_ =	sdelay $0x3  }
0x460: {  	v12 =	vsub.s32 v12, v0  }
0x461: {  	v14 =	vnsel vm0, $0x0, v12;
	_ =	sdelay $0x2  }
.Ltmp27:
0x462: {  	(pc) =	sbr.rel @p2 .LBB2_40-.Ltmp27, $4  }
0x463: {  	v12 =	vpop (erf)  }
0x464: {  	[tilespmem:v14+s11+$0x0] =	vst.idx.add.f32.msk vm0, v12  }
0x465: {  	[tilespmem:s20+$0x9900] =	vst.msk vm0, v13  }
0x466: {  	[tilespmem:s20+$0xB280] =	vst.msk vm0, v14;
	s23 =	spop (v2sf)  }
0x467: {  	[tilespmem:s20+$0xCC00] =	vst.msk vm0, v12;
	s29 =	sadd.s32 s20, s23  }
0x468: {  	_ =	strace $0x90000062;
	[tilespmem:s29+$0x9900] =	vst v11  }
0x469: {  	[tilespmem:s29+$0xB280] =	vst v11  }
0x46a: {  	[tilespmem:s29+$0xCC00] =	vst v10  }
0x46b: {  	[tilespmem:s29+$0x9910] =	vst v11  }
0x46c: {  	[tilespmem:s29+$0xB290] =	vst v11  }
0x46d: {  	[tilespmem:s29+$0xCC10] =	vst v10  }
0x46e: {  	[tilespmem:s29+$0x9920] =	vst v11  }
0x46f: {  	[tilespmem:s29+$0xB2A0] =	vst v11  }
0x470: {  	[tilespmem:s29+$0xCC20] =	vst v10  }
0x471: {  	[tilespmem:s29+$0x9930] =	vst v11  }
0x472: {  	[tilespmem:s29+$0xB2B0] =	vst v11  }
0x473: {  	[tilespmem:s29+$0xCC30] =	vst v10  }
0x474: {  	[tilespmem:$0xB280] =	vst v9  }
0x475: {  	[tilespmem:$0xB290] =	vst v2  }
0x476: {  	[tilespmem:$0xB2A0] =	vst v3  }
0x477: {  	[tilespmem:$0xB2B0] =	vst v4  }
0x478: {  	[tilespmem:$0xB2C0] =	vst v5  }
0x479: {  	[tilespmem:$0xB2D0] =	vst v6  }
0x47a: {  	[tilespmem:$0xB2E0] =	vst v7  }
0x47b: {  	s21 =	simm.s32 @!p0 $0x5000;
	[tilespmem:$0xB2F0] =	vst v8;
	s22 =	rddreg [dreg:$0xd]  }
0x47c: {  	[spmem:s22] =	stream.linear.scatter @!p0 [tilespmem:s21], [sflag:$0x4], $0x1400, $0x38;
	[tilespmem:$0x1F800] =	vst v63  }
0x47d: {  	s21 =	simm.s32 @!p0 $0x4  }
0x47e: {  	_ =	swait.ge @!p0 [sflag:s21], $0x1400  }
0x47f: {  	[sflag:s21] =	ssyncset.done @!p0 $0x0  }
0x480: {  	s30 =	sadd.s32 $0x3F, s29;
	[sflag:s21] =	ssyncadd.s32 @!p0 $0xFFFFEC00  }
0x481: {  	s20 =	sshrl.u32 s30, $0x6;
	_ =	strace $0x80000063  }
0x482: {  	p3 =	slt.u32 s30, $0x80;
	p2 =	seq.s32 s20, $0x0;
	[bflag:$0x0] =	sbarrier.arrive $0xFFFF  }
.Ltmp28:
0x483: {  	s22 =	simm.s32 @!p2 $0x40;
	_ =	strace $0x90000063;
	(pc) =	sbr.rel @p2 .LBB2_45-.Ltmp28, $4  }
0x484: {  	s23 =	simm.s32 @!p2 $0x9900;
	s24 =	simm.s32 @!p2 $0xE580;
	_ =	strace $0x80000064  }
0x485: {  	[tilespmem:s24], [sflag:$0x1] =	stream.indirect.gather @!p2 [hbm4b:s1+s22], $0x80, s23, s22, $0x2000b8;
	[tilespmem:$0x1F800] =	vst v63  }
0x486: {  	s21 =	simm.s32 @!p3 $0x40;
	s22 =	simm.s32 @!p3 $0x9940;
	s23 =	simm.s32 @!p3 $0x10580  }
0x487: {  	[tilespmem:s23], [sflag:$0x2] =	stream.indirect.gather @!p3 [hbm4b:s1+s21], $0x80, s22, s21, $0x2000b8;
	[tilespmem:$0x1F800] =	vst v63  }
0x488: {  	p2 =	sle.u32 s20, $0x0  }
0x489: {  	s21 =	sadd.s32 $0x2, s20;
	s22 =	simm.s32 @!p2 $0x1  }
0x48a: {  	s23 =	smulhi.u32 $0x55555556, s21;
	p3 =	sle.u32 @!p2 s20, $0x2;
	_ =	swait.ge @!p2 [sflag:s22], $0x2000  }
0x48b: {  	s21 =	simm.s32 $0x9980;
	p3 =	por p3, p2;
	[sflag:s22] =	ssyncset.done @!p2 $0x0  }
0x48c: {  	s24 =	simm.s32 @!p3 $0x12580;
	[sflag:s22] =	ssyncadd.s32 @!p2 $0xFFFFE000;
	s22 =	simm.s32 @!p3 $0x40  }
0x48d: {  	[tilespmem:s24], [sflag:$0x3] =	stream.indirect.gather @!p3 [hbm4b:s1+s22], $0x80, s21, s22, $0x2000b8;
	[tilespmem:$0x1F800] =	vst v63  }
0x48e: {  	s22 =	smul.u32 $0x3, s23  }
0x48f: {  	p4 =	sle.u32 s20, $0x1  }
0x490: {  	p5 =	sle.u32 @!p4 s20, $0x3;
	s24 =	simm.s32 @!p4 $0x2;
	p3 =	sne.s32 s22, $0x3  }
.Ltmp29:
0x491: {  	p5 =	por p5, p4;
	_ =	swait.ge @!p4 [sflag:s24], $0x2000;
	(pc) =	sbr.rel @!p3 .LBB2_44-.Ltmp29, $4  }
0x492: {  	s28 =	simm.s32 @!p5 $0x99C0;
	p2 =	sle.u32 s20, $0x2;
	[sflag:s24] =	ssyncset.done @!p4 $0x0  }
0x493: {  	s29 =	simm.s32 @!p5 $0x40;
	[sflag:s24] =	ssyncadd.s32 @!p4 $0xFFFFE000;
	p4 =	sle.u32 @!p2 s20, $0x4  }
0x494: {  	s30 =	simm.s32 @!p5 $0xE580;
	s23 =	simm.s32 $0x3;
	p4 =	por p4, p2  }
0x495: {  	s26 =	simm.s32 @!p2 $0x3;
	s24 =	simm.s32 $0x9A40;
	s25 =	simm.s32 @!p4 $0x40  }
.LBB2_43:
0x496: {  	[tilespmem:s30], [sflag:$0x1] =	stream.indirect.gather @!p5 [hbm4b:s1+s29], $0x80, s28, s29, $0x2000b8;
	[tilespmem:$0x1F800] =	vst v63  }
0x497: {  	s28 =	smov.u32 s23;
	s23 =	sadd.s32 $0x3, s23;
	_ =	swait.ge @!p2 [sflag:s26], $0x2000  }
0x498: {  	s21 =	sadd.s32 @!p4 $0x80, s21;
	s29 =	simm.s32 @!p4 $0x10580;
	[sflag:s26] =	ssyncset.done @!p2 $0x0  }
0x499: {  	p5 =	sge.u32 s28, s20;
	p3 =	sne.s32 s22, s23;
	[sflag:s26] =	ssyncadd.s32 @!p2 $0xFFFFE000  }
0x49a: {  	[tilespmem:s29], [sflag:$0x2] =	stream.indirect.gather @!p4 [hbm4b:s1+s25], $0x80, s21, s25, $0x2000b8;
	[tilespmem:$0x1F800] =	vst v63  }
0x49b: {  	s26 =	sadd.s32 @!p5 $0x2, s28;
	s25 =	simm.s32 @!p5 $0x1;
	s21 =	smov.u32 s24  }
0x49c: {  	p2 =	sge.u32 @!p5 s26, s20;
	s26 =	sadd.s32 $0x1, s28;
	_ =	swait.ge @!p5 [sflag:s25], $0x2000  }
0x49d: {  	p2 =	por p2, p5;
	p4 =	sge.u32 s26, s20;
	[sflag:s25] =	ssyncset.done @!p5 $0x0  }
0x49e: {  	s29 =	simm.s32 @!p2 $0x12580;
	[sflag:s25] =	ssyncadd.s32 @!p5 $0xFFFFE000;
	s25 =	simm.s32 @!p2 $0x40  }
0x49f: {  	[tilespmem:s29], [sflag:$0x3] =	stream.indirect.gather @!p2 [hbm4b:s1+s25], $0x80, s24, s25, $0x2000b8;
	[tilespmem:$0x1F800] =	vst v63  }
0x4a0: {  	s26 =	sadd.s32 @!p4 $0x3, s28  }
0x4a1: {  	p5 =	sge.u32 @!p4 s26, s20;
	s25 =	simm.s32 @!p4 $0x2;
	s29 =	sadd.s32 $0x2, s28  }
.Ltmp30:
0x4a2: {  	p2 =	sge.u32 s29, s20;
	_ =	swait.ge @!p4 [sflag:s25], $0x2000;
	(pc) =	sbr.rel @p3 .LBB2_43-.Ltmp30, $4  }
0x4a3: {  	p5 =	por p5, p4;
	s26 =	sadd.s32 @!p2 $0x4, s28;
	[sflag:s25] =	ssyncset.done @!p4 $0x0  }
0x4a4: {  	s28 =	sadd.s32 @!p5 $0x40, s24;
	[sflag:s25] =	ssyncadd.s32 @!p4 $0xFFFFE000;
	p4 =	sge.u32 @!p2 s26, s20  }
0x4a5: {  	s29 =	simm.s32 @!p5 $0x40;
	s30 =	simm.s32 @!p5 $0xE580;
	p4 =	por p4, p2  }
0x4a6: {  	s24 =	sadd.s32 $0xC0, s24;
	s26 =	simm.s32 @!p2 $0x3;
	s25 =	simm.s32 @!p4 $0x40  }
.LBB2_44:
0x4a7: {  	[tilespmem:s30], [sflag:$0x1] =	stream.indirect.gather @!p5 [hbm4b:s1+s29], $0x80, s28, s29, $0x2000b8;
	[tilespmem:$0x1F800] =	vst v63  }
0x4a8: {  	_ =	swait.ge @!p2 [sflag:s26], $0x2000  }
0x4a9: {  	[sflag:s26] =	ssyncset.done @!p2 $0x0  }
0x4aa: {  	s20 =	sadd.s32 @!p4 $0x80, s21;
	s21 =	simm.s32 @!p4 $0x10580;
	[sflag:s26] =	ssyncadd.s32 @!p2 $0xFFFFE000  }
0x4ab: {  	[tilespmem:s21], [sflag:$0x2] =	stream.indirect.gather @!p4 [hbm4b:s1+s25], $0x80, s20, s25, $0x2000b8;
	[tilespmem:$0x1F800] =	vst v63  }
.LBB2_45:
.Ltmp31:
0x4ac: {  	(pc) =	sbr.rel @p1 .LBB2_49-.Ltmp31, $4  }
0x4ad: {  	_ =	strace $0x90000064  }
0x4ae: {  	_ =	strace $0x80000065  }
0x4af: {  	[bflag:$0x0] =	sbarrier.arrive $0xFFFF  }
0x4b0: {  	_ =	strace $0x90000065  }
0x4b1: {  	s20 =	rddreg [dreg:$0x14];
	s21 =	simm.s32 $0xCC00  }
0x4b2: {  	[tilespmem:s21], [sflag:$0x4] =	stream.linear.gather [spmem:s20], $0x1400, $0x38;
	[tilespmem:$0x1F800] =	vst v63  }
0x4b3: {  	_ =	swait.ge [sflag:s7], $0x1400  }
0x4b4: {  	[sflag:s7] =	ssyncset.done $0x0  }
0x4b5: {  	s20 =	simm.s32 $0x0;
	[sflag:s7] =	ssyncadd.s32 $0xFFFFEC00  }
0x4b6: {  	s21 =	simm.s32 $0x40;
	v12 =	vld [tilespmem:s20+$0xCC00]  }
.LBB2_47:
0x4b7: {  	p2 =	sne.s32 s21, $0x4FC0;
	v13 =	vld [tilespmem:s20+$0x5000];
	_ =	sdelay $0x2  }
.Ltmp32:
0x4b8: {  	(pc) =	sbr.rel @p2 .LBB2_47-.Ltmp32, $4  }
0x4b9: {  	_ = 	snop  }
0x4ba: {  	v13 =	vadd.f32 v12, v13  }
0x4bb: {  	s22 =	sshra.s32 s21, $0x2  }
0x4bc: {  	s21 =	sadd.s32 $0x40, s21;
	v12 =	vld [tilespmem:s22+$0xCC00];
	[tilespmem:s20+$0x5000] =	vst v13;
	s20 =	smov.u32 s22  }
0x4bd: {  	v13 =	vld [tilespmem:s20+$0x5000];
	_ =	sdelay $0x4  }
0x4be: {  	v12 =	vadd.f32 v12, v13;
	_ =	sdelay $0x1  }
0x4bf: {  	s30 =	rddreg [dreg:$0x14];
	[tilespmem:s20+$0x5000] =	vst v12  }
0x4c0: {  	[spmem:s30] =	stream.linear.scatter [tilespmem:s11], [sflag:$0x4], $0x1400, $0x38;
	[tilespmem:$0x1F800] =	vst v63  }
0x4c1: {  	_ =	swait.ge [sflag:s7], $0x1400  }
0x4c2: {  	[sflag:s7] =	ssyncset.done $0x0  }
0x4c3: {  	[sflag:s7] =	ssyncadd.s32 $0xFFFFEC00  }
.LBB2_49:
0x4c4: {  	_ =	strace $0x80000066  }
0x4c5: {  	[bflag:$0x0] =	sbarrier.arrive $0xFFFF  }
0x4c6: {  	s20 =	simm.s32 $0xCC00;
	_ =	strace $0x90000066  }
0x4c7: {  	[tilespmem:s20], [sflag:$0x4] =	stream.linear.gather [spmem:s19], $0x140, $0x38;
	[tilespmem:$0x1F800] =	vst v63  }
0x4c8: {  	_ =	swait.ge [sflag:s7], $0x140  }
0x4c9: {  	[sflag:s7] =	ssyncset.done $0x0  }
0x4ca: {  	s21 =	simm.s32 $0xCD40;
	s25 =	rddreg [dreg:$0x15];
	[sflag:s7] =	ssyncadd.s32 $0xFFFFFEC0  }
0x4cb: {  	[tilespmem:s21], [sflag:$0x4] =	stream.linear.gather [spmem:s25], $0x140, $0x38;
	[tilespmem:$0x1F800] =	vst v63  }
0x4cc: {  	_ =	swait.ge [sflag:s7], $0x140  }
0x4cd: {  	[sflag:s7] =	ssyncset.done $0x0  }
0x4ce: {  	s28 =	simm.s32 $0xCE80;
	s26 =	rddreg [dreg:$0x16];
	[sflag:s7] =	ssyncadd.s32 $0xFFFFFEC0  }
0x4cf: {  	[tilespmem:s28], [sflag:$0x4] =	stream.linear.gather [spmem:s26], $0x140, $0x38;
	[tilespmem:$0x1F800] =	vst v63  }
0x4d0: {  	_ =	swait.ge [sflag:s7], $0x140  }
0x4d1: {  	[sflag:s7] =	ssyncset.done $0x0  }
0x4d2: {  	s30 =	simm.s32 $0xCFC0;
	s29 =	rddreg [dreg:$0x17];
	[sflag:s7] =	ssyncadd.s32 $0xFFFFFEC0  }
0x4d3: {  	[tilespmem:s30], [sflag:$0x4] =	stream.linear.gather [spmem:s29], $0x140, $0x38;
	[tilespmem:$0x1F800] =	vst v63  }
0x4d4: {  	_ =	swait.ge [sflag:s7], $0x140  }
0x4d5: {  	[sflag:s7] =	ssyncset.done $0x0  }
0x4d6: {  	s23 =	simm.s32 $0xD100;
	s22 =	rddreg [dreg:$0x18];
	[sflag:s7] =	ssyncadd.s32 $0xFFFFFEC0  }
0x4d7: {  	[tilespmem:s23], [sflag:$0x4] =	stream.linear.gather [spmem:s22], $0x140, $0x38;
	[tilespmem:$0x1F800] =	vst v63  }
0x4d8: {  	_ =	swait.ge [sflag:s7], $0x140  }
0x4d9: {  	[sflag:s7] =	ssyncset.done $0x0  }
0x4da: {  	s25 =	simm.s32 $0xD240;
	s24 =	rddreg [dreg:$0x19];
	[sflag:s7] =	ssyncadd.s32 $0xFFFFFEC0  }
0x4db: {  	[tilespmem:s25], [sflag:$0x4] =	stream.linear.gather [spmem:s24], $0x140, $0x38;
	[tilespmem:$0x1F800] =	vst v63  }
0x4dc: {  	_ =	swait.ge [sflag:s7], $0x140  }
0x4dd: {  	[sflag:s7] =	ssyncset.done $0x0  }
0x4de: {  	s28 =	simm.s32 $0xD380;
	s26 =	rddreg [dreg:$0x1a];
	[sflag:s7] =	ssyncadd.s32 $0xFFFFFEC0  }
0x4df: {  	[tilespmem:s28], [sflag:$0x4] =	stream.linear.gather [spmem:s26], $0x140, $0x38;
	[tilespmem:$0x1F800] =	vst v63  }
0x4e0: {  	_ =	swait.ge [sflag:s7], $0x140  }
0x4e1: {  	[sflag:s7] =	ssyncset.done $0x0  }
0x4e2: {  	s30 =	simm.s32 $0xD4C0;
	s29 =	rddreg [dreg:$0x1b];
	[sflag:s7] =	ssyncadd.s32 $0xFFFFFEC0  }
0x4e3: {  	[tilespmem:s30], [sflag:$0x4] =	stream.linear.gather [spmem:s29], $0x140, $0x38;
	[tilespmem:$0x1F800] =	vst v63  }
.Ltmp33:
0x4e4: {  	_ = 	snop;
	(pc) =	sbr.rel .LBB2_50-.Ltmp33, $4  }
0x4e5: {  	_ =	swait.ge [sflag:s7], $0x140  }
0x4e6: {  	[sflag:s7] =	ssyncset.done $0x0  }
0x4e7: {  	[sflag:s7] =	ssyncadd.s32 $0xFFFFFEC0  }
0x4e8: {  	s20 =	simm.s32 $0x0;
	_ =	strace $0x80000067  }
.LBB2_54:
0x4e9: {  	s20 =	sadd.s32 $0x1, s20  }
0x4ea: {  	p2 =	sne.s32 s20, $0x14  }
.Ltmp34:
0x4eb: {  	_ = 	snop;
	(pc) =	sbr.rel @!p2 .LBB2_55-.Ltmp34, $1  }
0x4ec: {  	_ =	sdelay $0x3  }
.LBB2_50:
0x4ed: {  	s22 =	sshll.u32 s20, $0x4  }
0x4ee: {  	s21 =	sadd.s32 s22, s9  }
0x4ef: {  	p2 =	sgt.u32 s21, $0x270F  }
.Ltmp35:
0x4f0: {  	_ = 	snop;
	(pc) =	sbr.rel @p2 .LBB2_54-.Ltmp35, $1  }
0x4f1: {  	_ =	sdelay $0x3  }
0x4f2: {  	v12 =	vld [tilespmem:s22+$0xCC00]  }
0x4f3: {  	v13 =	vld [tilespmem:s22+$0xCD40]  }
0x4f4: {  	s23 =	sand.u32 $0x1F0, s22  }
0x4f5: {  	v14 =	vld [tilespmem:s23+$0xCE80];
	_ =	sdelay $0x1  }
0x4f6: {  	v15 =	vld [tilespmem:s22+$0xCFC0]  }
0x4f7: {  	v12 =	vadd.f32 v13, v12  }
0x4f8: {  	v13 =	vld [tilespmem:s23+$0xD100]  }
0x4f9: {  	v12 =	vadd.f32 v14, v12  }
0x4fa: {  	v14 =	vld [tilespmem:s22+$0xD240]  }
0x4fb: {  	v12 =	vadd.f32 v15, v12  }
0x4fc: {  	v15 =	vld [tilespmem:s23+$0xD380]  }
0x4fd: {  	v12 =	vadd.f32 v13, v12  }
0x4fe: {  	v13 =	vld [tilespmem:s22+$0xD4C0]  }
0x4ff: {  	v12 =	vadd.f32 v14, v12;
	_ =	sdelay $0x1  }
0x500: {  	v12 =	vadd.f32 v15, v12;
	_ =	sdelay $0x1  }
0x501: {  	v12 =	vadd.f32 v13, v12;
	_ =	sdelay $0x1  }
0x502: {  	vm0 =	vgt.f32 v12, $0.0e+00  }
0x503: {  	v12 =	vnsel vm0, $0x3F800000, v12  }
0x504: {  	(erf) = vrcp.f32 v12;
	_ =	sdelay $0x4  }
0x505: {  	s28 =	sadd.s32 s14, s22  }
0x506: {  	s22 =	sshll.u32 s28, $0x7  }
0x507: {  	s22 =	sand.u32 $0x3FFFFF80, s22  }
0x508: {  	s29 =	sadd.s32 s22, s4;
	s22 =	simm.s32 $0xE580  }
0x509: {  	[tilespmem:s22], [sflag:$0x5] =	stream.linear.gather [spmem:s29], $0x800, $0x200038;
	v12 =	vpop (erf);
	[tilespmem:$0x1F800] =	vst v63  }
0x50a: {  	_ =	swait.ge [sflag:s13], $0x800  }
0x50b: {  	s21 =	sshll.u32 s21, $0x4;
	[sflag:s13] =	ssyncset.done $0x0  }
0x50c: {  	s30 =	simm.s32 $0x0;
	s21 =	sadd.s32 s3, s21;
	[sflag:s13] =	ssyncadd.s32 $0xFFFFF800  }
0x50d: {  	[tilespmem:s16], [sflag:$0x5] =	stream.linear.gather [hbm4b:s21+s30], $0x800, $0x200038;
	[tilespmem:$0x1F800] =	vst v63  }
0x50e: {  	_ =	swait.ge [sflag:s13], $0x800  }
0x50f: {  	[sflag:s13] =	ssyncset.done $0x0  }
0x510: {  	[sflag:s13] =	ssyncadd.s32 $0xFFFFF800  }
0x511: {  	v13 =	vld [tilespmem:s22+$0x0];
	_ =	sdelay $0x1  }
0x512: {  	v14 =	vmov s30;
	v12 =	vnsel vm0, $0x0, v12;
	v15 =	vld [tilespmem:s22+$0x800]  }
0x513: {  	v14 =	vperm.xlane v12, v14  }
0x514: {  	v16 =	vld [tilespmem:$0x14D80]  }
0x515: {  	v13 =	vmul.f32 v13, v14;
	_ =	sdelay $0x1  }
0x516: {  	v13 =	vadd.f32 v15, v13  }
0x517: {  	v15 =	vld [tilespmem:s22+$0x10]  }
0x518: {  	v13 =	vadd.f32 v16, v13  }
0x519: {  	v16 =	vld [tilespmem:s22+$0x810]  }
0x51a: {  	[tilespmem:s22+$0x0] =	vst v13  }
0x51b: {  	v13 =	vld [tilespmem:$0x14D90]  }
0x51c: {  	v15 =	vmul.f32 v15, v14;
	_ =	sdelay $0x1  }
0x51d: {  	v15 =	vadd.f32 v16, v15  }
0x51e: {  	v16 =	vld [tilespmem:s22+$0x20]  }
0x51f: {  	v13 =	vadd.f32 v13, v15  }
0x520: {  	v15 =	vld [tilespmem:s22+$0x820]  }
0x521: {  	[tilespmem:s22+$0x10] =	vst v13  }
0x522: {  	v13 =	vld [tilespmem:$0x14DA0]  }
0x523: {  	v16 =	vmul.f32 v16, v14;
	_ =	sdelay $0x1  }
0x524: {  	v15 =	vadd.f32 v15, v16  }
0x525: {  	v16 =	vld [tilespmem:s22+$0x30]  }
0x526: {  	v13 =	vadd.f32 v13, v15  }
0x527: {  	v15 =	vld [tilespmem:s22+$0x830]  }
0x528: {  	[tilespmem:s22+$0x20] =	vst v13  }
0x529: {  	v13 =	vld [tilespmem:$0x14DB0]  }
0x52a: {  	v16 =	vmul.f32 v16, v14;
	_ =	sdelay $0x1  }
0x52b: {  	v15 =	vadd.f32 v15, v16  }
0x52c: {  	v16 =	vld [tilespmem:s22+$0x40]  }
0x52d: {  	v13 =	vadd.f32 v13, v15  }
0x52e: {  	v15 =	vld [tilespmem:s22+$0x840]  }
0x52f: {  	[tilespmem:s22+$0x30] =	vst v13  }
0x530: {  	v13 =	vld [tilespmem:$0x14DC0]  }
0x531: {  	v16 =	vmul.f32 v16, v14;
	_ =	sdelay $0x1  }
0x532: {  	v15 =	vadd.f32 v15, v16  }
0x533: {  	v16 =	vld [tilespmem:s22+$0x50]  }
0x534: {  	v13 =	vadd.f32 v13, v15  }
0x535: {  	v15 =	vld [tilespmem:s22+$0x850]  }
0x536: {  	[tilespmem:s22+$0x40] =	vst v13  }
0x537: {  	v13 =	vld [tilespmem:$0x14DD0]  }
0x538: {  	v16 =	vmul.f32 v16, v14;
	_ =	sdelay $0x1  }
0x539: {  	v15 =	vadd.f32 v15, v16  }
0x53a: {  	v16 =	vld [tilespmem:s22+$0x60]  }
0x53b: {  	v13 =	vadd.f32 v13, v15  }
0x53c: {  	v15 =	vld [tilespmem:s22+$0x860]  }
0x53d: {  	[tilespmem:s22+$0x50] =	vst v13  }
0x53e: {  	v13 =	vld [tilespmem:$0x14DE0]  }
0x53f: {  	v16 =	vmul.f32 v16, v14;
	_ =	sdelay $0x1  }
0x540: {  	v17 =	vld [tilespmem:s22+$0x70];
	v15 =	vadd.f32 v15, v16;
	_ =	sdelay $0x1  }
0x541: {  	v13 =	vadd.f32 v13, v15  }
0x542: {  	v16 =	vld [tilespmem:s22+$0x870]  }
0x543: {  	[tilespmem:s22+$0x60] =	vst v13  }
0x544: {  	v13 =	vmul.f32 v17, v14;
	v14 =	vld [tilespmem:$0x14DF0];
	_ =	sdelay $0x2  }
0x545: {  	s23 =	simm.s32 $0xE600;
	v15 =	vadd.f32 v16, v13  }
0x546: {  	s24 =	simm.s32 $0x1;
	s25 =	simm.s32 $0x2;
	v13 =	vld [tilespmem:s23+$0x0]  }
.LBB2_52:
0x547: {  	p2 =	sne.s32 s25, $0xF;
	v14 =	vadd.f32 v14, v15  }
0x548: {  	v15 =	vmov s24;
	s24 =	smov.u32 s25;
	v16 =	vld [tilespmem:s23+$0x800]  }
0x549: {  	v15 =	vperm.xlane v12, v15;
	[tilespmem:s22+$0x70] =	vst v14;
	s22 =	smov.u32 s23  }
0x54a: {  	v14 =	vld [tilespmem:$0x14D80]  }
0x54b: {  	v13 =	vmul.f32 v13, v15;
	_ =	sdelay $0x1  }
0x54c: {  	v13 =	vadd.f32 v16, v13  }
0x54d: {  	v16 =	vld [tilespmem:s23+$0x10]  }
0x54e: {  	v13 =	vadd.f32 v14, v13  }
0x54f: {  	v14 =	vld [tilespmem:s23+$0x810]  }
0x550: {  	[tilespmem:s23+$0x0] =	vst v13  }
0x551: {  	v13 =	vld [tilespmem:$0x14D90]  }
0x552: {  	v16 =	vmul.f32 v16, v15;
	_ =	sdelay $0x1  }
0x553: {  	v14 =	vadd.f32 v14, v16  }
0x554: {  	v16 =	vld [tilespmem:s23+$0x20]  }
0x555: {  	v13 =	vadd.f32 v13, v14  }
0x556: {  	v14 =	vld [tilespmem:s23+$0x820]  }
0x557: {  	[tilespmem:s23+$0x10] =	vst v13  }
0x558: {  	v13 =	vld [tilespmem:$0x14DA0]  }
0x559: {  	v16 =	vmul.f32 v16, v15;
	_ =	sdelay $0x1  }
0x55a: {  	v14 =	vadd.f32 v14, v16  }
0x55b: {  	v16 =	vld [tilespmem:s23+$0x30]  }
0x55c: {  	v13 =	vadd.f32 v13, v14  }
0x55d: {  	v14 =	vld [tilespmem:s23+$0x830]  }
0x55e: {  	[tilespmem:s23+$0x20] =	vst v13  }
0x55f: {  	v13 =	vld [tilespmem:$0x14DB0]  }
0x560: {  	v16 =	vmul.f32 v16, v15;
	_ =	sdelay $0x1  }
0x561: {  	v14 =	vadd.f32 v14, v16  }
0x562: {  	v16 =	vld [tilespmem:s23+$0x40]  }
0x563: {  	v13 =	vadd.f32 v13, v14  }
0x564: {  	v14 =	vld [tilespmem:s23+$0x840]  }
0x565: {  	[tilespmem:s23+$0x30] =	vst v13  }
0x566: {  	v13 =	vld [tilespmem:$0x14DC0]  }
0x567: {  	v16 =	vmul.f32 v16, v15;
	_ =	sdelay $0x1  }
0x568: {  	v14 =	vadd.f32 v14, v16  }
0x569: {  	v16 =	vld [tilespmem:s23+$0x50]  }
0x56a: {  	v13 =	vadd.f32 v13, v14  }
0x56b: {  	v14 =	vld [tilespmem:s23+$0x850]  }
0x56c: {  	[tilespmem:s23+$0x40] =	vst v13  }
0x56d: {  	v13 =	vld [tilespmem:$0x14DD0]  }
0x56e: {  	v16 =	vmul.f32 v16, v15;
	_ =	sdelay $0x1  }
0x56f: {  	v14 =	vadd.f32 v14, v16  }
0x570: {  	v16 =	vld [tilespmem:s23+$0x60]  }
0x571: {  	v13 =	vadd.f32 v13, v14  }
0x572: {  	v14 =	vld [tilespmem:s23+$0x860]  }
0x573: {  	[tilespmem:s23+$0x50] =	vst v13  }
0x574: {  	v13 =	vld [tilespmem:$0x14DE0]  }
0x575: {  	v16 =	vmul.f32 v16, v15;
	_ =	sdelay $0x1  }
0x576: {  	v14 =	vadd.f32 v14, v16  }
0x577: {  	v16 =	vld [tilespmem:s23+$0x70]  }
0x578: {  	v13 =	vadd.f32 v13, v14  }
0x579: {  	v17 =	vld [tilespmem:s23+$0x870]  }
0x57a: {  	[tilespmem:s23+$0x60] =	vst v13  }
.Ltmp36:
0x57b: {  	v14 =	vld [tilespmem:$0x14DF0];
	(pc) =	sbr.rel @p2 .LBB2_52-.Ltmp36, $3  }
0x57c: {  	v13 =	vmul.f32 v16, v15;
	_ =	sdelay $0x1  }
0x57d: {  	s23 =	sadd.s32 $0x80, s23;
	v15 =	vadd.f32 v17, v13  }
0x57e: {  	s25 =	sadd.s32 $0x1, s25;
	v13 =	vld [tilespmem:s23+$0x0]  }
0x57f: {  	v14 =	vadd.f32 v14, v15  }
0x580: {  	v49 =	vmov s24;
	v16 =	vld [tilespmem:s23+$0x800]  }
0x581: {  	v12 =	vperm.xlane v12, v49;
	[tilespmem:s22+$0x70] =	vst v14  }
0x582: {  	v14 =	vld [tilespmem:$0x14D80]  }
0x583: {  	v13 =	vmul.f32 v13, v12;
	_ =	sdelay $0x1  }
0x584: {  	v13 =	vadd.f32 v16, v13  }
0x585: {  	v50 =	vld [tilespmem:s23+$0x10]  }
0x586: {  	v13 =	vadd.f32 v14, v13  }
0x587: {  	v51 =	vld [tilespmem:s23+$0x810]  }
0x588: {  	[tilespmem:s23+$0x0] =	vst v13  }
0x589: {  	v13 =	vld [tilespmem:$0x14D90]  }
0x58a: {  	v15 =	vmul.f32 v50, v12;
	_ =	sdelay $0x1  }
0x58b: {  	v14 =	vadd.f32 v51, v15  }
0x58c: {  	v52 =	vld [tilespmem:s23+$0x20]  }
0x58d: {  	v13 =	vadd.f32 v13, v14  }
0x58e: {  	v53 =	vld [tilespmem:s23+$0x820]  }
0x58f: {  	[tilespmem:s23+$0x10] =	vst v13  }
0x590: {  	v13 =	vld [tilespmem:$0x14DA0]  }
0x591: {  	v15 =	vmul.f32 v52, v12;
	_ =	sdelay $0x1  }
0x592: {  	v14 =	vadd.f32 v53, v15  }
0x593: {  	v54 =	vld [tilespmem:s23+$0x30]  }
0x594: {  	v13 =	vadd.f32 v13, v14  }
0x595: {  	v55 =	vld [tilespmem:s23+$0x830]  }
0x596: {  	[tilespmem:s23+$0x20] =	vst v13  }
0x597: {  	v13 =	vld [tilespmem:$0x14DB0]  }
0x598: {  	v15 =	vmul.f32 v54, v12;
	_ =	sdelay $0x1  }
0x599: {  	v14 =	vadd.f32 v55, v15  }
0x59a: {  	v56 =	vld [tilespmem:s23+$0x40]  }
0x59b: {  	v13 =	vadd.f32 v13, v14  }
0x59c: {  	v57 =	vld [tilespmem:s23+$0x840]  }
0x59d: {  	[tilespmem:s23+$0x30] =	vst v13  }
0x59e: {  	v13 =	vld [tilespmem:$0x14DC0]  }
0x59f: {  	v15 =	vmul.f32 v56, v12;
	_ =	sdelay $0x1  }
0x5a0: {  	v14 =	vadd.f32 v57, v15  }
0x5a1: {  	v58 =	vld [tilespmem:s23+$0x50]  }
0x5a2: {  	v13 =	vadd.f32 v13, v14  }
0x5a3: {  	v59 =	vld [tilespmem:s23+$0x850]  }
0x5a4: {  	[tilespmem:s23+$0x40] =	vst v13  }
0x5a5: {  	v13 =	vld [tilespmem:$0x14DD0]  }
0x5a6: {  	v15 =	vmul.f32 v58, v12;
	_ =	sdelay $0x1  }
0x5a7: {  	v14 =	vadd.f32 v59, v15  }
0x5a8: {  	v60 =	vld [tilespmem:s23+$0x60]  }
0x5a9: {  	v13 =	vadd.f32 v13, v14  }
0x5aa: {  	v61 =	vld [tilespmem:s23+$0x860]  }
0x5ab: {  	[tilespmem:s23+$0x50] =	vst v13  }
0x5ac: {  	v13 =	vld [tilespmem:$0x14DE0]  }
0x5ad: {  	v15 =	vmul.f32 v60, v12;
	_ =	sdelay $0x1  }
0x5ae: {  	v14 =	vadd.f32 v61, v15  }
0x5af: {  	v62 =	vld [tilespmem:s23+$0x70]  }
0x5b0: {  	v13 =	vadd.f32 v13, v14  }
0x5b1: {  	v63 =	vld [tilespmem:s23+$0x870]  }
0x5b2: {  	[tilespmem:s23+$0x60] =	vst v13  }
0x5b3: {  	v13 =	vld [tilespmem:$0x14DF0]  }
0x5b4: {  	v12 =	vmul.f32 v62, v12;
	_ =	sdelay $0x1  }
0x5b5: {  	v12 =	vadd.f32 v63, v12;
	_ =	sdelay $0x1  }
0x5b6: {  	v12 =	vadd.f32 v13, v12;
	_ =	sdelay $0x1  }
.Ltmp37:
0x5b7: {  	[tilespmem:s23+$0x70] =	vst v12;
	(pc) =	sbr.rel .LBB2_54-.Ltmp37, $4  }
0x5b8: {  	[hbm4b:s21+s5] =	stream.linear.scatter [tilespmem:s12], [sflag:$0x4], $0x800, $0x200038;
	[tilespmem:$0x1F800] =	vst v63  }
0x5b9: {  	_ =	swait.ge [sflag:s7], $0x800  }
0x5ba: {  	[sflag:s7] =	ssyncset.done $0x0  }
0x5bb: {  	[sflag:s7] =	ssyncadd.s32 $0xFFFFF800  }
.LBB2_56:
0x5bc: {  	_ =	sfence.sel $0x180000  }
0x5bd: {  	[bflag:$0x0] =	sbarrier.arrive $0xFFFF  }
0x5be: {  	_ =	strace $0x90000047  }
0x5bf: {  	s0 =	stileid.u32;
	[bflag:$0x2] =	sbarrier.arrive $0xFFFF  }
0x5c0: {  	p0 =	sne.s32 s0, $0x0;
	s0 =	rddreg [dreg:$0x5]  }
0x5c1: {  	s0 =	sadd.s32 @!p0 $0x100000, s0  }
0x5c2: {  	[sflag:s0] =	ssyncadd.tile.s32 @!p0 $0x1;
	_ =	shalt  }
.Lfunc_end2:
_tile_overlayer_lowered:
.L_overlay_start_2:
0x5c3: {  	(tag) =	ssettag $0x2  }
0x5c4: {  	s0 =	rddreg [dreg:$0x0];
	s2 =	stileid.u32  }
0x5c5: {  	s1 =	rddreg [dreg:$0x1];
	p0 =	sne.s32 s2, $0x0  }
0x5c6: {  	s3 =	rddreg [dreg:$0x2];
	[bflag:$0x3] =	sbarrier.arrive $0xFFFF;
	s2 =	simm.s32 @!p0 $0x1C04  }
0x5c7: {  	[timem:s3], [sflag:s2] =	dma.local @!p0 [hbm:s0], s1  }
0x5c8: {  	s0 =	simm.s32 @!p0 $0x4  }
0x5c9: {  	_ =	swait.ge @!p0 [sflag:s0], s1  }
0x5ca: {  	s1 =	ssub.s32 @!p0 $0x0, s1;
	[sflag:s0] =	ssyncset.done @!p0 $0x0  }
0x5cb: {  	[sflag:s0] =	ssyncadd.s32 @!p0 s1  }
0x5cc: {  	[bflag:$0x3] =	sbarrier.arrive $0xFFFF  }
0x5cd: {  	_ =	shalt  }

</sc_bundles>
